<compile_context>
chip_gen: v7x
topology: tpu7x:2x2x1
jax: 0.10.2.dev20260603
libtpu: 0.0.44.dev20260713+nightly
codegen_flags: <defaults>
</compile_context>

<pallas_src>
import functools

import jax
import jax.numpy as jnp
from jax import lax
from jax.experimental import pallas as pl
from jax.experimental.pallas import tpu as pltpu
from jax.experimental.pallas import tpu_sc as plsc

MAP_H = 64
MAP_W = 128
DIM = 256
N_ROWS = MAP_H * MAP_W
N_WORKERS = 32
ROWS_PER_WORKER = N_ROWS // N_WORKERS
LANES = 16
CHUNK_ROWS = 64
GROUPS_PER_CHUNK = CHUNK_ROWS // LANES
N_CHUNKS = ROWS_PER_WORKER // CHUNK_ROWS


def _sc_body(x_hbm, w_hbm, val_hbm, idx_hbm,
             x_v, buf_a, buf_b, val_v, idx_v, sem_a, sem_b):
    c = lax.axis_index("c")
    s = lax.axis_index("s")
    wid = s * 2 + c
    base = wid * ROWS_PER_WORKER

    pltpu.sync_copy(x_hbm, x_v)

    lane = lax.iota(jnp.int32, LANES)
    n_chunks = DIM // LANES
    xk = [x_v[pl.ds(k * LANES, LANES)] for k in range(n_chunks)]

    def make_group_step(buf, cbase):
        def group_step(g, carry):
            best, brow = carry
            row0 = g * LANES

            sums = jnp.zeros((LANES,), jnp.float32)
            for r in range(LANES):
                a = jnp.zeros((LANES,), jnp.float32)
                b = jnp.zeros((LANES,), jnp.float32)
                for k in range(n_chunks):
                    wv = buf[row0 + r, pl.ds(k * LANES, LANES)]
                    diff = wv - xk[k]
                    if k % 2 == 0:
                        a = a + diff * diff
                    else:
                        b = b + diff * diff
                s_row = jnp.sum(a + b)
                sums = jnp.where(lane == r, s_row, sums)
            rowv = cbase + row0 + lane
            m = sums < best
            best = jnp.where(m, sums, best)
            brow = jnp.where(m, rowv, brow)
            return best, brow
        return group_step

    pltpu.async_copy(w_hbm.at[pl.ds(base, CHUNK_ROWS)], buf_a, sem_a)

    def pair_step(pair, carry):
        cbase_a = base + pair * (2 * CHUNK_ROWS)
        cbase_b = cbase_a + CHUNK_ROWS
        pltpu.async_copy(w_hbm.at[pl.ds(cbase_b, CHUNK_ROWS)], buf_b, sem_b)
        pltpu.make_async_copy(
            w_hbm.at[pl.ds(cbase_a, CHUNK_ROWS)], buf_a, sem_a).wait()
        carry = lax.fori_loop(
            0, GROUPS_PER_CHUNK, make_group_step(buf_a, cbase_a), carry)

        @pl.when(pair + 1 < N_CHUNKS // 2)
        def _prefetch():
            pltpu.async_copy(
                w_hbm.at[pl.ds(cbase_b + CHUNK_ROWS, CHUNK_ROWS)],
                buf_a, sem_a)

        pltpu.make_async_copy(
            w_hbm.at[pl.ds(cbase_b, CHUNK_ROWS)], buf_b, sem_b).wait()
        carry = lax.fori_loop(
            0, GROUPS_PER_CHUNK, make_group_step(buf_b, cbase_b), carry)
        return carry

    init = (jnp.full((LANES,), jnp.inf, jnp.float32), lane)
    best, brow = lax.fori_loop(0, N_CHUNKS // 2, pair_step, init)

    val_v[...] = best
    idx_v[...] = brow
    pltpu.sync_copy(val_v, val_hbm.at[wid])
    pltpu.sync_copy(idx_v, idx_hbm.at[wid])


@functools.partial(
    pl.kernel,
    out_type=(
        jax.ShapeDtypeStruct((N_WORKERS, LANES), jnp.float32),
        jax.ShapeDtypeStruct((N_WORKERS, LANES), jnp.int32),
    ),
    mesh=plsc.VectorSubcoreMesh(core_axis_name="c", subcore_axis_name="s"),
    compiler_params=pltpu.CompilerParams(
        use_tc_tiling_on_sc=True,
        needs_layout_passes=False,
        skip_device_barrier=True,
        disable_semaphore_checks=True,
    ),
    scratch_types=(
        pltpu.VMEM((DIM,), jnp.float32),
        pltpu.VMEM((CHUNK_ROWS, DIM), jnp.float32),
        pltpu.VMEM((CHUNK_ROWS, DIM), jnp.float32),
        pltpu.VMEM((LANES,), jnp.float32),
        pltpu.VMEM((LANES,), jnp.int32),
        pltpu.SemaphoreType.DMA,
        pltpu.SemaphoreType.DMA,
    ),
)
def _sc_candidates(x_hbm, w_hbm, val_hbm, idx_hbm,
                   x_v, buf_a, buf_b, val_v, idx_v, sem_a, sem_b):
    _sc_body(x_hbm, w_hbm, val_hbm, idx_hbm,
             x_v, buf_a, buf_b, val_v, idx_v, sem_a, sem_b)


def _tc_finish_body(val_ref, idx_ref, dist_ref, map_ref):
    v = val_ref[...]
    r = idx_ref[...]
    mn = jnp.min(v)
    cand = jnp.where(v == mn, r, jnp.int32(N_ROWS))
    rmin = jnp.min(cand)
    dist_ref[0] = jnp.sqrt(jnp.maximum(mn, 0.0))
    map_ref[0] = rmin // MAP_W
    map_ref[1] = rmin % MAP_W


def _tc_finish(vals, idxs):
    return pl.pallas_call(
        _tc_finish_body,
        out_shape=(
            jax.ShapeDtypeStruct((1,), jnp.float32),
            jax.ShapeDtypeStruct((2,), jnp.int32),
        ),
        in_specs=[
            pl.BlockSpec(memory_space=pltpu.VMEM),
            pl.BlockSpec(memory_space=pltpu.VMEM),
        ],
        out_specs=(
            pl.BlockSpec(memory_space=pltpu.SMEM),
            pl.BlockSpec(memory_space=pltpu.SMEM),
        ),
    )(vals, idxs)


@jax.jit
def kernel(x, weights):
    wflat = weights.reshape(N_ROWS, DIM)
    vals, idxs = _sc_candidates(x, wflat)
    dist, mapidx = _tc_finish(vals, idxs)
    return dist[0], mapidx.astype(jnp.int64)

# --- scband reference (transcript-rebuilt; emitter-appended) ---
"""Pipeline reference for scband-som-41575283425854 (READ-ONLY COPY).

The authoritative reference and input builder live on the scoring server;
editing this copy changes nothing except your own understanding.
"""

import jax, jax.numpy as jnp
import numpy as np

MAP_H = 64
MAP_W = 128
INPUT_DIM = 256

def setup_inputs(seed: int = 0) -> dict:
    key = jax.random.key(seed)
    k1, k2 = jax.random.split(key)
    x = jax.random.normal(k1, (INPUT_DIM,), dtype=jnp.float32)
    weights = jax.random.normal(k2, (MAP_H, MAP_W, INPUT_DIM), dtype=jnp.float32)
    return {"x": x, "weights": weights}

def reference(x, weights):
    # torch.cdist(x[1,D], weights[H,W,D]) -> [H,1,W]; squeeze(0) no-op; flatten -> H*W dists
    diff = x[None, None, :] - weights  # [H, W, D]
    dist = jnp.sqrt(jnp.sum(diff * diff, axis=-1))  # [H, W]
    flat = dist.reshape(-1)
    idx = jnp.argmin(flat)
    min_dist = flat[idx]
    H, W = weights.shape[0], weights.shape[1]
    map_idx = jnp.stack([idx // W, idx % W]).astype(jnp.int64)
    return (min_dist, map_idx)

if __name__ == "__main__":
    import jax
    _d = setup_inputs()
    print(jax.jit(kernel)(*tuple(_d.values())))

</pallas_src>

<mosaic_0001>
#map = affine_map<(d0, d1) -> (0)>
#map1 = affine_map<(d0, d1) -> (0, 0)>
module attributes {stable_mosaic.version = 14 : i64} {
  func.func @_sc_candidates(%arg0: i32, %arg1: i32, %arg2: memref<256xf32, #tpu.memory_space<hbm>>, %arg3: memref<8192x256xf32, #tpu.memory_space<hbm>>, %arg4: memref<32x16xf32, #tpu.memory_space<hbm>>, %arg5: memref<32x16xi32, #tpu.memory_space<hbm>>, %arg6: memref<256xf32, #tpu.memory_space<vmem>>, %arg7: memref<64x256xf32, #tpu.memory_space<vmem>>, %arg8: memref<64x256xf32, #tpu.memory_space<vmem>>, %arg9: memref<16xf32, #tpu.memory_space<vmem>>, %arg10: memref<16xi32, #tpu.memory_space<vmem>>, %arg11: memref<!tpu.dma_semaphore, #tpu.memory_space<semaphore_mem>>, %arg12: memref<!tpu.dma_semaphore, #tpu.memory_space<semaphore_mem>>) attributes {dimension_semantics = [#tpu.dimension_semantics<core_parallel>, #tpu.dimension_semantics<subcore_parallel>], iteration_bounds = array<i64: 2, 16>, scalar_prefetch = 0 : i64, scratch_operands = 7 : i64, tpu.core_type = #tpu.core_type<sc_vector_subcore>, window_params = [{transform_indices = #map}, {transform_indices = #map1}, {transform_indices = #map1}, {transform_indices = #map1}]} {
    %mul3A = arith.constant 2 : i32
    %mul3A_0 = arith.muli %arg1, %mul3A : i32
    %add3A = arith.addi %mul3A_0, %arg0 : i32
    %mul3A_1 = arith.constant 256 : i32
    %mul3A_2 = arith.muli %add3A, %mul3A_1 : i32
    "tpu.region"() ({
      %run_scoped3A = tpu.sem_alloc : memref<!tpu.dma_semaphore, #tpu.memory_space<semaphore_mem>>
      tpu.enqueue_dma source(%arg2 : memref<256xf32, #tpu.memory_space<hbm>>) target(%arg6 : memref<256xf32, #tpu.memory_space<vmem>>) target_semaphore(%run_scoped3A : memref<!tpu.dma_semaphore, #tpu.memory_space<semaphore_mem>>)
      tpu.wait_dma2 semaphore(%run_scoped3A : memref<!tpu.dma_semaphore, #tpu.memory_space<semaphore_mem>>) src(%arg2 : memref<256xf32, #tpu.memory_space<hbm>>) dst(%arg6 : memref<256xf32, #tpu.memory_space<vmem>>)
      tpu.yield
    }) : () -> ()
    %iota3A = tpu.iota {dimensions = array<i32: 0>} : vector<16xi32>
    %get3A = arith.constant 0 : index
    %get3A_3 = tpu.vector_load %arg6[%get3A] {strides = array<i32>} : memref<256xf32, #tpu.memory_space<vmem>>, vector<16xf32>,
    %get3A_4 = arith.constant 16 : index
    %get3A_5 = tpu.vector_load %arg6[%get3A_4] {strides = array<i32>} : memref<256xf32, #tpu.memory_space<vmem>>, vector<16xf32>,
    %get3A_6 = arith.constant 32 : index
    %get3A_7 = tpu.vector_load %arg6[%get3A_6] {strides = array<i32>} : memref<256xf32, #tpu.memory_space<vmem>>, vector<16xf32>,
    %get3A_8 = arith.constant 48 : index
    %get3A_9 = tpu.vector_load %arg6[%get3A_8] {strides = array<i32>} : memref<256xf32, #tpu.memory_space<vmem>>, vector<16xf32>,
    %get3A_10 = arith.constant 64 : index
    %get3A_11 = tpu.vector_load %arg6[%get3A_10] {strides = array<i32>} : memref<256xf32, #tpu.memory_space<vmem>>, vector<16xf32>,
    %get3A_12 = arith.constant 80 : index
    %get3A_13 = tpu.vector_load %arg6[%get3A_12] {strides = array<i32>} : memref<256xf32, #tpu.memory_space<vmem>>, vector<16xf32>,
    %get3A_14 = arith.constant 96 : index
    %get3A_15 = tpu.vector_load %arg6[%get3A_14] {strides = array<i32>} : memref<256xf32, #tpu.memory_space<vmem>>, vector<16xf32>,
    %get3A_16 = arith.constant 112 : index
    %get3A_17 = tpu.vector_load %arg6[%get3A_16] {strides = array<i32>} : memref<256xf32, #tpu.memory_space<vmem>>, vector<16xf32>,
    %get3A_18 = arith.constant 128 : index
    %get3A_19 = tpu.vector_load %arg6[%get3A_18] {strides = array<i32>} : memref<256xf32, #tpu.memory_space<vmem>>, vector<16xf32>,
    %get3A_20 = arith.constant 144 : index
    %get3A_21 = tpu.vector_load %arg6[%get3A_20] {strides = array<i32>} : memref<256xf32, #tpu.memory_space<vmem>>, vector<16xf32>,
    %get3A_22 = arith.constant 160 : index
    %get3A_23 = tpu.vector_load %arg6[%get3A_22] {strides = array<i32>} : memref<256xf32, #tpu.memory_space<vmem>>, vector<16xf32>,
    %get3A_24 = arith.constant 176 : index
    %get3A_25 = tpu.vector_load %arg6[%get3A_24] {strides = array<i32>} : memref<256xf32, #tpu.memory_space<vmem>>, vector<16xf32>,
    %get3A_26 = arith.constant 192 : index
    %get3A_27 = tpu.vector_load %arg6[%get3A_26] {strides = array<i32>} : memref<256xf32, #tpu.memory_space<vmem>>, vector<16xf32>,
    %get3A_28 = arith.constant 208 : index
    %get3A_29 = tpu.vector_load %arg6[%get3A_28] {strides = array<i32>} : memref<256xf32, #tpu.memory_space<vmem>>, vector<16xf32>,
    %get3A_30 = arith.constant 224 : index
    %get3A_31 = tpu.vector_load %arg6[%get3A_30] {strides = array<i32>} : memref<256xf32, #tpu.memory_space<vmem>>, vector<16xf32>,
    %get3A_32 = arith.constant 240 : index
    %get3A_33 = tpu.vector_load %arg6[%get3A_32] {strides = array<i32>} : memref<256xf32, #tpu.memory_space<vmem>>, vector<16xf32>,
    %dma_start3A = arith.constant 0 : i32
    %dma_start3A_34 = tpu.memref_slice %arg3[%mul3A_2, %dma_start3A] : memref<8192x256xf32, #tpu.memory_space<hbm>> -> memref<64x256xf32, #tpu.memory_space<hbm>>
    %dma_start3A_35 = arith.constant 0 : i32
    %dma_start3A_36 = tpu.memref_slice %arg3[%mul3A_2, %dma_start3A_35] : memref<8192x256xf32, #tpu.memory_space<hbm>> -> memref<64x256xf32, #tpu.memory_space<hbm>>
    tpu.enqueue_dma source(%dma_start3A_36 : memref<64x256xf32, #tpu.memory_space<hbm>>) target(%arg7 : memref<64x256xf32, #tpu.memory_space<vmem>>) target_semaphore(%arg11 : memref<!tpu.dma_semaphore, #tpu.memory_space<semaphore_mem>>)
    %broadcast_in_dim3A = arith.constant 0x7F800000 : f32
    %broadcast_in_dim3A_37 = vector.broadcast %broadcast_in_dim3A : f32 to vector<16xf32>
    %scan3A = arith.constant 0 : i32
    %scan3A_38 = arith.constant 2 : i32
    %scan3A_39 = arith.addi %scan3A, %scan3A_38 : i32
    %scan3A_40 = arith.constant 1 : i32
    %scan3A_41:2 = scf.for %scan3A_46 = %scan3A to %scan3A_39 step %scan3A_40 iter_args(%scan3A_47 = %broadcast_in_dim3A_37, %scan3A_48 = %iota3A) -> (vector<16xf32>, vector<16xi32>)  : i32 {
      %mul3A_49 = arith.constant 128 : i32
      %mul3A_50 = arith.muli %scan3A_46, %mul3A_49 : i32
      %add3A_51 = arith.addi %mul3A_2, %mul3A_50 : i32
      %add3A_52 = arith.constant 64 : i32
      %add3A_53 = arith.addi %add3A_51, %add3A_52 : i32
      %dma_start3A_54 = arith.constant 0 : i32
      %dma_start3A_55 = tpu.memref_slice %arg3[%add3A_53, %dma_start3A_54] : memref<8192x256xf32, #tpu.memory_space<hbm>> -> memref<64x256xf32, #tpu.memory_space<hbm>>
      %dma_start3A_56 = arith.constant 0 : i32
      %dma_start3A_57 = tpu.memref_slice %arg3[%add3A_53, %dma_start3A_56] : memref<8192x256xf32, #tpu.memory_space<hbm>> -> memref<64x256xf32, #tpu.memory_space<hbm>>
      tpu.enqueue_dma source(%dma_start3A_57 : memref<64x256xf32, #tpu.memory_space<hbm>>) target(%arg8 : memref<64x256xf32, #tpu.memory_space<vmem>>) target_semaphore(%arg12 : memref<!tpu.dma_semaphore, #tpu.memory_space<semaphore_mem>>)
      %dma_wait3A = arith.constant 0 : i32
      %dma_wait3A_58 = tpu.memref_slice %arg3[%add3A_51, %dma_wait3A] : memref<8192x256xf32, #tpu.memory_space<hbm>> -> memref<64x256xf32, #tpu.memory_space<hbm>>
      %dma_wait3A_59 = arith.constant 0 : i32
      %dma_wait3A_60 = tpu.memref_slice %arg3[%add3A_51, %dma_wait3A_59] : memref<8192x256xf32, #tpu.memory_space<hbm>> -> memref<64x256xf32, #tpu.memory_space<hbm>>
      tpu.wait_dma2 semaphore(%arg11 : memref<!tpu.dma_semaphore, #tpu.memory_space<semaphore_mem>>) src(%dma_wait3A_60 : memref<64x256xf32, #tpu.memory_space<hbm>>) dst(%arg7 : memref<64x256xf32, #tpu.memory_space<vmem>>)
      %scan3A_61 = arith.constant 0 : i32
      %scan3A_62 = arith.constant 4 : i32
      %scan3A_63 = arith.addi %scan3A_61, %scan3A_62 : i32
      %scan3A_64 = arith.constant 1 : i32
      %scan3A_65:2 = scf.for %scan3A_81 = %scan3A_61 to %scan3A_63 step %scan3A_64 iter_args(%scan3A_82 = %scan3A_47, %scan3A_83 = %scan3A_48) -> (vector<16xf32>, vector<16xi32>)  : i32 {
        %mul3A_84 = arith.constant 16 : i32
        %mul3A_85 = arith.muli %scan3A_81, %mul3A_84 : i32
        %broadcast_in_dim3A_86 = arith.constant 0.000000e+00 : f32
        %broadcast_in_dim3A_87 = vector.broadcast %broadcast_in_dim3A_86 : f32 to vector<16xf32>
        %broadcast_in_dim3A_88 = arith.constant 0.000000e+00 : f32
        %broadcast_in_dim3A_89 = vector.broadcast %broadcast_in_dim3A_88 : f32 to vector<16xf32>
        %broadcast_in_dim3A_90 = arith.constant 0.000000e+00 : f32
        %broadcast_in_dim3A_91 = vector.broadcast %broadcast_in_dim3A_90 : f32 to vector<16xf32>
        %add3A_92 = arith.constant 0 : i32
        %add3A_93 = arith.addi %mul3A_85, %add3A_92 : i32
        %get3A_94 = arith.index_cast %add3A_93 : i32 to index
        %get3A_95 = arith.constant 0 : index
        %get3A_96 = tpu.vector_load %arg7[%get3A_94, %get3A_95] {strides = array<i32>} : memref<64x256xf32, #tpu.memory_space<vmem>>, vector<16xf32>,
        %sub3A = arith.subf %get3A_96, %get3A_3 : vector<16xf32>
        %mul3A_97 = arith.mulf %sub3A, %sub3A : vector<16xf32>
        %add3A_98 = arith.addf %broadcast_in_dim3A_89, %mul3A_97 : vector<16xf32>
        %add3A_99 = arith.constant 0 : i32
        %add3A_100 = arith.addi %mul3A_85, %add3A_99 : i32
        %get3A_101 = arith.index_cast %add3A_100 : i32 to index
        %get3A_102 = arith.constant 16 : index
        %get3A_103 = tpu.vector_load %arg7[%get3A_101, %get3A_102] {strides = array<i32>} : memref<64x256xf32, #tpu.memory_space<vmem>>, vector<16xf32>,
        %sub3A_104 = arith.subf %get3A_103, %get3A_5 : vector<16xf32>
        %mul3A_105 = arith.mulf %sub3A_104, %sub3A_104 : vector<16xf32>
        %add3A_106 = arith.addf %broadcast_in_dim3A_91, %mul3A_105 : vector<16xf32>
        %add3A_107 = arith.constant 0 : i32
        %add3A_108 = arith.addi %mul3A_85, %add3A_107 : i32
        %get3A_109 = arith.index_cast %add3A_108 : i32 to index
        %get3A_110 = arith.constant 32 : index
        %get3A_111 = tpu.vector_load %arg7[%get3A_109, %get3A_110] {strides = array<i32>} : memref<64x256xf32, #tpu.memory_space<vmem>>, vector<16xf32>,
        %sub3A_112 = arith.subf %get3A_111, %get3A_7 : vector<16xf32>
        %mul3A_113 = arith.mulf %sub3A_112, %sub3A_112 : vector<16xf32>
        %add3A_114 = arith.addf %add3A_98, %mul3A_113 : vector<16xf32>
        %add3A_115 = arith.constant 0 : i32
        %add3A_116 = arith.addi %mul3A_85, %add3A_115 : i32
        %get3A_117 = arith.index_cast %add3A_116 : i32 to index
        %get3A_118 = arith.constant 48 : index
        %get3A_119 = tpu.vector_load %arg7[%get3A_117, %get3A_118] {strides = array<i32>} : memref<64x256xf32, #tpu.memory_space<vmem>>, vector<16xf32>,
        %sub3A_120 = arith.subf %get3A_119, %get3A_9 : vector<16xf32>
        %mul3A_121 = arith.mulf %sub3A_120, %sub3A_120 : vector<16xf32>
        %add3A_122 = arith.addf %add3A_106, %mul3A_121 : vector<16xf32>
        %add3A_123 = arith.constant 0 : i32
        %add3A_124 = arith.addi %mul3A_85, %add3A_123 : i32
        %get3A_125 = arith.index_cast %add3A_124 : i32 to index
        %get3A_126 = arith.constant 64 : index
        %get3A_127 = tpu.vector_load %arg7[%get3A_125, %get3A_126] {strides = array<i32>} : memref<64x256xf32, #tpu.memory_space<vmem>>, vector<16xf32>,
        %sub3A_128 = arith.subf %get3A_127, %get3A_11 : vector<16xf32>
        %mul3A_129 = arith.mulf %sub3A_128, %sub3A_128 : vector<16xf32>
        %add3A_130 = arith.addf %add3A_114, %mul3A_129 : vector<16xf32>
        %add3A_131 = arith.constant 0 : i32
        %add3A_132 = arith.addi %mul3A_85, %add3A_131 : i32
        %get3A_133 = arith.index_cast %add3A_132 : i32 to index
        %get3A_134 = arith.constant 80 : index
        %get3A_135 = tpu.vector_load %arg7[%get3A_133, %get3A_134] {strides = array<i32>} : memref<64x256xf32, #tpu.memory_space<vmem>>, vector<16xf32>,
        %sub3A_136 = arith.subf %get3A_135, %get3A_13 : vector<16xf32>
        %mul3A_137 = arith.mulf %sub3A_136, %sub3A_136 : vector<16xf32>
        %add3A_138 = arith.addf %add3A_122, %mul3A_137 : vector<16xf32>
        %add3A_139 = arith.constant 0 : i32
        %add3A_140 = arith.addi %mul3A_85, %add3A_139 : i32
        %get3A_141 = arith.index_cast %add3A_140 : i32 to index
        %get3A_142 = arith.constant 96 : index
        %get3A_143 = tpu.vector_load %arg7[%get3A_141, %get3A_142] {strides = array<i32>} : memref<64x256xf32, #tpu.memory_space<vmem>>, vector<16xf32>,
        %sub3A_144 = arith.subf %get3A_143, %get3A_15 : vector<16xf32>
        %mul3A_145 = arith.mulf %sub3A_144, %sub3A_144 : vector<16xf32>
        %add3A_146 = arith.addf %add3A_130, %mul3A_145 : vector<16xf32>
        %add3A_147 = arith.constant 0 : i32
        %add3A_148 = arith.addi %mul3A_85, %add3A_147 : i32
        %get3A_149 = arith.index_cast %add3A_148 : i32 to index
        %get3A_150 = arith.constant 112 : index
        %get3A_151 = tpu.vector_load %arg7[%get3A_149, %get3A_150] {strides = array<i32>} : memref<64x256xf32, #tpu.memory_space<vmem>>, vector<16xf32>,
        %sub3A_152 = arith.subf %get3A_151, %get3A_17 : vector<16xf32>
        %mul3A_153 = arith.mulf %sub3A_152, %sub3A_152 : vector<16xf32>
        %add3A_154 = arith.addf %add3A_138, %mul3A_153 : vector<16xf32>
        %add3A_155 = arith.constant 0 : i32
        %add3A_156 = arith.addi %mul3A_85, %add3A_155 : i32
        %get3A_157 = arith.index_cast %add3A_156 : i32 to index
        %get3A_158 = arith.constant 128 : index
        %get3A_159 = tpu.vector_load %arg7[%get3A_157, %get3A_158] {strides = array<i32>} : memref<64x256xf32, #tpu.memory_space<vmem>>, vector<16xf32>,
        %sub3A_160 = arith.subf %get3A_159, %get3A_19 : vector<16xf32>
        %mul3A_161 = arith.mulf %sub3A_160, %sub3A_160 : vector<16xf32>
        %add3A_162 = arith.addf %add3A_146, %mul3A_161 : vector<16xf32>
        %add3A_163 = arith.constant 0 : i32
        %add3A_164 = arith.addi %mul3A_85, %add3A_163 : i32
        %get3A_165 = arith.index_cast %add3A_164 : i32 to index
        %get3A_166 = arith.constant 144 : index
        %get3A_167 = tpu.vector_load %arg7[%get3A_165, %get3A_166] {strides = array<i32>} : memref<64x256xf32, #tpu.memory_space<vmem>>, vector<16xf32>,
        %sub3A_168 = arith.subf %get3A_167, %get3A_21 : vector<16xf32>
        %mul3A_169 = arith.mulf %sub3A_168, %sub3A_168 : vector<16xf32>
        %add3A_170 = arith.addf %add3A_154, %mul3A_169 : vector<16xf32>
        %add3A_171 = arith.constant 0 : i32
        %add3A_172 = arith.addi %mul3A_85, %add3A_171 : i32
        %get3A_173 = arith.index_cast %add3A_172 : i32 to index
        %get3A_174 = arith.constant 160 : index
        %get3A_175 = tpu.vector_load %arg7[%get3A_173, %get3A_174] {strides = array<i32>} : memref<64x256xf32, #tpu.memory_space<vmem>>, vector<16xf32>,
        %sub3A_176 = arith.subf %get3A_175, %get3A_23 : vector<16xf32>
        %mul3A_177 = arith.mulf %sub3A_176, %sub3A_176 : vector<16xf32>
        %add3A_178 = arith.addf %add3A_162, %mul3A_177 : vector<16xf32>
        %add3A_179 = arith.constant 0 : i32
        %add3A_180 = arith.addi %mul3A_85, %add3A_179 : i32
        %get3A_181 = arith.index_cast %add3A_180 : i32 to index
        %get3A_182 = arith.constant 176 : index
        %get3A_183 = tpu.vector_load %arg7[%get3A_181, %get3A_182] {strides = array<i32>} : memref<64x256xf32, #tpu.memory_space<vmem>>, vector<16xf32>,
        %sub3A_184 = arith.subf %get3A_183, %get3A_25 : vector<16xf32>
        %mul3A_185 = arith.mulf %sub3A_184, %sub3A_184 : vector<16xf32>
        %add3A_186 = arith.addf %add3A_170, %mul3A_185 : vector<16xf32>
        %add3A_187 = arith.constant 0 : i32
        %add3A_188 = arith.addi %mul3A_85, %add3A_187 : i32
        %get3A_189 = arith.index_cast %add3A_188 : i32 to index
        %get3A_190 = arith.constant 192 : index
        %get3A_191 = tpu.vector_load %arg7[%get3A_189, %get3A_190] {strides = array<i32>} : memref<64x256xf32, #tpu.memory_space<vmem>>, vector<16xf32>,
        %sub3A_192 = arith.subf %get3A_191, %get3A_27 : vector<16xf32>
        %mul3A_193 = arith.mulf %sub3A_192, %sub3A_192 : vector<16xf32>
        %add3A_194 = arith.addf %add3A_178, %mul3A_193 : vector<16xf32>
        %add3A_195 = arith.constant 0 : i32
        %add3A_196 = arith.addi %mul3A_85, %add3A_195 : i32
        %get3A_197 = arith.index_cast %add3A_196 : i32 to index
        %get3A_198 = arith.constant 208 : index
        %get3A_199 = tpu.vector_load %arg7[%get3A_197, %get3A_198] {strides = array<i32>} : memref<64x256xf32, #tpu.memory_space<vmem>>, vector<16xf32>,
        %sub3A_200 = arith.subf %get3A_199, %get3A_29 : vector<16xf32>
        %mul3A_201 = arith.mulf %sub3A_200, %sub3A_200 : vector<16xf32>
        %add3A_202 = arith.addf %add3A_186, %mul3A_201 : vector<16xf32>
        %add3A_203 = arith.constant 0 : i32
        %add3A_204 = arith.addi %mul3A_85, %add3A_203 : i32
        %get3A_205 = arith.index_cast %add3A_204 : i32 to index
        %get3A_206 = arith.constant 224 : index
        %get3A_207 = tpu.vector_load %arg7[%get3A_205, %get3A_206] {strides = array<i32>} : memref<64x256xf32, #tpu.memory_space<vmem>>, vector<16xf32>,
        %sub3A_208 = arith.subf %get3A_207, %get3A_31 : vector<16xf32>
        %mul3A_209 = arith.mulf %sub3A_208, %sub3A_208 : vector<16xf32>
        %add3A_210 = arith.addf %add3A_194, %mul3A_209 : vector<16xf32>
        %add3A_211 = arith.constant 0 : i32
        %add3A_212 = arith.addi %mul3A_85, %add3A_211 : i32
        %get3A_213 = arith.index_cast %add3A_212 : i32 to index
        %get3A_214 = arith.constant 240 : index
        %get3A_215 = tpu.vector_load %arg7[%get3A_213, %get3A_214] {strides = array<i32>} : memref<64x256xf32, #tpu.memory_space<vmem>>, vector<16xf32>,
        %sub3A_216 = arith.subf %get3A_215, %get3A_33 : vector<16xf32>
        %mul3A_217 = arith.mulf %sub3A_216, %sub3A_216 : vector<16xf32>
        %add3A_218 = arith.addf %add3A_202, %mul3A_217 : vector<16xf32>
        %add3A_219 = arith.addf %add3A_210, %add3A_218 : vector<16xf32>
        %reduce_sum3A = arith.constant true
        %reduce_sum3A_220 = vector.broadcast %reduce_sum3A : i1 to vector<16xi1>
        %reduce_sum3A_221 = tpu.scan <sum>, %add3A_219 masked %reduce_sum3A_220 : vector<16xf32>, vector<16xi1> -> vector<16xf32>
        %reduce_sum3A_222 = vector.extract %reduce_sum3A_221[15] : f32 from vector<16xf32>
        %eq3A = arith.constant 0 : i32
        %eq3A_223 = vector.broadcast %eq3A : i32 to vector<16xi32>
        %eq3A_224 = arith.cmpi eq, %iota3A, %eq3A_223 : vector<16xi32>
        %broadcast_in_dim3A_225 = vector.broadcast %reduce_sum3A_222 : f32 to vector<16xf32>
        %select_n3A = arith.select %eq3A_224, %broadcast_in_dim3A_225, %broadcast_in_dim3A_87 : vector<16xi1>, vector<16xf32>
        %broadcast_in_dim3A_226 = arith.constant 0.000000e+00 : f32
        %broadcast_in_dim3A_227 = vector.broadcast %broadcast_in_dim3A_226 : f32 to vector<16xf32>
        %broadcast_in_dim3A_228 = arith.constant 0.000000e+00 : f32
        %broadcast_in_dim3A_229 = vector.broadcast %broadcast_in_dim3A_228 : f32 to vector<16xf32>
        %add3A_230 = arith.constant 1 : i32
        %add3A_231 = arith.addi %mul3A_85, %add3A_230 : i32
        %get3A_232 = arith.index_cast %add3A_231 : i32 to index
        %get3A_233 = arith.constant 0 : index
        %get3A_234 = tpu.vector_load %arg7[%get3A_232, %get3A_233] {strides = array<i32>} : memref<64x256xf32, #tpu.memory_space<vmem>>, vector<16xf32>,
        %sub3A_235 = arith.subf %get3A_234, %get3A_3 : vector<16xf32>
        %mul3A_236 = arith.mulf %sub3A_235, %sub3A_235 : vector<16xf32>
        %add3A_237 = arith.addf %broadcast_in_dim3A_227, %mul3A_236 : vector<16xf32>
        %add3A_238 = arith.constant 1 : i32
        %add3A_239 = arith.addi %mul3A_85, %add3A_238 : i32
        %get3A_240 = arith.index_cast %add3A_239 : i32 to index
        %get3A_241 = arith.constant 16 : index
        %get3A_242 = tpu.vector_load %arg7[%get3A_240, %get3A_241] {strides = array<i32>} : memref<64x256xf32, #tpu.memory_space<vmem>>, vector<16xf32>,
        %sub3A_243 = arith.subf %get3A_242, %get3A_5 : vector<16xf32>
        %mul3A_244 = arith.mulf %sub3A_243, %sub3A_243 : vector<16xf32>
        %add3A_245 = arith.addf %broadcast_in_dim3A_229, %mul3A_244 : vector<16xf32>
        %add3A_246 = arith.constant 1 : i32
        %add3A_247 = arith.addi %mul3A_85, %add3A_246 : i32
        %get3A_248 = arith.index_cast %add3A_247 : i32 to index
        %get3A_249 = arith.constant 32 : index
        %get3A_250 = tpu.vector_load %arg7[%get3A_248, %get3A_249] {strides = array<i32>} : memref<64x256xf32, #tpu.memory_space<vmem>>, vector<16xf32>,
        %sub3A_251 = arith.subf %get3A_250, %get3A_7 : vector<16xf32>
        %mul3A_252 = arith.mulf %sub3A_251, %sub3A_251 : vector<16xf32>
        %add3A_253 = arith.addf %add3A_237, %mul3A_252 : vector<16xf32>
        %add3A_254 = arith.constant 1 : i32
        %add3A_255 = arith.addi %mul3A_85, %add3A_254 : i32
        %get3A_256 = arith.index_cast %add3A_255 : i32 to index
        %get3A_257 = arith.constant 48 : index
        %get3A_258 = tpu.vector_load %arg7[%get3A_256, %get3A_257] {strides = array<i32>} : memref<64x256xf32, #tpu.memory_space<vmem>>, vector<16xf32>,
        %sub3A_259 = arith.subf %get3A_258, %get3A_9 : vector<16xf32>
        %mul3A_260 = arith.mulf %sub3A_259, %sub3A_259 : vector<16xf32>
        %add3A_261 = arith.addf %add3A_245, %mul3A_260 : vector<16xf32>
        %add3A_262 = arith.constant 1 : i32
        %add3A_263 = arith.addi %mul3A_85, %add3A_262 : i32
        %get3A_264 = arith.index_cast %add3A_263 : i32 to index
        %get3A_265 = arith.constant 64 : index
        %get3A_266 = tpu.vector_load %arg7[%get3A_264, %get3A_265] {strides = array<i32>} : memref<64x256xf32, #tpu.memory_space<vmem>>, vector<16xf32>,
        %sub3A_267 = arith.subf %get3A_266, %get3A_11 : vector<16xf32>
        %mul3A_268 = arith.mulf %sub3A_267, %sub3A_267 : vector<16xf32>
        %add3A_269 = arith.addf %add3A_253, %mul3A_268 : vector<16xf32>
        %add3A_270 = arith.constant 1 : i32
        %add3A_271 = arith.addi %mul3A_85, %add3A_270 : i32
        %get3A_272 = arith.index_cast %add3A_271 : i32 to index
        %get3A_273 = arith.constant 80 : index
        %get3A_274 = tpu.vector_load %arg7[%get3A_272, %get3A_273] {strides = array<i32>} : memref<64x256xf32, #tpu.memory_space<vmem>>, vector<16xf32>,
        %sub3A_275 = arith.subf %get3A_274, %get3A_13 : vector<16xf32>
        %mul3A_276 = arith.mulf %sub3A_275, %sub3A_275 : vector<16xf32>
        %add3A_277 = arith.addf %add3A_261, %mul3A_276 : vector<16xf32>
        %add3A_278 = arith.constant 1 : i32
        %add3A_279 = arith.addi %mul3A_85, %add3A_278 : i32
        %get3A_280 = arith.index_cast %add3A_279 : i32 to index
        %get3A_281 = arith.constant 96 : index
        %get3A_282 = tpu.vector_load %arg7[%get3A_280, %get3A_281] {strides = array<i32>} : memref<64x256xf32, #tpu.memory_space<vmem>>, vector<16xf32>,
        %sub3A_283 = arith.subf %get3A_282, %get3A_15 : vector<16xf32>
        %mul3A_284 = arith.mulf %sub3A_283, %sub3A_283 : vector<16xf32>
        %add3A_285 = arith.addf %add3A_269, %mul3A_284 : vector<16xf32>
        %add3A_286 = arith.constant 1 : i32
        %add3A_287 = arith.addi %mul3A_85, %add3A_286 : i32
        %get3A_288 = arith.index_cast %add3A_287 : i32 to index
        %get3A_289 = arith.constant 112 : index
        %get3A_290 = tpu.vector_load %arg7[%get3A_288, %get3A_289] {strides = array<i32>} : memref<64x256xf32, #tpu.memory_space<vmem>>, vector<16xf32>,
        %sub3A_291 = arith.subf %get3A_290, %get3A_17 : vector<16xf32>
        %mul3A_292 = arith.mulf %sub3A_291, %sub3A_291 : vector<16xf32>
        %add3A_293 = arith.addf %add3A_277, %mul3A_292 : vector<16xf32>
        %add3A_294 = arith.constant 1 : i32
        %add3A_295 = arith.addi %mul3A_85, %add3A_294 : i32
        %get3A_296 = arith.index_cast %add3A_295 : i32 to index
        %get3A_297 = arith.constant 128 : index
        %get3A_298 = tpu.vector_load %arg7[%get3A_296, %get3A_297] {strides = array<i32>} : memref<64x256xf32, #tpu.memory_space<vmem>>, vector<16xf32>,
        %sub3A_299 = arith.subf %get3A_298, %get3A_19 : vector<16xf32>
        %mul3A_300 = arith.mulf %sub3A_299, %sub3A_299 : vector<16xf32>
        %add3A_301 = arith.addf %add3A_285, %mul3A_300 : vector<16xf32>
        %add3A_302 = arith.constant 1 : i32
        %add3A_303 = arith.addi %mul3A_85, %add3A_302 : i32
        %get3A_304 = arith.index_cast %add3A_303 : i32 to index
        %get3A_305 = arith.constant 144 : index
        %get3A_306 = tpu.vector_load %arg7[%get3A_304, %get3A_305] {strides = array<i32>} : memref<64x256xf32, #tpu.memory_space<vmem>>, vector<16xf32>,
        %sub3A_307 = arith.subf %get3A_306, %get3A_21 : vector<16xf32>
        %mul3A_308 = arith.mulf %sub3A_307, %sub3A_307 : vector<16xf32>
        %add3A_309 = arith.addf %add3A_293, %mul3A_308 : vector<16xf32>
        %add3A_310 = arith.constant 1 : i32
        %add3A_311 = arith.addi %mul3A_85, %add3A_310 : i32
        %get3A_312 = arith.index_cast %add3A_311 : i32 to index
        %get3A_313 = arith.constant 160 : index
        %get3A_314 = tpu.vector_load %arg7[%get3A_312, %get3A_313] {strides = array<i32>} : memref<64x256xf32, #tpu.memory_space<vmem>>, vector<16xf32>,
        %sub3A_315 = arith.subf %get3A_314, %get3A_23 : vector<16xf32>
        %mul3A_316 = arith.mulf %sub3A_315, %sub3A_315 : vector<16xf32>
        %add3A_317 = arith.addf %add3A_301, %mul3A_316 : vector<16xf32>
        %add3A_318 = arith.constant 1 : i32
        %add3A_319 = arith.addi %mul3A_85, %add3A_318 : i32
        %get3A_320 = arith.index_cast %add3A_319 : i32 to index
        %get3A_321 = arith.constant 176 : index
        %get3A_322 = tpu.vector_load %arg7[%get3A_320, %get3A_321] {strides = array<i32>} : memref<64x256xf32, #tpu.memory_space<vmem>>, vector<16xf32>,
        %sub3A_323 = arith.subf %get3A_322, %get3A_25 : vector<16xf32>
        %mul3A_324 = arith.mulf %sub3A_323, %sub3A_323 : vector<16xf32>
        %add3A_325 = arith.addf %add3A_309, %mul3A_324 : vector<16xf32>
        %add3A_326 = arith.constant 1 : i32
        %add3A_327 = arith.addi %mul3A_85, %add3A_326 : i32
        %get3A_328 = arith.index_cast %add3A_327 : i32 to index
        %get3A_329 = arith.constant 192 : index
        %get3A_330 = tpu.vector_load %arg7[%get3A_328, %get3A_329] {strides = array<i32>} : memref<64x256xf32, #tpu.memory_space<vmem>>, vector<16xf32>,
        %sub3A_331 = arith.subf %get3A_330, %get3A_27 : vector<16xf32>
        %mul3A_332 = arith.mulf %sub3A_331, %sub3A_331 : vector<16xf32>
        %add3A_333 = arith.addf %add3A_317, %mul3A_332 : vector<16xf32>
        %add3A_334 = arith.constant 1 : i32
        %add3A_335 = arith.addi %mul3A_85, %add3A_334 : i32
        %get3A_336 = arith.index_cast %add3A_335 : i32 to index
        %get3A_337 = arith.constant 208 : index
        %get3A_338 = tpu.vector_load %arg7[%get3A_336, %get3A_337] {strides = array<i32>} : memref<64x256xf32, #tpu.memory_space<vmem>>, vector<16xf32>,
        %sub3A_339 = arith.subf %get3A_338, %get3A_29 : vector<16xf32>
        %mul3A_340 = arith.mulf %sub3A_339, %sub3A_339 : vector<16xf32>
        %add3A_341 = arith.addf %add3A_325, %mul3A_340 : vector<16xf32>
        %add3A_342 = arith.constant 1 : i32
        %add3A_343 = arith.addi %mul3A_85, %add3A_342 : i32
        %get3A_344 = arith.index_cast %add3A_343 : i32 to index
        %get3A_345 = arith.constant 224 : index
        %get3A_346 = tpu.vector_load %arg7[%get3A_344, %get3A_345] {strides = array<i32>} : memref<64x256xf32, #tpu.memory_space<vmem>>, vector<16xf32>,
        %sub3A_347 = arith.subf %get3A_346, %get3A_31 : vector<16xf32>
        %mul3A_348 = arith.mulf %sub3A_347, %sub3A_347 : vector<16xf32>
        %add3A_349 = arith.addf %add3A_333, %mul3A_348 : vector<16xf32>
        %add3A_350 = arith.constant 1 : i32
        %add3A_351 = arith.addi %mul3A_85, %add3A_350 : i32
        %get3A_352 = arith.index_cast %add3A_351 : i32 to index
        %get3A_353 = arith.constant 240 : index
        %get3A_354 = tpu.vector_load %arg7[%get3A_352, %get3A_353] {strides = array<i32>} : memref<64x256xf32, #tpu.memory_space<vmem>>, vector<16xf32>,
        %sub3A_355 = arith.subf %get3A_354, %get3A_33 : vector<16xf32>
        %mul3A_356 = arith.mulf %sub3A_355, %sub3A_355 : vector<16xf32>
        %add3A_357 = arith.addf %add3A_341, %mul3A_356 : vector<16xf32>
        %add3A_358 = arith.addf %add3A_349, %add3A_357 : vector<16xf32>
        %reduce_sum3A_359 = arith.constant true
        %reduce_sum3A_360 = vector.broadcast %reduce_sum3A_359 : i1 to vector<16xi1>
        %reduce_sum3A_361 = tpu.scan <sum>, %add3A_358 masked %reduce_sum3A_360 : vector<16xf32>, vector<16xi1> -> vector<16xf32>
        %reduce_sum3A_362 = vector.extract %reduce_sum3A_361[15] : f32 from vector<16xf32>
        %eq3A_363 = arith.constant 1 : i32
        %eq3A_364 = vector.broadcast %eq3A_363 : i32 to vector<16xi32>
        %eq3A_365 = arith.cmpi eq, %iota3A, %eq3A_364 : vector<16xi32>
        %broadcast_in_dim3A_366 = vector.broadcast %reduce_sum3A_362 : f32 to vector<16xf32>
        %select_n3A_367 = arith.select %eq3A_365, %broadcast_in_dim3A_366, %select_n3A : vector<16xi1>, vector<16xf32>
        %broadcast_in_dim3A_368 = arith.constant 0.000000e+00 : f32
        %broadcast_in_dim3A_369 = vector.broadcast %broadcast_in_dim3A_368 : f32 to vector<16xf32>
        %broadcast_in_dim3A_370 = arith.constant 0.000000e+00 : f32
        %broadcast_in_dim3A_371 = vector.broadcast %broadcast_in_dim3A_370 : f32 to vector<16xf32>
        %add3A_372 = arith.constant 2 : i32
        %add3A_373 = arith.addi %mul3A_85, %add3A_372 : i32
        %get3A_374 = arith.index_cast %add3A_373 : i32 to index
        %get3A_375 = arith.constant 0 : index
        %get3A_376 = tpu.vector_load %arg7[%get3A_374, %get3A_375] {strides = array<i32>} : memref<64x256xf32, #tpu.memory_space<vmem>>, vector<16xf32>,
        %sub3A_377 = arith.subf %get3A_376, %get3A_3 : vector<16xf32>
        %mul3A_378 = arith.mulf %sub3A_377, %sub3A_377 : vector<16xf32>
        %add3A_379 = arith.addf %broadcast_in_dim3A_369, %mul3A_378 : vector<16xf32>
        %add3A_380 = arith.constant 2 : i32
        %add3A_381 = arith.addi %mul3A_85, %add3A_380 : i32
        %get3A_382 = arith.index_cast %add3A_381 : i32 to index
        %get3A_383 = arith.constant 16 : index
        %get3A_384 = tpu.vector_load %arg7[%get3A_382, %get3A_383] {strides = array<i32>} : memref<64x256xf32, #tpu.memory_space<vmem>>, vector<16xf32>,
        %sub3A_385 = arith.subf %get3A_384, %get3A_5 : vector<16xf32>
        %mul3A_386 = arith.mulf %sub3A_385, %sub3A_385 : vector<16xf32>
        %add3A_387 = arith.addf %broadcast_in_dim3A_371, %mul3A_386 : vector<16xf32>
        %add3A_388 = arith.constant 2 : i32
        %add3A_389 = arith.addi %mul3A_85, %add3A_388 : i32
        %get3A_390 = arith.index_cast %add3A_389 : i32 to index
        %get3A_391 = arith.constant 32 : index
        %get3A_392 = tpu.vector_load %arg7[%get3A_390, %get3A_391] {strides = array<i32>} : memref<64x256xf32, #tpu.memory_space<vmem>>, vector<16xf32>,
        %sub3A_393 = arith.subf %get3A_392, %get3A_7 : vector<16xf32>
        %mul3A_394 = arith.mulf %sub3A_393, %sub3A_393 : vector<16xf32>
        %add3A_395 = arith.addf %add3A_379, %mul3A_394 : vector<16xf32>
        %add3A_396 = arith.constant 2 : i32
        %add3A_397 = arith.addi %mul3A_85, %add3A_396 : i32
        %get3A_398 = arith.index_cast %add3A_397 : i32 to index
        %get3A_399 = arith.constant 48 : index
        %get3A_400 = tpu.vector_load %arg7[%get3A_398, %get3A_399] {strides = array<i32>} : memref<64x256xf32, #tpu.memory_space<vmem>>, vector<16xf32>,
        %sub3A_401 = arith.subf %get3A_400, %get3A_9 : vector<16xf32>
        %mul3A_402 = arith.mulf %sub3A_401, %sub3A_401 : vector<16xf32>
        %add3A_403 = arith.addf %add3A_387, %mul3A_402 : vector<16xf32>
        %add3A_404 = arith.constant 2 : i32
        %add3A_405 = arith.addi %mul3A_85, %add3A_404 : i32
        %get3A_406 = arith.index_cast %add3A_405 : i32 to index
        %get3A_407 = arith.constant 64 : index
        %get3A_408 = tpu.vector_load %arg7[%get3A_406, %get3A_407] {strides = array<i32>} : memref<64x256xf32, #tpu.memory_space<vmem>>, vector<16xf32>,
        %sub3A_409 = arith.subf %get3A_408, %get3A_11 : vector<16xf32>
        %mul3A_410 = arith.mulf %sub3A_409, %sub3A_409 : vector<16xf32>
        %add3A_411 = arith.addf %add3A_395, %mul3A_410 : vector<16xf32>
        %add3A_412 = arith.constant 2 : i32
        %add3A_413 = arith.addi %mul3A_85, %add3A_412 : i32
        %get3A_414 = arith.index_cast %add3A_413 : i32 to index
        %get3A_415 = arith.constant 80 : index
        %get3A_416 = tpu.vector_load %arg7[%get3A_414, %get3A_415] {strides = array<i32>} : memref<64x256xf32, #tpu.memory_space<vmem>>, vector<16xf32>,
        %sub3A_417 = arith.subf %get3A_416, %get3A_13 : vector<16xf32>
        %mul3A_418 = arith.mulf %sub3A_417, %sub3A_417 : vector<16xf32>
        %add3A_419 = arith.addf %add3A_403, %mul3A_418 : vector<16xf32>
        %add3A_420 = arith.constant 2 : i32
        %add3A_421 = arith.addi %mul3A_85, %add3A_420 : i32
        %get3A_422 = arith.index_cast %add3A_421 : i32 to index
        %get3A_423 = arith.constant 96 : index
        %get3A_424 = tpu.vector_load %arg7[%get3A_422, %get3A_423] {strides = array<i32>} : memref<64x256xf32, #tpu.memory_space<vmem>>, vector<16xf32>,
        %sub3A_425 = arith.subf %get3A_424, %get3A_15 : vector<16xf32>
        %mul3A_426 = arith.mulf %sub3A_425, %sub3A_425 : vector<16xf32>
        %add3A_427 = arith.addf %add3A_411, %mul3A_426 : vector<16xf32>
        %add3A_428 = arith.constant 2 : i32
        %add3A_429 = arith.addi %mul3A_85, %add3A_428 : i32
        %get3A_430 = arith.index_cast %add3A_429 : i32 to index
        %get3A_431 = arith.constant 112 : index
        %get3A_432 = tpu.vector_load %arg7[%get3A_430, %get3A_431] {strides = array<i32>} : memref<64x256xf32, #tpu.memory_space<vmem>>, vector<16xf32>,
        %sub3A_433 = arith.subf %get3A_432, %get3A_17 : vector<16xf32>
        %mul3A_434 = arith.mulf %sub3A_433, %sub3A_433 : vector<16xf32>
        %add3A_435 = arith.addf %add3A_419, %mul3A_434 : vector<16xf32>
        %add3A_436 = arith.constant 2 : i32
        %add3A_437 = arith.addi %mul3A_85, %add3A_436 : i32
        %get3A_438 = arith.index_cast %add3A_437 : i32 to index
        %get3A_439 = arith.constant 128 : index
        %get3A_440 = tpu.vector_load %arg7[%get3A_438, %get3A_439] {strides = array<i32>} : memref<64x256xf32, #tpu.memory_space<vmem>>, vector<16xf32>,
        %sub3A_441 = arith.subf %get3A_440, %get3A_19 : vector<16xf32>
        %mul3A_442 = arith.mulf %sub3A_441, %sub3A_441 : vector<16xf32>
        %add3A_443 = arith.addf %add3A_427, %mul3A_442 : vector<16xf32>
        %add3A_444 = arith.constant 2 : i32
        %add3A_445 = arith.addi %mul3A_85, %add3A_444 : i32
        %get3A_446 = arith.index_cast %add3A_445 : i32 to index
        %get3A_447 = arith.constant 144 : index
        %get3A_448 = tpu.vector_load %arg7[%get3A_446, %get3A_447] {strides = array<i32>} : memref<64x256xf32, #tpu.memory_space<vmem>>, vector<16xf32>,
        %sub3A_449 = arith.subf %get3A_448, %get3A_21 : vector<16xf32>
        %mul3A_450 = arith.mulf %sub3A_449, %sub3A_449 : vector<16xf32>
        %add3A_451 = arith.addf %add3A_435, %mul3A_450 : vector<16xf32>
        %add3A_452 = arith.constant 2 : i32
        %add3A_453 = arith.addi %mul3A_85, %add3A_452 : i32
        %get3A_454 = arith.index_cast %add3A_453 : i32 to index
        %get3A_455 = arith.constant 160 : index
        %get3A_456 = tpu.vector_load %arg7[%get3A_454, %get3A_455] {strides = array<i32>} : memref<64x256xf32, #tpu.memory_space<vmem>>, vector<16xf32>,
        %sub3A_457 = arith.subf %get3A_456, %get3A_23 : vector<16xf32>
        %mul3A_458 = arith.mulf %sub3A_457, %sub3A_457 : vector<16xf32>
        %add3A_459 = arith.addf %add3A_443, %mul3A_458 : vector<16xf32>
        %add3A_460 = arith.constant 2 : i32
        %add3A_461 = arith.addi %mul3A_85, %add3A_460 : i32
        %get3A_462 = arith.index_cast %add3A_461 : i32 to index
        %get3A_463 = arith.constant 176 : index
        %get3A_464 = tpu.vector_load %arg7[%get3A_462, %get3A_463] {strides = array<i32>} : memref<64x256xf32, #tpu.memory_space<vmem>>, vector<16xf32>,
        %sub3A_465 = arith.subf %get3A_464, %get3A_25 : vector<16xf32>
        %mul3A_466 = arith.mulf %sub3A_465, %sub3A_465 : vector<16xf32>
        %add3A_467 = arith.addf %add3A_451, %mul3A_466 : vector<16xf32>
        %add3A_468 = arith.constant 2 : i32
        %add3A_469 = arith.addi %mul3A_85, %add3A_468 : i32
        %get3A_470 = arith.index_cast %add3A_469 : i32 to index
        %get3A_471 = arith.constant 192 : index
        %get3A_472 = tpu.vector_load %arg7[%get3A_470, %get3A_471] {strides = array<i32>} : memref<64x256xf32, #tpu.memory_space<vmem>>, vector<16xf32>,
        %sub3A_473 = arith.subf %get3A_472, %get3A_27 : vector<16xf32>
        %mul3A_474 = arith.mulf %sub3A_473, %sub3A_473 : vector<16xf32>
        %add3A_475 = arith.addf %add3A_459, %mul3A_474 : vector<16xf32>
        %add3A_476 = arith.constant 2 : i32
        %add3A_477 = arith.addi %mul3A_85, %add3A_476 : i32
        %get3A_478 = arith.index_cast %add3A_477 : i32 to index
        %get3A_479 = arith.constant 208 : index
        %get3A_480 = tpu.vector_load %arg7[%get3A_478, %get3A_479] {strides = array<i32>} : memref<64x256xf32, #tpu.memory_space<vmem>>, vector<16xf32>,
        %sub3A_481 = arith.subf %get3A_480, %get3A_29 : vector<16xf32>
        %mul3A_482 = arith.mulf %sub3A_481, %sub3A_481 : vector<16xf32>
        %add3A_483 = arith.addf %add3A_467, %mul3A_482 : vector<16xf32>
        %add3A_484 = arith.constant 2 : i32
        %add3A_485 = arith.addi %mul3A_85, %add3A_484 : i32
        %get3A_486 = arith.index_cast %add3A_485 : i32 to index
        %get3A_487 = arith.constant 224 : index
        %get3A_488 = tpu.vector_load %arg7[%get3A_486, %get3A_487] {strides = array<i32>} : memref<64x256xf32, #tpu.memory_space<vmem>>, vector<16xf32>,
        %sub3A_489 = arith.subf %get3A_488, %get3A_31 : vector<16xf32>
        %mul3A_490 = arith.mulf %sub3A_489, %sub3A_489 : vector<16xf32>
        %add3A_491 = arith.addf %add3A_475, %mul3A_490 : vector<16xf32>
        %add3A_492 = arith.constant 2 : i32
        %add3A_493 = arith.addi %mul3A_85, %add3A_492 : i32
        %get3A_494 = arith.index_cast %add3A_493 : i32 to index
        %get3A_495 = arith.constant 240 : index
        %get3A_496 = tpu.vector_load %arg7[%get3A_494, %get3A_495] {strides = array<i32>} : memref<64x256xf32, #tpu.memory_space<vmem>>, vector<16xf32>,
        %sub3A_497 = arith.subf %get3A_496, %get3A_33 : vector<16xf32>
        %mul3A_498 = arith.mulf %sub3A_497, %sub3A_497 : vector<16xf32>
        %add3A_499 = arith.addf %add3A_483, %mul3A_498 : vector<16xf32>
        %add3A_500 = arith.addf %add3A_491, %add3A_499 : vector<16xf32>
        %reduce_sum3A_501 = arith.constant true
        %reduce_sum3A_502 = vector.broadcast %reduce_sum3A_501 : i1 to vector<16xi1>
        %reduce_sum3A_503 = tpu.scan <sum>, %add3A_500 masked %reduce_sum3A_502 : vector<16xf32>, vector<16xi1> -> vector<16xf32>
        %reduce_sum3A_504 = vector.extract %reduce_sum3A_503[15] : f32 from vector<16xf32>
        %eq3A_505 = arith.constant 2 : i32
        %eq3A_506 = vector.broadcast %eq3A_505 : i32 to vector<16xi32>
        %eq3A_507 = arith.cmpi eq, %iota3A, %eq3A_506 : vector<16xi32>
        %broadcast_in_dim3A_508 = vector.broadcast %reduce_sum3A_504 : f32 to vector<16xf32>
        %select_n3A_509 = arith.select %eq3A_507, %broadcast_in_dim3A_508, %select_n3A_367 : vector<16xi1>, vector<16xf32>
        %broadcast_in_dim3A_510 = arith.constant 0.000000e+00 : f32
        %broadcast_in_dim3A_511 = vector.broadcast %broadcast_in_dim3A_510 : f32 to vector<16xf32>
        %broadcast_in_dim3A_512 = arith.constant 0.000000e+00 : f32
        %broadcast_in_dim3A_513 = vector.broadcast %broadcast_in_dim3A_512 : f32 to vector<16xf32>
        %add3A_514 = arith.constant 3 : i32
        %add3A_515 = arith.addi %mul3A_85, %add3A_514 : i32
        %get3A_516 = arith.index_cast %add3A_515 : i32 to index
        %get3A_517 = arith.constant 0 : index
        %get3A_518 = tpu.vector_load %arg7[%get3A_516, %get3A_517] {strides = array<i32>} : memref<64x256xf32, #tpu.memory_space<vmem>>, vector<16xf32>,
        %sub3A_519 = arith.subf %get3A_518, %get3A_3 : vector<16xf32>
        %mul3A_520 = arith.mulf %sub3A_519, %sub3A_519 : vector<16xf32>
        %add3A_521 = arith.addf %broadcast_in_dim3A_511, %mul3A_520 : vector<16xf32>
        %add3A_522 = arith.constant 3 : i32
        %add3A_523 = arith.addi %mul3A_85, %add3A_522 : i32
        %get3A_524 = arith.index_cast %add3A_523 : i32 to index
        %get3A_525 = arith.constant 16 : index
        %get3A_526 = tpu.vector_load %arg7[%get3A_524, %get3A_525] {strides = array<i32>} : memref<64x256xf32, #tpu.memory_space<vmem>>, vector<16xf32>,
        %sub3A_527 = arith.subf %get3A_526, %get3A_5 : vector<16xf32>
        %mul3A_528 = arith.mulf %sub3A_527, %sub3A_527 : vector<16xf32>
        %add3A_529 = arith.addf %broadcast_in_dim3A_513, %mul3A_528 : vector<16xf32>
        %add3A_530 = arith.constant 3 : i32
        %add3A_531 = arith.addi %mul3A_85, %add3A_530 : i32
        %get3A_532 = arith.index_cast %add3A_531 : i32 to index
        %get3A_533 = arith.constant 32 : index
        %get3A_534 = tpu.vector_load %arg7[%get3A_532, %get3A_533] {strides = array<i32>} : memref<64x256xf32, #tpu.memory_space<vmem>>, vector<16xf32>,
        %sub3A_535 = arith.subf %get3A_534, %get3A_7 : vector<16xf32>
        %mul3A_536 = arith.mulf %sub3A_535, %sub3A_535 : vector<16xf32>
        %add3A_537 = arith.addf %add3A_521, %mul3A_536 : vector<16xf32>
        %add3A_538 = arith.constant 3 : i32
        %add3A_539 = arith.addi %mul3A_85, %add3A_538 : i32
        %get3A_540 = arith.index_cast %add3A_539 : i32 to index
        %get3A_541 = arith.constant 48 : index
        %get3A_542 = tpu.vector_load %arg7[%get3A_540, %get3A_541] {strides = array<i32>} : memref<64x256xf32, #tpu.memory_space<vmem>>, vector<16xf32>,
        %sub3A_543 = arith.subf %get3A_542, %get3A_9 : vector<16xf32>
        %mul3A_544 = arith.mulf %sub3A_543, %sub3A_543 : vector<16xf32>
        %add3A_545 = arith.addf %add3A_529, %mul3A_544 : vector<16xf32>
        %add3A_546 = arith.constant 3 : i32
        %add3A_547 = arith.addi %mul3A_85, %add3A_546 : i32
        %get3A_548 = arith.index_cast %add3A_547 : i32 to index
        %get3A_549 = arith.constant 64 : index
        %get3A_550 = tpu.vector_load %arg7[%get3A_548, %get3A_549] {strides = array<i32>} : memref<64x256xf32, #tpu.memory_space<vmem>>, vector<16xf32>,
        %sub3A_551 = arith.subf %get3A_550, %get3A_11 : vector<16xf32>
        %mul3A_552 = arith.mulf %sub3A_551, %sub3A_551 : vector<16xf32>
        %add3A_553 = arith.addf %add3A_537, %mul3A_552 : vector<16xf32>
        %add3A_554 = arith.constant 3 : i32
        %add3A_555 = arith.addi %mul3A_85, %add3A_554 : i32
        %get3A_556 = arith.index_cast %add3A_555 : i32 to index
        %get3A_557 = arith.constant 80 : index
        %get3A_558 = tpu.vector_load %arg7[%get3A_556, %get3A_557] {strides = array<i32>} : memref<64x256xf32, #tpu.memory_space<vmem>>, vector<16xf32>,
        %sub3A_559 = arith.subf %get3A_558, %get3A_13 : vector<16xf32>
        %mul3A_560 = arith.mulf %sub3A_559, %sub3A_559 : vector<16xf32>
        %add3A_561 = arith.addf %add3A_545, %mul3A_560 : vector<16xf32>
        %add3A_562 = arith.constant 3 : i32
        %add3A_563 = arith.addi %mul3A_85, %add3A_562 : i32
        %get3A_564 = arith.index_cast %add3A_563 : i32 to index
        %get3A_565 = arith.constant 96 : index
        %get3A_566 = tpu.vector_load %arg7[%get3A_564, %get3A_565] {strides = array<i32>} : memref<64x256xf32, #tpu.memory_space<vmem>>, vector<16xf32>,
        %sub3A_567 = arith.subf %get3A_566, %get3A_15 : vector<16xf32>
        %mul3A_568 = arith.mulf %sub3A_567, %sub3A_567 : vector<16xf32>
        %add3A_569 = arith.addf %add3A_553, %mul3A_568 : vector<16xf32>
        %add3A_570 = arith.constant 3 : i32
        %add3A_571 = arith.addi %mul3A_85, %add3A_570 : i32
        %get3A_572 = arith.index_cast %add3A_571 : i32 to index
        %get3A_573 = arith.constant 112 : index
        %get3A_574 = tpu.vector_load %arg7[%get3A_572, %get3A_573] {strides = array<i32>} : memref<64x256xf32, #tpu.memory_space<vmem>>, vector<16xf32>,
        %sub3A_575 = arith.subf %get3A_574, %get3A_17 : vector<16xf32>
        %mul3A_576 = arith.mulf %sub3A_575, %sub3A_575 : vector<16xf32>
        %add3A_577 = arith.addf %add3A_561, %mul3A_576 : vector<16xf32>
        %add3A_578 = arith.constant 3 : i32
        %add3A_579 = arith.addi %mul3A_85, %add3A_578 : i32
        %get3A_580 = arith.index_cast %add3A_579 : i32 to index
        %get3A_581 = arith.constant 128 : index
        %get3A_582 = tpu.vector_load %arg7[%get3A_580, %get3A_581] {strides = array<i32>} : memref<64x256xf32, #tpu.memory_space<vmem>>, vector<16xf32>,
        %sub3A_583 = arith.subf %get3A_582, %get3A_19 : vector<16xf32>
        %mul3A_584 = arith.mulf %sub3A_583, %sub3A_583 : vector<16xf32>
        %add3A_585 = arith.addf %add3A_569, %mul3A_584 : vector<16xf32>
        %add3A_586 = arith.constant 3 : i32
        %add3A_587 = arith.addi %mul3A_85, %add3A_586 : i32
        %get3A_588 = arith.index_cast %add3A_587 : i32 to index
        %get3A_589 = arith.constant 144 : index
        %get3A_590 = tpu.vector_load %arg7[%get3A_588, %get3A_589] {strides = array<i32>} : memref<64x256xf32, #tpu.memory_space<vmem>>, vector<16xf32>,
        %sub3A_591 = arith.subf %get3A_590, %get3A_21 : vector<16xf32>
        %mul3A_592 = arith.mulf %sub3A_591, %sub3A_591 : vector<16xf32>
        %add3A_593 = arith.addf %add3A_577, %mul3A_592 : vector<16xf32>
        %add3A_594 = arith.constant 3 : i32
        %add3A_595 = arith.addi %mul3A_85, %add3A_594 : i32
        %get3A_596 = arith.index_cast %add3A_595 : i32 to index
        %get3A_597 = arith.constant 160 : index
        %get3A_598 = tpu.vector_load %arg7[%get3A_596, %get3A_597] {strides = array<i32>} : memref<64x256xf32, #tpu.memory_space<vmem>>, vector<16xf32>,
        %sub3A_599 = arith.subf %get3A_598, %get3A_23 : vector<16xf32>
        %mul3A_600 = arith.mulf %sub3A_599, %sub3A_599 : vector<16xf32>
        %add3A_601 = arith.addf %add3A_585, %mul3A_600 : vector<16xf32>
        %add3A_602 = arith.constant 3 : i32
        %add3A_603 = arith.addi %mul3A_85, %add3A_602 : i32
        %get3A_604 = arith.index_cast %add3A_603 : i32 to index
        %get3A_605 = arith.constant 176 : index
        %get3A_606 = tpu.vector_load %arg7[%get3A_604, %get3A_605] {strides = array<i32>} : memref<64x256xf32, #tpu.memory_space<vmem>>, vector<16xf32>,
        %sub3A_607 = arith.subf %get3A_606, %get3A_25 : vector<16xf32>
        %mul3A_608 = arith.mulf %sub3A_607, %sub3A_607 : vector<16xf32>
        %add3A_609 = arith.addf %add3A_593, %mul3A_608 : vector<16xf32>
        %add3A_610 = arith.constant 3 : i32
        %add3A_611 = arith.addi %mul3A_85, %add3A_610 : i32
        %get3A_612 = arith.index_cast %add3A_611 : i32 to index
        %get3A_613 = arith.constant 192 : index
        %get3A_614 = tpu.vector_load %arg7[%get3A_612, %get3A_613] {strides = array<i32>} : memref<64x256xf32, #tpu.memory_space<vmem>>, vector<16xf32>,
        %sub3A_615 = arith.subf %get3A_614, %get3A_27 : vector<16xf32>
        %mul3A_616 = arith.mulf %sub3A_615, %sub3A_615 : vector<16xf32>
        %add3A_617 = arith.addf %add3A_601, %mul3A_616 : vector<16xf32>
        %add3A_618 = arith.constant 3 : i32
        %add3A_619 = arith.addi %mul3A_85, %add3A_618 : i32
        %get3A_620 = arith.index_cast %add3A_619 : i32 to index
        %get3A_621 = arith.constant 208 : index
        %get3A_622 = tpu.vector_load %arg7[%get3A_620, %get3A_621] {strides = array<i32>} : memref<64x256xf32, #tpu.memory_space<vmem>>, vector<16xf32>,
        %sub3A_623 = arith.subf %get3A_622, %get3A_29 : vector<16xf32>
        %mul3A_624 = arith.mulf %sub3A_623, %sub3A_623 : vector<16xf32>
        %add3A_625 = arith.addf %add3A_609, %mul3A_624 : vector<16xf32>
        %add3A_626 = arith.constant 3 : i32
        %add3A_627 = arith.addi %mul3A_85, %add3A_626 : i32
        %get3A_628 = arith.index_cast %add3A_627 : i32 to index
        %get3A_629 = arith.constant 224 : index
        %get3A_630 = tpu.vector_load %arg7[%get3A_628, %get3A_629] {strides = array<i32>} : memref<64x256xf32, #tpu.memory_space<vmem>>, vector<16xf32>,
        %sub3A_631 = arith.subf %get3A_630, %get3A_31 : vector<16xf32>
        %mul3A_632 = arith.mulf %sub3A_631, %sub3A_631 : vector<16xf32>
        %add3A_633 = arith.addf %add3A_617, %mul3A_632 : vector<16xf32>
        %add3A_634 = arith.constant 3 : i32
        %add3A_635 = arith.addi %mul3A_85, %add3A_634 : i32
        %get3A_636 = arith.index_cast %add3A_635 : i32 to index
        %get3A_637 = arith.constant 240 : index
        %get3A_638 = tpu.vector_load %arg7[%get3A_636, %get3A_637] {strides = array<i32>} : memref<64x256xf32, #tpu.memory_space<vmem>>, vector<16xf32>,
        %sub3A_639 = arith.subf %get3A_638, %get3A_33 : vector<16xf32>
        %mul3A_640 = arith.mulf %sub3A_639, %sub3A_639 : vector<16xf32>
        %add3A_641 = arith.addf %add3A_625, %mul3A_640 : vector<16xf32>
        %add3A_642 = arith.addf %add3A_633, %add3A_641 : vector<16xf32>
        %reduce_sum3A_643 = arith.constant true
        %reduce_sum3A_644 = vector.broadcast %reduce_sum3A_643 : i1 to vector<16xi1>
        %reduce_sum3A_645 = tpu.scan <sum>, %add3A_642 masked %reduce_sum3A_644 : vector<16xf32>, vector<16xi1> -> vector<16xf32>
        %reduce_sum3A_646 = vector.extract %reduce_sum3A_645[15] : f32 from vector<16xf32>
        %eq3A_647 = arith.constant 3 : i32
        %eq3A_648 = vector.broadcast %eq3A_647 : i32 to vector<16xi32>
        %eq3A_649 = arith.cmpi eq, %iota3A, %eq3A_648 : vector<16xi32>
        %broadcast_in_dim3A_650 = vector.broadcast %reduce_sum3A_646 : f32 to vector<16xf32>
        %select_n3A_651 = arith.select %eq3A_649, %broadcast_in_dim3A_650, %select_n3A_509 : vector<16xi1>, vector<16xf32>
        %broadcast_in_dim3A_652 = arith.constant 0.000000e+00 : f32
        %broadcast_in_dim3A_653 = vector.broadcast %broadcast_in_dim3A_652 : f32 to vector<16xf32>
        %broadcast_in_dim3A_654 = arith.constant 0.000000e+00 : f32
        %broadcast_in_dim3A_655 = vector.broadcast %broadcast_in_dim3A_654 : f32 to vector<16xf32>
        %add3A_656 = arith.constant 4 : i32
        %add3A_657 = arith.addi %mul3A_85, %add3A_656 : i32
        %get3A_658 = arith.index_cast %add3A_657 : i32 to index
        %get3A_659 = arith.constant 0 : index
        %get3A_660 = tpu.vector_load %arg7[%get3A_658, %get3A_659] {strides = array<i32>} : memref<64x256xf32, #tpu.memory_space<vmem>>, vector<16xf32>,
        %sub3A_661 = arith.subf %get3A_660, %get3A_3 : vector<16xf32>
        %mul3A_662 = arith.mulf %sub3A_661, %sub3A_661 : vector<16xf32>
        %add3A_663 = arith.addf %broadcast_in_dim3A_653, %mul3A_662 : vector<16xf32>
        %add3A_664 = arith.constant 4 : i32
        %add3A_665 = arith.addi %mul3A_85, %add3A_664 : i32
        %get3A_666 = arith.index_cast %add3A_665 : i32 to index
        %get3A_667 = arith.constant 16 : index
        %get3A_668 = tpu.vector_load %arg7[%get3A_666, %get3A_667] {strides = array<i32>} : memref<64x256xf32, #tpu.memory_space<vmem>>, vector<16xf32>,
        %sub3A_669 = arith.subf %get3A_668, %get3A_5 : vector<16xf32>
        %mul3A_670 = arith.mulf %sub3A_669, %sub3A_669 : vector<16xf32>
        %add3A_671 = arith.addf %broadcast_in_dim3A_655, %mul3A_670 : vector<16xf32>
        %add3A_672 = arith.constant 4 : i32
        %add3A_673 = arith.addi %mul3A_85, %add3A_672 : i32
        %get3A_674 = arith.index_cast %add3A_673 : i32 to index
        %get3A_675 = arith.constant 32 : index
        %get3A_676 = tpu.vector_load %arg7[%get3A_674, %get3A_675] {strides = array<i32>} : memref<64x256xf32, #tpu.memory_space<vmem>>, vector<16xf32>,
        %sub3A_677 = arith.subf %get3A_676, %get3A_7 : vector<16xf32>
        %mul3A_678 = arith.mulf %sub3A_677, %sub3A_677 : vector<16xf32>
        %add3A_679 = arith.addf %add3A_663, %mul3A_678 : vector<16xf32>
        %add3A_680 = arith.constant 4 : i32
        %add3A_681 = arith.addi %mul3A_85, %add3A_680 : i32
        %get3A_682 = arith.index_cast %add3A_681 : i32 to index
        %get3A_683 = arith.constant 48 : index
        %get3A_684 = tpu.vector_load %arg7[%get3A_682, %get3A_683] {strides = array<i32>} : memref<64x256xf32, #tpu.memory_space<vmem>>, vector<16xf32>,
        %sub3A_685 = arith.subf %get3A_684, %get3A_9 : vector<16xf32>
        %mul3A_686 = arith.mulf %sub3A_685, %sub3A_685 : vector<16xf32>
        %add3A_687 = arith.addf %add3A_671, %mul3A_686 : vector<16xf32>
        %add3A_688 = arith.constant 4 : i32
        %add3A_689 = arith.addi %mul3A_85, %add3A_688 : i32
        %get3A_690 = arith.index_cast %add3A_689 : i32 to index
        %get3A_691 = arith.constant 64 : index
        %get3A_692 = tpu.vector_load %arg7[%get3A_690, %get3A_691] {strides = array<i32>} : memref<64x256xf32, #tpu.memory_space<vmem>>, vector<16xf32>,
        %sub3A_693 = arith.subf %get3A_692, %get3A_11 : vector<16xf32>
        %mul3A_694 = arith.mulf %sub3A_693, %sub3A_693 : vector<16xf32>
        %add3A_695 = arith.addf %add3A_679, %mul3A_694 : vector<16xf32>
        %add3A_696 = arith.constant 4 : i32
        %add3A_697 = arith.addi %mul3A_85, %add3A_696 : i32
        %get3A_698 = arith.index_cast %add3A_697 : i32 to index
        %get3A_699 = arith.constant 80 : index
        %get3A_700 = tpu.vector_load %arg7[%get3A_698, %get3A_699] {strides = array<i32>} : memref<64x256xf32, #tpu.memory_space<vmem>>, vector<16xf32>,
        %sub3A_701 = arith.subf %get3A_700, %get3A_13 : vector<16xf32>
        %mul3A_702 = arith.mulf %sub3A_701, %sub3A_701 : vector<16xf32>
        %add3A_703 = arith.addf %add3A_687, %mul3A_702 : vector<16xf32>
        %add3A_704 = arith.constant 4 : i32
        %add3A_705 = arith.addi %mul3A_85, %add3A_704 : i32
        %get3A_706 = arith.index_cast %add3A_705 : i32 to index
        %get3A_707 = arith.constant 96 : index
        %get3A_708 = tpu.vector_load %arg7[%get3A_706, %get3A_707] {strides = array<i32>} : memref<64x256xf32, #tpu.memory_space<vmem>>, vector<16xf32>,
        %sub3A_709 = arith.subf %get3A_708, %get3A_15 : vector<16xf32>
        %mul3A_710 = arith.mulf %sub3A_709, %sub3A_709 : vector<16xf32>
        %add3A_711 = arith.addf %add3A_695, %mul3A_710 : vector<16xf32>
        %add3A_712 = arith.constant 4 : i32
        %add3A_713 = arith.addi %mul3A_85, %add3A_712 : i32
        %get3A_714 = arith.index_cast %add3A_713 : i32 to index
        %get3A_715 = arith.constant 112 : index
        %get3A_716 = tpu.vector_load %arg7[%get3A_714, %get3A_715] {strides = array<i32>} : memref<64x256xf32, #tpu.memory_space<vmem>>, vector<16xf32>,
        %sub3A_717 = arith.subf %get3A_716, %get3A_17 : vector<16xf32>
        %mul3A_718 = arith.mulf %sub3A_717, %sub3A_717 : vector<16xf32>
        %add3A_719 = arith.addf %add3A_703, %mul3A_718 : vector<16xf32>
        %add3A_720 = arith.constant 4 : i32
        %add3A_721 = arith.addi %mul3A_85, %add3A_720 : i32
        %get3A_722 = arith.index_cast %add3A_721 : i32 to index
        %get3A_723 = arith.constant 128 : index
        %get3A_724 = tpu.vector_load %arg7[%get3A_722, %get3A_723] {strides = array<i32>} : memref<64x256xf32, #tpu.memory_space<vmem>>, vector<16xf32>,
        %sub3A_725 = arith.subf %get3A_724, %get3A_19 : vector<16xf32>
        %mul3A_726 = arith.mulf %sub3A_725, %sub3A_725 : vector<16xf32>
        %add3A_727 = arith.addf %add3A_711, %mul3A_726 : vector<16xf32>
        %add3A_728 = arith.constant 4 : i32
        %add3A_729 = arith.addi %mul3A_85, %add3A_728 : i32
        %get3A_730 = arith.index_cast %add3A_729 : i32 to index
        %get3A_731 = arith.constant 144 : index
        %get3A_732 = tpu.vector_load %arg7[%get3A_730, %get3A_731] {strides = array<i32>} : memref<64x256xf32, #tpu.memory_space<vmem>>, vector<16xf32>,
        %sub3A_733 = arith.subf %get3A_732, %get3A_21 : vector<16xf32>
        %mul3A_734 = arith.mulf %sub3A_733, %sub3A_733 : vector<16xf32>
        %add3A_735 = arith.addf %add3A_719, %mul3A_734 : vector<16xf32>
        %add3A_736 = arith.constant 4 : i32
        %add3A_737 = arith.addi %mul3A_85, %add3A_736 : i32
        %get3A_738 = arith.index_cast %add3A_737 : i32 to index
        %get3A_739 = arith.constant 160 : index
        %get3A_740 = tpu.vector_load %arg7[%get3A_738, %get3A_739] {strides = array<i32>} : memref<64x256xf32, #tpu.memory_space<vmem>>, vector<16xf32>,
        %sub3A_741 = arith.subf %get3A_740, %get3A_23 : vector<16xf32>
        %mul3A_742 = arith.mulf %sub3A_741, %sub3A_741 : vector<16xf32>
        %add3A_743 = arith.addf %add3A_727, %mul3A_742 : vector<16xf32>
        %add3A_744 = arith.constant 4 : i32
        %add3A_745 = arith.addi %mul3A_85, %add3A_744 : i32
        %get3A_746 = arith.index_cast %add3A_745 : i32 to index
        %get3A_747 = arith.constant 176 : index
        %get3A_748 = tpu.vector_load %arg7[%get3A_746, %get3A_747] {strides = array<i32>} : memref<64x256xf32, #tpu.memory_space<vmem>>, vector<16xf32>,
        %sub3A_749 = arith.subf %get3A_748, %get3A_25 : vector<16xf32>
        %mul3A_750 = arith.mulf %sub3A_749, %sub3A_749 : vector<16xf32>
        %add3A_751 = arith.addf %add3A_735, %mul3A_750 : vector<16xf32>
        %add3A_752 = arith.constant 4 : i32
        %add3A_753 = arith.addi %mul3A_85, %add3A_752 : i32
        %get3A_754 = arith.index_cast %add3A_753 : i32 to index
        %get3A_755 = arith.constant 192 : index
        %get3A_756 = tpu.vector_load %arg7[%get3A_754, %get3A_755] {strides = array<i32>} : memref<64x256xf32, #tpu.memory_space<vmem>>, vector<16xf32>,
        %sub3A_757 = arith.subf %get3A_756, %get3A_27 : vector<16xf32>
        %mul3A_758 = arith.mulf %sub3A_757, %sub3A_757 : vector<16xf32>
        %add3A_759 = arith.addf %add3A_743, %mul3A_758 : vector<16xf32>
        %add3A_760 = arith.constant 4 : i32
        %add3A_761 = arith.addi %mul3A_85, %add3A_760 : i32
        %get3A_762 = arith.index_cast %add3A_761 : i32 to index
        %get3A_763 = arith.constant 208 : index
        %get3A_764 = tpu.vector_load %arg7[%get3A_762, %get3A_763] {strides = array<i32>} : memref<64x256xf32, #tpu.memory_space<vmem>>, vector<16xf32>,
        %sub3A_765 = arith.subf %get3A_764, %get3A_29 : vector<16xf32>
        %mul3A_766 = arith.mulf %sub3A_765, %sub3A_765 : vector<16xf32>
        %add3A_767 = arith.addf %add3A_751, %mul3A_766 : vector<16xf32>
        %add3A_768 = arith.constant 4 : i32
        %add3A_769 = arith.addi %mul3A_85, %add3A_768 : i32
        %get3A_770 = arith.index_cast %add3A_769 : i32 to index
        %get3A_771 = arith.constant 224 : index
        %get3A_772 = tpu.vector_load %arg7[%get3A_770, %get3A_771] {strides = array<i32>} : memref<64x256xf32, #tpu.memory_space<vmem>>, vector<16xf32>,
        %sub3A_773 = arith.subf %get3A_772, %get3A_31 : vector<16xf32>
        %mul3A_774 = arith.mulf %sub3A_773, %sub3A_773 : vector<16xf32>
        %add3A_775 = arith.addf %add3A_759, %mul3A_774 : vector<16xf32>
        %add3A_776 = arith.constant 4 : i32
        %add3A_777 = arith.addi %mul3A_85, %add3A_776 : i32
        %get3A_778 = arith.index_cast %add3A_777 : i32 to index
        %get3A_779 = arith.constant 240 : index
        %get3A_780 = tpu.vector_load %arg7[%get3A_778, %get3A_779] {strides = array<i32>} : memref<64x256xf32, #tpu.memory_space<vmem>>, vector<16xf32>,
        %sub3A_781 = arith.subf %get3A_780, %get3A_33 : vector<16xf32>
        %mul3A_782 = arith.mulf %sub3A_781, %sub3A_781 : vector<16xf32>
        %add3A_783 = arith.addf %add3A_767, %mul3A_782 : vector<16xf32>
        %add3A_784 = arith.addf %add3A_775, %add3A_783 : vector<16xf32>
        %reduce_sum3A_785 = arith.constant true
        %reduce_sum3A_786 = vector.broadcast %reduce_sum3A_785 : i1 to vector<16xi1>
        %reduce_sum3A_787 = tpu.scan <sum>, %add3A_784 masked %reduce_sum3A_786 : vector<16xf32>, vector<16xi1> -> vector<16xf32>
        %reduce_sum3A_788 = vector.extract %reduce_sum3A_787[15] : f32 from vector<16xf32>
        %eq3A_789 = arith.constant 4 : i32
        %eq3A_790 = vector.broadcast %eq3A_789 : i32 to vector<16xi32>
        %eq3A_791 = arith.cmpi eq, %iota3A, %eq3A_790 : vector<16xi32>
        %broadcast_in_dim3A_792 = vector.broadcast %reduce_sum3A_788 : f32 to vector<16xf32>
        %select_n3A_793 = arith.select %eq3A_791, %broadcast_in_dim3A_792, %select_n3A_651 : vector<16xi1>, vector<16xf32>
        %broadcast_in_dim3A_794 = arith.constant 0.000000e+00 : f32
        %broadcast_in_dim3A_795 = vector.broadcast %broadcast_in_dim3A_794 : f32 to vector<16xf32>
        %broadcast_in_dim3A_796 = arith.constant 0.000000e+00 : f32
        %broadcast_in_dim3A_797 = vector.broadcast %broadcast_in_dim3A_796 : f32 to vector<16xf32>
        %add3A_798 = arith.constant 5 : i32
        %add3A_799 = arith.addi %mul3A_85, %add3A_798 : i32
        %get3A_800 = arith.index_cast %add3A_799 : i32 to index
        %get3A_801 = arith.constant 0 : index
        %get3A_802 = tpu.vector_load %arg7[%get3A_800, %get3A_801] {strides = array<i32>} : memref<64x256xf32, #tpu.memory_space<vmem>>, vector<16xf32>,
        %sub3A_803 = arith.subf %get3A_802, %get3A_3 : vector<16xf32>
        %mul3A_804 = arith.mulf %sub3A_803, %sub3A_803 : vector<16xf32>
        %add3A_805 = arith.addf %broadcast_in_dim3A_795, %mul3A_804 : vector<16xf32>
        %add3A_806 = arith.constant 5 : i32
        %add3A_807 = arith.addi %mul3A_85, %add3A_806 : i32
        %get3A_808 = arith.index_cast %add3A_807 : i32 to index
        %get3A_809 = arith.constant 16 : index
        %get3A_810 = tpu.vector_load %arg7[%get3A_808, %get3A_809] {strides = array<i32>} : memref<64x256xf32, #tpu.memory_space<vmem>>, vector<16xf32>,
        %sub3A_811 = arith.subf %get3A_810, %get3A_5 : vector<16xf32>
        %mul3A_812 = arith.mulf %sub3A_811, %sub3A_811 : vector<16xf32>
        %add3A_813 = arith.addf %broadcast_in_dim3A_797, %mul3A_812 : vector<16xf32>
        %add3A_814 = arith.constant 5 : i32
        %add3A_815 = arith.addi %mul3A_85, %add3A_814 : i32
        %get3A_816 = arith.index_cast %add3A_815 : i32 to index
        %get3A_817 = arith.constant 32 : index
        %get3A_818 = tpu.vector_load %arg7[%get3A_816, %get3A_817] {strides = array<i32>} : memref<64x256xf32, #tpu.memory_space<vmem>>, vector<16xf32>,
        %sub3A_819 = arith.subf %get3A_818, %get3A_7 : vector<16xf32>
        %mul3A_820 = arith.mulf %sub3A_819, %sub3A_819 : vector<16xf32>
        %add3A_821 = arith.addf %add3A_805, %mul3A_820 : vector<16xf32>
        %add3A_822 = arith.constant 5 : i32
        %add3A_823 = arith.addi %mul3A_85, %add3A_822 : i32
        %get3A_824 = arith.index_cast %add3A_823 : i32 to index
        %get3A_825 = arith.constant 48 : index
        %get3A_826 = tpu.vector_load %arg7[%get3A_824, %get3A_825] {strides = array<i32>} : memref<64x256xf32, #tpu.memory_space<vmem>>, vector<16xf32>,
        %sub3A_827 = arith.subf %get3A_826, %get3A_9 : vector<16xf32>
        %mul3A_828 = arith.mulf %sub3A_827, %sub3A_827 : vector<16xf32>
        %add3A_829 = arith.addf %add3A_813, %mul3A_828 : vector<16xf32>
        %add3A_830 = arith.constant 5 : i32
        %add3A_831 = arith.addi %mul3A_85, %add3A_830 : i32
        %get3A_832 = arith.index_cast %add3A_831 : i32 to index
        %get3A_833 = arith.constant 64 : index
        %get3A_834 = tpu.vector_load %arg7[%get3A_832, %get3A_833] {strides = array<i32>} : memref<64x256xf32, #tpu.memory_space<vmem>>, vector<16xf32>,
        %sub3A_835 = arith.subf %get3A_834, %get3A_11 : vector<16xf32>
        %mul3A_836 = arith.mulf %sub3A_835, %sub3A_835 : vector<16xf32>
        %add3A_837 = arith.addf %add3A_821, %mul3A_836 : vector<16xf32>
        %add3A_838 = arith.constant 5 : i32
        %add3A_839 = arith.addi %mul3A_85, %add3A_838 : i32
        %get3A_840 = arith.index_cast %add3A_839 : i32 to index
        %get3A_841 = arith.constant 80 : index
        %get3A_842 = tpu.vector_load %arg7[%get3A_840, %get3A_841] {strides = array<i32>} : memref<64x256xf32, #tpu.memory_space<vmem>>, vector<16xf32>,
        %sub3A_843 = arith.subf %get3A_842, %get3A_13 : vector<16xf32>
        %mul3A_844 = arith.mulf %sub3A_843, %sub3A_843 : vector<16xf32>
        %add3A_845 = arith.addf %add3A_829, %mul3A_844 : vector<16xf32>
        %add3A_846 = arith.constant 5 : i32
        %add3A_847 = arith.addi %mul3A_85, %add3A_846 : i32
        %get3A_848 = arith.index_cast %add3A_847 : i32 to index
        %get3A_849 = arith.constant 96 : index
        %get3A_850 = tpu.vector_load %arg7[%get3A_848, %get3A_849] {strides = array<i32>} : memref<64x256xf32, #tpu.memory_space<vmem>>, vector<16xf32>,
        %sub3A_851 = arith.subf %get3A_850, %get3A_15 : vector<16xf32>
        %mul3A_852 = arith.mulf %sub3A_851, %sub3A_851 : vector<16xf32>
        %add3A_853 = arith.addf %add3A_837, %mul3A_852 : vector<16xf32>
        %add3A_854 = arith.constant 5 : i32
        %add3A_855 = arith.addi %mul3A_85, %add3A_854 : i32
        %get3A_856 = arith.index_cast %add3A_855 : i32 to index
        %get3A_857 = arith.constant 112 : index
        %get3A_858 = tpu.vector_load %arg7[%get3A_856, %get3A_857] {strides = array<i32>} : memref<64x256xf32, #tpu.memory_space<vmem>>, vector<16xf32>,
        %sub3A_859 = arith.subf %get3A_858, %get3A_17 : vector<16xf32>
        %mul3A_860 = arith.mulf %sub3A_859, %sub3A_859 : vector<16xf32>
        %add3A_861 = arith.addf %add3A_845, %mul3A_860 : vector<16xf32>
        %add3A_862 = arith.constant 5 : i32
        %add3A_863 = arith.addi %mul3A_85, %add3A_862 : i32
        %get3A_864 = arith.index_cast %add3A_863 : i32 to index
        %get3A_865 = arith.constant 128 : index
        %get3A_866 = tpu.vector_load %arg7[%get3A_864, %get3A_865] {strides = array<i32>} : memref<64x256xf32, #tpu.memory_space<vmem>>, vector<16xf32>,
        %sub3A_867 = arith.subf %get3A_866, %get3A_19 : vector<16xf32>
        %mul3A_868 = arith.mulf %sub3A_867, %sub3A_867 : vector<16xf32>
        %add3A_869 = arith.addf %add3A_853, %mul3A_868 : vector<16xf32>
        %add3A_870 = arith.constant 5 : i32
        %add3A_871 = arith.addi %mul3A_85, %add3A_870 : i32
        %get3A_872 = arith.index_cast %add3A_871 : i32 to index
        %get3A_873 = arith.constant 144 : index
        %get3A_874 = tpu.vector_load %arg7[%get3A_872, %get3A_873] {strides = array<i32>} : memref<64x256xf32, #tpu.memory_space<vmem>>, vector<16xf32>,
        %sub3A_875 = arith.subf %get3A_874, %get3A_21 : vector<16xf32>
        %mul3A_876 = arith.mulf %sub3A_875, %sub3A_875 : vector<16xf32>
        %add3A_877 = arith.addf %add3A_861, %mul3A_876 : vector<16xf32>
        %add3A_878 = arith.constant 5 : i32
        %add3A_879 = arith.addi %mul3A_85, %add3A_878 : i32
        %get3A_880 = arith.index_cast %add3A_879 : i32 to index
        %get3A_881 = arith.constant 160 : index
        %get3A_882 = tpu.vector_load %arg7[%get3A_880, %get3A_881] {strides = array<i32>} : memref<64x256xf32, #tpu.memory_space<vmem>>, vector<16xf32>,
        %sub3A_883 = arith.subf %get3A_882, %get3A_23 : vector<16xf32>
        %mul3A_884 = arith.mulf %sub3A_883, %sub3A_883 : vector<16xf32>
        %add3A_885 = arith.addf %add3A_869, %mul3A_884 : vector<16xf32>
        %add3A_886 = arith.constant 5 : i32
        %add3A_887 = arith.addi %mul3A_85, %add3A_886 : i32
        %get3A_888 = arith.index_cast %add3A_887 : i32 to index
        %get3A_889 = arith.constant 176 : index
        %get3A_890 = tpu.vector_load %arg7[%get3A_888, %get3A_889] {strides = array<i32>} : memref<64x256xf32, #tpu.memory_space<vmem>>, vector<16xf32>,
        %sub3A_891 = arith.subf %get3A_890, %get3A_25 : vector<16xf32>
        %mul3A_892 = arith.mulf %sub3A_891, %sub3A_891 : vector<16xf32>
        %add3A_893 = arith.addf %add3A_877, %mul3A_892 : vector<16xf32>
        %add3A_894 = arith.constant 5 : i32
        %add3A_895 = arith.addi %mul3A_85, %add3A_894 : i32
        %get3A_896 = arith.index_cast %add3A_895 : i32 to index
        %get3A_897 = arith.constant 192 : index
        %get3A_898 = tpu.vector_load %arg7[%get3A_896, %get3A_897] {strides = array<i32>} : memref<64x256xf32, #tpu.memory_space<vmem>>, vector<16xf32>,
        %sub3A_899 = arith.subf %get3A_898, %get3A_27 : vector<16xf32>
        %mul3A_900 = arith.mulf %sub3A_899, %sub3A_899 : vector<16xf32>
        %add3A_901 = arith.addf %add3A_885, %mul3A_900 : vector<16xf32>
        %add3A_902 = arith.constant 5 : i32
        %add3A_903 = arith.addi %mul3A_85, %add3A_902 : i32
        %get3A_904 = arith.index_cast %add3A_903 : i32 to index
        %get3A_905 = arith.constant 208 : index
        %get3A_906 = tpu.vector_load %arg7[%get3A_904, %get3A_905] {strides = array<i32>} : memref<64x256xf32, #tpu.memory_space<vmem>>, vector<16xf32>,
        %sub3A_907 = arith.subf %get3A_906, %get3A_29 : vector<16xf32>
        %mul3A_908 = arith.mulf %sub3A_907, %sub3A_907 : vector<16xf32>
        %add3A_909 = arith.addf %add3A_893, %mul3A_908 : vector<16xf32>
        %add3A_910 = arith.constant 5 : i32
        %add3A_911 = arith.addi %mul3A_85, %add3A_910 : i32
        %get3A_912 = arith.index_cast %add3A_911 : i32 to index
        %get3A_913 = arith.constant 224 : index
        %get3A_914 = tpu.vector_load %arg7[%get3A_912, %get3A_913] {strides = array<i32>} : memref<64x256xf32, #tpu.memory_space<vmem>>, vector<16xf32>,
        %sub3A_915 = arith.subf %get3A_914, %get3A_31 : vector<16xf32>
        %mul3A_916 = arith.mulf %sub3A_915, %sub3A_915 : vector<16xf32>
        %add3A_917 = arith.addf %add3A_901, %mul3A_916 : vector<16xf32>
        %add3A_918 = arith.constant 5 : i32
        %add3A_919 = arith.addi %mul3A_85, %add3A_918 : i32
        %get3A_920 = arith.index_cast %add3A_919 : i32 to index
        %get3A_921 = arith.constant 240 : index
        %get3A_922 = tpu.vector_load %arg7[%get3A_920, %get3A_921] {strides = array<i32>} : memref<64x256xf32, #tpu.memory_space<vmem>>, vector<16xf32>,
        %sub3A_923 = arith.subf %get3A_922, %get3A_33 : vector<16xf32>
        %mul3A_924 = arith.mulf %sub3A_923, %sub3A_923 : vector<16xf32>
        %add3A_925 = arith.addf %add3A_909, %mul3A_924 : vector<16xf32>
        %add3A_926 = arith.addf %add3A_917, %add3A_925 : vector<16xf32>
        %reduce_sum3A_927 = arith.constant true
        %reduce_sum3A_928 = vector.broadcast %reduce_sum3A_927 : i1 to vector<16xi1>
        %reduce_sum3A_929 = tpu.scan <sum>, %add3A_926 masked %reduce_sum3A_928 : vector<16xf32>, vector<16xi1> -> vector<16xf32>
        %reduce_sum3A_930 = vector.extract %reduce_sum3A_929[15] : f32 from vector<16xf32>
        %eq3A_931 = arith.constant 5 : i32
        %eq3A_932 = vector.broadcast %eq3A_931 : i32 to vector<16xi32>
        %eq3A_933 = arith.cmpi eq, %iota3A, %eq3A_932 : vector<16xi32>
        %broadcast_in_dim3A_934 = vector.broadcast %reduce_sum3A_930 : f32 to vector<16xf32>
        %select_n3A_935 = arith.select %eq3A_933, %broadcast_in_dim3A_934, %select_n3A_793 : vector<16xi1>, vector<16xf32>
        %broadcast_in_dim3A_936 = arith.constant 0.000000e+00 : f32
        %broadcast_in_dim3A_937 = vector.broadcast %broadcast_in_dim3A_936 : f32 to vector<16xf32>
        %broadcast_in_dim3A_938 = arith.constant 0.000000e+00 : f32
        %broadcast_in_dim3A_939 = vector.broadcast %broadcast_in_dim3A_938 : f32 to vector<16xf32>
        %add3A_940 = arith.constant 6 : i32
        %add3A_941 = arith.addi %mul3A_85, %add3A_940 : i32
        %get3A_942 = arith.index_cast %add3A_941 : i32 to index
        %get3A_943 = arith.constant 0 : index
        %get3A_944 = tpu.vector_load %arg7[%get3A_942, %get3A_943] {strides = array<i32>} : memref<64x256xf32, #tpu.memory_space<vmem>>, vector<16xf32>,
        %sub3A_945 = arith.subf %get3A_944, %get3A_3 : vector<16xf32>
        %mul3A_946 = arith.mulf %sub3A_945, %sub3A_945 : vector<16xf32>
        %add3A_947 = arith.addf %broadcast_in_dim3A_937, %mul3A_946 : vector<16xf32>
        %add3A_948 = arith.constant 6 : i32
        %add3A_949 = arith.addi %mul3A_85, %add3A_948 : i32
        %get3A_950 = arith.index_cast %add3A_949 : i32 to index
        %get3A_951 = arith.constant 16 : index
        %get3A_952 = tpu.vector_load %arg7[%get3A_950, %get3A_951] {strides = array<i32>} : memref<64x256xf32, #tpu.memory_space<vmem>>, vector<16xf32>,
        %sub3A_953 = arith.subf %get3A_952, %get3A_5 : vector<16xf32>
        %mul3A_954 = arith.mulf %sub3A_953, %sub3A_953 : vector<16xf32>
        %add3A_955 = arith.addf %broadcast_in_dim3A_939, %mul3A_954 : vector<16xf32>
        %add3A_956 = arith.constant 6 : i32
        %add3A_957 = arith.addi %mul3A_85, %add3A_956 : i32
        %get3A_958 = arith.index_cast %add3A_957 : i32 to index
        %get3A_959 = arith.constant 32 : index
        %get3A_960 = tpu.vector_load %arg7[%get3A_958, %get3A_959] {strides = array<i32>} : memref<64x256xf32, #tpu.memory_space<vmem>>, vector<16xf32>,
        %sub3A_961 = arith.subf %get3A_960, %get3A_7 : vector<16xf32>
        %mul3A_962 = arith.mulf %sub3A_961, %sub3A_961 : vector<16xf32>
        %add3A_963 = arith.addf %add3A_947, %mul3A_962 : vector<16xf32>
        %add3A_964 = arith.constant 6 : i32
        %add3A_965 = arith.addi %mul3A_85, %add3A_964 : i32
        %get3A_966 = arith.index_cast %add3A_965 : i32 to index
        %get3A_967 = arith.constant 48 : index
        %get3A_968 = tpu.vector_load %arg7[%get3A_966, %get3A_967] {strides = array<i32>} : memref<64x256xf32, #tpu.memory_space<vmem>>, vector<16xf32>,
        %sub3A_969 = arith.subf %get3A_968, %get3A_9 : vector<16xf32>
        %mul3A_970 = arith.mulf %sub3A_969, %sub3A_969 : vector<16xf32>
        %add3A_971 = arith.addf %add3A_955, %mul3A_970 : vector<16xf32>
        %add3A_972 = arith.constant 6 : i32
        %add3A_973 = arith.addi %mul3A_85, %add3A_972 : i32
        %get3A_974 = arith.index_cast %add3A_973 : i32 to index
        %get3A_975 = arith.constant 64 : index
        %get3A_976 = tpu.vector_load %arg7[%get3A_974, %get3A_975] {strides = array<i32>} : memref<64x256xf32, #tpu.memory_space<vmem>>, vector<16xf32>,
        %sub3A_977 = arith.subf %get3A_976, %get3A_11 : vector<16xf32>
        %mul3A_978 = arith.mulf %sub3A_977, %sub3A_977 : vector<16xf32>
        %add3A_979 = arith.addf %add3A_963, %mul3A_978 : vector<16xf32>
        %add3A_980 = arith.constant 6 : i32
        %add3A_981 = arith.addi %mul3A_85, %add3A_980 : i32
        %get3A_982 = arith.index_cast %add3A_981 : i32 to index
        %get3A_983 = arith.constant 80 : index
        %get3A_984 = tpu.vector_load %arg7[%get3A_982, %get3A_983] {strides = array<i32>} : memref<64x256xf32, #tpu.memory_space<vmem>>, vector<16xf32>,
        %sub3A_985 = arith.subf %get3A_984, %get3A_13 : vector<16xf32>
        %mul3A_986 = arith.mulf %sub3A_985, %sub3A_985 : vector<16xf32>
        %add3A_987 = arith.addf %add3A_971, %mul3A_986 : vector<16xf32>
        %add3A_988 = arith.constant 6 : i32
        %add3A_989 = arith.addi %mul3A_85, %add3A_988 : i32
        %get3A_990 = arith.index_cast %add3A_989 : i32 to index
        %get3A_991 = arith.constant 96 : index
        %get3A_992 = tpu.vector_load %arg7[%get3A_990, %get3A_991] {strides = array<i32>} : memref<64x256xf32, #tpu.memory_space<vmem>>, vector<16xf32>,
        %sub3A_993 = arith.subf %get3A_992, %get3A_15 : vector<16xf32>
        %mul3A_994 = arith.mulf %sub3A_993, %sub3A_993 : vector<16xf32>
        %add3A_995 = arith.addf %add3A_979, %mul3A_994 : vector<16xf32>
        %add3A_996 = arith.constant 6 : i32
        %add3A_997 = arith.addi %mul3A_85, %add3A_996 : i32
        %get3A_998 = arith.index_cast %add3A_997 : i32 to index
        %get3A_999 = arith.constant 112 : index
        %get3A_1000 = tpu.vector_load %arg7[%get3A_998, %get3A_999] {strides = array<i32>} : memref<64x256xf32, #tpu.memory_space<vmem>>, vector<16xf32>,
        %sub3A_1001 = arith.subf %get3A_1000, %get3A_17 : vector<16xf32>
        %mul3A_1002 = arith.mulf %sub3A_1001, %sub3A_1001 : vector<16xf32>
        %add3A_1003 = arith.addf %add3A_987, %mul3A_1002 : vector<16xf32>
        %add3A_1004 = arith.constant 6 : i32
        %add3A_1005 = arith.addi %mul3A_85, %add3A_1004 : i32
        %get3A_1006 = arith.index_cast %add3A_1005 : i32 to index
        %get3A_1007 = arith.constant 128 : index
        %get3A_1008 = tpu.vector_load %arg7[%get3A_1006, %get3A_1007] {strides = array<i32>} : memref<64x256xf32, #tpu.memory_space<vmem>>, vector<16xf32>,
        %sub3A_1009 = arith.subf %get3A_1008, %get3A_19 : vector<16xf32>
        %mul3A_1010 = arith.mulf %sub3A_1009, %sub3A_1009 : vector<16xf32>
        %add3A_1011 = arith.addf %add3A_995, %mul3A_1010 : vector<16xf32>
        %add3A_1012 = arith.constant 6 : i32
        %add3A_1013 = arith.addi %mul3A_85, %add3A_1012 : i32
        %get3A_1014 = arith.index_cast %add3A_1013 : i32 to index
        %get3A_1015 = arith.constant 144 : index
        %get3A_1016 = tpu.vector_load %arg7[%get3A_1014, %get3A_1015] {strides = array<i32>} : memref<64x256xf32, #tpu.memory_space<vmem>>, vector<16xf32>,
        %sub3A_1017 = arith.subf %get3A_1016, %get3A_21 : vector<16xf32>
        %mul3A_1018 = arith.mulf %sub3A_1017, %sub3A_1017 : vector<16xf32>
        %add3A_1019 = arith.addf %add3A_1003, %mul3A_1018 : vector<16xf32>
        %add3A_1020 = arith.constant 6 : i32
        %add3A_1021 = arith.addi %mul3A_85, %add3A_1020 : i32
        %get3A_1022 = arith.index_cast %add3A_1021 : i32 to index
        %get3A_1023 = arith.constant 160 : index
        %get3A_1024 = tpu.vector_load %arg7[%get3A_1022, %get3A_1023] {strides = array<i32>} : memref<64x256xf32, #tpu.memory_space<vmem>>, vector<16xf32>,
        %sub3A_1025 = arith.subf %get3A_1024, %get3A_23 : vector<16xf32>
        %mul3A_1026 = arith.mulf %sub3A_1025, %sub3A_1025 : vector<16xf32>
        %add3A_1027 = arith.addf %add3A_1011, %mul3A_1026 : vector<16xf32>
        %add3A_1028 = arith.constant 6 : i32
        %add3A_1029 = arith.addi %mul3A_85, %add3A_1028 : i32
        %get3A_1030 = arith.index_cast %add3A_1029 : i32 to index
        %get3A_1031 = arith.constant 176 : index
        %get3A_1032 = tpu.vector_load %arg7[%get3A_1030, %get3A_1031] {strides = array<i32>} : memref<64x256xf32, #tpu.memory_space<vmem>>, vector<16xf32>,
        %sub3A_1033 = arith.subf %get3A_1032, %get3A_25 : vector<16xf32>
        %mul3A_1034 = arith.mulf %sub3A_1033, %sub3A_1033 : vector<16xf32>
        %add3A_1035 = arith.addf %add3A_1019, %mul3A_1034 : vector<16xf32>
        %add3A_1036 = arith.constant 6 : i32
        %add3A_1037 = arith.addi %mul3A_85, %add3A_1036 : i32
        %get3A_1038 = arith.index_cast %add3A_1037 : i32 to index
        %get3A_1039 = arith.constant 192 : index
        %get3A_1040 = tpu.vector_load %arg7[%get3A_1038, %get3A_1039] {strides = array<i32>} : memref<64x256xf32, #tpu.memory_space<vmem>>, vector<16xf32>,
        %sub3A_1041 = arith.subf %get3A_1040, %get3A_27 : vector<16xf32>
        %mul3A_1042 = arith.mulf %sub3A_1041, %sub3A_1041 : vector<16xf32>
        %add3A_1043 = arith.addf %add3A_1027, %mul3A_1042 : vector<16xf32>
        %add3A_1044 = arith.constant 6 : i32
        %add3A_1045 = arith.addi %mul3A_85, %add3A_1044 : i32
        %get3A_1046 = arith.index_cast %add3A_1045 : i32 to index
        %get3A_1047 = arith.constant 208 : index
        %get3A_1048 = tpu.vector_load %arg7[%get3A_1046, %get3A_1047] {strides = array<i32>} : memref<64x256xf32, #tpu.memory_space<vmem>>, vector<16xf32>,
        %sub3A_1049 = arith.subf %get3A_1048, %get3A_29 : vector<16xf32>
        %mul3A_1050 = arith.mulf %sub3A_1049, %sub3A_1049 : vector<16xf32>
        %add3A_1051 = arith.addf %add3A_1035, %mul3A_1050 : vector<16xf32>
        %add3A_1052 = arith.constant 6 : i32
        %add3A_1053 = arith.addi %mul3A_85, %add3A_1052 : i32
        %get3A_1054 = arith.index_cast %add3A_1053 : i32 to index
        %get3A_1055 = arith.constant 224 : index
        %get3A_1056 = tpu.vector_load %arg7[%get3A_1054, %get3A_1055] {strides = array<i32>} : memref<64x256xf32, #tpu.memory_space<vmem>>, vector<16xf32>,
        %sub3A_1057 = arith.subf %get3A_1056, %get3A_31 : vector<16xf32>
        %mul3A_1058 = arith.mulf %sub3A_1057, %sub3A_1057 : vector<16xf32>
        %add3A_1059 = arith.addf %add3A_1043, %mul3A_1058 : vector<16xf32>
        %add3A_1060 = arith.constant 6 : i32
        %add3A_1061 = arith.addi %mul3A_85, %add3A_1060 : i32
        %get3A_1062 = arith.index_cast %add3A_1061 : i32 to index
        %get3A_1063 = arith.constant 240 : index
        %get3A_1064 = tpu.vector_load %arg7[%get3A_1062, %get3A_1063] {strides = array<i32>} : memref<64x256xf32, #tpu.memory_space<vmem>>, vector<16xf32>,
        %sub3A_1065 = arith.subf %get3A_1064, %get3A_33 : vector<16xf32>
        %mul3A_1066 = arith.mulf %sub3A_1065, %sub3A_1065 : vector<16xf32>
        %add3A_1067 = arith.addf %add3A_1051, %mul3A_1066 : vector<16xf32>
        %add3A_1068 = arith.addf %add3A_1059, %add3A_1067 : vector<16xf32>
        %reduce_sum3A_1069 = arith.constant true
        %reduce_sum3A_1070 = vector.broadcast %reduce_sum3A_1069 : i1 to vector<16xi1>
        %reduce_sum3A_1071 = tpu.scan <sum>, %add3A_1068 masked %reduce_sum3A_1070 : vector<16xf32>, vector<16xi1> -> vector<16xf32>
        %reduce_sum3A_1072 = vector.extract %reduce_sum3A_1071[15] : f32 from vector<16xf32>
        %eq3A_1073 = arith.constant 6 : i32
        %eq3A_1074 = vector.broadcast %eq3A_1073 : i32 to vector<16xi32>
        %eq3A_1075 = arith.cmpi eq, %iota3A, %eq3A_1074 : vector<16xi32>
        %broadcast_in_dim3A_1076 = vector.broadcast %reduce_sum3A_1072 : f32 to vector<16xf32>
        %select_n3A_1077 = arith.select %eq3A_1075, %broadcast_in_dim3A_1076, %select_n3A_935 : vector<16xi1>, vector<16xf32>
        %broadcast_in_dim3A_1078 = arith.constant 0.000000e+00 : f32
        %broadcast_in_dim3A_1079 = vector.broadcast %broadcast_in_dim3A_1078 : f32 to vector<16xf32>
        %broadcast_in_dim3A_1080 = arith.constant 0.000000e+00 : f32
        %broadcast_in_dim3A_1081 = vector.broadcast %broadcast_in_dim3A_1080 : f32 to vector<16xf32>
        %add3A_1082 = arith.constant 7 : i32
        %add3A_1083 = arith.addi %mul3A_85, %add3A_1082 : i32
        %get3A_1084 = arith.index_cast %add3A_1083 : i32 to index
        %get3A_1085 = arith.constant 0 : index
        %get3A_1086 = tpu.vector_load %arg7[%get3A_1084, %get3A_1085] {strides = array<i32>} : memref<64x256xf32, #tpu.memory_space<vmem>>, vector<16xf32>,
        %sub3A_1087 = arith.subf %get3A_1086, %get3A_3 : vector<16xf32>
        %mul3A_1088 = arith.mulf %sub3A_1087, %sub3A_1087 : vector<16xf32>
        %add3A_1089 = arith.addf %broadcast_in_dim3A_1079, %mul3A_1088 : vector<16xf32>
        %add3A_1090 = arith.constant 7 : i32
        %add3A_1091 = arith.addi %mul3A_85, %add3A_1090 : i32
        %get3A_1092 = arith.index_cast %add3A_1091 : i32 to index
        %get3A_1093 = arith.constant 16 : index
        %get3A_1094 = tpu.vector_load %arg7[%get3A_1092, %get3A_1093] {strides = array<i32>} : memref<64x256xf32, #tpu.memory_space<vmem>>, vector<16xf32>,
        %sub3A_1095 = arith.subf %get3A_1094, %get3A_5 : vector<16xf32>
        %mul3A_1096 = arith.mulf %sub3A_1095, %sub3A_1095 : vector<16xf32>
        %add3A_1097 = arith.addf %broadcast_in_dim3A_1081, %mul3A_1096 : vector<16xf32>
        %add3A_1098 = arith.constant 7 : i32
        %add3A_1099 = arith.addi %mul3A_85, %add3A_1098 : i32
        %get3A_1100 = arith.index_cast %add3A_1099 : i32 to index
        %get3A_1101 = arith.constant 32 : index
        %get3A_1102 = tpu.vector_load %arg7[%get3A_1100, %get3A_1101] {strides = array<i32>} : memref<64x256xf32, #tpu.memory_space<vmem>>, vector<16xf32>,
        %sub3A_1103 = arith.subf %get3A_1102, %get3A_7 : vector<16xf32>
        %mul3A_1104 = arith.mulf %sub3A_1103, %sub3A_1103 : vector<16xf32>
        %add3A_1105 = arith.addf %add3A_1089, %mul3A_1104 : vector<16xf32>
        %add3A_1106 = arith.constant 7 : i32
        %add3A_1107 = arith.addi %mul3A_85, %add3A_1106 : i32
        %get3A_1108 = arith.index_cast %add3A_1107 : i32 to index
        %get3A_1109 = arith.constant 48 : index
        %get3A_1110 = tpu.vector_load %arg7[%get3A_1108, %get3A_1109] {strides = array<i32>} : memref<64x256xf32, #tpu.memory_space<vmem>>, vector<16xf32>,
        %sub3A_1111 = arith.subf %get3A_1110, %get3A_9 : vector<16xf32>
        %mul3A_1112 = arith.mulf %sub3A_1111, %sub3A_1111 : vector<16xf32>
        %add3A_1113 = arith.addf %add3A_1097, %mul3A_1112 : vector<16xf32>
        %add3A_1114 = arith.constant 7 : i32
        %add3A_1115 = arith.addi %mul3A_85, %add3A_1114 : i32
        %get3A_1116 = arith.index_cast %add3A_1115 : i32 to index
        %get3A_1117 = arith.constant 64 : index
        %get3A_1118 = tpu.vector_load %arg7[%get3A_1116, %get3A_1117] {strides = array<i32>} : memref<64x256xf32, #tpu.memory_space<vmem>>, vector<16xf32>,
        %sub3A_1119 = arith.subf %get3A_1118, %get3A_11 : vector<16xf32>
        %mul3A_1120 = arith.mulf %sub3A_1119, %sub3A_1119 : vector<16xf32>
        %add3A_1121 = arith.addf %add3A_1105, %mul3A_1120 : vector<16xf32>
        %add3A_1122 = arith.constant 7 : i32
        %add3A_1123 = arith.addi %mul3A_85, %add3A_1122 : i32
        %get3A_1124 = arith.index_cast %add3A_1123 : i32 to index
        %get3A_1125 = arith.constant 80 : index
        %get3A_1126 = tpu.vector_load %arg7[%get3A_1124, %get3A_1125] {strides = array<i32>} : memref<64x256xf32, #tpu.memory_space<vmem>>, vector<16xf32>,
        %sub3A_1127 = arith.subf %get3A_1126, %get3A_13 : vector<16xf32>
        %mul3A_1128 = arith.mulf %sub3A_1127, %sub3A_1127 : vector<16xf32>
        %add3A_1129 = arith.addf %add3A_1113, %mul3A_1128 : vector<16xf32>
        %add3A_1130 = arith.constant 7 : i32
        %add3A_1131 = arith.addi %mul3A_85, %add3A_1130 : i32
        %get3A_1132 = arith.index_cast %add3A_1131 : i32 to index
        %get3A_1133 = arith.constant 96 : index
        %get3A_1134 = tpu.vector_load %arg7[%get3A_1132, %get3A_1133] {strides = array<i32>} : memref<64x256xf32, #tpu.memory_space<vmem>>, vector<16xf32>,
        %sub3A_1135 = arith.subf %get3A_1134, %get3A_15 : vector<16xf32>
        %mul3A_1136 = arith.mulf %sub3A_1135, %sub3A_1135 : vector<16xf32>
        %add3A_1137 = arith.addf %add3A_1121, %mul3A_1136 : vector<16xf32>
        %add3A_1138 = arith.constant 7 : i32
        %add3A_1139 = arith.addi %mul3A_85, %add3A_1138 : i32
        %get3A_1140 = arith.index_cast %add3A_1139 : i32 to index
        %get3A_1141 = arith.constant 112 : index
        %get3A_1142 = tpu.vector_load %arg7[%get3A_1140, %get3A_1141] {strides = array<i32>} : memref<64x256xf32, #tpu.memory_space<vmem>>, vector<16xf32>,
        %sub3A_1143 = arith.subf %get3A_1142, %get3A_17 : vector<16xf32>
        %mul3A_1144 = arith.mulf %sub3A_1143, %sub3A_1143 : vector<16xf32>
        %add3A_1145 = arith.addf %add3A_1129, %mul3A_1144 : vector<16xf32>
        %add3A_1146 = arith.constant 7 : i32
        %add3A_1147 = arith.addi %mul3A_85, %add3A_1146 : i32
        %get3A_1148 = arith.index_cast %add3A_1147 : i32 to index
        %get3A_1149 = arith.constant 128 : index
        %get3A_1150 = tpu.vector_load %arg7[%get3A_1148, %get3A_1149] {strides = array<i32>} : memref<64x256xf32, #tpu.memory_space<vmem>>, vector<16xf32>,
        %sub3A_1151 = arith.subf %get3A_1150, %get3A_19 : vector<16xf32>
        %mul3A_1152 = arith.mulf %sub3A_1151, %sub3A_1151 : vector<16xf32>
        %add3A_1153 = arith.addf %add3A_1137, %mul3A_1152 : vector<16xf32>
        %add3A_1154 = arith.constant 7 : i32
        %add3A_1155 = arith.addi %mul3A_85, %add3A_1154 : i32
        %get3A_1156 = arith.index_cast %add3A_1155 : i32 to index
        %get3A_1157 = arith.constant 144 : index
        %get3A_1158 = tpu.vector_load %arg7[%get3A_1156, %get3A_1157] {strides = array<i32>} : memref<64x256xf32, #tpu.memory_space<vmem>>, vector<16xf32>,
        %sub3A_1159 = arith.subf %get3A_1158, %get3A_21 : vector<16xf32>
        %mul3A_1160 = arith.mulf %sub3A_1159, %sub3A_1159 : vector<16xf32>
        %add3A_1161 = arith.addf %add3A_1145, %mul3A_1160 : vector<16xf32>
        %add3A_1162 = arith.constant 7 : i32
        %add3A_1163 = arith.addi %mul3A_85, %add3A_1162 : i32
        %get3A_1164 = arith.index_cast %add3A_1163 : i32 to index
        %get3A_1165 = arith.constant 160 : index
        %get3A_1166 = tpu.vector_load %arg7[%get3A_1164, %get3A_1165] {strides = array<i32>} : memref<64x256xf32, #tpu.memory_space<vmem>>, vector<16xf32>,
        %sub3A_1167 = arith.subf %get3A_1166, %get3A_23 : vector<16xf32>
        %mul3A_1168 = arith.mulf %sub3A_1167, %sub3A_1167 : vector<16xf32>
        %add3A_1169 = arith.addf %add3A_1153, %mul3A_1168 : vector<16xf32>
        %add3A_1170 = arith.constant 7 : i32
        %add3A_1171 = arith.addi %mul3A_85, %add3A_1170 : i32
        %get3A_1172 = arith.index_cast %add3A_1171 : i32 to index
        %get3A_1173 = arith.constant 176 : index
        %get3A_1174 = tpu.vector_load %arg7[%get3A_1172, %get3A_1173] {strides = array<i32>} : memref<64x256xf32, #tpu.memory_space<vmem>>, vector<16xf32>,
        %sub3A_1175 = arith.subf %get3A_1174, %get3A_25 : vector<16xf32>
        %mul3A_1176 = arith.mulf %sub3A_1175, %sub3A_1175 : vector<16xf32>
        %add3A_1177 = arith.addf %add3A_1161, %mul3A_1176 : vector<16xf32>
        %add3A_1178 = arith.constant 7 : i32
        %add3A_1179 = arith.addi %mul3A_85, %add3A_1178 : i32
        %get3A_1180 = arith.index_cast %add3A_1179 : i32 to index
        %get3A_1181 = arith.constant 192 : index
        %get3A_1182 = tpu.vector_load %arg7[%get3A_1180, %get3A_1181] {strides = array<i32>} : memref<64x256xf32, #tpu.memory_space<vmem>>, vector<16xf32>,
        %sub3A_1183 = arith.subf %get3A_1182, %get3A_27 : vector<16xf32>
        %mul3A_1184 = arith.mulf %sub3A_1183, %sub3A_1183 : vector<16xf32>
        %add3A_1185 = arith.addf %add3A_1169, %mul3A_1184 : vector<16xf32>
        %add3A_1186 = arith.constant 7 : i32
        %add3A_1187 = arith.addi %mul3A_85, %add3A_1186 : i32
        %get3A_1188 = arith.index_cast %add3A_1187 : i32 to index
        %get3A_1189 = arith.constant 208 : index
        %get3A_1190 = tpu.vector_load %arg7[%get3A_1188, %get3A_1189] {strides = array<i32>} : memref<64x256xf32, #tpu.memory_space<vmem>>, vector<16xf32>,
        %sub3A_1191 = arith.subf %get3A_1190, %get3A_29 : vector<16xf32>
        %mul3A_1192 = arith.mulf %sub3A_1191, %sub3A_1191 : vector<16xf32>
        %add3A_1193 = arith.addf %add3A_1177, %mul3A_1192 : vector<16xf32>
        %add3A_1194 = arith.constant 7 : i32
        %add3A_1195 = arith.addi %mul3A_85, %add3A_1194 : i32
        %get3A_1196 = arith.index_cast %add3A_1195 : i32 to index
        %get3A_1197 = arith.constant 224 : index
        %get3A_1198 = tpu.vector_load %arg7[%get3A_1196, %get3A_1197] {strides = array<i32>} : memref<64x256xf32, #tpu.memory_space<vmem>>, vector<16xf32>,
        %sub3A_1199 = arith.subf %get3A_1198, %get3A_31 : vector<16xf32>
        %mul3A_1200 = arith.mulf %sub3A_1199, %sub3A_1199 : vector<16xf32>
        %add3A_1201 = arith.addf %add3A_1185, %mul3A_1200 : vector<16xf32>
        %add3A_1202 = arith.constant 7 : i32
        %add3A_1203 = arith.addi %mul3A_85, %add3A_1202 : i32
        %get3A_1204 = arith.index_cast %add3A_1203 : i32 to index
        %get3A_1205 = arith.constant 240 : index
        %get3A_1206 = tpu.vector_load %arg7[%get3A_1204, %get3A_1205] {strides = array<i32>} : memref<64x256xf32, #tpu.memory_space<vmem>>, vector<16xf32>,
        %sub3A_1207 = arith.subf %get3A_1206, %get3A_33 : vector<16xf32>
        %mul3A_1208 = arith.mulf %sub3A_1207, %sub3A_1207 : vector<16xf32>
        %add3A_1209 = arith.addf %add3A_1193, %mul3A_1208 : vector<16xf32>
        %add3A_1210 = arith.addf %add3A_1201, %add3A_1209 : vector<16xf32>
        %reduce_sum3A_1211 = arith.constant true
        %reduce_sum3A_1212 = vector.broadcast %reduce_sum3A_1211 : i1 to vector<16xi1>
        %reduce_sum3A_1213 = tpu.scan <sum>, %add3A_1210 masked %reduce_sum3A_1212 : vector<16xf32>, vector<16xi1> -> vector<16xf32>
        %reduce_sum3A_1214 = vector.extract %reduce_sum3A_1213[15] : f32 from vector<16xf32>
        %eq3A_1215 = arith.constant 7 : i32
        %eq3A_1216 = vector.broadcast %eq3A_1215 : i32 to vector<16xi32>
        %eq3A_1217 = arith.cmpi eq, %iota3A, %eq3A_1216 : vector<16xi32>
        %broadcast_in_dim3A_1218 = vector.broadcast %reduce_sum3A_1214 : f32 to vector<16xf32>
        %select_n3A_1219 = arith.select %eq3A_1217, %broadcast_in_dim3A_1218, %select_n3A_1077 : vector<16xi1>, vector<16xf32>
        %broadcast_in_dim3A_1220 = arith.constant 0.000000e+00 : f32
        %broadcast_in_dim3A_1221 = vector.broadcast %broadcast_in_dim3A_1220 : f32 to vector<16xf32>
        %broadcast_in_dim3A_1222 = arith.constant 0.000000e+00 : f32
        %broadcast_in_dim3A_1223 = vector.broadcast %broadcast_in_dim3A_1222 : f32 to vector<16xf32>
        %add3A_1224 = arith.constant 8 : i32
        %add3A_1225 = arith.addi %mul3A_85, %add3A_1224 : i32
        %get3A_1226 = arith.index_cast %add3A_1225 : i32 to index
        %get3A_1227 = arith.constant 0 : index
        %get3A_1228 = tpu.vector_load %arg7[%get3A_1226, %get3A_1227] {strides = array<i32>} : memref<64x256xf32, #tpu.memory_space<vmem>>, vector<16xf32>,
        %sub3A_1229 = arith.subf %get3A_1228, %get3A_3 : vector<16xf32>
        %mul3A_1230 = arith.mulf %sub3A_1229, %sub3A_1229 : vector<16xf32>
        %add3A_1231 = arith.addf %broadcast_in_dim3A_1221, %mul3A_1230 : vector<16xf32>
        %add3A_1232 = arith.constant 8 : i32
        %add3A_1233 = arith.addi %mul3A_85, %add3A_1232 : i32
        %get3A_1234 = arith.index_cast %add3A_1233 : i32 to index
        %get3A_1235 = arith.constant 16 : index
        %get3A_1236 = tpu.vector_load %arg7[%get3A_1234, %get3A_1235] {strides = array<i32>} : memref<64x256xf32, #tpu.memory_space<vmem>>, vector<16xf32>,
        %sub3A_1237 = arith.subf %get3A_1236, %get3A_5 : vector<16xf32>
        %mul3A_1238 = arith.mulf %sub3A_1237, %sub3A_1237 : vector<16xf32>
        %add3A_1239 = arith.addf %broadcast_in_dim3A_1223, %mul3A_1238 : vector<16xf32>
        %add3A_1240 = arith.constant 8 : i32
        %add3A_1241 = arith.addi %mul3A_85, %add3A_1240 : i32
        %get3A_1242 = arith.index_cast %add3A_1241 : i32 to index
        %get3A_1243 = arith.constant 32 : index
        %get3A_1244 = tpu.vector_load %arg7[%get3A_1242, %get3A_1243] {strides = array<i32>} : memref<64x256xf32, #tpu.memory_space<vmem>>, vector<16xf32>,
        %sub3A_1245 = arith.subf %get3A_1244, %get3A_7 : vector<16xf32>
        %mul3A_1246 = arith.mulf %sub3A_1245, %sub3A_1245 : vector<16xf32>
        %add3A_1247 = arith.addf %add3A_1231, %mul3A_1246 : vector<16xf32>
        %add3A_1248 = arith.constant 8 : i32
        %add3A_1249 = arith.addi %mul3A_85, %add3A_1248 : i32
        %get3A_1250 = arith.index_cast %add3A_1249 : i32 to index
        %get3A_1251 = arith.constant 48 : index
        %get3A_1252 = tpu.vector_load %arg7[%get3A_1250, %get3A_1251] {strides = array<i32>} : memref<64x256xf32, #tpu.memory_space<vmem>>, vector<16xf32>,
        %sub3A_1253 = arith.subf %get3A_1252, %get3A_9 : vector<16xf32>
        %mul3A_1254 = arith.mulf %sub3A_1253, %sub3A_1253 : vector<16xf32>
        %add3A_1255 = arith.addf %add3A_1239, %mul3A_1254 : vector<16xf32>
        %add3A_1256 = arith.constant 8 : i32
        %add3A_1257 = arith.addi %mul3A_85, %add3A_1256 : i32
        %get3A_1258 = arith.index_cast %add3A_1257 : i32 to index
        %get3A_1259 = arith.constant 64 : index
        %get3A_1260 = tpu.vector_load %arg7[%get3A_1258, %get3A_1259] {strides = array<i32>} : memref<64x256xf32, #tpu.memory_space<vmem>>, vector<16xf32>,
        %sub3A_1261 = arith.subf %get3A_1260, %get3A_11 : vector<16xf32>
        %mul3A_1262 = arith.mulf %sub3A_1261, %sub3A_1261 : vector<16xf32>
        %add3A_1263 = arith.addf %add3A_1247, %mul3A_1262 : vector<16xf32>
        %add3A_1264 = arith.constant 8 : i32
        %add3A_1265 = arith.addi %mul3A_85, %add3A_1264 : i32
        %get3A_1266 = arith.index_cast %add3A_1265 : i32 to index
        %get3A_1267 = arith.constant 80 : index
        %get3A_1268 = tpu.vector_load %arg7[%get3A_1266, %get3A_1267] {strides = array<i32>} : memref<64x256xf32, #tpu.memory_space<vmem>>, vector<16xf32>,
        %sub3A_1269 = arith.subf %get3A_1268, %get3A_13 : vector<16xf32>
        %mul3A_1270 = arith.mulf %sub3A_1269, %sub3A_1269 : vector<16xf32>
        %add3A_1271 = arith.addf %add3A_1255, %mul3A_1270 : vector<16xf32>
        %add3A_1272 = arith.constant 8 : i32
        %add3A_1273 = arith.addi %mul3A_85, %add3A_1272 : i32
        %get3A_1274 = arith.index_cast %add3A_1273 : i32 to index
        %get3A_1275 = arith.constant 96 : index
        %get3A_1276 = tpu.vector_load %arg7[%get3A_1274, %get3A_1275] {strides = array<i32>} : memref<64x256xf32, #tpu.memory_space<vmem>>, vector<16xf32>,
        %sub3A_1277 = arith.subf %get3A_1276, %get3A_15 : vector<16xf32>
        %mul3A_1278 = arith.mulf %sub3A_1277, %sub3A_1277 : vector<16xf32>
        %add3A_1279 = arith.addf %add3A_1263, %mul3A_1278 : vector<16xf32>
        %add3A_1280 = arith.constant 8 : i32
        %add3A_1281 = arith.addi %mul3A_85, %add3A_1280 : i32
        %get3A_1282 = arith.index_cast %add3A_1281 : i32 to index
        %get3A_1283 = arith.constant 112 : index
        %get3A_1284 = tpu.vector_load %arg7[%get3A_1282, %get3A_1283] {strides = array<i32>} : memref<64x256xf32, #tpu.memory_space<vmem>>, vector<16xf32>,
        %sub3A_1285 = arith.subf %get3A_1284, %get3A_17 : vector<16xf32>
        %mul3A_1286 = arith.mulf %sub3A_1285, %sub3A_1285 : vector<16xf32>
        %add3A_1287 = arith.addf %add3A_1271, %mul3A_1286 : vector<16xf32>
        %add3A_1288 = arith.constant 8 : i32
        %add3A_1289 = arith.addi %mul3A_85, %add3A_1288 : i32
        %get3A_1290 = arith.index_cast %add3A_1289 : i32 to index
        %get3A_1291 = arith.constant 128 : index
        %get3A_1292 = tpu.vector_load %arg7[%get3A_1290, %get3A_1291] {strides = array<i32>} : memref<64x256xf32, #tpu.memory_space<vmem>>, vector<16xf32>,
        %sub3A_1293 = arith.subf %get3A_1292, %get3A_19 : vector<16xf32>
        %mul3A_1294 = arith.mulf %sub3A_1293, %sub3A_1293 : vector<16xf32>
        %add3A_1295 = arith.addf %add3A_1279, %mul3A_1294 : vector<16xf32>
        %add3A_1296 = arith.constant 8 : i32
        %add3A_1297 = arith.addi %mul3A_85, %add3A_1296 : i32
        %get3A_1298 = arith.index_cast %add3A_1297 : i32 to index
        %get3A_1299 = arith.constant 144 : index
        %get3A_1300 = tpu.vector_load %arg7[%get3A_1298, %get3A_1299] {strides = array<i32>} : memref<64x256xf32, #tpu.memory_space<vmem>>, vector<16xf32>,
        %sub3A_1301 = arith.subf %get3A_1300, %get3A_21 : vector<16xf32>
        %mul3A_1302 = arith.mulf %sub3A_1301, %sub3A_1301 : vector<16xf32>
        %add3A_1303 = arith.addf %add3A_1287, %mul3A_1302 : vector<16xf32>
        %add3A_1304 = arith.constant 8 : i32
        %add3A_1305 = arith.addi %mul3A_85, %add3A_1304 : i32
        %get3A_1306 = arith.index_cast %add3A_1305 : i32 to index
        %get3A_1307 = arith.constant 160 : index
        %get3A_1308 = tpu.vector_load %arg7[%get3A_1306, %get3A_1307] {strides = array<i32>} : memref<64x256xf32, #tpu.memory_space<vmem>>, vector<16xf32>,
        %sub3A_1309 = arith.subf %get3A_1308, %get3A_23 : vector<16xf32>
        %mul3A_1310 = arith.mulf %sub3A_1309, %sub3A_1309 : vector<16xf32>
        %add3A_1311 = arith.addf %add3A_1295, %mul3A_1310 : vector<16xf32>
        %add3A_1312 = arith.constant 8 : i32
        %add3A_1313 = arith.addi %mul3A_85, %add3A_1312 : i32
        %get3A_1314 = arith.index_cast %add3A_1313 : i32 to index
        %get3A_1315 = arith.constant 176 : index
        %get3A_1316 = tpu.vector_load %arg7[%get3A_1314, %get3A_1315] {strides = array<i32>} : memref<64x256xf32, #tpu.memory_space<vmem>>, vector<16xf32>,
        %sub3A_1317 = arith.subf %get3A_1316, %get3A_25 : vector<16xf32>
        %mul3A_1318 = arith.mulf %sub3A_1317, %sub3A_1317 : vector<16xf32>
        %add3A_1319 = arith.addf %add3A_1303, %mul3A_1318 : vector<16xf32>
        %add3A_1320 = arith.constant 8 : i32
        %add3A_1321 = arith.addi %mul3A_85, %add3A_1320 : i32
        %get3A_1322 = arith.index_cast %add3A_1321 : i32 to index
        %get3A_1323 = arith.constant 192 : index
        %get3A_1324 = tpu.vector_load %arg7[%get3A_1322, %get3A_1323] {strides = array<i32>} : memref<64x256xf32, #tpu.memory_space<vmem>>, vector<16xf32>,
        %sub3A_1325 = arith.subf %get3A_1324, %get3A_27 : vector<16xf32>
        %mul3A_1326 = arith.mulf %sub3A_1325, %sub3A_1325 : vector<16xf32>
        %add3A_1327 = arith.addf %add3A_1311, %mul3A_1326 : vector<16xf32>
        %add3A_1328 = arith.constant 8 : i32
        %add3A_1329 = arith.addi %mul3A_85, %add3A_1328 : i32
        %get3A_1330 = arith.index_cast %add3A_1329 : i32 to index
        %get3A_1331 = arith.constant 208 : index
        %get3A_1332 = tpu.vector_load %arg7[%get3A_1330, %get3A_1331] {strides = array<i32>} : memref<64x256xf32, #tpu.memory_space<vmem>>, vector<16xf32>,
        %sub3A_1333 = arith.subf %get3A_1332, %get3A_29 : vector<16xf32>
        %mul3A_1334 = arith.mulf %sub3A_1333, %sub3A_1333 : vector<16xf32>
        %add3A_1335 = arith.addf %add3A_1319, %mul3A_1334 : vector<16xf32>
        %add3A_1336 = arith.constant 8 : i32
        %add3A_1337 = arith.addi %mul3A_85, %add3A_1336 : i32
        %get3A_1338 = arith.index_cast %add3A_1337 : i32 to index
        %get3A_1339 = arith.constant 224 : index
        %get3A_1340 = tpu.vector_load %arg7[%get3A_1338, %get3A_1339] {strides = array<i32>} : memref<64x256xf32, #tpu.memory_space<vmem>>, vector<16xf32>,
        %sub3A_1341 = arith.subf %get3A_1340, %get3A_31 : vector<16xf32>
        %mul3A_1342 = arith.mulf %sub3A_1341, %sub3A_1341 : vector<16xf32>
        %add3A_1343 = arith.addf %add3A_1327, %mul3A_1342 : vector<16xf32>
        %add3A_1344 = arith.constant 8 : i32
        %add3A_1345 = arith.addi %mul3A_85, %add3A_1344 : i32
        %get3A_1346 = arith.index_cast %add3A_1345 : i32 to index
        %get3A_1347 = arith.constant 240 : index
        %get3A_1348 = tpu.vector_load %arg7[%get3A_1346, %get3A_1347] {strides = array<i32>} : memref<64x256xf32, #tpu.memory_space<vmem>>, vector<16xf32>,
        %sub3A_1349 = arith.subf %get3A_1348, %get3A_33 : vector<16xf32>
        %mul3A_1350 = arith.mulf %sub3A_1349, %sub3A_1349 : vector<16xf32>
        %add3A_1351 = arith.addf %add3A_1335, %mul3A_1350 : vector<16xf32>
        %add3A_1352 = arith.addf %add3A_1343, %add3A_1351 : vector<16xf32>
        %reduce_sum3A_1353 = arith.constant true
        %reduce_sum3A_1354 = vector.broadcast %reduce_sum3A_1353 : i1 to vector<16xi1>
        %reduce_sum3A_1355 = tpu.scan <sum>, %add3A_1352 masked %reduce_sum3A_1354 : vector<16xf32>, vector<16xi1> -> vector<16xf32>
        %reduce_sum3A_1356 = vector.extract %reduce_sum3A_1355[15] : f32 from vector<16xf32>
        %eq3A_1357 = arith.constant 8 : i32
        %eq3A_1358 = vector.broadcast %eq3A_1357 : i32 to vector<16xi32>
        %eq3A_1359 = arith.cmpi eq, %iota3A, %eq3A_1358 : vector<16xi32>
        %broadcast_in_dim3A_1360 = vector.broadcast %reduce_sum3A_1356 : f32 to vector<16xf32>
        %select_n3A_1361 = arith.select %eq3A_1359, %broadcast_in_dim3A_1360, %select_n3A_1219 : vector<16xi1>, vector<16xf32>
        %broadcast_in_dim3A_1362 = arith.constant 0.000000e+00 : f32
        %broadcast_in_dim3A_1363 = vector.broadcast %broadcast_in_dim3A_1362 : f32 to vector<16xf32>
        %broadcast_in_dim3A_1364 = arith.constant 0.000000e+00 : f32
        %broadcast_in_dim3A_1365 = vector.broadcast %broadcast_in_dim3A_1364 : f32 to vector<16xf32>
        %add3A_1366 = arith.constant 9 : i32
        %add3A_1367 = arith.addi %mul3A_85, %add3A_1366 : i32
        %get3A_1368 = arith.index_cast %add3A_1367 : i32 to index
        %get3A_1369 = arith.constant 0 : index
        %get3A_1370 = tpu.vector_load %arg7[%get3A_1368, %get3A_1369] {strides = array<i32>} : memref<64x256xf32, #tpu.memory_space<vmem>>, vector<16xf32>,
        %sub3A_1371 = arith.subf %get3A_1370, %get3A_3 : vector<16xf32>
        %mul3A_1372 = arith.mulf %sub3A_1371, %sub3A_1371 : vector<16xf32>
        %add3A_1373 = arith.addf %broadcast_in_dim3A_1363, %mul3A_1372 : vector<16xf32>
        %add3A_1374 = arith.constant 9 : i32
        %add3A_1375 = arith.addi %mul3A_85, %add3A_1374 : i32
        %get3A_1376 = arith.index_cast %add3A_1375 : i32 to index
        %get3A_1377 = arith.constant 16 : index
        %get3A_1378 = tpu.vector_load %arg7[%get3A_1376, %get3A_1377] {strides = array<i32>} : memref<64x256xf32, #tpu.memory_space<vmem>>, vector<16xf32>,
        %sub3A_1379 = arith.subf %get3A_1378, %get3A_5 : vector<16xf32>
        %mul3A_1380 = arith.mulf %sub3A_1379, %sub3A_1379 : vector<16xf32>
        %add3A_1381 = arith.addf %broadcast_in_dim3A_1365, %mul3A_1380 : vector<16xf32>
        %add3A_1382 = arith.constant 9 : i32
        %add3A_1383 = arith.addi %mul3A_85, %add3A_1382 : i32
        %get3A_1384 = arith.index_cast %add3A_1383 : i32 to index
        %get3A_1385 = arith.constant 32 : index
        %get3A_1386 = tpu.vector_load %arg7[%get3A_1384, %get3A_1385] {strides = array<i32>} : memref<64x256xf32, #tpu.memory_space<vmem>>, vector<16xf32>,
        %sub3A_1387 = arith.subf %get3A_1386, %get3A_7 : vector<16xf32>
        %mul3A_1388 = arith.mulf %sub3A_1387, %sub3A_1387 : vector<16xf32>
        %add3A_1389 = arith.addf %add3A_1373, %mul3A_1388 : vector<16xf32>
        %add3A_1390 = arith.constant 9 : i32
        %add3A_1391 = arith.addi %mul3A_85, %add3A_1390 : i32
        %get3A_1392 = arith.index_cast %add3A_1391 : i32 to index
        %get3A_1393 = arith.constant 48 : index
        %get3A_1394 = tpu.vector_load %arg7[%get3A_1392, %get3A_1393] {strides = array<i32>} : memref<64x256xf32, #tpu.memory_space<vmem>>, vector<16xf32>,
        %sub3A_1395 = arith.subf %get3A_1394, %get3A_9 : vector<16xf32>
        %mul3A_1396 = arith.mulf %sub3A_1395, %sub3A_1395 : vector<16xf32>
        %add3A_1397 = arith.addf %add3A_1381, %mul3A_1396 : vector<16xf32>
        %add3A_1398 = arith.constant 9 : i32
        %add3A_1399 = arith.addi %mul3A_85, %add3A_1398 : i32
        %get3A_1400 = arith.index_cast %add3A_1399 : i32 to index
        %get3A_1401 = arith.constant 64 : index
        %get3A_1402 = tpu.vector_load %arg7[%get3A_1400, %get3A_1401] {strides = array<i32>} : memref<64x256xf32, #tpu.memory_space<vmem>>, vector<16xf32>,
        %sub3A_1403 = arith.subf %get3A_1402, %get3A_11 : vector<16xf32>
        %mul3A_1404 = arith.mulf %sub3A_1403, %sub3A_1403 : vector<16xf32>
        %add3A_1405 = arith.addf %add3A_1389, %mul3A_1404 : vector<16xf32>
        %add3A_1406 = arith.constant 9 : i32
        %add3A_1407 = arith.addi %mul3A_85, %add3A_1406 : i32
        %get3A_1408 = arith.index_cast %add3A_1407 : i32 to index
        %get3A_1409 = arith.constant 80 : index
        %get3A_1410 = tpu.vector_load %arg7[%get3A_1408, %get3A_1409] {strides = array<i32>} : memref<64x256xf32, #tpu.memory_space<vmem>>, vector<16xf32>,
        %sub3A_1411 = arith.subf %get3A_1410, %get3A_13 : vector<16xf32>
        %mul3A_1412 = arith.mulf %sub3A_1411, %sub3A_1411 : vector<16xf32>
        %add3A_1413 = arith.addf %add3A_1397, %mul3A_1412 : vector<16xf32>
        %add3A_1414 = arith.constant 9 : i32
        %add3A_1415 = arith.addi %mul3A_85, %add3A_1414 : i32
        %get3A_1416 = arith.index_cast %add3A_1415 : i32 to index
        %get3A_1417 = arith.constant 96 : index
        %get3A_1418 = tpu.vector_load %arg7[%get3A_1416, %get3A_1417] {strides = array<i32>} : memref<64x256xf32, #tpu.memory_space<vmem>>, vector<16xf32>,
        %sub3A_1419 = arith.subf %get3A_1418, %get3A_15 : vector<16xf32>
        %mul3A_1420 = arith.mulf %sub3A_1419, %sub3A_1419 : vector<16xf32>
        %add3A_1421 = arith.addf %add3A_1405, %mul3A_1420 : vector<16xf32>
        %add3A_1422 = arith.constant 9 : i32
        %add3A_1423 = arith.addi %mul3A_85, %add3A_1422 : i32
        %get3A_1424 = arith.index_cast %add3A_1423 : i32 to index
        %get3A_1425 = arith.constant 112 : index
        %get3A_1426 = tpu.vector_load %arg7[%get3A_1424, %get3A_1425] {strides = array<i32>} : memref<64x256xf32, #tpu.memory_space<vmem>>, vector<16xf32>,
        %sub3A_1427 = arith.subf %get3A_1426, %get3A_17 : vector<16xf32>
        %mul3A_1428 = arith.mulf %sub3A_1427, %sub3A_1427 : vector<16xf32>
        %add3A_1429 = arith.addf %add3A_1413, %mul3A_1428 : vector<16xf32>
        %add3A_1430 = arith.constant 9 : i32
        %add3A_1431 = arith.addi %mul3A_85, %add3A_1430 : i32
        %get3A_1432 = arith.index_cast %add3A_1431 : i32 to index
        %get3A_1433 = arith.constant 128 : index
        %get3A_1434 = tpu.vector_load %arg7[%get3A_1432, %get3A_1433] {strides = array<i32>} : memref<64x256xf32, #tpu.memory_space<vmem>>, vector<16xf32>,
        %sub3A_1435 = arith.subf %get3A_1434, %get3A_19 : vector<16xf32>
        %mul3A_1436 = arith.mulf %sub3A_1435, %sub3A_1435 : vector<16xf32>
        %add3A_1437 = arith.addf %add3A_1421, %mul3A_1436 : vector<16xf32>
        %add3A_1438 = arith.constant 9 : i32
        %add3A_1439 = arith.addi %mul3A_85, %add3A_1438 : i32
        %get3A_1440 = arith.index_cast %add3A_1439 : i32 to index
        %get3A_1441 = arith.constant 144 : index
        %get3A_1442 = tpu.vector_load %arg7[%get3A_1440, %get3A_1441] {strides = array<i32>} : memref<64x256xf32, #tpu.memory_space<vmem>>, vector<16xf32>,
        %sub3A_1443 = arith.subf %get3A_1442, %get3A_21 : vector<16xf32>
        %mul3A_1444 = arith.mulf %sub3A_1443, %sub3A_1443 : vector<16xf32>
        %add3A_1445 = arith.addf %add3A_1429, %mul3A_1444 : vector<16xf32>
        %add3A_1446 = arith.constant 9 : i32
        %add3A_1447 = arith.addi %mul3A_85, %add3A_1446 : i32
        %get3A_1448 = arith.index_cast %add3A_1447 : i32 to index
        %get3A_1449 = arith.constant 160 : index
        %get3A_1450 = tpu.vector_load %arg7[%get3A_1448, %get3A_1449] {strides = array<i32>} : memref<64x256xf32, #tpu.memory_space<vmem>>, vector<16xf32>,
        %sub3A_1451 = arith.subf %get3A_1450, %get3A_23 : vector<16xf32>
        %mul3A_1452 = arith.mulf %sub3A_1451, %sub3A_1451 : vector<16xf32>
        %add3A_1453 = arith.addf %add3A_1437, %mul3A_1452 : vector<16xf32>
        %add3A_1454 = arith.constant 9 : i32
        %add3A_1455 = arith.addi %mul3A_85, %add3A_1454 : i32
        %get3A_1456 = arith.index_cast %add3A_1455 : i32 to index
        %get3A_1457 = arith.constant 176 : index
        %get3A_1458 = tpu.vector_load %arg7[%get3A_1456, %get3A_1457] {strides = array<i32>} : memref<64x256xf32, #tpu.memory_space<vmem>>, vector<16xf32>,
        %sub3A_1459 = arith.subf %get3A_1458, %get3A_25 : vector<16xf32>
        %mul3A_1460 = arith.mulf %sub3A_1459, %sub3A_1459 : vector<16xf32>
        %add3A_1461 = arith.addf %add3A_1445, %mul3A_1460 : vector<16xf32>
        %add3A_1462 = arith.constant 9 : i32
        %add3A_1463 = arith.addi %mul3A_85, %add3A_1462 : i32
        %get3A_1464 = arith.index_cast %add3A_1463 : i32 to index
        %get3A_1465 = arith.constant 192 : index
        %get3A_1466 = tpu.vector_load %arg7[%get3A_1464, %get3A_1465] {strides = array<i32>} : memref<64x256xf32, #tpu.memory_space<vmem>>, vector<16xf32>,
        %sub3A_1467 = arith.subf %get3A_1466, %get3A_27 : vector<16xf32>
        %mul3A_1468 = arith.mulf %sub3A_1467, %sub3A_1467 : vector<16xf32>
        %add3A_1469 = arith.addf %add3A_1453, %mul3A_1468 : vector<16xf32>
        %add3A_1470 = arith.constant 9 : i32
        %add3A_1471 = arith.addi %mul3A_85, %add3A_1470 : i32
        %get3A_1472 = arith.index_cast %add3A_1471 : i32 to index
        %get3A_1473 = arith.constant 208 : index
        %get3A_1474 = tpu.vector_load %arg7[%get3A_1472, %get3A_1473] {strides = array<i32>} : memref<64x256xf32, #tpu.memory_space<vmem>>, vector<16xf32>,
        %sub3A_1475 = arith.subf %get3A_1474, %get3A_29 : vector<16xf32>
        %mul3A_1476 = arith.mulf %sub3A_1475, %sub3A_1475 : vector<16xf32>
        %add3A_1477 = arith.addf %add3A_1461, %mul3A_1476 : vector<16xf32>
        %add3A_1478 = arith.constant 9 : i32
        %add3A_1479 = arith.addi %mul3A_85, %add3A_1478 : i32
        %get3A_1480 = arith.index_cast %add3A_1479 : i32 to index
        %get3A_1481 = arith.constant 224 : index
        %get3A_1482 = tpu.vector_load %arg7[%get3A_1480, %get3A_1481] {strides = array<i32>} : memref<64x256xf32, #tpu.memory_space<vmem>>, vector<16xf32>,
        %sub3A_1483 = arith.subf %get3A_1482, %get3A_31 : vector<16xf32>
        %mul3A_1484 = arith.mulf %sub3A_1483, %sub3A_1483 : vector<16xf32>
        %add3A_1485 = arith.addf %add3A_1469, %mul3A_1484 : vector<16xf32>
        %add3A_1486 = arith.constant 9 : i32
        %add3A_1487 = arith.addi %mul3A_85, %add3A_1486 : i32
        %get3A_1488 = arith.index_cast %add3A_1487 : i32 to index
        %get3A_1489 = arith.constant 240 : index
        %get3A_1490 = tpu.vector_load %arg7[%get3A_1488, %get3A_1489] {strides = array<i32>} : memref<64x256xf32, #tpu.memory_space<vmem>>, vector<16xf32>,
        %sub3A_1491 = arith.subf %get3A_1490, %get3A_33 : vector<16xf32>
        %mul3A_1492 = arith.mulf %sub3A_1491, %sub3A_1491 : vector<16xf32>
        %add3A_1493 = arith.addf %add3A_1477, %mul3A_1492 : vector<16xf32>
        %add3A_1494 = arith.addf %add3A_1485, %add3A_1493 : vector<16xf32>
        %reduce_sum3A_1495 = arith.constant true
        %reduce_sum3A_1496 = vector.broadcast %reduce_sum3A_1495 : i1 to vector<16xi1>
        %reduce_sum3A_1497 = tpu.scan <sum>, %add3A_1494 masked %reduce_sum3A_1496 : vector<16xf32>, vector<16xi1> -> vector<16xf32>
        %reduce_sum3A_1498 = vector.extract %reduce_sum3A_1497[15] : f32 from vector<16xf32>
        %eq3A_1499 = arith.constant 9 : i32
        %eq3A_1500 = vector.broadcast %eq3A_1499 : i32 to vector<16xi32>
        %eq3A_1501 = arith.cmpi eq, %iota3A, %eq3A_1500 : vector<16xi32>
        %broadcast_in_dim3A_1502 = vector.broadcast %reduce_sum3A_1498 : f32 to vector<16xf32>
        %select_n3A_1503 = arith.select %eq3A_1501, %broadcast_in_dim3A_1502, %select_n3A_1361 : vector<16xi1>, vector<16xf32>
        %broadcast_in_dim3A_1504 = arith.constant 0.000000e+00 : f32
        %broadcast_in_dim3A_1505 = vector.broadcast %broadcast_in_dim3A_1504 : f32 to vector<16xf32>
        %broadcast_in_dim3A_1506 = arith.constant 0.000000e+00 : f32
        %broadcast_in_dim3A_1507 = vector.broadcast %broadcast_in_dim3A_1506 : f32 to vector<16xf32>
        %add3A_1508 = arith.constant 10 : i32
        %add3A_1509 = arith.addi %mul3A_85, %add3A_1508 : i32
        %get3A_1510 = arith.index_cast %add3A_1509 : i32 to index
        %get3A_1511 = arith.constant 0 : index
        %get3A_1512 = tpu.vector_load %arg7[%get3A_1510, %get3A_1511] {strides = array<i32>} : memref<64x256xf32, #tpu.memory_space<vmem>>, vector<16xf32>,
        %sub3A_1513 = arith.subf %get3A_1512, %get3A_3 : vector<16xf32>
        %mul3A_1514 = arith.mulf %sub3A_1513, %sub3A_1513 : vector<16xf32>
        %add3A_1515 = arith.addf %broadcast_in_dim3A_1505, %mul3A_1514 : vector<16xf32>
        %add3A_1516 = arith.constant 10 : i32
        %add3A_1517 = arith.addi %mul3A_85, %add3A_1516 : i32
        %get3A_1518 = arith.index_cast %add3A_1517 : i32 to index
        %get3A_1519 = arith.constant 16 : index
        %get3A_1520 = tpu.vector_load %arg7[%get3A_1518, %get3A_1519] {strides = array<i32>} : memref<64x256xf32, #tpu.memory_space<vmem>>, vector<16xf32>,
        %sub3A_1521 = arith.subf %get3A_1520, %get3A_5 : vector<16xf32>
        %mul3A_1522 = arith.mulf %sub3A_1521, %sub3A_1521 : vector<16xf32>
        %add3A_1523 = arith.addf %broadcast_in_dim3A_1507, %mul3A_1522 : vector<16xf32>
        %add3A_1524 = arith.constant 10 : i32
        %add3A_1525 = arith.addi %mul3A_85, %add3A_1524 : i32
        %get3A_1526 = arith.index_cast %add3A_1525 : i32 to index
        %get3A_1527 = arith.constant 32 : index
        %get3A_1528 = tpu.vector_load %arg7[%get3A_1526, %get3A_1527] {strides = array<i32>} : memref<64x256xf32, #tpu.memory_space<vmem>>, vector<16xf32>,
        %sub3A_1529 = arith.subf %get3A_1528, %get3A_7 : vector<16xf32>
        %mul3A_1530 = arith.mulf %sub3A_1529, %sub3A_1529 : vector<16xf32>
        %add3A_1531 = arith.addf %add3A_1515, %mul3A_1530 : vector<16xf32>
        %add3A_1532 = arith.constant 10 : i32
        %add3A_1533 = arith.addi %mul3A_85, %add3A_1532 : i32
        %get3A_1534 = arith.index_cast %add3A_1533 : i32 to index
        %get3A_1535 = arith.constant 48 : index
        %get3A_1536 = tpu.vector_load %arg7[%get3A_1534, %get3A_1535] {strides = array<i32>} : memref<64x256xf32, #tpu.memory_space<vmem>>, vector<16xf32>,
        %sub3A_1537 = arith.subf %get3A_1536, %get3A_9 : vector<16xf32>
        %mul3A_1538 = arith.mulf %sub3A_1537, %sub3A_1537 : vector<16xf32>
        %add3A_1539 = arith.addf %add3A_1523, %mul3A_1538 : vector<16xf32>
        %add3A_1540 = arith.constant 10 : i32
        %add3A_1541 = arith.addi %mul3A_85, %add3A_1540 : i32
        %get3A_1542 = arith.index_cast %add3A_1541 : i32 to index
        %get3A_1543 = arith.constant 64 : index
        %get3A_1544 = tpu.vector_load %arg7[%get3A_1542, %get3A_1543] {strides = array<i32>} : memref<64x256xf32, #tpu.memory_space<vmem>>, vector<16xf32>,
        %sub3A_1545 = arith.subf %get3A_1544, %get3A_11 : vector<16xf32>
        %mul3A_1546 = arith.mulf %sub3A_1545, %sub3A_1545 : vector<16xf32>
        %add3A_1547 = arith.addf %add3A_1531, %mul3A_1546 : vector<16xf32>
        %add3A_1548 = arith.constant 10 : i32
        %add3A_1549 = arith.addi %mul3A_85, %add3A_1548 : i32
        %get3A_1550 = arith.index_cast %add3A_1549 : i32 to index
        %get3A_1551 = arith.constant 80 : index
        %get3A_1552 = tpu.vector_load %arg7[%get3A_1550, %get3A_1551] {strides = array<i32>} : memref<64x256xf32, #tpu.memory_space<vmem>>, vector<16xf32>,
        %sub3A_1553 = arith.subf %get3A_1552, %get3A_13 : vector<16xf32>
        %mul3A_1554 = arith.mulf %sub3A_1553, %sub3A_1553 : vector<16xf32>
        %add3A_1555 = arith.addf %add3A_1539, %mul3A_1554 : vector<16xf32>
        %add3A_1556 = arith.constant 10 : i32
        %add3A_1557 = arith.addi %mul3A_85, %add3A_1556 : i32
        %get3A_1558 = arith.index_cast %add3A_1557 : i32 to index
        %get3A_1559 = arith.constant 96 : index
        %get3A_1560 = tpu.vector_load %arg7[%get3A_1558, %get3A_1559] {strides = array<i32>} : memref<64x256xf32, #tpu.memory_space<vmem>>, vector<16xf32>,
        %sub3A_1561 = arith.subf %get3A_1560, %get3A_15 : vector<16xf32>
        %mul3A_1562 = arith.mulf %sub3A_1561, %sub3A_1561 : vector<16xf32>
        %add3A_1563 = arith.addf %add3A_1547, %mul3A_1562 : vector<16xf32>
        %add3A_1564 = arith.constant 10 : i32
        %add3A_1565 = arith.addi %mul3A_85, %add3A_1564 : i32
        %get3A_1566 = arith.index_cast %add3A_1565 : i32 to index
        %get3A_1567 = arith.constant 112 : index
        %get3A_1568 = tpu.vector_load %arg7[%get3A_1566, %get3A_1567] {strides = array<i32>} : memref<64x256xf32, #tpu.memory_space<vmem>>, vector<16xf32>,
        %sub3A_1569 = arith.subf %get3A_1568, %get3A_17 : vector<16xf32>
        %mul3A_1570 = arith.mulf %sub3A_1569, %sub3A_1569 : vector<16xf32>
        %add3A_1571 = arith.addf %add3A_1555, %mul3A_1570 : vector<16xf32>
        %add3A_1572 = arith.constant 10 : i32
        %add3A_1573 = arith.addi %mul3A_85, %add3A_1572 : i32
        %get3A_1574 = arith.index_cast %add3A_1573 : i32 to index
        %get3A_1575 = arith.constant 128 : index
        %get3A_1576 = tpu.vector_load %arg7[%get3A_1574, %get3A_1575] {strides = array<i32>} : memref<64x256xf32, #tpu.memory_space<vmem>>, vector<16xf32>,
        %sub3A_1577 = arith.subf %get3A_1576, %get3A_19 : vector<16xf32>
        %mul3A_1578 = arith.mulf %sub3A_1577, %sub3A_1577 : vector<16xf32>
        %add3A_1579 = arith.addf %add3A_1563, %mul3A_1578 : vector<16xf32>
        %add3A_1580 = arith.constant 10 : i32
        %add3A_1581 = arith.addi %mul3A_85, %add3A_1580 : i32
        %get3A_1582 = arith.index_cast %add3A_1581 : i32 to index
        %get3A_1583 = arith.constant 144 : index
        %get3A_1584 = tpu.vector_load %arg7[%get3A_1582, %get3A_1583] {strides = array<i32>} : memref<64x256xf32, #tpu.memory_space<vmem>>, vector<16xf32>,
        %sub3A_1585 = arith.subf %get3A_1584, %get3A_21 : vector<16xf32>
        %mul3A_1586 = arith.mulf %sub3A_1585, %sub3A_1585 : vector<16xf32>
        %add3A_1587 = arith.addf %add3A_1571, %mul3A_1586 : vector<16xf32>
        %add3A_1588 = arith.constant 10 : i32
        %add3A_1589 = arith.addi %mul3A_85, %add3A_1588 : i32
        %get3A_1590 = arith.index_cast %add3A_1589 : i32 to index
        %get3A_1591 = arith.constant 160 : index
        %get3A_1592 = tpu.vector_load %arg7[%get3A_1590, %get3A_1591] {strides = array<i32>} : memref<64x256xf32, #tpu.memory_space<vmem>>, vector<16xf32>,
        %sub3A_1593 = arith.subf %get3A_1592, %get3A_23 : vector<16xf32>
        %mul3A_1594 = arith.mulf %sub3A_1593, %sub3A_1593 : vector<16xf32>
        %add3A_1595 = arith.addf %add3A_1579, %mul3A_1594 : vector<16xf32>
        %add3A_1596 = arith.constant 10 : i32
        %add3A_1597 = arith.addi %mul3A_85, %add3A_1596 : i32
        %get3A_1598 = arith.index_cast %add3A_1597 : i32 to index
        %get3A_1599 = arith.constant 176 : index
        %get3A_1600 = tpu.vector_load %arg7[%get3A_1598, %get3A_1599] {strides = array<i32>} : memref<64x256xf32, #tpu.memory_space<vmem>>, vector<16xf32>,
        %sub3A_1601 = arith.subf %get3A_1600, %get3A_25 : vector<16xf32>
        %mul3A_1602 = arith.mulf %sub3A_1601, %sub3A_1601 : vector<16xf32>
        %add3A_1603 = arith.addf %add3A_1587, %mul3A_1602 : vector<16xf32>
        %add3A_1604 = arith.constant 10 : i32
        %add3A_1605 = arith.addi %mul3A_85, %add3A_1604 : i32
        %get3A_1606 = arith.index_cast %add3A_1605 : i32 to index
        %get3A_1607 = arith.constant 192 : index
        %get3A_1608 = tpu.vector_load %arg7[%get3A_1606, %get3A_1607] {strides = array<i32>} : memref<64x256xf32, #tpu.memory_space<vmem>>, vector<16xf32>,
        %sub3A_1609 = arith.subf %get3A_1608, %get3A_27 : vector<16xf32>
        %mul3A_1610 = arith.mulf %sub3A_1609, %sub3A_1609 : vector<16xf32>
        %add3A_1611 = arith.addf %add3A_1595, %mul3A_1610 : vector<16xf32>
        %add3A_1612 = arith.constant 10 : i32
        %add3A_1613 = arith.addi %mul3A_85, %add3A_1612 : i32
        %get3A_1614 = arith.index_cast %add3A_1613 : i32 to index
        %get3A_1615 = arith.constant 208 : index
        %get3A_1616 = tpu.vector_load %arg7[%get3A_1614, %get3A_1615] {strides = array<i32>} : memref<64x256xf32, #tpu.memory_space<vmem>>, vector<16xf32>,
        %sub3A_1617 = arith.subf %get3A_1616, %get3A_29 : vector<16xf32>
        %mul3A_1618 = arith.mulf %sub3A_1617, %sub3A_1617 : vector<16xf32>
        %add3A_1619 = arith.addf %add3A_1603, %mul3A_1618 : vector<16xf32>
        %add3A_1620 = arith.constant 10 : i32
        %add3A_1621 = arith.addi %mul3A_85, %add3A_1620 : i32
        %get3A_1622 = arith.index_cast %add3A_1621 : i32 to index
        %get3A_1623 = arith.constant 224 : index
        %get3A_1624 = tpu.vector_load %arg7[%get3A_1622, %get3A_1623] {strides = array<i32>} : memref<64x256xf32, #tpu.memory_space<vmem>>, vector<16xf32>,
        %sub3A_1625 = arith.subf %get3A_1624, %get3A_31 : vector<16xf32>
        %mul3A_1626 = arith.mulf %sub3A_1625, %sub3A_1625 : vector<16xf32>
        %add3A_1627 = arith.addf %add3A_1611, %mul3A_1626 : vector<16xf32>
        %add3A_1628 = arith.constant 10 : i32
        %add3A_1629 = arith.addi %mul3A_85, %add3A_1628 : i32
        %get3A_1630 = arith.index_cast %add3A_1629 : i32 to index
        %get3A_1631 = arith.constant 240 : index
        %get3A_1632 = tpu.vector_load %arg7[%get3A_1630, %get3A_1631] {strides = array<i32>} : memref<64x256xf32, #tpu.memory_space<vmem>>, vector<16xf32>,
        %sub3A_1633 = arith.subf %get3A_1632, %get3A_33 : vector<16xf32>
        %mul3A_1634 = arith.mulf %sub3A_1633, %sub3A_1633 : vector<16xf32>
        %add3A_1635 = arith.addf %add3A_1619, %mul3A_1634 : vector<16xf32>
        %add3A_1636 = arith.addf %add3A_1627, %add3A_1635 : vector<16xf32>
        %reduce_sum3A_1637 = arith.constant true
        %reduce_sum3A_1638 = vector.broadcast %reduce_sum3A_1637 : i1 to vector<16xi1>
        %reduce_sum3A_1639 = tpu.scan <sum>, %add3A_1636 masked %reduce_sum3A_1638 : vector<16xf32>, vector<16xi1> -> vector<16xf32>
        %reduce_sum3A_1640 = vector.extract %reduce_sum3A_1639[15] : f32 from vector<16xf32>
        %eq3A_1641 = arith.constant 10 : i32
        %eq3A_1642 = vector.broadcast %eq3A_1641 : i32 to vector<16xi32>
        %eq3A_1643 = arith.cmpi eq, %iota3A, %eq3A_1642 : vector<16xi32>
        %broadcast_in_dim3A_1644 = vector.broadcast %reduce_sum3A_1640 : f32 to vector<16xf32>
        %select_n3A_1645 = arith.select %eq3A_1643, %broadcast_in_dim3A_1644, %select_n3A_1503 : vector<16xi1>, vector<16xf32>
        %broadcast_in_dim3A_1646 = arith.constant 0.000000e+00 : f32
        %broadcast_in_dim3A_1647 = vector.broadcast %broadcast_in_dim3A_1646 : f32 to vector<16xf32>
        %broadcast_in_dim3A_1648 = arith.constant 0.000000e+00 : f32
        %broadcast_in_dim3A_1649 = vector.broadcast %broadcast_in_dim3A_1648 : f32 to vector<16xf32>
        %add3A_1650 = arith.constant 11 : i32
        %add3A_1651 = arith.addi %mul3A_85, %add3A_1650 : i32
        %get3A_1652 = arith.index_cast %add3A_1651 : i32 to index
        %get3A_1653 = arith.constant 0 : index
        %get3A_1654 = tpu.vector_load %arg7[%get3A_1652, %get3A_1653] {strides = array<i32>} : memref<64x256xf32, #tpu.memory_space<vmem>>, vector<16xf32>,
        %sub3A_1655 = arith.subf %get3A_1654, %get3A_3 : vector<16xf32>
        %mul3A_1656 = arith.mulf %sub3A_1655, %sub3A_1655 : vector<16xf32>
        %add3A_1657 = arith.addf %broadcast_in_dim3A_1647, %mul3A_1656 : vector<16xf32>
        %add3A_1658 = arith.constant 11 : i32
        %add3A_1659 = arith.addi %mul3A_85, %add3A_1658 : i32
        %get3A_1660 = arith.index_cast %add3A_1659 : i32 to index
        %get3A_1661 = arith.constant 16 : index
        %get3A_1662 = tpu.vector_load %arg7[%get3A_1660, %get3A_1661] {strides = array<i32>} : memref<64x256xf32, #tpu.memory_space<vmem>>, vector<16xf32>,
        %sub3A_1663 = arith.subf %get3A_1662, %get3A_5 : vector<16xf32>
        %mul3A_1664 = arith.mulf %sub3A_1663, %sub3A_1663 : vector<16xf32>
        %add3A_1665 = arith.addf %broadcast_in_dim3A_1649, %mul3A_1664 : vector<16xf32>
        %add3A_1666 = arith.constant 11 : i32
        %add3A_1667 = arith.addi %mul3A_85, %add3A_1666 : i32
        %get3A_1668 = arith.index_cast %add3A_1667 : i32 to index
        %get3A_1669 = arith.constant 32 : index
        %get3A_1670 = tpu.vector_load %arg7[%get3A_1668, %get3A_1669] {strides = array<i32>} : memref<64x256xf32, #tpu.memory_space<vmem>>, vector<16xf32>,
        %sub3A_1671 = arith.subf %get3A_1670, %get3A_7 : vector<16xf32>
        %mul3A_1672 = arith.mulf %sub3A_1671, %sub3A_1671 : vector<16xf32>
        %add3A_1673 = arith.addf %add3A_1657, %mul3A_1672 : vector<16xf32>
        %add3A_1674 = arith.constant 11 : i32
        %add3A_1675 = arith.addi %mul3A_85, %add3A_1674 : i32
        %get3A_1676 = arith.index_cast %add3A_1675 : i32 to index
        %get3A_1677 = arith.constant 48 : index
        %get3A_1678 = tpu.vector_load %arg7[%get3A_1676, %get3A_1677] {strides = array<i32>} : memref<64x256xf32, #tpu.memory_space<vmem>>, vector<16xf32>,
        %sub3A_1679 = arith.subf %get3A_1678, %get3A_9 : vector<16xf32>
        %mul3A_1680 = arith.mulf %sub3A_1679, %sub3A_1679 : vector<16xf32>
        %add3A_1681 = arith.addf %add3A_1665, %mul3A_1680 : vector<16xf32>
        %add3A_1682 = arith.constant 11 : i32
        %add3A_1683 = arith.addi %mul3A_85, %add3A_1682 : i32
        %get3A_1684 = arith.index_cast %add3A_1683 : i32 to index
        %get3A_1685 = arith.constant 64 : index
        %get3A_1686 = tpu.vector_load %arg7[%get3A_1684, %get3A_1685] {strides = array<i32>} : memref<64x256xf32, #tpu.memory_space<vmem>>, vector<16xf32>,
        %sub3A_1687 = arith.subf %get3A_1686, %get3A_11 : vector<16xf32>
        %mul3A_1688 = arith.mulf %sub3A_1687, %sub3A_1687 : vector<16xf32>
        %add3A_1689 = arith.addf %add3A_1673, %mul3A_1688 : vector<16xf32>
        %add3A_1690 = arith.constant 11 : i32
        %add3A_1691 = arith.addi %mul3A_85, %add3A_1690 : i32
        %get3A_1692 = arith.index_cast %add3A_1691 : i32 to index
        %get3A_1693 = arith.constant 80 : index
        %get3A_1694 = tpu.vector_load %arg7[%get3A_1692, %get3A_1693] {strides = array<i32>} : memref<64x256xf32, #tpu.memory_space<vmem>>, vector<16xf32>,
        %sub3A_1695 = arith.subf %get3A_1694, %get3A_13 : vector<16xf32>
        %mul3A_1696 = arith.mulf %sub3A_1695, %sub3A_1695 : vector<16xf32>
        %add3A_1697 = arith.addf %add3A_1681, %mul3A_1696 : vector<16xf32>
        %add3A_1698 = arith.constant 11 : i32
        %add3A_1699 = arith.addi %mul3A_85, %add3A_1698 : i32
        %get3A_1700 = arith.index_cast %add3A_1699 : i32 to index
        %get3A_1701 = arith.constant 96 : index
        %get3A_1702 = tpu.vector_load %arg7[%get3A_1700, %get3A_1701] {strides = array<i32>} : memref<64x256xf32, #tpu.memory_space<vmem>>, vector<16xf32>,
        %sub3A_1703 = arith.subf %get3A_1702, %get3A_15 : vector<16xf32>
        %mul3A_1704 = arith.mulf %sub3A_1703, %sub3A_1703 : vector<16xf32>
        %add3A_1705 = arith.addf %add3A_1689, %mul3A_1704 : vector<16xf32>
        %add3A_1706 = arith.constant 11 : i32
        %add3A_1707 = arith.addi %mul3A_85, %add3A_1706 : i32
        %get3A_1708 = arith.index_cast %add3A_1707 : i32 to index
        %get3A_1709 = arith.constant 112 : index
        %get3A_1710 = tpu.vector_load %arg7[%get3A_1708, %get3A_1709] {strides = array<i32>} : memref<64x256xf32, #tpu.memory_space<vmem>>, vector<16xf32>,
        %sub3A_1711 = arith.subf %get3A_1710, %get3A_17 : vector<16xf32>
        %mul3A_1712 = arith.mulf %sub3A_1711, %sub3A_1711 : vector<16xf32>
        %add3A_1713 = arith.addf %add3A_1697, %mul3A_1712 : vector<16xf32>
        %add3A_1714 = arith.constant 11 : i32
        %add3A_1715 = arith.addi %mul3A_85, %add3A_1714 : i32
        %get3A_1716 = arith.index_cast %add3A_1715 : i32 to index
        %get3A_1717 = arith.constant 128 : index
        %get3A_1718 = tpu.vector_load %arg7[%get3A_1716, %get3A_1717] {strides = array<i32>} : memref<64x256xf32, #tpu.memory_space<vmem>>, vector<16xf32>,
        %sub3A_1719 = arith.subf %get3A_1718, %get3A_19 : vector<16xf32>
        %mul3A_1720 = arith.mulf %sub3A_1719, %sub3A_1719 : vector<16xf32>
        %add3A_1721 = arith.addf %add3A_1705, %mul3A_1720 : vector<16xf32>
        %add3A_1722 = arith.constant 11 : i32
        %add3A_1723 = arith.addi %mul3A_85, %add3A_1722 : i32
        %get3A_1724 = arith.index_cast %add3A_1723 : i32 to index
        %get3A_1725 = arith.constant 144 : index
        %get3A_1726 = tpu.vector_load %arg7[%get3A_1724, %get3A_1725] {strides = array<i32>} : memref<64x256xf32, #tpu.memory_space<vmem>>, vector<16xf32>,
        %sub3A_1727 = arith.subf %get3A_1726, %get3A_21 : vector<16xf32>
        %mul3A_1728 = arith.mulf %sub3A_1727, %sub3A_1727 : vector<16xf32>
        %add3A_1729 = arith.addf %add3A_1713, %mul3A_1728 : vector<16xf32>
        %add3A_1730 = arith.constant 11 : i32
        %add3A_1731 = arith.addi %mul3A_85, %add3A_1730 : i32
        %get3A_1732 = arith.index_cast %add3A_1731 : i32 to index
        %get3A_1733 = arith.constant 160 : index
        %get3A_1734 = tpu.vector_load %arg7[%get3A_1732, %get3A_1733] {strides = array<i32>} : memref<64x256xf32, #tpu.memory_space<vmem>>, vector<16xf32>,
        %sub3A_1735 = arith.subf %get3A_1734, %get3A_23 : vector<16xf32>
        %mul3A_1736 = arith.mulf %sub3A_1735, %sub3A_1735 : vector<16xf32>
        %add3A_1737 = arith.addf %add3A_1721, %mul3A_1736 : vector<16xf32>
        %add3A_1738 = arith.constant 11 : i32
        %add3A_1739 = arith.addi %mul3A_85, %add3A_1738 : i32
        %get3A_1740 = arith.index_cast %add3A_1739 : i32 to index
        %get3A_1741 = arith.constant 176 : index
        %get3A_1742 = tpu.vector_load %arg7[%get3A_1740, %get3A_1741] {strides = array<i32>} : memref<64x256xf32, #tpu.memory_space<vmem>>, vector<16xf32>,
        %sub3A_1743 = arith.subf %get3A_1742, %get3A_25 : vector<16xf32>
        %mul3A_1744 = arith.mulf %sub3A_1743, %sub3A_1743 : vector<16xf32>
        %add3A_1745 = arith.addf %add3A_1729, %mul3A_1744 : vector<16xf32>
        %add3A_1746 = arith.constant 11 : i32
        %add3A_1747 = arith.addi %mul3A_85, %add3A_1746 : i32
        %get3A_1748 = arith.index_cast %add3A_1747 : i32 to index
        %get3A_1749 = arith.constant 192 : index
        %get3A_1750 = tpu.vector_load %arg7[%get3A_1748, %get3A_1749] {strides = array<i32>} : memref<64x256xf32, #tpu.memory_space<vmem>>, vector<16xf32>,
        %sub3A_1751 = arith.subf %get3A_1750, %get3A_27 : vector<16xf32>
        %mul3A_1752 = arith.mulf %sub3A_1751, %sub3A_1751 : vector<16xf32>
        %add3A_1753 = arith.addf %add3A_1737, %mul3A_1752 : vector<16xf32>
        %add3A_1754 = arith.constant 11 : i32
        %add3A_1755 = arith.addi %mul3A_85, %add3A_1754 : i32
        %get3A_1756 = arith.index_cast %add3A_1755 : i32 to index
        %get3A_1757 = arith.constant 208 : index
        %get3A_1758 = tpu.vector_load %arg7[%get3A_1756, %get3A_1757] {strides = array<i32>} : memref<64x256xf32, #tpu.memory_space<vmem>>, vector<16xf32>,
        %sub3A_1759 = arith.subf %get3A_1758, %get3A_29 : vector<16xf32>
        %mul3A_1760 = arith.mulf %sub3A_1759, %sub3A_1759 : vector<16xf32>
        %add3A_1761 = arith.addf %add3A_1745, %mul3A_1760 : vector<16xf32>
        %add3A_1762 = arith.constant 11 : i32
        %add3A_1763 = arith.addi %mul3A_85, %add3A_1762 : i32
        %get3A_1764 = arith.index_cast %add3A_1763 : i32 to index
        %get3A_1765 = arith.constant 224 : index
        %get3A_1766 = tpu.vector_load %arg7[%get3A_1764, %get3A_1765] {strides = array<i32>} : memref<64x256xf32, #tpu.memory_space<vmem>>, vector<16xf32>,
        %sub3A_1767 = arith.subf %get3A_1766, %get3A_31 : vector<16xf32>
        %mul3A_1768 = arith.mulf %sub3A_1767, %sub3A_1767 : vector<16xf32>
        %add3A_1769 = arith.addf %add3A_1753, %mul3A_1768 : vector<16xf32>
        %add3A_1770 = arith.constant 11 : i32
        %add3A_1771 = arith.addi %mul3A_85, %add3A_1770 : i32
        %get3A_1772 = arith.index_cast %add3A_1771 : i32 to index
        %get3A_1773 = arith.constant 240 : index
        %get3A_1774 = tpu.vector_load %arg7[%get3A_1772, %get3A_1773] {strides = array<i32>} : memref<64x256xf32, #tpu.memory_space<vmem>>, vector<16xf32>,
        %sub3A_1775 = arith.subf %get3A_1774, %get3A_33 : vector<16xf32>
        %mul3A_1776 = arith.mulf %sub3A_1775, %sub3A_1775 : vector<16xf32>
        %add3A_1777 = arith.addf %add3A_1761, %mul3A_1776 : vector<16xf32>
        %add3A_1778 = arith.addf %add3A_1769, %add3A_1777 : vector<16xf32>
        %reduce_sum3A_1779 = arith.constant true
        %reduce_sum3A_1780 = vector.broadcast %reduce_sum3A_1779 : i1 to vector<16xi1>
        %reduce_sum3A_1781 = tpu.scan <sum>, %add3A_1778 masked %reduce_sum3A_1780 : vector<16xf32>, vector<16xi1> -> vector<16xf32>
        %reduce_sum3A_1782 = vector.extract %reduce_sum3A_1781[15] : f32 from vector<16xf32>
        %eq3A_1783 = arith.constant 11 : i32
        %eq3A_1784 = vector.broadcast %eq3A_1783 : i32 to vector<16xi32>
        %eq3A_1785 = arith.cmpi eq, %iota3A, %eq3A_1784 : vector<16xi32>
        %broadcast_in_dim3A_1786 = vector.broadcast %reduce_sum3A_1782 : f32 to vector<16xf32>
        %select_n3A_1787 = arith.select %eq3A_1785, %broadcast_in_dim3A_1786, %select_n3A_1645 : vector<16xi1>, vector<16xf32>
        %broadcast_in_dim3A_1788 = arith.constant 0.000000e+00 : f32
        %broadcast_in_dim3A_1789 = vector.broadcast %broadcast_in_dim3A_1788 : f32 to vector<16xf32>
        %broadcast_in_dim3A_1790 = arith.constant 0.000000e+00 : f32
        %broadcast_in_dim3A_1791 = vector.broadcast %broadcast_in_dim3A_1790 : f32 to vector<16xf32>
        %add3A_1792 = arith.constant 12 : i32
        %add3A_1793 = arith.addi %mul3A_85, %add3A_1792 : i32
        %get3A_1794 = arith.index_cast %add3A_1793 : i32 to index
        %get3A_1795 = arith.constant 0 : index
        %get3A_1796 = tpu.vector_load %arg7[%get3A_1794, %get3A_1795] {strides = array<i32>} : memref<64x256xf32, #tpu.memory_space<vmem>>, vector<16xf32>,
        %sub3A_1797 = arith.subf %get3A_1796, %get3A_3 : vector<16xf32>
        %mul3A_1798 = arith.mulf %sub3A_1797, %sub3A_1797 : vector<16xf32>
        %add3A_1799 = arith.addf %broadcast_in_dim3A_1789, %mul3A_1798 : vector<16xf32>
        %add3A_1800 = arith.constant 12 : i32
        %add3A_1801 = arith.addi %mul3A_85, %add3A_1800 : i32
        %get3A_1802 = arith.index_cast %add3A_1801 : i32 to index
        %get3A_1803 = arith.constant 16 : index
        %get3A_1804 = tpu.vector_load %arg7[%get3A_1802, %get3A_1803] {strides = array<i32>} : memref<64x256xf32, #tpu.memory_space<vmem>>, vector<16xf32>,
        %sub3A_1805 = arith.subf %get3A_1804, %get3A_5 : vector<16xf32>
        %mul3A_1806 = arith.mulf %sub3A_1805, %sub3A_1805 : vector<16xf32>
        %add3A_1807 = arith.addf %broadcast_in_dim3A_1791, %mul3A_1806 : vector<16xf32>
        %add3A_1808 = arith.constant 12 : i32
        %add3A_1809 = arith.addi %mul3A_85, %add3A_1808 : i32
        %get3A_1810 = arith.index_cast %add3A_1809 : i32 to index
        %get3A_1811 = arith.constant 32 : index
        %get3A_1812 = tpu.vector_load %arg7[%get3A_1810, %get3A_1811] {strides = array<i32>} : memref<64x256xf32, #tpu.memory_space<vmem>>, vector<16xf32>,
        %sub3A_1813 = arith.subf %get3A_1812, %get3A_7 : vector<16xf32>
        %mul3A_1814 = arith.mulf %sub3A_1813, %sub3A_1813 : vector<16xf32>
        %add3A_1815 = arith.addf %add3A_1799, %mul3A_1814 : vector<16xf32>
        %add3A_1816 = arith.constant 12 : i32
        %add3A_1817 = arith.addi %mul3A_85, %add3A_1816 : i32
        %get3A_1818 = arith.index_cast %add3A_1817 : i32 to index
        %get3A_1819 = arith.constant 48 : index
        %get3A_1820 = tpu.vector_load %arg7[%get3A_1818, %get3A_1819] {strides = array<i32>} : memref<64x256xf32, #tpu.memory_space<vmem>>, vector<16xf32>,
        %sub3A_1821 = arith.subf %get3A_1820, %get3A_9 : vector<16xf32>
        %mul3A_1822 = arith.mulf %sub3A_1821, %sub3A_1821 : vector<16xf32>
        %add3A_1823 = arith.addf %add3A_1807, %mul3A_1822 : vector<16xf32>
        %add3A_1824 = arith.constant 12 : i32
        %add3A_1825 = arith.addi %mul3A_85, %add3A_1824 : i32
        %get3A_1826 = arith.index_cast %add3A_1825 : i32 to index
        %get3A_1827 = arith.constant 64 : index
        %get3A_1828 = tpu.vector_load %arg7[%get3A_1826, %get3A_1827] {strides = array<i32>} : memref<64x256xf32, #tpu.memory_space<vmem>>, vector<16xf32>,
        %sub3A_1829 = arith.subf %get3A_1828, %get3A_11 : vector<16xf32>
        %mul3A_1830 = arith.mulf %sub3A_1829, %sub3A_1829 : vector<16xf32>
        %add3A_1831 = arith.addf %add3A_1815, %mul3A_1830 : vector<16xf32>
        %add3A_1832 = arith.constant 12 : i32
        %add3A_1833 = arith.addi %mul3A_85, %add3A_1832 : i32
        %get3A_1834 = arith.index_cast %add3A_1833 : i32 to index
        %get3A_1835 = arith.constant 80 : index
        %get3A_1836 = tpu.vector_load %arg7[%get3A_1834, %get3A_1835] {strides = array<i32>} : memref<64x256xf32, #tpu.memory_space<vmem>>, vector<16xf32>,
        %sub3A_1837 = arith.subf %get3A_1836, %get3A_13 : vector<16xf32>
        %mul3A_1838 = arith.mulf %sub3A_1837, %sub3A_1837 : vector<16xf32>
        %add3A_1839 = arith.addf %add3A_1823, %mul3A_1838 : vector<16xf32>
        %add3A_1840 = arith.constant 12 : i32
        %add3A_1841 = arith.addi %mul3A_85, %add3A_1840 : i32
        %get3A_1842 = arith.index_cast %add3A_1841 : i32 to index
        %get3A_1843 = arith.constant 96 : index
        %get3A_1844 = tpu.vector_load %arg7[%get3A_1842, %get3A_1843] {strides = array<i32>} : memref<64x256xf32, #tpu.memory_space<vmem>>, vector<16xf32>,
        %sub3A_1845 = arith.subf %get3A_1844, %get3A_15 : vector<16xf32>
        %mul3A_1846 = arith.mulf %sub3A_1845, %sub3A_1845 : vector<16xf32>
        %add3A_1847 = arith.addf %add3A_1831, %mul3A_1846 : vector<16xf32>
        %add3A_1848 = arith.constant 12 : i32
        %add3A_1849 = arith.addi %mul3A_85, %add3A_1848 : i32
        %get3A_1850 = arith.index_cast %add3A_1849 : i32 to index
        %get3A_1851 = arith.constant 112 : index
        %get3A_1852 = tpu.vector_load %arg7[%get3A_1850, %get3A_1851] {strides = array<i32>} : memref<64x256xf32, #tpu.memory_space<vmem>>, vector<16xf32>,
        %sub3A_1853 = arith.subf %get3A_1852, %get3A_17 : vector<16xf32>
        %mul3A_1854 = arith.mulf %sub3A_1853, %sub3A_1853 : vector<16xf32>
        %add3A_1855 = arith.addf %add3A_1839, %mul3A_1854 : vector<16xf32>
        %add3A_1856 = arith.constant 12 : i32
        %add3A_1857 = arith.addi %mul3A_85, %add3A_1856 : i32
        %get3A_1858 = arith.index_cast %add3A_1857 : i32 to index
        %get3A_1859 = arith.constant 128 : index
        %get3A_1860 = tpu.vector_load %arg7[%get3A_1858, %get3A_1859] {strides = array<i32>} : memref<64x256xf32, #tpu.memory_space<vmem>>, vector<16xf32>,
        %sub3A_1861 = arith.subf %get3A_1860, %get3A_19 : vector<16xf32>
        %mul3A_1862 = arith.mulf %sub3A_1861, %sub3A_1861 : vector<16xf32>
        %add3A_1863 = arith.addf %add3A_1847, %mul3A_1862 : vector<16xf32>
        %add3A_1864 = arith.constant 12 : i32
        %add3A_1865 = arith.addi %mul3A_85, %add3A_1864 : i32
        %get3A_1866 = arith.index_cast %add3A_1865 : i32 to index
        %get3A_1867 = arith.constant 144 : index
        %get3A_1868 = tpu.vector_load %arg7[%get3A_1866, %get3A_1867] {strides = array<i32>} : memref<64x256xf32, #tpu.memory_space<vmem>>, vector<16xf32>,
        %sub3A_1869 = arith.subf %get3A_1868, %get3A_21 : vector<16xf32>
        %mul3A_1870 = arith.mulf %sub3A_1869, %sub3A_1869 : vector<16xf32>
        %add3A_1871 = arith.addf %add3A_1855, %mul3A_1870 : vector<16xf32>
        %add3A_1872 = arith.constant 12 : i32
        %add3A_1873 = arith.addi %mul3A_85, %add3A_1872 : i32
        %get3A_1874 = arith.index_cast %add3A_1873 : i32 to index
        %get3A_1875 = arith.constant 160 : index
        %get3A_1876 = tpu.vector_load %arg7[%get3A_1874, %get3A_1875] {strides = array<i32>} : memref<64x256xf32, #tpu.memory_space<vmem>>, vector<16xf32>,
        %sub3A_1877 = arith.subf %get3A_1876, %get3A_23 : vector<16xf32>
        %mul3A_1878 = arith.mulf %sub3A_1877, %sub3A_1877 : vector<16xf32>
        %add3A_1879 = arith.addf %add3A_1863, %mul3A_1878 : vector<16xf32>
        %add3A_1880 = arith.constant 12 : i32
        %add3A_1881 = arith.addi %mul3A_85, %add3A_1880 : i32
        %get3A_1882 = arith.index_cast %add3A_1881 : i32 to index
        %get3A_1883 = arith.constant 176 : index
        %get3A_1884 = tpu.vector_load %arg7[%get3A_1882, %get3A_1883] {strides = array<i32>} : memref<64x256xf32, #tpu.memory_space<vmem>>, vector<16xf32>,
        %sub3A_1885 = arith.subf %get3A_1884, %get3A_25 : vector<16xf32>
        %mul3A_1886 = arith.mulf %sub3A_1885, %sub3A_1885 : vector<16xf32>
        %add3A_1887 = arith.addf %add3A_1871, %mul3A_1886 : vector<16xf32>
        %add3A_1888 = arith.constant 12 : i32
        %add3A_1889 = arith.addi %mul3A_85, %add3A_1888 : i32
        %get3A_1890 = arith.index_cast %add3A_1889 : i32 to index
        %get3A_1891 = arith.constant 192 : index
        %get3A_1892 = tpu.vector_load %arg7[%get3A_1890, %get3A_1891] {strides = array<i32>} : memref<64x256xf32, #tpu.memory_space<vmem>>, vector<16xf32>,
        %sub3A_1893 = arith.subf %get3A_1892, %get3A_27 : vector<16xf32>
        %mul3A_1894 = arith.mulf %sub3A_1893, %sub3A_1893 : vector<16xf32>
        %add3A_1895 = arith.addf %add3A_1879, %mul3A_1894 : vector<16xf32>
        %add3A_1896 = arith.constant 12 : i32
        %add3A_1897 = arith.addi %mul3A_85, %add3A_1896 : i32
        %get3A_1898 = arith.index_cast %add3A_1897 : i32 to index
        %get3A_1899 = arith.constant 208 : index
        %get3A_1900 = tpu.vector_load %arg7[%get3A_1898, %get3A_1899] {strides = array<i32>} : memref<64x256xf32, #tpu.memory_space<vmem>>, vector<16xf32>,
        %sub3A_1901 = arith.subf %get3A_1900, %get3A_29 : vector<16xf32>
        %mul3A_1902 = arith.mulf %sub3A_1901, %sub3A_1901 : vector<16xf32>
        %add3A_1903 = arith.addf %add3A_1887, %mul3A_1902 : vector<16xf32>
        %add3A_1904 = arith.constant 12 : i32
        %add3A_1905 = arith.addi %mul3A_85, %add3A_1904 : i32
        %get3A_1906 = arith.index_cast %add3A_1905 : i32 to index
        %get3A_1907 = arith.constant 224 : index
        %get3A_1908 = tpu.vector_load %arg7[%get3A_1906, %get3A_1907] {strides = array<i32>} : memref<64x256xf32, #tpu.memory_space<vmem>>, vector<16xf32>,
        %sub3A_1909 = arith.subf %get3A_1908, %get3A_31 : vector<16xf32>
        %mul3A_1910 = arith.mulf %sub3A_1909, %sub3A_1909 : vector<16xf32>
        %add3A_1911 = arith.addf %add3A_1895, %mul3A_1910 : vector<16xf32>
        %add3A_1912 = arith.constant 12 : i32
        %add3A_1913 = arith.addi %mul3A_85, %add3A_1912 : i32
        %get3A_1914 = arith.index_cast %add3A_1913 : i32 to index
        %get3A_1915 = arith.constant 240 : index
        %get3A_1916 = tpu.vector_load %arg7[%get3A_1914, %get3A_1915] {strides = array<i32>} : memref<64x256xf32, #tpu.memory_space<vmem>>, vector<16xf32>,
        %sub3A_1917 = arith.subf %get3A_1916, %get3A_33 : vector<16xf32>
        %mul3A_1918 = arith.mulf %sub3A_1917, %sub3A_1917 : vector<16xf32>
        %add3A_1919 = arith.addf %add3A_1903, %mul3A_1918 : vector<16xf32>
        %add3A_1920 = arith.addf %add3A_1911, %add3A_1919 : vector<16xf32>
        %reduce_sum3A_1921 = arith.constant true
        %reduce_sum3A_1922 = vector.broadcast %reduce_sum3A_1921 : i1 to vector<16xi1>
        %reduce_sum3A_1923 = tpu.scan <sum>, %add3A_1920 masked %reduce_sum3A_1922 : vector<16xf32>, vector<16xi1> -> vector<16xf32>
        %reduce_sum3A_1924 = vector.extract %reduce_sum3A_1923[15] : f32 from vector<16xf32>
        %eq3A_1925 = arith.constant 12 : i32
        %eq3A_1926 = vector.broadcast %eq3A_1925 : i32 to vector<16xi32>
        %eq3A_1927 = arith.cmpi eq, %iota3A, %eq3A_1926 : vector<16xi32>
        %broadcast_in_dim3A_1928 = vector.broadcast %reduce_sum3A_1924 : f32 to vector<16xf32>
        %select_n3A_1929 = arith.select %eq3A_1927, %broadcast_in_dim3A_1928, %select_n3A_1787 : vector<16xi1>, vector<16xf32>
        %broadcast_in_dim3A_1930 = arith.constant 0.000000e+00 : f32
        %broadcast_in_dim3A_1931 = vector.broadcast %broadcast_in_dim3A_1930 : f32 to vector<16xf32>
        %broadcast_in_dim3A_1932 = arith.constant 0.000000e+00 : f32
        %broadcast_in_dim3A_1933 = vector.broadcast %broadcast_in_dim3A_1932 : f32 to vector<16xf32>
        %add3A_1934 = arith.constant 13 : i32
        %add3A_1935 = arith.addi %mul3A_85, %add3A_1934 : i32
        %get3A_1936 = arith.index_cast %add3A_1935 : i32 to index
        %get3A_1937 = arith.constant 0 : index
        %get3A_1938 = tpu.vector_load %arg7[%get3A_1936, %get3A_1937] {strides = array<i32>} : memref<64x256xf32, #tpu.memory_space<vmem>>, vector<16xf32>,
        %sub3A_1939 = arith.subf %get3A_1938, %get3A_3 : vector<16xf32>
        %mul3A_1940 = arith.mulf %sub3A_1939, %sub3A_1939 : vector<16xf32>
        %add3A_1941 = arith.addf %broadcast_in_dim3A_1931, %mul3A_1940 : vector<16xf32>
        %add3A_1942 = arith.constant 13 : i32
        %add3A_1943 = arith.addi %mul3A_85, %add3A_1942 : i32
        %get3A_1944 = arith.index_cast %add3A_1943 : i32 to index
        %get3A_1945 = arith.constant 16 : index
        %get3A_1946 = tpu.vector_load %arg7[%get3A_1944, %get3A_1945] {strides = array<i32>} : memref<64x256xf32, #tpu.memory_space<vmem>>, vector<16xf32>,
        %sub3A_1947 = arith.subf %get3A_1946, %get3A_5 : vector<16xf32>
        %mul3A_1948 = arith.mulf %sub3A_1947, %sub3A_1947 : vector<16xf32>
        %add3A_1949 = arith.addf %broadcast_in_dim3A_1933, %mul3A_1948 : vector<16xf32>
        %add3A_1950 = arith.constant 13 : i32
        %add3A_1951 = arith.addi %mul3A_85, %add3A_1950 : i32
        %get3A_1952 = arith.index_cast %add3A_1951 : i32 to index
        %get3A_1953 = arith.constant 32 : index
        %get3A_1954 = tpu.vector_load %arg7[%get3A_1952, %get3A_1953] {strides = array<i32>} : memref<64x256xf32, #tpu.memory_space<vmem>>, vector<16xf32>,
        %sub3A_1955 = arith.subf %get3A_1954, %get3A_7 : vector<16xf32>
        %mul3A_1956 = arith.mulf %sub3A_1955, %sub3A_1955 : vector<16xf32>
        %add3A_1957 = arith.addf %add3A_1941, %mul3A_1956 : vector<16xf32>
        %add3A_1958 = arith.constant 13 : i32
        %add3A_1959 = arith.addi %mul3A_85, %add3A_1958 : i32
        %get3A_1960 = arith.index_cast %add3A_1959 : i32 to index
        %get3A_1961 = arith.constant 48 : index
        %get3A_1962 = tpu.vector_load %arg7[%get3A_1960, %get3A_1961] {strides = array<i32>} : memref<64x256xf32, #tpu.memory_space<vmem>>, vector<16xf32>,
        %sub3A_1963 = arith.subf %get3A_1962, %get3A_9 : vector<16xf32>
        %mul3A_1964 = arith.mulf %sub3A_1963, %sub3A_1963 : vector<16xf32>
        %add3A_1965 = arith.addf %add3A_1949, %mul3A_1964 : vector<16xf32>
        %add3A_1966 = arith.constant 13 : i32
        %add3A_1967 = arith.addi %mul3A_85, %add3A_1966 : i32
        %get3A_1968 = arith.index_cast %add3A_1967 : i32 to index
        %get3A_1969 = arith.constant 64 : index
        %get3A_1970 = tpu.vector_load %arg7[%get3A_1968, %get3A_1969] {strides = array<i32>} : memref<64x256xf32, #tpu.memory_space<vmem>>, vector<16xf32>,
        %sub3A_1971 = arith.subf %get3A_1970, %get3A_11 : vector<16xf32>
        %mul3A_1972 = arith.mulf %sub3A_1971, %sub3A_1971 : vector<16xf32>
        %add3A_1973 = arith.addf %add3A_1957, %mul3A_1972 : vector<16xf32>
        %add3A_1974 = arith.constant 13 : i32
        %add3A_1975 = arith.addi %mul3A_85, %add3A_1974 : i32
        %get3A_1976 = arith.index_cast %add3A_1975 : i32 to index
        %get3A_1977 = arith.constant 80 : index
        %get3A_1978 = tpu.vector_load %arg7[%get3A_1976, %get3A_1977] {strides = array<i32>} : memref<64x256xf32, #tpu.memory_space<vmem>>, vector<16xf32>,
        %sub3A_1979 = arith.subf %get3A_1978, %get3A_13 : vector<16xf32>
        %mul3A_1980 = arith.mulf %sub3A_1979, %sub3A_1979 : vector<16xf32>
        %add3A_1981 = arith.addf %add3A_1965, %mul3A_1980 : vector<16xf32>
        %add3A_1982 = arith.constant 13 : i32
        %add3A_1983 = arith.addi %mul3A_85, %add3A_1982 : i32
        %get3A_1984 = arith.index_cast %add3A_1983 : i32 to index
        %get3A_1985 = arith.constant 96 : index
        %get3A_1986 = tpu.vector_load %arg7[%get3A_1984, %get3A_1985] {strides = array<i32>} : memref<64x256xf32, #tpu.memory_space<vmem>>, vector<16xf32>,
        %sub3A_1987 = arith.subf %get3A_1986, %get3A_15 : vector<16xf32>
        %mul3A_1988 = arith.mulf %sub3A_1987, %sub3A_1987 : vector<16xf32>
        %add3A_1989 = arith.addf %add3A_1973, %mul3A_1988 : vector<16xf32>
        %add3A_1990 = arith.constant 13 : i32
        %add3A_1991 = arith.addi %mul3A_85, %add3A_1990 : i32
        %get3A_1992 = arith.index_cast %add3A_1991 : i32 to index
        %get3A_1993 = arith.constant 112 : index
        %get3A_1994 = tpu.vector_load %arg7[%get3A_1992, %get3A_1993] {strides = array<i32>} : memref<64x256xf32, #tpu.memory_space<vmem>>, vector<16xf32>,
        %sub3A_1995 = arith.subf %get3A_1994, %get3A_17 : vector<16xf32>
        %mul3A_1996 = arith.mulf %sub3A_1995, %sub3A_1995 : vector<16xf32>
        %add3A_1997 = arith.addf %add3A_1981, %mul3A_1996 : vector<16xf32>
        %add3A_1998 = arith.constant 13 : i32
        %add3A_1999 = arith.addi %mul3A_85, %add3A_1998 : i32
        %get3A_2000 = arith.index_cast %add3A_1999 : i32 to index
        %get3A_2001 = arith.constant 128 : index
        %get3A_2002 = tpu.vector_load %arg7[%get3A_2000, %get3A_2001] {strides = array<i32>} : memref<64x256xf32, #tpu.memory_space<vmem>>, vector<16xf32>,
        %sub3A_2003 = arith.subf %get3A_2002, %get3A_19 : vector<16xf32>
        %mul3A_2004 = arith.mulf %sub3A_2003, %sub3A_2003 : vector<16xf32>
        %add3A_2005 = arith.addf %add3A_1989, %mul3A_2004 : vector<16xf32>
        %add3A_2006 = arith.constant 13 : i32
        %add3A_2007 = arith.addi %mul3A_85, %add3A_2006 : i32
        %get3A_2008 = arith.index_cast %add3A_2007 : i32 to index
        %get3A_2009 = arith.constant 144 : index
        %get3A_2010 = tpu.vector_load %arg7[%get3A_2008, %get3A_2009] {strides = array<i32>} : memref<64x256xf32, #tpu.memory_space<vmem>>, vector<16xf32>,
        %sub3A_2011 = arith.subf %get3A_2010, %get3A_21 : vector<16xf32>
        %mul3A_2012 = arith.mulf %sub3A_2011, %sub3A_2011 : vector<16xf32>
        %add3A_2013 = arith.addf %add3A_1997, %mul3A_2012 : vector<16xf32>
        %add3A_2014 = arith.constant 13 : i32
        %add3A_2015 = arith.addi %mul3A_85, %add3A_2014 : i32
        %get3A_2016 = arith.index_cast %add3A_2015 : i32 to index
        %get3A_2017 = arith.constant 160 : index
        %get3A_2018 = tpu.vector_load %arg7[%get3A_2016, %get3A_2017] {strides = array<i32>} : memref<64x256xf32, #tpu.memory_space<vmem>>, vector<16xf32>,
        %sub3A_2019 = arith.subf %get3A_2018, %get3A_23 : vector<16xf32>
        %mul3A_2020 = arith.mulf %sub3A_2019, %sub3A_2019 : vector<16xf32>
        %add3A_2021 = arith.addf %add3A_2005, %mul3A_2020 : vector<16xf32>
        %add3A_2022 = arith.constant 13 : i32
        %add3A_2023 = arith.addi %mul3A_85, %add3A_2022 : i32
        %get3A_2024 = arith.index_cast %add3A_2023 : i32 to index
        %get3A_2025 = arith.constant 176 : index
        %get3A_2026 = tpu.vector_load %arg7[%get3A_2024, %get3A_2025] {strides = array<i32>} : memref<64x256xf32, #tpu.memory_space<vmem>>, vector<16xf32>,
        %sub3A_2027 = arith.subf %get3A_2026, %get3A_25 : vector<16xf32>
        %mul3A_2028 = arith.mulf %sub3A_2027, %sub3A_2027 : vector<16xf32>
        %add3A_2029 = arith.addf %add3A_2013, %mul3A_2028 : vector<16xf32>
        %add3A_2030 = arith.constant 13 : i32
        %add3A_2031 = arith.addi %mul3A_85, %add3A_2030 : i32
        %get3A_2032 = arith.index_cast %add3A_2031 : i32 to index
        %get3A_2033 = arith.constant 192 : index
        %get3A_2034 = tpu.vector_load %arg7[%get3A_2032, %get3A_2033] {strides = array<i32>} : memref<64x256xf32, #tpu.memory_space<vmem>>, vector<16xf32>,
        %sub3A_2035 = arith.subf %get3A_2034, %get3A_27 : vector<16xf32>
        %mul3A_2036 = arith.mulf %sub3A_2035, %sub3A_2035 : vector<16xf32>
        %add3A_2037 = arith.addf %add3A_2021, %mul3A_2036 : vector<16xf32>
        %add3A_2038 = arith.constant 13 : i32
        %add3A_2039 = arith.addi %mul3A_85, %add3A_2038 : i32
        %get3A_2040 = arith.index_cast %add3A_2039 : i32 to index
        %get3A_2041 = arith.constant 208 : index
        %get3A_2042 = tpu.vector_load %arg7[%get3A_2040, %get3A_2041] {strides = array<i32>} : memref<64x256xf32, #tpu.memory_space<vmem>>, vector<16xf32>,
        %sub3A_2043 = arith.subf %get3A_2042, %get3A_29 : vector<16xf32>
        %mul3A_2044 = arith.mulf %sub3A_2043, %sub3A_2043 : vector<16xf32>
        %add3A_2045 = arith.addf %add3A_2029, %mul3A_2044 : vector<16xf32>
        %add3A_2046 = arith.constant 13 : i32
        %add3A_2047 = arith.addi %mul3A_85, %add3A_2046 : i32
        %get3A_2048 = arith.index_cast %add3A_2047 : i32 to index
        %get3A_2049 = arith.constant 224 : index
        %get3A_2050 = tpu.vector_load %arg7[%get3A_2048, %get3A_2049] {strides = array<i32>} : memref<64x256xf32, #tpu.memory_space<vmem>>, vector<16xf32>,
        %sub3A_2051 = arith.subf %get3A_2050, %get3A_31 : vector<16xf32>
        %mul3A_2052 = arith.mulf %sub3A_2051, %sub3A_2051 : vector<16xf32>
        %add3A_2053 = arith.addf %add3A_2037, %mul3A_2052 : vector<16xf32>
        %add3A_2054 = arith.constant 13 : i32
        %add3A_2055 = arith.addi %mul3A_85, %add3A_2054 : i32
        %get3A_2056 = arith.index_cast %add3A_2055 : i32 to index
        %get3A_2057 = arith.constant 240 : index
        %get3A_2058 = tpu.vector_load %arg7[%get3A_2056, %get3A_2057] {strides = array<i32>} : memref<64x256xf32, #tpu.memory_space<vmem>>, vector<16xf32>,
        %sub3A_2059 = arith.subf %get3A_2058, %get3A_33 : vector<16xf32>
        %mul3A_2060 = arith.mulf %sub3A_2059, %sub3A_2059 : vector<16xf32>
        %add3A_2061 = arith.addf %add3A_2045, %mul3A_2060 : vector<16xf32>
        %add3A_2062 = arith.addf %add3A_2053, %add3A_2061 : vector<16xf32>
        %reduce_sum3A_2063 = arith.constant true
        %reduce_sum3A_2064 = vector.broadcast %reduce_sum3A_2063 : i1 to vector<16xi1>
        %reduce_sum3A_2065 = tpu.scan <sum>, %add3A_2062 masked %reduce_sum3A_2064 : vector<16xf32>, vector<16xi1> -> vector<16xf32>
        %reduce_sum3A_2066 = vector.extract %reduce_sum3A_2065[15] : f32 from vector<16xf32>
        %eq3A_2067 = arith.constant 13 : i32
        %eq3A_2068 = vector.broadcast %eq3A_2067 : i32 to vector<16xi32>
        %eq3A_2069 = arith.cmpi eq, %iota3A, %eq3A_2068 : vector<16xi32>
        %broadcast_in_dim3A_2070 = vector.broadcast %reduce_sum3A_2066 : f32 to vector<16xf32>
        %select_n3A_2071 = arith.select %eq3A_2069, %broadcast_in_dim3A_2070, %select_n3A_1929 : vector<16xi1>, vector<16xf32>
        %broadcast_in_dim3A_2072 = arith.constant 0.000000e+00 : f32
        %broadcast_in_dim3A_2073 = vector.broadcast %broadcast_in_dim3A_2072 : f32 to vector<16xf32>
        %broadcast_in_dim3A_2074 = arith.constant 0.000000e+00 : f32
        %broadcast_in_dim3A_2075 = vector.broadcast %broadcast_in_dim3A_2074 : f32 to vector<16xf32>
        %add3A_2076 = arith.constant 14 : i32
        %add3A_2077 = arith.addi %mul3A_85, %add3A_2076 : i32
        %get3A_2078 = arith.index_cast %add3A_2077 : i32 to index
        %get3A_2079 = arith.constant 0 : index
        %get3A_2080 = tpu.vector_load %arg7[%get3A_2078, %get3A_2079] {strides = array<i32>} : memref<64x256xf32, #tpu.memory_space<vmem>>, vector<16xf32>,
        %sub3A_2081 = arith.subf %get3A_2080, %get3A_3 : vector<16xf32>
        %mul3A_2082 = arith.mulf %sub3A_2081, %sub3A_2081 : vector<16xf32>
        %add3A_2083 = arith.addf %broadcast_in_dim3A_2073, %mul3A_2082 : vector<16xf32>
        %add3A_2084 = arith.constant 14 : i32
        %add3A_2085 = arith.addi %mul3A_85, %add3A_2084 : i32
        %get3A_2086 = arith.index_cast %add3A_2085 : i32 to index
        %get3A_2087 = arith.constant 16 : index
        %get3A_2088 = tpu.vector_load %arg7[%get3A_2086, %get3A_2087] {strides = array<i32>} : memref<64x256xf32, #tpu.memory_space<vmem>>, vector<16xf32>,
        %sub3A_2089 = arith.subf %get3A_2088, %get3A_5 : vector<16xf32>
        %mul3A_2090 = arith.mulf %sub3A_2089, %sub3A_2089 : vector<16xf32>
        %add3A_2091 = arith.addf %broadcast_in_dim3A_2075, %mul3A_2090 : vector<16xf32>
        %add3A_2092 = arith.constant 14 : i32
        %add3A_2093 = arith.addi %mul3A_85, %add3A_2092 : i32
        %get3A_2094 = arith.index_cast %add3A_2093 : i32 to index
        %get3A_2095 = arith.constant 32 : index
        %get3A_2096 = tpu.vector_load %arg7[%get3A_2094, %get3A_2095] {strides = array<i32>} : memref<64x256xf32, #tpu.memory_space<vmem>>, vector<16xf32>,
        %sub3A_2097 = arith.subf %get3A_2096, %get3A_7 : vector<16xf32>
        %mul3A_2098 = arith.mulf %sub3A_2097, %sub3A_2097 : vector<16xf32>
        %add3A_2099 = arith.addf %add3A_2083, %mul3A_2098 : vector<16xf32>
        %add3A_2100 = arith.constant 14 : i32
        %add3A_2101 = arith.addi %mul3A_85, %add3A_2100 : i32
        %get3A_2102 = arith.index_cast %add3A_2101 : i32 to index
        %get3A_2103 = arith.constant 48 : index
        %get3A_2104 = tpu.vector_load %arg7[%get3A_2102, %get3A_2103] {strides = array<i32>} : memref<64x256xf32, #tpu.memory_space<vmem>>, vector<16xf32>,
        %sub3A_2105 = arith.subf %get3A_2104, %get3A_9 : vector<16xf32>
        %mul3A_2106 = arith.mulf %sub3A_2105, %sub3A_2105 : vector<16xf32>
        %add3A_2107 = arith.addf %add3A_2091, %mul3A_2106 : vector<16xf32>
        %add3A_2108 = arith.constant 14 : i32
        %add3A_2109 = arith.addi %mul3A_85, %add3A_2108 : i32
        %get3A_2110 = arith.index_cast %add3A_2109 : i32 to index
        %get3A_2111 = arith.constant 64 : index
        %get3A_2112 = tpu.vector_load %arg7[%get3A_2110, %get3A_2111] {strides = array<i32>} : memref<64x256xf32, #tpu.memory_space<vmem>>, vector<16xf32>,
        %sub3A_2113 = arith.subf %get3A_2112, %get3A_11 : vector<16xf32>
        %mul3A_2114 = arith.mulf %sub3A_2113, %sub3A_2113 : vector<16xf32>
        %add3A_2115 = arith.addf %add3A_2099, %mul3A_2114 : vector<16xf32>
        %add3A_2116 = arith.constant 14 : i32
        %add3A_2117 = arith.addi %mul3A_85, %add3A_2116 : i32
        %get3A_2118 = arith.index_cast %add3A_2117 : i32 to index
        %get3A_2119 = arith.constant 80 : index
        %get3A_2120 = tpu.vector_load %arg7[%get3A_2118, %get3A_2119] {strides = array<i32>} : memref<64x256xf32, #tpu.memory_space<vmem>>, vector<16xf32>,
        %sub3A_2121 = arith.subf %get3A_2120, %get3A_13 : vector<16xf32>
        %mul3A_2122 = arith.mulf %sub3A_2121, %sub3A_2121 : vector<16xf32>
        %add3A_2123 = arith.addf %add3A_2107, %mul3A_2122 : vector<16xf32>
        %add3A_2124 = arith.constant 14 : i32
        %add3A_2125 = arith.addi %mul3A_85, %add3A_2124 : i32
        %get3A_2126 = arith.index_cast %add3A_2125 : i32 to index
        %get3A_2127 = arith.constant 96 : index
        %get3A_2128 = tpu.vector_load %arg7[%get3A_2126, %get3A_2127] {strides = array<i32>} : memref<64x256xf32, #tpu.memory_space<vmem>>, vector<16xf32>,
        %sub3A_2129 = arith.subf %get3A_2128, %get3A_15 : vector<16xf32>
        %mul3A_2130 = arith.mulf %sub3A_2129, %sub3A_2129 : vector<16xf32>
        %add3A_2131 = arith.addf %add3A_2115, %mul3A_2130 : vector<16xf32>
        %add3A_2132 = arith.constant 14 : i32
        %add3A_2133 = arith.addi %mul3A_85, %add3A_2132 : i32
        %get3A_2134 = arith.index_cast %add3A_2133 : i32 to index
        %get3A_2135 = arith.constant 112 : index
        %get3A_2136 = tpu.vector_load %arg7[%get3A_2134, %get3A_2135] {strides = array<i32>} : memref<64x256xf32, #tpu.memory_space<vmem>>, vector<16xf32>,
        %sub3A_2137 = arith.subf %get3A_2136, %get3A_17 : vector<16xf32>
        %mul3A_2138 = arith.mulf %sub3A_2137, %sub3A_2137 : vector<16xf32>
        %add3A_2139 = arith.addf %add3A_2123, %mul3A_2138 : vector<16xf32>
        %add3A_2140 = arith.constant 14 : i32
        %add3A_2141 = arith.addi %mul3A_85, %add3A_2140 : i32
        %get3A_2142 = arith.index_cast %add3A_2141 : i32 to index
        %get3A_2143 = arith.constant 128 : index
        %get3A_2144 = tpu.vector_load %arg7[%get3A_2142, %get3A_2143] {strides = array<i32>} : memref<64x256xf32, #tpu.memory_space<vmem>>, vector<16xf32>,
        %sub3A_2145 = arith.subf %get3A_2144, %get3A_19 : vector<16xf32>
        %mul3A_2146 = arith.mulf %sub3A_2145, %sub3A_2145 : vector<16xf32>
        %add3A_2147 = arith.addf %add3A_2131, %mul3A_2146 : vector<16xf32>
        %add3A_2148 = arith.constant 14 : i32
        %add3A_2149 = arith.addi %mul3A_85, %add3A_2148 : i32
        %get3A_2150 = arith.index_cast %add3A_2149 : i32 to index
        %get3A_2151 = arith.constant 144 : index
        %get3A_2152 = tpu.vector_load %arg7[%get3A_2150, %get3A_2151] {strides = array<i32>} : memref<64x256xf32, #tpu.memory_space<vmem>>, vector<16xf32>,
        %sub3A_2153 = arith.subf %get3A_2152, %get3A_21 : vector<16xf32>
        %mul3A_2154 = arith.mulf %sub3A_2153, %sub3A_2153 : vector<16xf32>
        %add3A_2155 = arith.addf %add3A_2139, %mul3A_2154 : vector<16xf32>
        %add3A_2156 = arith.constant 14 : i32
        %add3A_2157 = arith.addi %mul3A_85, %add3A_2156 : i32
        %get3A_2158 = arith.index_cast %add3A_2157 : i32 to index
        %get3A_2159 = arith.constant 160 : index
        %get3A_2160 = tpu.vector_load %arg7[%get3A_2158, %get3A_2159] {strides = array<i32>} : memref<64x256xf32, #tpu.memory_space<vmem>>, vector<16xf32>,
        %sub3A_2161 = arith.subf %get3A_2160, %get3A_23 : vector<16xf32>
        %mul3A_2162 = arith.mulf %sub3A_2161, %sub3A_2161 : vector<16xf32>
        %add3A_2163 = arith.addf %add3A_2147, %mul3A_2162 : vector<16xf32>
        %add3A_2164 = arith.constant 14 : i32
        %add3A_2165 = arith.addi %mul3A_85, %add3A_2164 : i32
        %get3A_2166 = arith.index_cast %add3A_2165 : i32 to index
        %get3A_2167 = arith.constant 176 : index
        %get3A_2168 = tpu.vector_load %arg7[%get3A_2166, %get3A_2167] {strides = array<i32>} : memref<64x256xf32, #tpu.memory_space<vmem>>, vector<16xf32>,
        %sub3A_2169 = arith.subf %get3A_2168, %get3A_25 : vector<16xf32>
        %mul3A_2170 = arith.mulf %sub3A_2169, %sub3A_2169 : vector<16xf32>
        %add3A_2171 = arith.addf %add3A_2155, %mul3A_2170 : vector<16xf32>
        %add3A_2172 = arith.constant 14 : i32
        %add3A_2173 = arith.addi %mul3A_85, %add3A_2172 : i32
        %get3A_2174 = arith.index_cast %add3A_2173 : i32 to index
        %get3A_2175 = arith.constant 192 : index
        %get3A_2176 = tpu.vector_load %arg7[%get3A_2174, %get3A_2175] {strides = array<i32>} : memref<64x256xf32, #tpu.memory_space<vmem>>, vector<16xf32>,
        %sub3A_2177 = arith.subf %get3A_2176, %get3A_27 : vector<16xf32>
        %mul3A_2178 = arith.mulf %sub3A_2177, %sub3A_2177 : vector<16xf32>
        %add3A_2179 = arith.addf %add3A_2163, %mul3A_2178 : vector<16xf32>
        %add3A_2180 = arith.constant 14 : i32
        %add3A_2181 = arith.addi %mul3A_85, %add3A_2180 : i32
        %get3A_2182 = arith.index_cast %add3A_2181 : i32 to index
        %get3A_2183 = arith.constant 208 : index
        %get3A_2184 = tpu.vector_load %arg7[%get3A_2182, %get3A_2183] {strides = array<i32>} : memref<64x256xf32, #tpu.memory_space<vmem>>, vector<16xf32>,
        %sub3A_2185 = arith.subf %get3A_2184, %get3A_29 : vector<16xf32>
        %mul3A_2186 = arith.mulf %sub3A_2185, %sub3A_2185 : vector<16xf32>
        %add3A_2187 = arith.addf %add3A_2171, %mul3A_2186 : vector<16xf32>
        %add3A_2188 = arith.constant 14 : i32
        %add3A_2189 = arith.addi %mul3A_85, %add3A_2188 : i32
        %get3A_2190 = arith.index_cast %add3A_2189 : i32 to index
        %get3A_2191 = arith.constant 224 : index
        %get3A_2192 = tpu.vector_load %arg7[%get3A_2190, %get3A_2191] {strides = array<i32>} : memref<64x256xf32, #tpu.memory_space<vmem>>, vector<16xf32>,
        %sub3A_2193 = arith.subf %get3A_2192, %get3A_31 : vector<16xf32>
        %mul3A_2194 = arith.mulf %sub3A_2193, %sub3A_2193 : vector<16xf32>
        %add3A_2195 = arith.addf %add3A_2179, %mul3A_2194 : vector<16xf32>
        %add3A_2196 = arith.constant 14 : i32
        %add3A_2197 = arith.addi %mul3A_85, %add3A_2196 : i32
        %get3A_2198 = arith.index_cast %add3A_2197 : i32 to index
        %get3A_2199 = arith.constant 240 : index
        %get3A_2200 = tpu.vector_load %arg7[%get3A_2198, %get3A_2199] {strides = array<i32>} : memref<64x256xf32, #tpu.memory_space<vmem>>, vector<16xf32>,
        %sub3A_2201 = arith.subf %get3A_2200, %get3A_33 : vector<16xf32>
        %mul3A_2202 = arith.mulf %sub3A_2201, %sub3A_2201 : vector<16xf32>
        %add3A_2203 = arith.addf %add3A_2187, %mul3A_2202 : vector<16xf32>
        %add3A_2204 = arith.addf %add3A_2195, %add3A_2203 : vector<16xf32>
        %reduce_sum3A_2205 = arith.constant true
        %reduce_sum3A_2206 = vector.broadcast %reduce_sum3A_2205 : i1 to vector<16xi1>
        %reduce_sum3A_2207 = tpu.scan <sum>, %add3A_2204 masked %reduce_sum3A_2206 : vector<16xf32>, vector<16xi1> -> vector<16xf32>
        %reduce_sum3A_2208 = vector.extract %reduce_sum3A_2207[15] : f32 from vector<16xf32>
        %eq3A_2209 = arith.constant 14 : i32
        %eq3A_2210 = vector.broadcast %eq3A_2209 : i32 to vector<16xi32>
        %eq3A_2211 = arith.cmpi eq, %iota3A, %eq3A_2210 : vector<16xi32>
        %broadcast_in_dim3A_2212 = vector.broadcast %reduce_sum3A_2208 : f32 to vector<16xf32>
        %select_n3A_2213 = arith.select %eq3A_2211, %broadcast_in_dim3A_2212, %select_n3A_2071 : vector<16xi1>, vector<16xf32>
        %broadcast_in_dim3A_2214 = arith.constant 0.000000e+00 : f32
        %broadcast_in_dim3A_2215 = vector.broadcast %broadcast_in_dim3A_2214 : f32 to vector<16xf32>
        %broadcast_in_dim3A_2216 = arith.constant 0.000000e+00 : f32
        %broadcast_in_dim3A_2217 = vector.broadcast %broadcast_in_dim3A_2216 : f32 to vector<16xf32>
        %add3A_2218 = arith.constant 15 : i32
        %add3A_2219 = arith.addi %mul3A_85, %add3A_2218 : i32
        %get3A_2220 = arith.index_cast %add3A_2219 : i32 to index
        %get3A_2221 = arith.constant 0 : index
        %get3A_2222 = tpu.vector_load %arg7[%get3A_2220, %get3A_2221] {strides = array<i32>} : memref<64x256xf32, #tpu.memory_space<vmem>>, vector<16xf32>,
        %sub3A_2223 = arith.subf %get3A_2222, %get3A_3 : vector<16xf32>
        %mul3A_2224 = arith.mulf %sub3A_2223, %sub3A_2223 : vector<16xf32>
        %add3A_2225 = arith.addf %broadcast_in_dim3A_2215, %mul3A_2224 : vector<16xf32>
        %add3A_2226 = arith.constant 15 : i32
        %add3A_2227 = arith.addi %mul3A_85, %add3A_2226 : i32
        %get3A_2228 = arith.index_cast %add3A_2227 : i32 to index
        %get3A_2229 = arith.constant 16 : index
        %get3A_2230 = tpu.vector_load %arg7[%get3A_2228, %get3A_2229] {strides = array<i32>} : memref<64x256xf32, #tpu.memory_space<vmem>>, vector<16xf32>,
        %sub3A_2231 = arith.subf %get3A_2230, %get3A_5 : vector<16xf32>
        %mul3A_2232 = arith.mulf %sub3A_2231, %sub3A_2231 : vector<16xf32>
        %add3A_2233 = arith.addf %broadcast_in_dim3A_2217, %mul3A_2232 : vector<16xf32>
        %add3A_2234 = arith.constant 15 : i32
        %add3A_2235 = arith.addi %mul3A_85, %add3A_2234 : i32
        %get3A_2236 = arith.index_cast %add3A_2235 : i32 to index
        %get3A_2237 = arith.constant 32 : index
        %get3A_2238 = tpu.vector_load %arg7[%get3A_2236, %get3A_2237] {strides = array<i32>} : memref<64x256xf32, #tpu.memory_space<vmem>>, vector<16xf32>,
        %sub3A_2239 = arith.subf %get3A_2238, %get3A_7 : vector<16xf32>
        %mul3A_2240 = arith.mulf %sub3A_2239, %sub3A_2239 : vector<16xf32>
        %add3A_2241 = arith.addf %add3A_2225, %mul3A_2240 : vector<16xf32>
        %add3A_2242 = arith.constant 15 : i32
        %add3A_2243 = arith.addi %mul3A_85, %add3A_2242 : i32
        %get3A_2244 = arith.index_cast %add3A_2243 : i32 to index
        %get3A_2245 = arith.constant 48 : index
        %get3A_2246 = tpu.vector_load %arg7[%get3A_2244, %get3A_2245] {strides = array<i32>} : memref<64x256xf32, #tpu.memory_space<vmem>>, vector<16xf32>,
        %sub3A_2247 = arith.subf %get3A_2246, %get3A_9 : vector<16xf32>
        %mul3A_2248 = arith.mulf %sub3A_2247, %sub3A_2247 : vector<16xf32>
        %add3A_2249 = arith.addf %add3A_2233, %mul3A_2248 : vector<16xf32>
        %add3A_2250 = arith.constant 15 : i32
        %add3A_2251 = arith.addi %mul3A_85, %add3A_2250 : i32
        %get3A_2252 = arith.index_cast %add3A_2251 : i32 to index
        %get3A_2253 = arith.constant 64 : index
        %get3A_2254 = tpu.vector_load %arg7[%get3A_2252, %get3A_2253] {strides = array<i32>} : memref<64x256xf32, #tpu.memory_space<vmem>>, vector<16xf32>,
        %sub3A_2255 = arith.subf %get3A_2254, %get3A_11 : vector<16xf32>
        %mul3A_2256 = arith.mulf %sub3A_2255, %sub3A_2255 : vector<16xf32>
        %add3A_2257 = arith.addf %add3A_2241, %mul3A_2256 : vector<16xf32>
        %add3A_2258 = arith.constant 15 : i32
        %add3A_2259 = arith.addi %mul3A_85, %add3A_2258 : i32
        %get3A_2260 = arith.index_cast %add3A_2259 : i32 to index
        %get3A_2261 = arith.constant 80 : index
        %get3A_2262 = tpu.vector_load %arg7[%get3A_2260, %get3A_2261] {strides = array<i32>} : memref<64x256xf32, #tpu.memory_space<vmem>>, vector<16xf32>,
        %sub3A_2263 = arith.subf %get3A_2262, %get3A_13 : vector<16xf32>
        %mul3A_2264 = arith.mulf %sub3A_2263, %sub3A_2263 : vector<16xf32>
        %add3A_2265 = arith.addf %add3A_2249, %mul3A_2264 : vector<16xf32>
        %add3A_2266 = arith.constant 15 : i32
        %add3A_2267 = arith.addi %mul3A_85, %add3A_2266 : i32
        %get3A_2268 = arith.index_cast %add3A_2267 : i32 to index
        %get3A_2269 = arith.constant 96 : index
        %get3A_2270 = tpu.vector_load %arg7[%get3A_2268, %get3A_2269] {strides = array<i32>} : memref<64x256xf32, #tpu.memory_space<vmem>>, vector<16xf32>,
        %sub3A_2271 = arith.subf %get3A_2270, %get3A_15 : vector<16xf32>
        %mul3A_2272 = arith.mulf %sub3A_2271, %sub3A_2271 : vector<16xf32>
        %add3A_2273 = arith.addf %add3A_2257, %mul3A_2272 : vector<16xf32>
        %add3A_2274 = arith.constant 15 : i32
        %add3A_2275 = arith.addi %mul3A_85, %add3A_2274 : i32
        %get3A_2276 = arith.index_cast %add3A_2275 : i32 to index
        %get3A_2277 = arith.constant 112 : index
        %get3A_2278 = tpu.vector_load %arg7[%get3A_2276, %get3A_2277] {strides = array<i32>} : memref<64x256xf32, #tpu.memory_space<vmem>>, vector<16xf32>,
        %sub3A_2279 = arith.subf %get3A_2278, %get3A_17 : vector<16xf32>
        %mul3A_2280 = arith.mulf %sub3A_2279, %sub3A_2279 : vector<16xf32>
        %add3A_2281 = arith.addf %add3A_2265, %mul3A_2280 : vector<16xf32>
        %add3A_2282 = arith.constant 15 : i32
        %add3A_2283 = arith.addi %mul3A_85, %add3A_2282 : i32
        %get3A_2284 = arith.index_cast %add3A_2283 : i32 to index
        %get3A_2285 = arith.constant 128 : index
        %get3A_2286 = tpu.vector_load %arg7[%get3A_2284, %get3A_2285] {strides = array<i32>} : memref<64x256xf32, #tpu.memory_space<vmem>>, vector<16xf32>,
        %sub3A_2287 = arith.subf %get3A_2286, %get3A_19 : vector<16xf32>
        %mul3A_2288 = arith.mulf %sub3A_2287, %sub3A_2287 : vector<16xf32>
        %add3A_2289 = arith.addf %add3A_2273, %mul3A_2288 : vector<16xf32>
        %add3A_2290 = arith.constant 15 : i32
        %add3A_2291 = arith.addi %mul3A_85, %add3A_2290 : i32
        %get3A_2292 = arith.index_cast %add3A_2291 : i32 to index
        %get3A_2293 = arith.constant 144 : index
        %get3A_2294 = tpu.vector_load %arg7[%get3A_2292, %get3A_2293] {strides = array<i32>} : memref<64x256xf32, #tpu.memory_space<vmem>>, vector<16xf32>,
        %sub3A_2295 = arith.subf %get3A_2294, %get3A_21 : vector<16xf32>
        %mul3A_2296 = arith.mulf %sub3A_2295, %sub3A_2295 : vector<16xf32>
        %add3A_2297 = arith.addf %add3A_2281, %mul3A_2296 : vector<16xf32>
        %add3A_2298 = arith.constant 15 : i32
        %add3A_2299 = arith.addi %mul3A_85, %add3A_2298 : i32
        %get3A_2300 = arith.index_cast %add3A_2299 : i32 to index
        %get3A_2301 = arith.constant 160 : index
        %get3A_2302 = tpu.vector_load %arg7[%get3A_2300, %get3A_2301] {strides = array<i32>} : memref<64x256xf32, #tpu.memory_space<vmem>>, vector<16xf32>,
        %sub3A_2303 = arith.subf %get3A_2302, %get3A_23 : vector<16xf32>
        %mul3A_2304 = arith.mulf %sub3A_2303, %sub3A_2303 : vector<16xf32>
        %add3A_2305 = arith.addf %add3A_2289, %mul3A_2304 : vector<16xf32>
        %add3A_2306 = arith.constant 15 : i32
        %add3A_2307 = arith.addi %mul3A_85, %add3A_2306 : i32
        %get3A_2308 = arith.index_cast %add3A_2307 : i32 to index
        %get3A_2309 = arith.constant 176 : index
        %get3A_2310 = tpu.vector_load %arg7[%get3A_2308, %get3A_2309] {strides = array<i32>} : memref<64x256xf32, #tpu.memory_space<vmem>>, vector<16xf32>,
        %sub3A_2311 = arith.subf %get3A_2310, %get3A_25 : vector<16xf32>
        %mul3A_2312 = arith.mulf %sub3A_2311, %sub3A_2311 : vector<16xf32>
        %add3A_2313 = arith.addf %add3A_2297, %mul3A_2312 : vector<16xf32>
        %add3A_2314 = arith.constant 15 : i32
        %add3A_2315 = arith.addi %mul3A_85, %add3A_2314 : i32
        %get3A_2316 = arith.index_cast %add3A_2315 : i32 to index
        %get3A_2317 = arith.constant 192 : index
        %get3A_2318 = tpu.vector_load %arg7[%get3A_2316, %get3A_2317] {strides = array<i32>} : memref<64x256xf32, #tpu.memory_space<vmem>>, vector<16xf32>,
        %sub3A_2319 = arith.subf %get3A_2318, %get3A_27 : vector<16xf32>
        %mul3A_2320 = arith.mulf %sub3A_2319, %sub3A_2319 : vector<16xf32>
        %add3A_2321 = arith.addf %add3A_2305, %mul3A_2320 : vector<16xf32>
        %add3A_2322 = arith.constant 15 : i32
        %add3A_2323 = arith.addi %mul3A_85, %add3A_2322 : i32
        %get3A_2324 = arith.index_cast %add3A_2323 : i32 to index
        %get3A_2325 = arith.constant 208 : index
        %get3A_2326 = tpu.vector_load %arg7[%get3A_2324, %get3A_2325] {strides = array<i32>} : memref<64x256xf32, #tpu.memory_space<vmem>>, vector<16xf32>,
        %sub3A_2327 = arith.subf %get3A_2326, %get3A_29 : vector<16xf32>
        %mul3A_2328 = arith.mulf %sub3A_2327, %sub3A_2327 : vector<16xf32>
        %add3A_2329 = arith.addf %add3A_2313, %mul3A_2328 : vector<16xf32>
        %add3A_2330 = arith.constant 15 : i32
        %add3A_2331 = arith.addi %mul3A_85, %add3A_2330 : i32
        %get3A_2332 = arith.index_cast %add3A_2331 : i32 to index
        %get3A_2333 = arith.constant 224 : index
        %get3A_2334 = tpu.vector_load %arg7[%get3A_2332, %get3A_2333] {strides = array<i32>} : memref<64x256xf32, #tpu.memory_space<vmem>>, vector<16xf32>,
        %sub3A_2335 = arith.subf %get3A_2334, %get3A_31 : vector<16xf32>
        %mul3A_2336 = arith.mulf %sub3A_2335, %sub3A_2335 : vector<16xf32>
        %add3A_2337 = arith.addf %add3A_2321, %mul3A_2336 : vector<16xf32>
        %add3A_2338 = arith.constant 15 : i32
        %add3A_2339 = arith.addi %mul3A_85, %add3A_2338 : i32
        %get3A_2340 = arith.index_cast %add3A_2339 : i32 to index
        %get3A_2341 = arith.constant 240 : index
        %get3A_2342 = tpu.vector_load %arg7[%get3A_2340, %get3A_2341] {strides = array<i32>} : memref<64x256xf32, #tpu.memory_space<vmem>>, vector<16xf32>,
        %sub3A_2343 = arith.subf %get3A_2342, %get3A_33 : vector<16xf32>
        %mul3A_2344 = arith.mulf %sub3A_2343, %sub3A_2343 : vector<16xf32>
        %add3A_2345 = arith.addf %add3A_2329, %mul3A_2344 : vector<16xf32>
        %add3A_2346 = arith.addf %add3A_2337, %add3A_2345 : vector<16xf32>
        %reduce_sum3A_2347 = arith.constant true
        %reduce_sum3A_2348 = vector.broadcast %reduce_sum3A_2347 : i1 to vector<16xi1>
        %reduce_sum3A_2349 = tpu.scan <sum>, %add3A_2346 masked %reduce_sum3A_2348 : vector<16xf32>, vector<16xi1> -> vector<16xf32>
        %reduce_sum3A_2350 = vector.extract %reduce_sum3A_2349[15] : f32 from vector<16xf32>
        %eq3A_2351 = arith.constant 15 : i32
        %eq3A_2352 = vector.broadcast %eq3A_2351 : i32 to vector<16xi32>
        %eq3A_2353 = arith.cmpi eq, %iota3A, %eq3A_2352 : vector<16xi32>
        %broadcast_in_dim3A_2354 = vector.broadcast %reduce_sum3A_2350 : f32 to vector<16xf32>
        %select_n3A_2355 = arith.select %eq3A_2353, %broadcast_in_dim3A_2354, %select_n3A_2213 : vector<16xi1>, vector<16xf32>
        %add3A_2356 = arith.addi %add3A_51, %mul3A_85 : i32
        %add3A_2357 = vector.broadcast %add3A_2356 : i32 to vector<16xi32>
        %add3A_2358 = arith.addi %add3A_2357, %iota3A : vector<16xi32>
        %lt3A_2359 = arith.cmpf olt, %select_n3A_2355, %scan3A_82 : vector<16xf32>
        %select_n3A_2360 = arith.select %lt3A_2359, %select_n3A_2355, %scan3A_82 : vector<16xi1>, vector<16xf32>
        %select_n3A_2361 = arith.select %lt3A_2359, %add3A_2358, %scan3A_83 : vector<16xi1>, vector<16xi32>
        scf.yield %select_n3A_2360, %select_n3A_2361 : vector<16xf32>, vector<16xi32>
      }
      %scan3A_66 = arith.constant 4 : i32
      %add3A_67 = arith.constant 1 : i32
      %add3A_68 = arith.addi %scan3A_46, %add3A_67 : i32
      %lt3A = arith.constant 2 : i32
      %lt3A_69 = arith.cmpi slt, %add3A_68, %lt3A : i32
      %convert_element_type3A = arith.extui %lt3A_69 : i1 to i32
      %cond3A = arith.constant 0 : i32
      %cond3A_70 = arith.cmpi ne, %convert_element_type3A, %cond3A : i32
      scf.if %cond3A_70 {
        %add3A_81 = arith.constant 64 : i32
        %add3A_82 = arith.addi %add3A_53, %add3A_81 : i32
        %dma_start3A_83 = arith.constant 0 : i32
        %dma_start3A_84 = tpu.memref_slice %arg3[%add3A_82, %dma_start3A_83] : memref<8192x256xf32, #tpu.memory_space<hbm>> -> memref<64x256xf32, #tpu.memory_space<hbm>>
        %dma_start3A_85 = arith.constant 0 : i32
        %dma_start3A_86 = tpu.memref_slice %arg3[%add3A_82, %dma_start3A_85] : memref<8192x256xf32, #tpu.memory_space<hbm>> -> memref<64x256xf32, #tpu.memory_space<hbm>>
        tpu.enqueue_dma source(%dma_start3A_86 : memref<64x256xf32, #tpu.memory_space<hbm>>) target(%arg7 : memref<64x256xf32, #tpu.memory_space<vmem>>) target_semaphore(%arg11 : memref<!tpu.dma_semaphore, #tpu.memory_space<semaphore_mem>>)
      } else {
      }
      %dma_wait3A_71 = arith.constant 0 : i32
      %dma_wait3A_72 = tpu.memref_slice %arg3[%add3A_53, %dma_wait3A_71] : memref<8192x256xf32, #tpu.memory_space<hbm>> -> memref<64x256xf32, #tpu.memory_space<hbm>>
      %dma_wait3A_73 = arith.constant 0 : i32
      %dma_wait3A_74 = tpu.memref_slice %arg3[%add3A_53, %dma_wait3A_73] : memref<8192x256xf32, #tpu.memory_space<hbm>> -> memref<64x256xf32, #tpu.memory_space<hbm>>
      tpu.wait_dma2 semaphore(%arg12 : memref<!tpu.dma_semaphore, #tpu.memory_space<semaphore_mem>>) src(%dma_wait3A_74 : memref<64x256xf32, #tpu.memory_space<hbm>>) dst(%arg8 : memref<64x256xf32, #tpu.memory_space<vmem>>)
      %scan3A_75 = arith.constant 0 : i32
      %scan3A_76 = arith.constant 4 : i32
      %scan3A_77 = arith.addi %scan3A_75, %scan3A_76 : i32
      %scan3A_78 = arith.constant 1 : i32
      %scan3A_79:2 = scf.for %scan3A_81 = %scan3A_75 to %scan3A_77 step %scan3A_78 iter_args(%scan3A_82 = %scan3A_65#0, %scan3A_83 = %scan3A_65#1) -> (vector<16xf32>, vector<16xi32>)  : i32 {
        %mul3A_84 = arith.constant 16 : i32
        %mul3A_85 = arith.muli %scan3A_81, %mul3A_84 : i32
        %broadcast_in_dim3A_86 = arith.constant 0.000000e+00 : f32
        %broadcast_in_dim3A_87 = vector.broadcast %broadcast_in_dim3A_86 : f32 to vector<16xf32>
        %broadcast_in_dim3A_88 = arith.constant 0.000000e+00 : f32
        %broadcast_in_dim3A_89 = vector.broadcast %broadcast_in_dim3A_88 : f32 to vector<16xf32>
        %broadcast_in_dim3A_90 = arith.constant 0.000000e+00 : f32
        %broadcast_in_dim3A_91 = vector.broadcast %broadcast_in_dim3A_90 : f32 to vector<16xf32>
        %add3A_92 = arith.constant 0 : i32
        %add3A_93 = arith.addi %mul3A_85, %add3A_92 : i32
        %get3A_94 = arith.index_cast %add3A_93 : i32 to index
        %get3A_95 = arith.constant 0 : index
        %get3A_96 = tpu.vector_load %arg8[%get3A_94, %get3A_95] {strides = array<i32>} : memref<64x256xf32, #tpu.memory_space<vmem>>, vector<16xf32>,
        %sub3A = arith.subf %get3A_96, %get3A_3 : vector<16xf32>
        %mul3A_97 = arith.mulf %sub3A, %sub3A : vector<16xf32>
        %add3A_98 = arith.addf %broadcast_in_dim3A_89, %mul3A_97 : vector<16xf32>
        %add3A_99 = arith.constant 0 : i32
        %add3A_100 = arith.addi %mul3A_85, %add3A_99 : i32
        %get3A_101 = arith.index_cast %add3A_100 : i32 to index
        %get3A_102 = arith.constant 16 : index
        %get3A_103 = tpu.vector_load %arg8[%get3A_101, %get3A_102] {strides = array<i32>} : memref<64x256xf32, #tpu.memory_space<vmem>>, vector<16xf32>,
        %sub3A_104 = arith.subf %get3A_103, %get3A_5 : vector<16xf32>
        %mul3A_105 = arith.mulf %sub3A_104, %sub3A_104 : vector<16xf32>
        %add3A_106 = arith.addf %broadcast_in_dim3A_91, %mul3A_105 : vector<16xf32>
        %add3A_107 = arith.constant 0 : i32
        %add3A_108 = arith.addi %mul3A_85, %add3A_107 : i32
        %get3A_109 = arith.index_cast %add3A_108 : i32 to index
        %get3A_110 = arith.constant 32 : index
        %get3A_111 = tpu.vector_load %arg8[%get3A_109, %get3A_110] {strides = array<i32>} : memref<64x256xf32, #tpu.memory_space<vmem>>, vector<16xf32>,
        %sub3A_112 = arith.subf %get3A_111, %get3A_7 : vector<16xf32>
        %mul3A_113 = arith.mulf %sub3A_112, %sub3A_112 : vector<16xf32>
        %add3A_114 = arith.addf %add3A_98, %mul3A_113 : vector<16xf32>
        %add3A_115 = arith.constant 0 : i32
        %add3A_116 = arith.addi %mul3A_85, %add3A_115 : i32
        %get3A_117 = arith.index_cast %add3A_116 : i32 to index
        %get3A_118 = arith.constant 48 : index
        %get3A_119 = tpu.vector_load %arg8[%get3A_117, %get3A_118] {strides = array<i32>} : memref<64x256xf32, #tpu.memory_space<vmem>>, vector<16xf32>,
        %sub3A_120 = arith.subf %get3A_119, %get3A_9 : vector<16xf32>
        %mul3A_121 = arith.mulf %sub3A_120, %sub3A_120 : vector<16xf32>
        %add3A_122 = arith.addf %add3A_106, %mul3A_121 : vector<16xf32>
        %add3A_123 = arith.constant 0 : i32
        %add3A_124 = arith.addi %mul3A_85, %add3A_123 : i32
        %get3A_125 = arith.index_cast %add3A_124 : i32 to index
        %get3A_126 = arith.constant 64 : index
        %get3A_127 = tpu.vector_load %arg8[%get3A_125, %get3A_126] {strides = array<i32>} : memref<64x256xf32, #tpu.memory_space<vmem>>, vector<16xf32>,
        %sub3A_128 = arith.subf %get3A_127, %get3A_11 : vector<16xf32>
        %mul3A_129 = arith.mulf %sub3A_128, %sub3A_128 : vector<16xf32>
        %add3A_130 = arith.addf %add3A_114, %mul3A_129 : vector<16xf32>
        %add3A_131 = arith.constant 0 : i32
        %add3A_132 = arith.addi %mul3A_85, %add3A_131 : i32
        %get3A_133 = arith.index_cast %add3A_132 : i32 to index
        %get3A_134 = arith.constant 80 : index
        %get3A_135 = tpu.vector_load %arg8[%get3A_133, %get3A_134] {strides = array<i32>} : memref<64x256xf32, #tpu.memory_space<vmem>>, vector<16xf32>,
        %sub3A_136 = arith.subf %get3A_135, %get3A_13 : vector<16xf32>
        %mul3A_137 = arith.mulf %sub3A_136, %sub3A_136 : vector<16xf32>
        %add3A_138 = arith.addf %add3A_122, %mul3A_137 : vector<16xf32>
        %add3A_139 = arith.constant 0 : i32
        %add3A_140 = arith.addi %mul3A_85, %add3A_139 : i32
        %get3A_141 = arith.index_cast %add3A_140 : i32 to index
        %get3A_142 = arith.constant 96 : index
        %get3A_143 = tpu.vector_load %arg8[%get3A_141, %get3A_142] {strides = array<i32>} : memref<64x256xf32, #tpu.memory_space<vmem>>, vector<16xf32>,
        %sub3A_144 = arith.subf %get3A_143, %get3A_15 : vector<16xf32>
        %mul3A_145 = arith.mulf %sub3A_144, %sub3A_144 : vector<16xf32>
        %add3A_146 = arith.addf %add3A_130, %mul3A_145 : vector<16xf32>
        %add3A_147 = arith.constant 0 : i32
        %add3A_148 = arith.addi %mul3A_85, %add3A_147 : i32
        %get3A_149 = arith.index_cast %add3A_148 : i32 to index
        %get3A_150 = arith.constant 112 : index
        %get3A_151 = tpu.vector_load %arg8[%get3A_149, %get3A_150] {strides = array<i32>} : memref<64x256xf32, #tpu.memory_space<vmem>>, vector<16xf32>,
        %sub3A_152 = arith.subf %get3A_151, %get3A_17 : vector<16xf32>
        %mul3A_153 = arith.mulf %sub3A_152, %sub3A_152 : vector<16xf32>
        %add3A_154 = arith.addf %add3A_138, %mul3A_153 : vector<16xf32>
        %add3A_155 = arith.constant 0 : i32
        %add3A_156 = arith.addi %mul3A_85, %add3A_155 : i32
        %get3A_157 = arith.index_cast %add3A_156 : i32 to index
        %get3A_158 = arith.constant 128 : index
        %get3A_159 = tpu.vector_load %arg8[%get3A_157, %get3A_158] {strides = array<i32>} : memref<64x256xf32, #tpu.memory_space<vmem>>, vector<16xf32>,
        %sub3A_160 = arith.subf %get3A_159, %get3A_19 : vector<16xf32>
        %mul3A_161 = arith.mulf %sub3A_160, %sub3A_160 : vector<16xf32>
        %add3A_162 = arith.addf %add3A_146, %mul3A_161 : vector<16xf32>
        %add3A_163 = arith.constant 0 : i32
        %add3A_164 = arith.addi %mul3A_85, %add3A_163 : i32
        %get3A_165 = arith.index_cast %add3A_164 : i32 to index
        %get3A_166 = arith.constant 144 : index
        %get3A_167 = tpu.vector_load %arg8[%get3A_165, %get3A_166] {strides = array<i32>} : memref<64x256xf32, #tpu.memory_space<vmem>>, vector<16xf32>,
        %sub3A_168 = arith.subf %get3A_167, %get3A_21 : vector<16xf32>
        %mul3A_169 = arith.mulf %sub3A_168, %sub3A_168 : vector<16xf32>
        %add3A_170 = arith.addf %add3A_154, %mul3A_169 : vector<16xf32>
        %add3A_171 = arith.constant 0 : i32
        %add3A_172 = arith.addi %mul3A_85, %add3A_171 : i32
        %get3A_173 = arith.index_cast %add3A_172 : i32 to index
        %get3A_174 = arith.constant 160 : index
        %get3A_175 = tpu.vector_load %arg8[%get3A_173, %get3A_174] {strides = array<i32>} : memref<64x256xf32, #tpu.memory_space<vmem>>, vector<16xf32>,
        %sub3A_176 = arith.subf %get3A_175, %get3A_23 : vector<16xf32>
        %mul3A_177 = arith.mulf %sub3A_176, %sub3A_176 : vector<16xf32>
        %add3A_178 = arith.addf %add3A_162, %mul3A_177 : vector<16xf32>
        %add3A_179 = arith.constant 0 : i32
        %add3A_180 = arith.addi %mul3A_85, %add3A_179 : i32
        %get3A_181 = arith.index_cast %add3A_180 : i32 to index
        %get3A_182 = arith.constant 176 : index
        %get3A_183 = tpu.vector_load %arg8[%get3A_181, %get3A_182] {strides = array<i32>} : memref<64x256xf32, #tpu.memory_space<vmem>>, vector<16xf32>,
        %sub3A_184 = arith.subf %get3A_183, %get3A_25 : vector<16xf32>
        %mul3A_185 = arith.mulf %sub3A_184, %sub3A_184 : vector<16xf32>
        %add3A_186 = arith.addf %add3A_170, %mul3A_185 : vector<16xf32>
        %add3A_187 = arith.constant 0 : i32
        %add3A_188 = arith.addi %mul3A_85, %add3A_187 : i32
        %get3A_189 = arith.index_cast %add3A_188 : i32 to index
        %get3A_190 = arith.constant 192 : index
        %get3A_191 = tpu.vector_load %arg8[%get3A_189, %get3A_190] {strides = array<i32>} : memref<64x256xf32, #tpu.memory_space<vmem>>, vector<16xf32>,
        %sub3A_192 = arith.subf %get3A_191, %get3A_27 : vector<16xf32>
        %mul3A_193 = arith.mulf %sub3A_192, %sub3A_192 : vector<16xf32>
        %add3A_194 = arith.addf %add3A_178, %mul3A_193 : vector<16xf32>
        %add3A_195 = arith.constant 0 : i32
        %add3A_196 = arith.addi %mul3A_85, %add3A_195 : i32
        %get3A_197 = arith.index_cast %add3A_196 : i32 to index
        %get3A_198 = arith.constant 208 : index
        %get3A_199 = tpu.vector_load %arg8[%get3A_197, %get3A_198] {strides = array<i32>} : memref<64x256xf32, #tpu.memory_space<vmem>>, vector<16xf32>,
        %sub3A_200 = arith.subf %get3A_199, %get3A_29 : vector<16xf32>
        %mul3A_201 = arith.mulf %sub3A_200, %sub3A_200 : vector<16xf32>
        %add3A_202 = arith.addf %add3A_186, %mul3A_201 : vector<16xf32>
        %add3A_203 = arith.constant 0 : i32
        %add3A_204 = arith.addi %mul3A_85, %add3A_203 : i32
        %get3A_205 = arith.index_cast %add3A_204 : i32 to index
        %get3A_206 = arith.constant 224 : index
        %get3A_207 = tpu.vector_load %arg8[%get3A_205, %get3A_206] {strides = array<i32>} : memref<64x256xf32, #tpu.memory_space<vmem>>, vector<16xf32>,
        %sub3A_208 = arith.subf %get3A_207, %get3A_31 : vector<16xf32>
        %mul3A_209 = arith.mulf %sub3A_208, %sub3A_208 : vector<16xf32>
        %add3A_210 = arith.addf %add3A_194, %mul3A_209 : vector<16xf32>
        %add3A_211 = arith.constant 0 : i32
        %add3A_212 = arith.addi %mul3A_85, %add3A_211 : i32
        %get3A_213 = arith.index_cast %add3A_212 : i32 to index
        %get3A_214 = arith.constant 240 : index
        %get3A_215 = tpu.vector_load %arg8[%get3A_213, %get3A_214] {strides = array<i32>} : memref<64x256xf32, #tpu.memory_space<vmem>>, vector<16xf32>,
        %sub3A_216 = arith.subf %get3A_215, %get3A_33 : vector<16xf32>
        %mul3A_217 = arith.mulf %sub3A_216, %sub3A_216 : vector<16xf32>
        %add3A_218 = arith.addf %add3A_202, %mul3A_217 : vector<16xf32>
        %add3A_219 = arith.addf %add3A_210, %add3A_218 : vector<16xf32>
        %reduce_sum3A = arith.constant true
        %reduce_sum3A_220 = vector.broadcast %reduce_sum3A : i1 to vector<16xi1>
        %reduce_sum3A_221 = tpu.scan <sum>, %add3A_219 masked %reduce_sum3A_220 : vector<16xf32>, vector<16xi1> -> vector<16xf32>
        %reduce_sum3A_222 = vector.extract %reduce_sum3A_221[15] : f32 from vector<16xf32>
        %eq3A = arith.constant 0 : i32
        %eq3A_223 = vector.broadcast %eq3A : i32 to vector<16xi32>
        %eq3A_224 = arith.cmpi eq, %iota3A, %eq3A_223 : vector<16xi32>
        %broadcast_in_dim3A_225 = vector.broadcast %reduce_sum3A_222 : f32 to vector<16xf32>
        %select_n3A = arith.select %eq3A_224, %broadcast_in_dim3A_225, %broadcast_in_dim3A_87 : vector<16xi1>, vector<16xf32>
        %broadcast_in_dim3A_226 = arith.constant 0.000000e+00 : f32
        %broadcast_in_dim3A_227 = vector.broadcast %broadcast_in_dim3A_226 : f32 to vector<16xf32>
        %broadcast_in_dim3A_228 = arith.constant 0.000000e+00 : f32
        %broadcast_in_dim3A_229 = vector.broadcast %broadcast_in_dim3A_228 : f32 to vector<16xf32>
        %add3A_230 = arith.constant 1 : i32
        %add3A_231 = arith.addi %mul3A_85, %add3A_230 : i32
        %get3A_232 = arith.index_cast %add3A_231 : i32 to index
        %get3A_233 = arith.constant 0 : index
        %get3A_234 = tpu.vector_load %arg8[%get3A_232, %get3A_233] {strides = array<i32>} : memref<64x256xf32, #tpu.memory_space<vmem>>, vector<16xf32>,
        %sub3A_235 = arith.subf %get3A_234, %get3A_3 : vector<16xf32>
        %mul3A_236 = arith.mulf %sub3A_235, %sub3A_235 : vector<16xf32>
        %add3A_237 = arith.addf %broadcast_in_dim3A_227, %mul3A_236 : vector<16xf32>
        %add3A_238 = arith.constant 1 : i32
        %add3A_239 = arith.addi %mul3A_85, %add3A_238 : i32
        %get3A_240 = arith.index_cast %add3A_239 : i32 to index
        %get3A_241 = arith.constant 16 : index
        %get3A_242 = tpu.vector_load %arg8[%get3A_240, %get3A_241] {strides = array<i32>} : memref<64x256xf32, #tpu.memory_space<vmem>>, vector<16xf32>,
        %sub3A_243 = arith.subf %get3A_242, %get3A_5 : vector<16xf32>
        %mul3A_244 = arith.mulf %sub3A_243, %sub3A_243 : vector<16xf32>
        %add3A_245 = arith.addf %broadcast_in_dim3A_229, %mul3A_244 : vector<16xf32>
        %add3A_246 = arith.constant 1 : i32
        %add3A_247 = arith.addi %mul3A_85, %add3A_246 : i32
        %get3A_248 = arith.index_cast %add3A_247 : i32 to index
        %get3A_249 = arith.constant 32 : index
        %get3A_250 = tpu.vector_load %arg8[%get3A_248, %get3A_249] {strides = array<i32>} : memref<64x256xf32, #tpu.memory_space<vmem>>, vector<16xf32>,
        %sub3A_251 = arith.subf %get3A_250, %get3A_7 : vector<16xf32>
        %mul3A_252 = arith.mulf %sub3A_251, %sub3A_251 : vector<16xf32>
        %add3A_253 = arith.addf %add3A_237, %mul3A_252 : vector<16xf32>
        %add3A_254 = arith.constant 1 : i32
        %add3A_255 = arith.addi %mul3A_85, %add3A_254 : i32
        %get3A_256 = arith.index_cast %add3A_255 : i32 to index
        %get3A_257 = arith.constant 48 : index
        %get3A_258 = tpu.vector_load %arg8[%get3A_256, %get3A_257] {strides = array<i32>} : memref<64x256xf32, #tpu.memory_space<vmem>>, vector<16xf32>,
        %sub3A_259 = arith.subf %get3A_258, %get3A_9 : vector<16xf32>
        %mul3A_260 = arith.mulf %sub3A_259, %sub3A_259 : vector<16xf32>
        %add3A_261 = arith.addf %add3A_245, %mul3A_260 : vector<16xf32>
        %add3A_262 = arith.constant 1 : i32
        %add3A_263 = arith.addi %mul3A_85, %add3A_262 : i32
        %get3A_264 = arith.index_cast %add3A_263 : i32 to index
        %get3A_265 = arith.constant 64 : index
        %get3A_266 = tpu.vector_load %arg8[%get3A_264, %get3A_265] {strides = array<i32>} : memref<64x256xf32, #tpu.memory_space<vmem>>, vector<16xf32>,
        %sub3A_267 = arith.subf %get3A_266, %get3A_11 : vector<16xf32>
        %mul3A_268 = arith.mulf %sub3A_267, %sub3A_267 : vector<16xf32>
        %add3A_269 = arith.addf %add3A_253, %mul3A_268 : vector<16xf32>
        %add3A_270 = arith.constant 1 : i32
        %add3A_271 = arith.addi %mul3A_85, %add3A_270 : i32
        %get3A_272 = arith.index_cast %add3A_271 : i32 to index
        %get3A_273 = arith.constant 80 : index
        %get3A_274 = tpu.vector_load %arg8[%get3A_272, %get3A_273] {strides = array<i32>} : memref<64x256xf32, #tpu.memory_space<vmem>>, vector<16xf32>,
        %sub3A_275 = arith.subf %get3A_274, %get3A_13 : vector<16xf32>
        %mul3A_276 = arith.mulf %sub3A_275, %sub3A_275 : vector<16xf32>
        %add3A_277 = arith.addf %add3A_261, %mul3A_276 : vector<16xf32>
        %add3A_278 = arith.constant 1 : i32
        %add3A_279 = arith.addi %mul3A_85, %add3A_278 : i32
        %get3A_280 = arith.index_cast %add3A_279 : i32 to index
        %get3A_281 = arith.constant 96 : index
        %get3A_282 = tpu.vector_load %arg8[%get3A_280, %get3A_281] {strides = array<i32>} : memref<64x256xf32, #tpu.memory_space<vmem>>, vector<16xf32>,
        %sub3A_283 = arith.subf %get3A_282, %get3A_15 : vector<16xf32>
        %mul3A_284 = arith.mulf %sub3A_283, %sub3A_283 : vector<16xf32>
        %add3A_285 = arith.addf %add3A_269, %mul3A_284 : vector<16xf32>
        %add3A_286 = arith.constant 1 : i32
        %add3A_287 = arith.addi %mul3A_85, %add3A_286 : i32
        %get3A_288 = arith.index_cast %add3A_287 : i32 to index
        %get3A_289 = arith.constant 112 : index
        %get3A_290 = tpu.vector_load %arg8[%get3A_288, %get3A_289] {strides = array<i32>} : memref<64x256xf32, #tpu.memory_space<vmem>>, vector<16xf32>,
        %sub3A_291 = arith.subf %get3A_290, %get3A_17 : vector<16xf32>
        %mul3A_292 = arith.mulf %sub3A_291, %sub3A_291 : vector<16xf32>
        %add3A_293 = arith.addf %add3A_277, %mul3A_292 : vector<16xf32>
        %add3A_294 = arith.constant 1 : i32
        %add3A_295 = arith.addi %mul3A_85, %add3A_294 : i32
        %get3A_296 = arith.index_cast %add3A_295 : i32 to index
        %get3A_297 = arith.constant 128 : index
        %get3A_298 = tpu.vector_load %arg8[%get3A_296, %get3A_297] {strides = array<i32>} : memref<64x256xf32, #tpu.memory_space<vmem>>, vector<16xf32>,
        %sub3A_299 = arith.subf %get3A_298, %get3A_19 : vector<16xf32>
        %mul3A_300 = arith.mulf %sub3A_299, %sub3A_299 : vector<16xf32>
        %add3A_301 = arith.addf %add3A_285, %mul3A_300 : vector<16xf32>
        %add3A_302 = arith.constant 1 : i32
        %add3A_303 = arith.addi %mul3A_85, %add3A_302 : i32
        %get3A_304 = arith.index_cast %add3A_303 : i32 to index
        %get3A_305 = arith.constant 144 : index
        %get3A_306 = tpu.vector_load %arg8[%get3A_304, %get3A_305] {strides = array<i32>} : memref<64x256xf32, #tpu.memory_space<vmem>>, vector<16xf32>,
        %sub3A_307 = arith.subf %get3A_306, %get3A_21 : vector<16xf32>
        %mul3A_308 = arith.mulf %sub3A_307, %sub3A_307 : vector<16xf32>
        %add3A_309 = arith.addf %add3A_293, %mul3A_308 : vector<16xf32>
        %add3A_310 = arith.constant 1 : i32
        %add3A_311 = arith.addi %mul3A_85, %add3A_310 : i32
        %get3A_312 = arith.index_cast %add3A_311 : i32 to index
        %get3A_313 = arith.constant 160 : index
        %get3A_314 = tpu.vector_load %arg8[%get3A_312, %get3A_313] {strides = array<i32>} : memref<64x256xf32, #tpu.memory_space<vmem>>, vector<16xf32>,
        %sub3A_315 = arith.subf %get3A_314, %get3A_23 : vector<16xf32>
        %mul3A_316 = arith.mulf %sub3A_315, %sub3A_315 : vector<16xf32>
        %add3A_317 = arith.addf %add3A_301, %mul3A_316 : vector<16xf32>
        %add3A_318 = arith.constant 1 : i32
        %add3A_319 = arith.addi %mul3A_85, %add3A_318 : i32
        %get3A_320 = arith.index_cast %add3A_319 : i32 to index
        %get3A_321 = arith.constant 176 : index
        %get3A_322 = tpu.vector_load %arg8[%get3A_320, %get3A_321] {strides = array<i32>} : memref<64x256xf32, #tpu.memory_space<vmem>>, vector<16xf32>,
        %sub3A_323 = arith.subf %get3A_322, %get3A_25 : vector<16xf32>
        %mul3A_324 = arith.mulf %sub3A_323, %sub3A_323 : vector<16xf32>
        %add3A_325 = arith.addf %add3A_309, %mul3A_324 : vector<16xf32>
        %add3A_326 = arith.constant 1 : i32
        %add3A_327 = arith.addi %mul3A_85, %add3A_326 : i32
        %get3A_328 = arith.index_cast %add3A_327 : i32 to index
        %get3A_329 = arith.constant 192 : index
        %get3A_330 = tpu.vector_load %arg8[%get3A_328, %get3A_329] {strides = array<i32>} : memref<64x256xf32, #tpu.memory_space<vmem>>, vector<16xf32>,
        %sub3A_331 = arith.subf %get3A_330, %get3A_27 : vector<16xf32>
        %mul3A_332 = arith.mulf %sub3A_331, %sub3A_331 : vector<16xf32>
        %add3A_333 = arith.addf %add3A_317, %mul3A_332 : vector<16xf32>
        %add3A_334 = arith.constant 1 : i32
        %add3A_335 = arith.addi %mul3A_85, %add3A_334 : i32
        %get3A_336 = arith.index_cast %add3A_335 : i32 to index
        %get3A_337 = arith.constant 208 : index
        %get3A_338 = tpu.vector_load %arg8[%get3A_336, %get3A_337] {strides = array<i32>} : memref<64x256xf32, #tpu.memory_space<vmem>>, vector<16xf32>,
        %sub3A_339 = arith.subf %get3A_338, %get3A_29 : vector<16xf32>
        %mul3A_340 = arith.mulf %sub3A_339, %sub3A_339 : vector<16xf32>
        %add3A_341 = arith.addf %add3A_325, %mul3A_340 : vector<16xf32>
        %add3A_342 = arith.constant 1 : i32
        %add3A_343 = arith.addi %mul3A_85, %add3A_342 : i32
        %get3A_344 = arith.index_cast %add3A_343 : i32 to index
        %get3A_345 = arith.constant 224 : index
        %get3A_346 = tpu.vector_load %arg8[%get3A_344, %get3A_345] {strides = array<i32>} : memref<64x256xf32, #tpu.memory_space<vmem>>, vector<16xf32>,
        %sub3A_347 = arith.subf %get3A_346, %get3A_31 : vector<16xf32>
        %mul3A_348 = arith.mulf %sub3A_347, %sub3A_347 : vector<16xf32>
        %add3A_349 = arith.addf %add3A_333, %mul3A_348 : vector<16xf32>
        %add3A_350 = arith.constant 1 : i32
        %add3A_351 = arith.addi %mul3A_85, %add3A_350 : i32
        %get3A_352 = arith.index_cast %add3A_351 : i32 to index
        %get3A_353 = arith.constant 240 : index
        %get3A_354 = tpu.vector_load %arg8[%get3A_352, %get3A_353] {strides = array<i32>} : memref<64x256xf32, #tpu.memory_space<vmem>>, vector<16xf32>,
        %sub3A_355 = arith.subf %get3A_354, %get3A_33 : vector<16xf32>
        %mul3A_356 = arith.mulf %sub3A_355, %sub3A_355 : vector<16xf32>
        %add3A_357 = arith.addf %add3A_341, %mul3A_356 : vector<16xf32>
        %add3A_358 = arith.addf %add3A_349, %add3A_357 : vector<16xf32>
        %reduce_sum3A_359 = arith.constant true
        %reduce_sum3A_360 = vector.broadcast %reduce_sum3A_359 : i1 to vector<16xi1>
        %reduce_sum3A_361 = tpu.scan <sum>, %add3A_358 masked %reduce_sum3A_360 : vector<16xf32>, vector<16xi1> -> vector<16xf32>
        %reduce_sum3A_362 = vector.extract %reduce_sum3A_361[15] : f32 from vector<16xf32>
        %eq3A_363 = arith.constant 1 : i32
        %eq3A_364 = vector.broadcast %eq3A_363 : i32 to vector<16xi32>
        %eq3A_365 = arith.cmpi eq, %iota3A, %eq3A_364 : vector<16xi32>
        %broadcast_in_dim3A_366 = vector.broadcast %reduce_sum3A_362 : f32 to vector<16xf32>
        %select_n3A_367 = arith.select %eq3A_365, %broadcast_in_dim3A_366, %select_n3A : vector<16xi1>, vector<16xf32>
        %broadcast_in_dim3A_368 = arith.constant 0.000000e+00 : f32
        %broadcast_in_dim3A_369 = vector.broadcast %broadcast_in_dim3A_368 : f32 to vector<16xf32>
        %broadcast_in_dim3A_370 = arith.constant 0.000000e+00 : f32
        %broadcast_in_dim3A_371 = vector.broadcast %broadcast_in_dim3A_370 : f32 to vector<16xf32>
        %add3A_372 = arith.constant 2 : i32
        %add3A_373 = arith.addi %mul3A_85, %add3A_372 : i32
        %get3A_374 = arith.index_cast %add3A_373 : i32 to index
        %get3A_375 = arith.constant 0 : index
        %get3A_376 = tpu.vector_load %arg8[%get3A_374, %get3A_375] {strides = array<i32>} : memref<64x256xf32, #tpu.memory_space<vmem>>, vector<16xf32>,
        %sub3A_377 = arith.subf %get3A_376, %get3A_3 : vector<16xf32>
        %mul3A_378 = arith.mulf %sub3A_377, %sub3A_377 : vector<16xf32>
        %add3A_379 = arith.addf %broadcast_in_dim3A_369, %mul3A_378 : vector<16xf32>
        %add3A_380 = arith.constant 2 : i32
        %add3A_381 = arith.addi %mul3A_85, %add3A_380 : i32
        %get3A_382 = arith.index_cast %add3A_381 : i32 to index
        %get3A_383 = arith.constant 16 : index
        %get3A_384 = tpu.vector_load %arg8[%get3A_382, %get3A_383] {strides = array<i32>} : memref<64x256xf32, #tpu.memory_space<vmem>>, vector<16xf32>,
        %sub3A_385 = arith.subf %get3A_384, %get3A_5 : vector<16xf32>
        %mul3A_386 = arith.mulf %sub3A_385, %sub3A_385 : vector<16xf32>
        %add3A_387 = arith.addf %broadcast_in_dim3A_371, %mul3A_386 : vector<16xf32>
        %add3A_388 = arith.constant 2 : i32
        %add3A_389 = arith.addi %mul3A_85, %add3A_388 : i32
        %get3A_390 = arith.index_cast %add3A_389 : i32 to index
        %get3A_391 = arith.constant 32 : index
        %get3A_392 = tpu.vector_load %arg8[%get3A_390, %get3A_391] {strides = array<i32>} : memref<64x256xf32, #tpu.memory_space<vmem>>, vector<16xf32>,
        %sub3A_393 = arith.subf %get3A_392, %get3A_7 : vector<16xf32>
        %mul3A_394 = arith.mulf %sub3A_393, %sub3A_393 : vector<16xf32>
        %add3A_395 = arith.addf %add3A_379, %mul3A_394 : vector<16xf32>
        %add3A_396 = arith.constant 2 : i32
        %add3A_397 = arith.addi %mul3A_85, %add3A_396 : i32
        %get3A_398 = arith.index_cast %add3A_397 : i32 to index
        %get3A_399 = arith.constant 48 : index
        %get3A_400 = tpu.vector_load %arg8[%get3A_398, %get3A_399] {strides = array<i32>} : memref<64x256xf32, #tpu.memory_space<vmem>>, vector<16xf32>,
        %sub3A_401 = arith.subf %get3A_400, %get3A_9 : vector<16xf32>
        %mul3A_402 = arith.mulf %sub3A_401, %sub3A_401 : vector<16xf32>
        %add3A_403 = arith.addf %add3A_387, %mul3A_402 : vector<16xf32>
        %add3A_404 = arith.constant 2 : i32
        %add3A_405 = arith.addi %mul3A_85, %add3A_404 : i32
        %get3A_406 = arith.index_cast %add3A_405 : i32 to index
        %get3A_407 = arith.constant 64 : index
        %get3A_408 = tpu.vector_load %arg8[%get3A_406, %get3A_407] {strides = array<i32>} : memref<64x256xf32, #tpu.memory_space<vmem>>, vector<16xf32>,
        %sub3A_409 = arith.subf %get3A_408, %get3A_11 : vector<16xf32>
        %mul3A_410 = arith.mulf %sub3A_409, %sub3A_409 : vector<16xf32>
        %add3A_411 = arith.addf %add3A_395, %mul3A_410 : vector<16xf32>
        %add3A_412 = arith.constant 2 : i32
        %add3A_413 = arith.addi %mul3A_85, %add3A_412 : i32
        %get3A_414 = arith.index_cast %add3A_413 : i32 to index
        %get3A_415 = arith.constant 80 : index
        %get3A_416 = tpu.vector_load %arg8[%get3A_414, %get3A_415] {strides = array<i32>} : memref<64x256xf32, #tpu.memory_space<vmem>>, vector<16xf32>,
        %sub3A_417 = arith.subf %get3A_416, %get3A_13 : vector<16xf32>
        %mul3A_418 = arith.mulf %sub3A_417, %sub3A_417 : vector<16xf32>
        %add3A_419 = arith.addf %add3A_403, %mul3A_418 : vector<16xf32>
        %add3A_420 = arith.constant 2 : i32
        %add3A_421 = arith.addi %mul3A_85, %add3A_420 : i32
        %get3A_422 = arith.index_cast %add3A_421 : i32 to index
        %get3A_423 = arith.constant 96 : index
        %get3A_424 = tpu.vector_load %arg8[%get3A_422, %get3A_423] {strides = array<i32>} : memref<64x256xf32, #tpu.memory_space<vmem>>, vector<16xf32>,
        %sub3A_425 = arith.subf %get3A_424, %get3A_15 : vector<16xf32>
        %mul3A_426 = arith.mulf %sub3A_425, %sub3A_425 : vector<16xf32>
        %add3A_427 = arith.addf %add3A_411, %mul3A_426 : vector<16xf32>
        %add3A_428 = arith.constant 2 : i32
        %add3A_429 = arith.addi %mul3A_85, %add3A_428 : i32
        %get3A_430 = arith.index_cast %add3A_429 : i32 to index
        %get3A_431 = arith.constant 112 : index
        %get3A_432 = tpu.vector_load %arg8[%get3A_430, %get3A_431] {strides = array<i32>} : memref<64x256xf32, #tpu.memory_space<vmem>>, vector<16xf32>,
        %sub3A_433 = arith.subf %get3A_432, %get3A_17 : vector<16xf32>
        %mul3A_434 = arith.mulf %sub3A_433, %sub3A_433 : vector<16xf32>
        %add3A_435 = arith.addf %add3A_419, %mul3A_434 : vector<16xf32>
        %add3A_436 = arith.constant 2 : i32
        %add3A_437 = arith.addi %mul3A_85, %add3A_436 : i32
        %get3A_438 = arith.index_cast %add3A_437 : i32 to index
        %get3A_439 = arith.constant 128 : index
        %get3A_440 = tpu.vector_load %arg8[%get3A_438, %get3A_439] {strides = array<i32>} : memref<64x256xf32, #tpu.memory_space<vmem>>, vector<16xf32>,
        %sub3A_441 = arith.subf %get3A_440, %get3A_19 : vector<16xf32>
        %mul3A_442 = arith.mulf %sub3A_441, %sub3A_441 : vector<16xf32>
        %add3A_443 = arith.addf %add3A_427, %mul3A_442 : vector<16xf32>
        %add3A_444 = arith.constant 2 : i32
        %add3A_445 = arith.addi %mul3A_85, %add3A_444 : i32
        %get3A_446 = arith.index_cast %add3A_445 : i32 to index
        %get3A_447 = arith.constant 144 : index
        %get3A_448 = tpu.vector_load %arg8[%get3A_446, %get3A_447] {strides = array<i32>} : memref<64x256xf32, #tpu.memory_space<vmem>>, vector<16xf32>,
        %sub3A_449 = arith.subf %get3A_448, %get3A_21 : vector<16xf32>
        %mul3A_450 = arith.mulf %sub3A_449, %sub3A_449 : vector<16xf32>
        %add3A_451 = arith.addf %add3A_435, %mul3A_450 : vector<16xf32>
        %add3A_452 = arith.constant 2 : i32
        %add3A_453 = arith.addi %mul3A_85, %add3A_452 : i32
        %get3A_454 = arith.index_cast %add3A_453 : i32 to index
        %get3A_455 = arith.constant 160 : index
        %get3A_456 = tpu.vector_load %arg8[%get3A_454, %get3A_455] {strides = array<i32>} : memref<64x256xf32, #tpu.memory_space<vmem>>, vector<16xf32>,
        %sub3A_457 = arith.subf %get3A_456, %get3A_23 : vector<16xf32>
        %mul3A_458 = arith.mulf %sub3A_457, %sub3A_457 : vector<16xf32>
        %add3A_459 = arith.addf %add3A_443, %mul3A_458 : vector<16xf32>
        %add3A_460 = arith.constant 2 : i32
        %add3A_461 = arith.addi %mul3A_85, %add3A_460 : i32
        %get3A_462 = arith.index_cast %add3A_461 : i32 to index
        %get3A_463 = arith.constant 176 : index
        %get3A_464 = tpu.vector_load %arg8[%get3A_462, %get3A_463] {strides = array<i32>} : memref<64x256xf32, #tpu.memory_space<vmem>>, vector<16xf32>,
        %sub3A_465 = arith.subf %get3A_464, %get3A_25 : vector<16xf32>
        %mul3A_466 = arith.mulf %sub3A_465, %sub3A_465 : vector<16xf32>
        %add3A_467 = arith.addf %add3A_451, %mul3A_466 : vector<16xf32>
        %add3A_468 = arith.constant 2 : i32
        %add3A_469 = arith.addi %mul3A_85, %add3A_468 : i32
        %get3A_470 = arith.index_cast %add3A_469 : i32 to index
        %get3A_471 = arith.constant 192 : index
        %get3A_472 = tpu.vector_load %arg8[%get3A_470, %get3A_471] {strides = array<i32>} : memref<64x256xf32, #tpu.memory_space<vmem>>, vector<16xf32>,
        %sub3A_473 = arith.subf %get3A_472, %get3A_27 : vector<16xf32>
        %mul3A_474 = arith.mulf %sub3A_473, %sub3A_473 : vector<16xf32>
        %add3A_475 = arith.addf %add3A_459, %mul3A_474 : vector<16xf32>
        %add3A_476 = arith.constant 2 : i32
        %add3A_477 = arith.addi %mul3A_85, %add3A_476 : i32
        %get3A_478 = arith.index_cast %add3A_477 : i32 to index
        %get3A_479 = arith.constant 208 : index
        %get3A_480 = tpu.vector_load %arg8[%get3A_478, %get3A_479] {strides = array<i32>} : memref<64x256xf32, #tpu.memory_space<vmem>>, vector<16xf32>,
        %sub3A_481 = arith.subf %get3A_480, %get3A_29 : vector<16xf32>
        %mul3A_482 = arith.mulf %sub3A_481, %sub3A_481 : vector<16xf32>
        %add3A_483 = arith.addf %add3A_467, %mul3A_482 : vector<16xf32>
        %add3A_484 = arith.constant 2 : i32
        %add3A_485 = arith.addi %mul3A_85, %add3A_484 : i32
        %get3A_486 = arith.index_cast %add3A_485 : i32 to index
        %get3A_487 = arith.constant 224 : index
        %get3A_488 = tpu.vector_load %arg8[%get3A_486, %get3A_487] {strides = array<i32>} : memref<64x256xf32, #tpu.memory_space<vmem>>, vector<16xf32>,
        %sub3A_489 = arith.subf %get3A_488, %get3A_31 : vector<16xf32>
        %mul3A_490 = arith.mulf %sub3A_489, %sub3A_489 : vector<16xf32>
        %add3A_491 = arith.addf %add3A_475, %mul3A_490 : vector<16xf32>
        %add3A_492 = arith.constant 2 : i32
        %add3A_493 = arith.addi %mul3A_85, %add3A_492 : i32
        %get3A_494 = arith.index_cast %add3A_493 : i32 to index
        %get3A_495 = arith.constant 240 : index
        %get3A_496 = tpu.vector_load %arg8[%get3A_494, %get3A_495] {strides = array<i32>} : memref<64x256xf32, #tpu.memory_space<vmem>>, vector<16xf32>,
        %sub3A_497 = arith.subf %get3A_496, %get3A_33 : vector<16xf32>
        %mul3A_498 = arith.mulf %sub3A_497, %sub3A_497 : vector<16xf32>
        %add3A_499 = arith.addf %add3A_483, %mul3A_498 : vector<16xf32>
        %add3A_500 = arith.addf %add3A_491, %add3A_499 : vector<16xf32>
        %reduce_sum3A_501 = arith.constant true
        %reduce_sum3A_502 = vector.broadcast %reduce_sum3A_501 : i1 to vector<16xi1>
        %reduce_sum3A_503 = tpu.scan <sum>, %add3A_500 masked %reduce_sum3A_502 : vector<16xf32>, vector<16xi1> -> vector<16xf32>
        %reduce_sum3A_504 = vector.extract %reduce_sum3A_503[15] : f32 from vector<16xf32>
        %eq3A_505 = arith.constant 2 : i32
        %eq3A_506 = vector.broadcast %eq3A_505 : i32 to vector<16xi32>
        %eq3A_507 = arith.cmpi eq, %iota3A, %eq3A_506 : vector<16xi32>
        %broadcast_in_dim3A_508 = vector.broadcast %reduce_sum3A_504 : f32 to vector<16xf32>
        %select_n3A_509 = arith.select %eq3A_507, %broadcast_in_dim3A_508, %select_n3A_367 : vector<16xi1>, vector<16xf32>
        %broadcast_in_dim3A_510 = arith.constant 0.000000e+00 : f32
        %broadcast_in_dim3A_511 = vector.broadcast %broadcast_in_dim3A_510 : f32 to vector<16xf32>
        %broadcast_in_dim3A_512 = arith.constant 0.000000e+00 : f32
        %broadcast_in_dim3A_513 = vector.broadcast %broadcast_in_dim3A_512 : f32 to vector<16xf32>
        %add3A_514 = arith.constant 3 : i32
        %add3A_515 = arith.addi %mul3A_85, %add3A_514 : i32
        %get3A_516 = arith.index_cast %add3A_515 : i32 to index
        %get3A_517 = arith.constant 0 : index
        %get3A_518 = tpu.vector_load %arg8[%get3A_516, %get3A_517] {strides = array<i32>} : memref<64x256xf32, #tpu.memory_space<vmem>>, vector<16xf32>,
        %sub3A_519 = arith.subf %get3A_518, %get3A_3 : vector<16xf32>
        %mul3A_520 = arith.mulf %sub3A_519, %sub3A_519 : vector<16xf32>
        %add3A_521 = arith.addf %broadcast_in_dim3A_511, %mul3A_520 : vector<16xf32>
        %add3A_522 = arith.constant 3 : i32
        %add3A_523 = arith.addi %mul3A_85, %add3A_522 : i32
        %get3A_524 = arith.index_cast %add3A_523 : i32 to index
        %get3A_525 = arith.constant 16 : index
        %get3A_526 = tpu.vector_load %arg8[%get3A_524, %get3A_525] {strides = array<i32>} : memref<64x256xf32, #tpu.memory_space<vmem>>, vector<16xf32>,
        %sub3A_527 = arith.subf %get3A_526, %get3A_5 : vector<16xf32>
        %mul3A_528 = arith.mulf %sub3A_527, %sub3A_527 : vector<16xf32>
        %add3A_529 = arith.addf %broadcast_in_dim3A_513, %mul3A_528 : vector<16xf32>
        %add3A_530 = arith.constant 3 : i32
        %add3A_531 = arith.addi %mul3A_85, %add3A_530 : i32
        %get3A_532 = arith.index_cast %add3A_531 : i32 to index
        %get3A_533 = arith.constant 32 : index
        %get3A_534 = tpu.vector_load %arg8[%get3A_532, %get3A_533] {strides = array<i32>} : memref<64x256xf32, #tpu.memory_space<vmem>>, vector<16xf32>,
        %sub3A_535 = arith.subf %get3A_534, %get3A_7 : vector<16xf32>
        %mul3A_536 = arith.mulf %sub3A_535, %sub3A_535 : vector<16xf32>
        %add3A_537 = arith.addf %add3A_521, %mul3A_536 : vector<16xf32>
        %add3A_538 = arith.constant 3 : i32
        %add3A_539 = arith.addi %mul3A_85, %add3A_538 : i32
        %get3A_540 = arith.index_cast %add3A_539 : i32 to index
        %get3A_541 = arith.constant 48 : index
        %get3A_542 = tpu.vector_load %arg8[%get3A_540, %get3A_541] {strides = array<i32>} : memref<64x256xf32, #tpu.memory_space<vmem>>, vector<16xf32>,
        %sub3A_543 = arith.subf %get3A_542, %get3A_9 : vector<16xf32>
        %mul3A_544 = arith.mulf %sub3A_543, %sub3A_543 : vector<16xf32>
        %add3A_545 = arith.addf %add3A_529, %mul3A_544 : vector<16xf32>
        %add3A_546 = arith.constant 3 : i32
        %add3A_547 = arith.addi %mul3A_85, %add3A_546 : i32
        %get3A_548 = arith.index_cast %add3A_547 : i32 to index
        %get3A_549 = arith.constant 64 : index
        %get3A_550 = tpu.vector_load %arg8[%get3A_548, %get3A_549] {strides = array<i32>} : memref<64x256xf32, #tpu.memory_space<vmem>>, vector<16xf32>,
        %sub3A_551 = arith.subf %get3A_550, %get3A_11 : vector<16xf32>
        %mul3A_552 = arith.mulf %sub3A_551, %sub3A_551 : vector<16xf32>
        %add3A_553 = arith.addf %add3A_537, %mul3A_552 : vector<16xf32>
        %add3A_554 = arith.constant 3 : i32
        %add3A_555 = arith.addi %mul3A_85, %add3A_554 : i32
        %get3A_556 = arith.index_cast %add3A_555 : i32 to index
        %get3A_557 = arith.constant 80 : index
        %get3A_558 = tpu.vector_load %arg8[%get3A_556, %get3A_557] {strides = array<i32>} : memref<64x256xf32, #tpu.memory_space<vmem>>, vector<16xf32>,
        %sub3A_559 = arith.subf %get3A_558, %get3A_13 : vector<16xf32>
        %mul3A_560 = arith.mulf %sub3A_559, %sub3A_559 : vector<16xf32>
        %add3A_561 = arith.addf %add3A_545, %mul3A_560 : vector<16xf32>
        %add3A_562 = arith.constant 3 : i32
        %add3A_563 = arith.addi %mul3A_85, %add3A_562 : i32
        %get3A_564 = arith.index_cast %add3A_563 : i32 to index
        %get3A_565 = arith.constant 96 : index
        %get3A_566 = tpu.vector_load %arg8[%get3A_564, %get3A_565] {strides = array<i32>} : memref<64x256xf32, #tpu.memory_space<vmem>>, vector<16xf32>,
        %sub3A_567 = arith.subf %get3A_566, %get3A_15 : vector<16xf32>
        %mul3A_568 = arith.mulf %sub3A_567, %sub3A_567 : vector<16xf32>
        %add3A_569 = arith.addf %add3A_553, %mul3A_568 : vector<16xf32>
        %add3A_570 = arith.constant 3 : i32
        %add3A_571 = arith.addi %mul3A_85, %add3A_570 : i32
        %get3A_572 = arith.index_cast %add3A_571 : i32 to index
        %get3A_573 = arith.constant 112 : index
        %get3A_574 = tpu.vector_load %arg8[%get3A_572, %get3A_573] {strides = array<i32>} : memref<64x256xf32, #tpu.memory_space<vmem>>, vector<16xf32>,
        %sub3A_575 = arith.subf %get3A_574, %get3A_17 : vector<16xf32>
        %mul3A_576 = arith.mulf %sub3A_575, %sub3A_575 : vector<16xf32>
        %add3A_577 = arith.addf %add3A_561, %mul3A_576 : vector<16xf32>
        %add3A_578 = arith.constant 3 : i32
        %add3A_579 = arith.addi %mul3A_85, %add3A_578 : i32
        %get3A_580 = arith.index_cast %add3A_579 : i32 to index
        %get3A_581 = arith.constant 128 : index
        %get3A_582 = tpu.vector_load %arg8[%get3A_580, %get3A_581] {strides = array<i32>} : memref<64x256xf32, #tpu.memory_space<vmem>>, vector<16xf32>,
        %sub3A_583 = arith.subf %get3A_582, %get3A_19 : vector<16xf32>
        %mul3A_584 = arith.mulf %sub3A_583, %sub3A_583 : vector<16xf32>
        %add3A_585 = arith.addf %add3A_569, %mul3A_584 : vector<16xf32>
        %add3A_586 = arith.constant 3 : i32
        %add3A_587 = arith.addi %mul3A_85, %add3A_586 : i32
        %get3A_588 = arith.index_cast %add3A_587 : i32 to index
        %get3A_589 = arith.constant 144 : index
        %get3A_590 = tpu.vector_load %arg8[%get3A_588, %get3A_589] {strides = array<i32>} : memref<64x256xf32, #tpu.memory_space<vmem>>, vector<16xf32>,
        %sub3A_591 = arith.subf %get3A_590, %get3A_21 : vector<16xf32>
        %mul3A_592 = arith.mulf %sub3A_591, %sub3A_591 : vector<16xf32>
        %add3A_593 = arith.addf %add3A_577, %mul3A_592 : vector<16xf32>
        %add3A_594 = arith.constant 3 : i32
        %add3A_595 = arith.addi %mul3A_85, %add3A_594 : i32
        %get3A_596 = arith.index_cast %add3A_595 : i32 to index
        %get3A_597 = arith.constant 160 : index
        %get3A_598 = tpu.vector_load %arg8[%get3A_596, %get3A_597] {strides = array<i32>} : memref<64x256xf32, #tpu.memory_space<vmem>>, vector<16xf32>,
        %sub3A_599 = arith.subf %get3A_598, %get3A_23 : vector<16xf32>
        %mul3A_600 = arith.mulf %sub3A_599, %sub3A_599 : vector<16xf32>
        %add3A_601 = arith.addf %add3A_585, %mul3A_600 : vector<16xf32>
        %add3A_602 = arith.constant 3 : i32
        %add3A_603 = arith.addi %mul3A_85, %add3A_602 : i32
        %get3A_604 = arith.index_cast %add3A_603 : i32 to index
        %get3A_605 = arith.constant 176 : index
        %get3A_606 = tpu.vector_load %arg8[%get3A_604, %get3A_605] {strides = array<i32>} : memref<64x256xf32, #tpu.memory_space<vmem>>, vector<16xf32>,
        %sub3A_607 = arith.subf %get3A_606, %get3A_25 : vector<16xf32>
        %mul3A_608 = arith.mulf %sub3A_607, %sub3A_607 : vector<16xf32>
        %add3A_609 = arith.addf %add3A_593, %mul3A_608 : vector<16xf32>
        %add3A_610 = arith.constant 3 : i32
        %add3A_611 = arith.addi %mul3A_85, %add3A_610 : i32
        %get3A_612 = arith.index_cast %add3A_611 : i32 to index
        %get3A_613 = arith.constant 192 : index
        %get3A_614 = tpu.vector_load %arg8[%get3A_612, %get3A_613] {strides = array<i32>} : memref<64x256xf32, #tpu.memory_space<vmem>>, vector<16xf32>,
        %sub3A_615 = arith.subf %get3A_614, %get3A_27 : vector<16xf32>
        %mul3A_616 = arith.mulf %sub3A_615, %sub3A_615 : vector<16xf32>
        %add3A_617 = arith.addf %add3A_601, %mul3A_616 : vector<16xf32>
        %add3A_618 = arith.constant 3 : i32
        %add3A_619 = arith.addi %mul3A_85, %add3A_618 : i32
        %get3A_620 = arith.index_cast %add3A_619 : i32 to index
        %get3A_621 = arith.constant 208 : index
        %get3A_622 = tpu.vector_load %arg8[%get3A_620, %get3A_621] {strides = array<i32>} : memref<64x256xf32, #tpu.memory_space<vmem>>, vector<16xf32>,
        %sub3A_623 = arith.subf %get3A_622, %get3A_29 : vector<16xf32>
        %mul3A_624 = arith.mulf %sub3A_623, %sub3A_623 : vector<16xf32>
        %add3A_625 = arith.addf %add3A_609, %mul3A_624 : vector<16xf32>
        %add3A_626 = arith.constant 3 : i32
        %add3A_627 = arith.addi %mul3A_85, %add3A_626 : i32
        %get3A_628 = arith.index_cast %add3A_627 : i32 to index
        %get3A_629 = arith.constant 224 : index
        %get3A_630 = tpu.vector_load %arg8[%get3A_628, %get3A_629] {strides = array<i32>} : memref<64x256xf32, #tpu.memory_space<vmem>>, vector<16xf32>,
        %sub3A_631 = arith.subf %get3A_630, %get3A_31 : vector<16xf32>
        %mul3A_632 = arith.mulf %sub3A_631, %sub3A_631 : vector<16xf32>
        %add3A_633 = arith.addf %add3A_617, %mul3A_632 : vector<16xf32>
        %add3A_634 = arith.constant 3 : i32
        %add3A_635 = arith.addi %mul3A_85, %add3A_634 : i32
        %get3A_636 = arith.index_cast %add3A_635 : i32 to index
        %get3A_637 = arith.constant 240 : index
        %get3A_638 = tpu.vector_load %arg8[%get3A_636, %get3A_637] {strides = array<i32>} : memref<64x256xf32, #tpu.memory_space<vmem>>, vector<16xf32>,
        %sub3A_639 = arith.subf %get3A_638, %get3A_33 : vector<16xf32>
        %mul3A_640 = arith.mulf %sub3A_639, %sub3A_639 : vector<16xf32>
        %add3A_641 = arith.addf %add3A_625, %mul3A_640 : vector<16xf32>
        %add3A_642 = arith.addf %add3A_633, %add3A_641 : vector<16xf32>
        %reduce_sum3A_643 = arith.constant true
        %reduce_sum3A_644 = vector.broadcast %reduce_sum3A_643 : i1 to vector<16xi1>
        %reduce_sum3A_645 = tpu.scan <sum>, %add3A_642 masked %reduce_sum3A_644 : vector<16xf32>, vector<16xi1> -> vector<16xf32>
        %reduce_sum3A_646 = vector.extract %reduce_sum3A_645[15] : f32 from vector<16xf32>
        %eq3A_647 = arith.constant 3 : i32
        %eq3A_648 = vector.broadcast %eq3A_647 : i32 to vector<16xi32>
        %eq3A_649 = arith.cmpi eq, %iota3A, %eq3A_648 : vector<16xi32>
        %broadcast_in_dim3A_650 = vector.broadcast %reduce_sum3A_646 : f32 to vector<16xf32>
        %select_n3A_651 = arith.select %eq3A_649, %broadcast_in_dim3A_650, %select_n3A_509 : vector<16xi1>, vector<16xf32>
        %broadcast_in_dim3A_652 = arith.constant 0.000000e+00 : f32
        %broadcast_in_dim3A_653 = vector.broadcast %broadcast_in_dim3A_652 : f32 to vector<16xf32>
        %broadcast_in_dim3A_654 = arith.constant 0.000000e+00 : f32
        %broadcast_in_dim3A_655 = vector.broadcast %broadcast_in_dim3A_654 : f32 to vector<16xf32>
        %add3A_656 = arith.constant 4 : i32
        %add3A_657 = arith.addi %mul3A_85, %add3A_656 : i32
        %get3A_658 = arith.index_cast %add3A_657 : i32 to index
        %get3A_659 = arith.constant 0 : index
        %get3A_660 = tpu.vector_load %arg8[%get3A_658, %get3A_659] {strides = array<i32>} : memref<64x256xf32, #tpu.memory_space<vmem>>, vector<16xf32>,
        %sub3A_661 = arith.subf %get3A_660, %get3A_3 : vector<16xf32>
        %mul3A_662 = arith.mulf %sub3A_661, %sub3A_661 : vector<16xf32>
        %add3A_663 = arith.addf %broadcast_in_dim3A_653, %mul3A_662 : vector<16xf32>
        %add3A_664 = arith.constant 4 : i32
        %add3A_665 = arith.addi %mul3A_85, %add3A_664 : i32
        %get3A_666 = arith.index_cast %add3A_665 : i32 to index
        %get3A_667 = arith.constant 16 : index
        %get3A_668 = tpu.vector_load %arg8[%get3A_666, %get3A_667] {strides = array<i32>} : memref<64x256xf32, #tpu.memory_space<vmem>>, vector<16xf32>,
        %sub3A_669 = arith.subf %get3A_668, %get3A_5 : vector<16xf32>
        %mul3A_670 = arith.mulf %sub3A_669, %sub3A_669 : vector<16xf32>
        %add3A_671 = arith.addf %broadcast_in_dim3A_655, %mul3A_670 : vector<16xf32>
        %add3A_672 = arith.constant 4 : i32
        %add3A_673 = arith.addi %mul3A_85, %add3A_672 : i32
        %get3A_674 = arith.index_cast %add3A_673 : i32 to index
        %get3A_675 = arith.constant 32 : index
        %get3A_676 = tpu.vector_load %arg8[%get3A_674, %get3A_675] {strides = array<i32>} : memref<64x256xf32, #tpu.memory_space<vmem>>, vector<16xf32>,
        %sub3A_677 = arith.subf %get3A_676, %get3A_7 : vector<16xf32>
        %mul3A_678 = arith.mulf %sub3A_677, %sub3A_677 : vector<16xf32>
        %add3A_679 = arith.addf %add3A_663, %mul3A_678 : vector<16xf32>
        %add3A_680 = arith.constant 4 : i32
        %add3A_681 = arith.addi %mul3A_85, %add3A_680 : i32
        %get3A_682 = arith.index_cast %add3A_681 : i32 to index
        %get3A_683 = arith.constant 48 : index
        %get3A_684 = tpu.vector_load %arg8[%get3A_682, %get3A_683] {strides = array<i32>} : memref<64x256xf32, #tpu.memory_space<vmem>>, vector<16xf32>,
        %sub3A_685 = arith.subf %get3A_684, %get3A_9 : vector<16xf32>
        %mul3A_686 = arith.mulf %sub3A_685, %sub3A_685 : vector<16xf32>
        %add3A_687 = arith.addf %add3A_671, %mul3A_686 : vector<16xf32>
        %add3A_688 = arith.constant 4 : i32
        %add3A_689 = arith.addi %mul3A_85, %add3A_688 : i32
        %get3A_690 = arith.index_cast %add3A_689 : i32 to index
        %get3A_691 = arith.constant 64 : index
        %get3A_692 = tpu.vector_load %arg8[%get3A_690, %get3A_691] {strides = array<i32>} : memref<64x256xf32, #tpu.memory_space<vmem>>, vector<16xf32>,
        %sub3A_693 = arith.subf %get3A_692, %get3A_11 : vector<16xf32>
        %mul3A_694 = arith.mulf %sub3A_693, %sub3A_693 : vector<16xf32>
        %add3A_695 = arith.addf %add3A_679, %mul3A_694 : vector<16xf32>
        %add3A_696 = arith.constant 4 : i32
        %add3A_697 = arith.addi %mul3A_85, %add3A_696 : i32
        %get3A_698 = arith.index_cast %add3A_697 : i32 to index
        %get3A_699 = arith.constant 80 : index
        %get3A_700 = tpu.vector_load %arg8[%get3A_698, %get3A_699] {strides = array<i32>} : memref<64x256xf32, #tpu.memory_space<vmem>>, vector<16xf32>,
        %sub3A_701 = arith.subf %get3A_700, %get3A_13 : vector<16xf32>
        %mul3A_702 = arith.mulf %sub3A_701, %sub3A_701 : vector<16xf32>
        %add3A_703 = arith.addf %add3A_687, %mul3A_702 : vector<16xf32>
        %add3A_704 = arith.constant 4 : i32
        %add3A_705 = arith.addi %mul3A_85, %add3A_704 : i32
        %get3A_706 = arith.index_cast %add3A_705 : i32 to index
        %get3A_707 = arith.constant 96 : index
        %get3A_708 = tpu.vector_load %arg8[%get3A_706, %get3A_707] {strides = array<i32>} : memref<64x256xf32, #tpu.memory_space<vmem>>, vector<16xf32>,
        %sub3A_709 = arith.subf %get3A_708, %get3A_15 : vector<16xf32>
        %mul3A_710 = arith.mulf %sub3A_709, %sub3A_709 : vector<16xf32>
        %add3A_711 = arith.addf %add3A_695, %mul3A_710 : vector<16xf32>
        %add3A_712 = arith.constant 4 : i32
        %add3A_713 = arith.addi %mul3A_85, %add3A_712 : i32
        %get3A_714 = arith.index_cast %add3A_713 : i32 to index
        %get3A_715 = arith.constant 112 : index
        %get3A_716 = tpu.vector_load %arg8[%get3A_714, %get3A_715] {strides = array<i32>} : memref<64x256xf32, #tpu.memory_space<vmem>>, vector<16xf32>,
        %sub3A_717 = arith.subf %get3A_716, %get3A_17 : vector<16xf32>
        %mul3A_718 = arith.mulf %sub3A_717, %sub3A_717 : vector<16xf32>
        %add3A_719 = arith.addf %add3A_703, %mul3A_718 : vector<16xf32>
        %add3A_720 = arith.constant 4 : i32
        %add3A_721 = arith.addi %mul3A_85, %add3A_720 : i32
        %get3A_722 = arith.index_cast %add3A_721 : i32 to index
        %get3A_723 = arith.constant 128 : index
        %get3A_724 = tpu.vector_load %arg8[%get3A_722, %get3A_723] {strides = array<i32>} : memref<64x256xf32, #tpu.memory_space<vmem>>, vector<16xf32>,
        %sub3A_725 = arith.subf %get3A_724, %get3A_19 : vector<16xf32>
        %mul3A_726 = arith.mulf %sub3A_725, %sub3A_725 : vector<16xf32>
        %add3A_727 = arith.addf %add3A_711, %mul3A_726 : vector<16xf32>
        %add3A_728 = arith.constant 4 : i32
        %add3A_729 = arith.addi %mul3A_85, %add3A_728 : i32
        %get3A_730 = arith.index_cast %add3A_729 : i32 to index
        %get3A_731 = arith.constant 144 : index
        %get3A_732 = tpu.vector_load %arg8[%get3A_730, %get3A_731] {strides = array<i32>} : memref<64x256xf32, #tpu.memory_space<vmem>>, vector<16xf32>,
        %sub3A_733 = arith.subf %get3A_732, %get3A_21 : vector<16xf32>
        %mul3A_734 = arith.mulf %sub3A_733, %sub3A_733 : vector<16xf32>
        %add3A_735 = arith.addf %add3A_719, %mul3A_734 : vector<16xf32>
        %add3A_736 = arith.constant 4 : i32
        %add3A_737 = arith.addi %mul3A_85, %add3A_736 : i32
        %get3A_738 = arith.index_cast %add3A_737 : i32 to index
        %get3A_739 = arith.constant 160 : index
        %get3A_740 = tpu.vector_load %arg8[%get3A_738, %get3A_739] {strides = array<i32>} : memref<64x256xf32, #tpu.memory_space<vmem>>, vector<16xf32>,
        %sub3A_741 = arith.subf %get3A_740, %get3A_23 : vector<16xf32>
        %mul3A_742 = arith.mulf %sub3A_741, %sub3A_741 : vector<16xf32>
        %add3A_743 = arith.addf %add3A_727, %mul3A_742 : vector<16xf32>
        %add3A_744 = arith.constant 4 : i32
        %add3A_745 = arith.addi %mul3A_85, %add3A_744 : i32
        %get3A_746 = arith.index_cast %add3A_745 : i32 to index
        %get3A_747 = arith.constant 176 : index
        %get3A_748 = tpu.vector_load %arg8[%get3A_746, %get3A_747] {strides = array<i32>} : memref<64x256xf32, #tpu.memory_space<vmem>>, vector<16xf32>,
        %sub3A_749 = arith.subf %get3A_748, %get3A_25 : vector<16xf32>
        %mul3A_750 = arith.mulf %sub3A_749, %sub3A_749 : vector<16xf32>
        %add3A_751 = arith.addf %add3A_735, %mul3A_750 : vector<16xf32>
        %add3A_752 = arith.constant 4 : i32
        %add3A_753 = arith.addi %mul3A_85, %add3A_752 : i32
        %get3A_754 = arith.index_cast %add3A_753 : i32 to index
        %get3A_755 = arith.constant 192 : index
        %get3A_756 = tpu.vector_load %arg8[%get3A_754, %get3A_755] {strides = array<i32>} : memref<64x256xf32, #tpu.memory_space<vmem>>, vector<16xf32>,
        %sub3A_757 = arith.subf %get3A_756, %get3A_27 : vector<16xf32>
        %mul3A_758 = arith.mulf %sub3A_757, %sub3A_757 : vector<16xf32>
        %add3A_759 = arith.addf %add3A_743, %mul3A_758 : vector<16xf32>
        %add3A_760 = arith.constant 4 : i32
        %add3A_761 = arith.addi %mul3A_85, %add3A_760 : i32
        %get3A_762 = arith.index_cast %add3A_761 : i32 to index
        %get3A_763 = arith.constant 208 : index
        %get3A_764 = tpu.vector_load %arg8[%get3A_762, %get3A_763] {strides = array<i32>} : memref<64x256xf32, #tpu.memory_space<vmem>>, vector<16xf32>,
        %sub3A_765 = arith.subf %get3A_764, %get3A_29 : vector<16xf32>
        %mul3A_766 = arith.mulf %sub3A_765, %sub3A_765 : vector<16xf32>
        %add3A_767 = arith.addf %add3A_751, %mul3A_766 : vector<16xf32>
        %add3A_768 = arith.constant 4 : i32
        %add3A_769 = arith.addi %mul3A_85, %add3A_768 : i32
        %get3A_770 = arith.index_cast %add3A_769 : i32 to index
        %get3A_771 = arith.constant 224 : index
        %get3A_772 = tpu.vector_load %arg8[%get3A_770, %get3A_771] {strides = array<i32>} : memref<64x256xf32, #tpu.memory_space<vmem>>, vector<16xf32>,
        %sub3A_773 = arith.subf %get3A_772, %get3A_31 : vector<16xf32>
        %mul3A_774 = arith.mulf %sub3A_773, %sub3A_773 : vector<16xf32>
        %add3A_775 = arith.addf %add3A_759, %mul3A_774 : vector<16xf32>
        %add3A_776 = arith.constant 4 : i32
        %add3A_777 = arith.addi %mul3A_85, %add3A_776 : i32
        %get3A_778 = arith.index_cast %add3A_777 : i32 to index
        %get3A_779 = arith.constant 240 : index
        %get3A_780 = tpu.vector_load %arg8[%get3A_778, %get3A_779] {strides = array<i32>} : memref<64x256xf32, #tpu.memory_space<vmem>>, vector<16xf32>,
        %sub3A_781 = arith.subf %get3A_780, %get3A_33 : vector<16xf32>
        %mul3A_782 = arith.mulf %sub3A_781, %sub3A_781 : vector<16xf32>
        %add3A_783 = arith.addf %add3A_767, %mul3A_782 : vector<16xf32>
        %add3A_784 = arith.addf %add3A_775, %add3A_783 : vector<16xf32>
        %reduce_sum3A_785 = arith.constant true
        %reduce_sum3A_786 = vector.broadcast %reduce_sum3A_785 : i1 to vector<16xi1>
        %reduce_sum3A_787 = tpu.scan <sum>, %add3A_784 masked %reduce_sum3A_786 : vector<16xf32>, vector<16xi1> -> vector<16xf32>
        %reduce_sum3A_788 = vector.extract %reduce_sum3A_787[15] : f32 from vector<16xf32>
        %eq3A_789 = arith.constant 4 : i32
        %eq3A_790 = vector.broadcast %eq3A_789 : i32 to vector<16xi32>
        %eq3A_791 = arith.cmpi eq, %iota3A, %eq3A_790 : vector<16xi32>
        %broadcast_in_dim3A_792 = vector.broadcast %reduce_sum3A_788 : f32 to vector<16xf32>
        %select_n3A_793 = arith.select %eq3A_791, %broadcast_in_dim3A_792, %select_n3A_651 : vector<16xi1>, vector<16xf32>
        %broadcast_in_dim3A_794 = arith.constant 0.000000e+00 : f32
        %broadcast_in_dim3A_795 = vector.broadcast %broadcast_in_dim3A_794 : f32 to vector<16xf32>
        %broadcast_in_dim3A_796 = arith.constant 0.000000e+00 : f32
        %broadcast_in_dim3A_797 = vector.broadcast %broadcast_in_dim3A_796 : f32 to vector<16xf32>
        %add3A_798 = arith.constant 5 : i32
        %add3A_799 = arith.addi %mul3A_85, %add3A_798 : i32
        %get3A_800 = arith.index_cast %add3A_799 : i32 to index
        %get3A_801 = arith.constant 0 : index
        %get3A_802 = tpu.vector_load %arg8[%get3A_800, %get3A_801] {strides = array<i32>} : memref<64x256xf32, #tpu.memory_space<vmem>>, vector<16xf32>,
        %sub3A_803 = arith.subf %get3A_802, %get3A_3 : vector<16xf32>
        %mul3A_804 = arith.mulf %sub3A_803, %sub3A_803 : vector<16xf32>
        %add3A_805 = arith.addf %broadcast_in_dim3A_795, %mul3A_804 : vector<16xf32>
        %add3A_806 = arith.constant 5 : i32
        %add3A_807 = arith.addi %mul3A_85, %add3A_806 : i32
        %get3A_808 = arith.index_cast %add3A_807 : i32 to index
        %get3A_809 = arith.constant 16 : index
        %get3A_810 = tpu.vector_load %arg8[%get3A_808, %get3A_809] {strides = array<i32>} : memref<64x256xf32, #tpu.memory_space<vmem>>, vector<16xf32>,
        %sub3A_811 = arith.subf %get3A_810, %get3A_5 : vector<16xf32>
        %mul3A_812 = arith.mulf %sub3A_811, %sub3A_811 : vector<16xf32>
        %add3A_813 = arith.addf %broadcast_in_dim3A_797, %mul3A_812 : vector<16xf32>
        %add3A_814 = arith.constant 5 : i32
        %add3A_815 = arith.addi %mul3A_85, %add3A_814 : i32
        %get3A_816 = arith.index_cast %add3A_815 : i32 to index
        %get3A_817 = arith.constant 32 : index
        %get3A_818 = tpu.vector_load %arg8[%get3A_816, %get3A_817] {strides = array<i32>} : memref<64x256xf32, #tpu.memory_space<vmem>>, vector<16xf32>,
        %sub3A_819 = arith.subf %get3A_818, %get3A_7 : vector<16xf32>
        %mul3A_820 = arith.mulf %sub3A_819, %sub3A_819 : vector<16xf32>
        %add3A_821 = arith.addf %add3A_805, %mul3A_820 : vector<16xf32>
        %add3A_822 = arith.constant 5 : i32
        %add3A_823 = arith.addi %mul3A_85, %add3A_822 : i32
        %get3A_824 = arith.index_cast %add3A_823 : i32 to index
        %get3A_825 = arith.constant 48 : index
        %get3A_826 = tpu.vector_load %arg8[%get3A_824, %get3A_825] {strides = array<i32>} : memref<64x256xf32, #tpu.memory_space<vmem>>, vector<16xf32>,
        %sub3A_827 = arith.subf %get3A_826, %get3A_9 : vector<16xf32>
        %mul3A_828 = arith.mulf %sub3A_827, %sub3A_827 : vector<16xf32>
        %add3A_829 = arith.addf %add3A_813, %mul3A_828 : vector<16xf32>
        %add3A_830 = arith.constant 5 : i32
        %add3A_831 = arith.addi %mul3A_85, %add3A_830 : i32
        %get3A_832 = arith.index_cast %add3A_831 : i32 to index
        %get3A_833 = arith.constant 64 : index
        %get3A_834 = tpu.vector_load %arg8[%get3A_832, %get3A_833] {strides = array<i32>} : memref<64x256xf32, #tpu.memory_space<vmem>>, vector<16xf32>,
        %sub3A_835 = arith.subf %get3A_834, %get3A_11 : vector<16xf32>
        %mul3A_836 = arith.mulf %sub3A_835, %sub3A_835 : vector<16xf32>
        %add3A_837 = arith.addf %add3A_821, %mul3A_836 : vector<16xf32>
        %add3A_838 = arith.constant 5 : i32
        %add3A_839 = arith.addi %mul3A_85, %add3A_838 : i32
        %get3A_840 = arith.index_cast %add3A_839 : i32 to index
        %get3A_841 = arith.constant 80 : index
        %get3A_842 = tpu.vector_load %arg8[%get3A_840, %get3A_841] {strides = array<i32>} : memref<64x256xf32, #tpu.memory_space<vmem>>, vector<16xf32>,
        %sub3A_843 = arith.subf %get3A_842, %get3A_13 : vector<16xf32>
        %mul3A_844 = arith.mulf %sub3A_843, %sub3A_843 : vector<16xf32>
        %add3A_845 = arith.addf %add3A_829, %mul3A_844 : vector<16xf32>
        %add3A_846 = arith.constant 5 : i32
        %add3A_847 = arith.addi %mul3A_85, %add3A_846 : i32
        %get3A_848 = arith.index_cast %add3A_847 : i32 to index
        %get3A_849 = arith.constant 96 : index
        %get3A_850 = tpu.vector_load %arg8[%get3A_848, %get3A_849] {strides = array<i32>} : memref<64x256xf32, #tpu.memory_space<vmem>>, vector<16xf32>,
        %sub3A_851 = arith.subf %get3A_850, %get3A_15 : vector<16xf32>
        %mul3A_852 = arith.mulf %sub3A_851, %sub3A_851 : vector<16xf32>
        %add3A_853 = arith.addf %add3A_837, %mul3A_852 : vector<16xf32>
        %add3A_854 = arith.constant 5 : i32
        %add3A_855 = arith.addi %mul3A_85, %add3A_854 : i32
        %get3A_856 = arith.index_cast %add3A_855 : i32 to index
        %get3A_857 = arith.constant 112 : index
        %get3A_858 = tpu.vector_load %arg8[%get3A_856, %get3A_857] {strides = array<i32>} : memref<64x256xf32, #tpu.memory_space<vmem>>, vector<16xf32>,
        %sub3A_859 = arith.subf %get3A_858, %get3A_17 : vector<16xf32>
        %mul3A_860 = arith.mulf %sub3A_859, %sub3A_859 : vector<16xf32>
        %add3A_861 = arith.addf %add3A_845, %mul3A_860 : vector<16xf32>
        %add3A_862 = arith.constant 5 : i32
        %add3A_863 = arith.addi %mul3A_85, %add3A_862 : i32
        %get3A_864 = arith.index_cast %add3A_863 : i32 to index
        %get3A_865 = arith.constant 128 : index
        %get3A_866 = tpu.vector_load %arg8[%get3A_864, %get3A_865] {strides = array<i32>} : memref<64x256xf32, #tpu.memory_space<vmem>>, vector<16xf32>,
        %sub3A_867 = arith.subf %get3A_866, %get3A_19 : vector<16xf32>
        %mul3A_868 = arith.mulf %sub3A_867, %sub3A_867 : vector<16xf32>
        %add3A_869 = arith.addf %add3A_853, %mul3A_868 : vector<16xf32>
        %add3A_870 = arith.constant 5 : i32
        %add3A_871 = arith.addi %mul3A_85, %add3A_870 : i32
        %get3A_872 = arith.index_cast %add3A_871 : i32 to index
        %get3A_873 = arith.constant 144 : index
        %get3A_874 = tpu.vector_load %arg8[%get3A_872, %get3A_873] {strides = array<i32>} : memref<64x256xf32, #tpu.memory_space<vmem>>, vector<16xf32>,
        %sub3A_875 = arith.subf %get3A_874, %get3A_21 : vector<16xf32>
        %mul3A_876 = arith.mulf %sub3A_875, %sub3A_875 : vector<16xf32>
        %add3A_877 = arith.addf %add3A_861, %mul3A_876 : vector<16xf32>
        %add3A_878 = arith.constant 5 : i32
        %add3A_879 = arith.addi %mul3A_85, %add3A_878 : i32
        %get3A_880 = arith.index_cast %add3A_879 : i32 to index
        %get3A_881 = arith.constant 160 : index
        %get3A_882 = tpu.vector_load %arg8[%get3A_880, %get3A_881] {strides = array<i32>} : memref<64x256xf32, #tpu.memory_space<vmem>>, vector<16xf32>,
        %sub3A_883 = arith.subf %get3A_882, %get3A_23 : vector<16xf32>
        %mul3A_884 = arith.mulf %sub3A_883, %sub3A_883 : vector<16xf32>
        %add3A_885 = arith.addf %add3A_869, %mul3A_884 : vector<16xf32>
        %add3A_886 = arith.constant 5 : i32
        %add3A_887 = arith.addi %mul3A_85, %add3A_886 : i32
        %get3A_888 = arith.index_cast %add3A_887 : i32 to index
        %get3A_889 = arith.constant 176 : index
        %get3A_890 = tpu.vector_load %arg8[%get3A_888, %get3A_889] {strides = array<i32>} : memref<64x256xf32, #tpu.memory_space<vmem>>, vector<16xf32>,
        %sub3A_891 = arith.subf %get3A_890, %get3A_25 : vector<16xf32>
        %mul3A_892 = arith.mulf %sub3A_891, %sub3A_891 : vector<16xf32>
        %add3A_893 = arith.addf %add3A_877, %mul3A_892 : vector<16xf32>
        %add3A_894 = arith.constant 5 : i32
        %add3A_895 = arith.addi %mul3A_85, %add3A_894 : i32
        %get3A_896 = arith.index_cast %add3A_895 : i32 to index
        %get3A_897 = arith.constant 192 : index
        %get3A_898 = tpu.vector_load %arg8[%get3A_896, %get3A_897] {strides = array<i32>} : memref<64x256xf32, #tpu.memory_space<vmem>>, vector<16xf32>,
        %sub3A_899 = arith.subf %get3A_898, %get3A_27 : vector<16xf32>
        %mul3A_900 = arith.mulf %sub3A_899, %sub3A_899 : vector<16xf32>
        %add3A_901 = arith.addf %add3A_885, %mul3A_900 : vector<16xf32>
        %add3A_902 = arith.constant 5 : i32
        %add3A_903 = arith.addi %mul3A_85, %add3A_902 : i32
        %get3A_904 = arith.index_cast %add3A_903 : i32 to index
        %get3A_905 = arith.constant 208 : index
        %get3A_906 = tpu.vector_load %arg8[%get3A_904, %get3A_905] {strides = array<i32>} : memref<64x256xf32, #tpu.memory_space<vmem>>, vector<16xf32>,
        %sub3A_907 = arith.subf %get3A_906, %get3A_29 : vector<16xf32>
        %mul3A_908 = arith.mulf %sub3A_907, %sub3A_907 : vector<16xf32>
        %add3A_909 = arith.addf %add3A_893, %mul3A_908 : vector<16xf32>
        %add3A_910 = arith.constant 5 : i32
        %add3A_911 = arith.addi %mul3A_85, %add3A_910 : i32
        %get3A_912 = arith.index_cast %add3A_911 : i32 to index
        %get3A_913 = arith.constant 224 : index
        %get3A_914 = tpu.vector_load %arg8[%get3A_912, %get3A_913] {strides = array<i32>} : memref<64x256xf32, #tpu.memory_space<vmem>>, vector<16xf32>,
        %sub3A_915 = arith.subf %get3A_914, %get3A_31 : vector<16xf32>
        %mul3A_916 = arith.mulf %sub3A_915, %sub3A_915 : vector<16xf32>
        %add3A_917 = arith.addf %add3A_901, %mul3A_916 : vector<16xf32>
        %add3A_918 = arith.constant 5 : i32
        %add3A_919 = arith.addi %mul3A_85, %add3A_918 : i32
        %get3A_920 = arith.index_cast %add3A_919 : i32 to index
        %get3A_921 = arith.constant 240 : index
        %get3A_922 = tpu.vector_load %arg8[%get3A_920, %get3A_921] {strides = array<i32>} : memref<64x256xf32, #tpu.memory_space<vmem>>, vector<16xf32>,
        %sub3A_923 = arith.subf %get3A_922, %get3A_33 : vector<16xf32>
        %mul3A_924 = arith.mulf %sub3A_923, %sub3A_923 : vector<16xf32>
        %add3A_925 = arith.addf %add3A_909, %mul3A_924 : vector<16xf32>
        %add3A_926 = arith.addf %add3A_917, %add3A_925 : vector<16xf32>
        %reduce_sum3A_927 = arith.constant true
        %reduce_sum3A_928 = vector.broadcast %reduce_sum3A_927 : i1 to vector<16xi1>
        %reduce_sum3A_929 = tpu.scan <sum>, %add3A_926 masked %reduce_sum3A_928 : vector<16xf32>, vector<16xi1> -> vector<16xf32>
        %reduce_sum3A_930 = vector.extract %reduce_sum3A_929[15] : f32 from vector<16xf32>
        %eq3A_931 = arith.constant 5 : i32
        %eq3A_932 = vector.broadcast %eq3A_931 : i32 to vector<16xi32>
        %eq3A_933 = arith.cmpi eq, %iota3A, %eq3A_932 : vector<16xi32>
        %broadcast_in_dim3A_934 = vector.broadcast %reduce_sum3A_930 : f32 to vector<16xf32>
        %select_n3A_935 = arith.select %eq3A_933, %broadcast_in_dim3A_934, %select_n3A_793 : vector<16xi1>, vector<16xf32>
        %broadcast_in_dim3A_936 = arith.constant 0.000000e+00 : f32
        %broadcast_in_dim3A_937 = vector.broadcast %broadcast_in_dim3A_936 : f32 to vector<16xf32>
        %broadcast_in_dim3A_938 = arith.constant 0.000000e+00 : f32
        %broadcast_in_dim3A_939 = vector.broadcast %broadcast_in_dim3A_938 : f32 to vector<16xf32>
        %add3A_940 = arith.constant 6 : i32
        %add3A_941 = arith.addi %mul3A_85, %add3A_940 : i32
        %get3A_942 = arith.index_cast %add3A_941 : i32 to index
        %get3A_943 = arith.constant 0 : index
        %get3A_944 = tpu.vector_load %arg8[%get3A_942, %get3A_943] {strides = array<i32>} : memref<64x256xf32, #tpu.memory_space<vmem>>, vector<16xf32>,
        %sub3A_945 = arith.subf %get3A_944, %get3A_3 : vector<16xf32>
        %mul3A_946 = arith.mulf %sub3A_945, %sub3A_945 : vector<16xf32>
        %add3A_947 = arith.addf %broadcast_in_dim3A_937, %mul3A_946 : vector<16xf32>
        %add3A_948 = arith.constant 6 : i32
        %add3A_949 = arith.addi %mul3A_85, %add3A_948 : i32
        %get3A_950 = arith.index_cast %add3A_949 : i32 to index
        %get3A_951 = arith.constant 16 : index
        %get3A_952 = tpu.vector_load %arg8[%get3A_950, %get3A_951] {strides = array<i32>} : memref<64x256xf32, #tpu.memory_space<vmem>>, vector<16xf32>,
        %sub3A_953 = arith.subf %get3A_952, %get3A_5 : vector<16xf32>
        %mul3A_954 = arith.mulf %sub3A_953, %sub3A_953 : vector<16xf32>
        %add3A_955 = arith.addf %broadcast_in_dim3A_939, %mul3A_954 : vector<16xf32>
        %add3A_956 = arith.constant 6 : i32
        %add3A_957 = arith.addi %mul3A_85, %add3A_956 : i32
        %get3A_958 = arith.index_cast %add3A_957 : i32 to index
        %get3A_959 = arith.constant 32 : index
        %get3A_960 = tpu.vector_load %arg8[%get3A_958, %get3A_959] {strides = array<i32>} : memref<64x256xf32, #tpu.memory_space<vmem>>, vector<16xf32>,
        %sub3A_961 = arith.subf %get3A_960, %get3A_7 : vector<16xf32>
        %mul3A_962 = arith.mulf %sub3A_961, %sub3A_961 : vector<16xf32>
        %add3A_963 = arith.addf %add3A_947, %mul3A_962 : vector<16xf32>
        %add3A_964 = arith.constant 6 : i32
        %add3A_965 = arith.addi %mul3A_85, %add3A_964 : i32
        %get3A_966 = arith.index_cast %add3A_965 : i32 to index
        %get3A_967 = arith.constant 48 : index
        %get3A_968 = tpu.vector_load %arg8[%get3A_966, %get3A_967] {strides = array<i32>} : memref<64x256xf32, #tpu.memory_space<vmem>>, vector<16xf32>,
        %sub3A_969 = arith.subf %get3A_968, %get3A_9 : vector<16xf32>
        %mul3A_970 = arith.mulf %sub3A_969, %sub3A_969 : vector<16xf32>
        %add3A_971 = arith.addf %add3A_955, %mul3A_970 : vector<16xf32>
        %add3A_972 = arith.constant 6 : i32
        %add3A_973 = arith.addi %mul3A_85, %add3A_972 : i32
        %get3A_974 = arith.index_cast %add3A_973 : i32 to index
        %get3A_975 = arith.constant 64 : index
        %get3A_976 = tpu.vector_load %arg8[%get3A_974, %get3A_975] {strides = array<i32>} : memref<64x256xf32, #tpu.memory_space<vmem>>, vector<16xf32>,
        %sub3A_977 = arith.subf %get3A_976, %get3A_11 : vector<16xf32>
        %mul3A_978 = arith.mulf %sub3A_977, %sub3A_977 : vector<16xf32>
        %add3A_979 = arith.addf %add3A_963, %mul3A_978 : vector<16xf32>
        %add3A_980 = arith.constant 6 : i32
        %add3A_981 = arith.addi %mul3A_85, %add3A_980 : i32
        %get3A_982 = arith.index_cast %add3A_981 : i32 to index
        %get3A_983 = arith.constant 80 : index
        %get3A_984 = tpu.vector_load %arg8[%get3A_982, %get3A_983] {strides = array<i32>} : memref<64x256xf32, #tpu.memory_space<vmem>>, vector<16xf32>,
        %sub3A_985 = arith.subf %get3A_984, %get3A_13 : vector<16xf32>
        %mul3A_986 = arith.mulf %sub3A_985, %sub3A_985 : vector<16xf32>
        %add3A_987 = arith.addf %add3A_971, %mul3A_986 : vector<16xf32>
        %add3A_988 = arith.constant 6 : i32
        %add3A_989 = arith.addi %mul3A_85, %add3A_988 : i32
        %get3A_990 = arith.index_cast %add3A_989 : i32 to index
        %get3A_991 = arith.constant 96 : index
        %get3A_992 = tpu.vector_load %arg8[%get3A_990, %get3A_991] {strides = array<i32>} : memref<64x256xf32, #tpu.memory_space<vmem>>, vector<16xf32>,
        %sub3A_993 = arith.subf %get3A_992, %get3A_15 : vector<16xf32>
        %mul3A_994 = arith.mulf %sub3A_993, %sub3A_993 : vector<16xf32>
        %add3A_995 = arith.addf %add3A_979, %mul3A_994 : vector<16xf32>
        %add3A_996 = arith.constant 6 : i32
        %add3A_997 = arith.addi %mul3A_85, %add3A_996 : i32
        %get3A_998 = arith.index_cast %add3A_997 : i32 to index
        %get3A_999 = arith.constant 112 : index
        %get3A_1000 = tpu.vector_load %arg8[%get3A_998, %get3A_999] {strides = array<i32>} : memref<64x256xf32, #tpu.memory_space<vmem>>, vector<16xf32>,
        %sub3A_1001 = arith.subf %get3A_1000, %get3A_17 : vector<16xf32>
        %mul3A_1002 = arith.mulf %sub3A_1001, %sub3A_1001 : vector<16xf32>
        %add3A_1003 = arith.addf %add3A_987, %mul3A_1002 : vector<16xf32>
        %add3A_1004 = arith.constant 6 : i32
        %add3A_1005 = arith.addi %mul3A_85, %add3A_1004 : i32
        %get3A_1006 = arith.index_cast %add3A_1005 : i32 to index
        %get3A_1007 = arith.constant 128 : index
        %get3A_1008 = tpu.vector_load %arg8[%get3A_1006, %get3A_1007] {strides = array<i32>} : memref<64x256xf32, #tpu.memory_space<vmem>>, vector<16xf32>,
        %sub3A_1009 = arith.subf %get3A_1008, %get3A_19 : vector<16xf32>
        %mul3A_1010 = arith.mulf %sub3A_1009, %sub3A_1009 : vector<16xf32>
        %add3A_1011 = arith.addf %add3A_995, %mul3A_1010 : vector<16xf32>
        %add3A_1012 = arith.constant 6 : i32
        %add3A_1013 = arith.addi %mul3A_85, %add3A_1012 : i32
        %get3A_1014 = arith.index_cast %add3A_1013 : i32 to index
        %get3A_1015 = arith.constant 144 : index
        %get3A_1016 = tpu.vector_load %arg8[%get3A_1014, %get3A_1015] {strides = array<i32>} : memref<64x256xf32, #tpu.memory_space<vmem>>, vector<16xf32>,
        %sub3A_1017 = arith.subf %get3A_1016, %get3A_21 : vector<16xf32>
        %mul3A_1018 = arith.mulf %sub3A_1017, %sub3A_1017 : vector<16xf32>
        %add3A_1019 = arith.addf %add3A_1003, %mul3A_1018 : vector<16xf32>
        %add3A_1020 = arith.constant 6 : i32
        %add3A_1021 = arith.addi %mul3A_85, %add3A_1020 : i32
        %get3A_1022 = arith.index_cast %add3A_1021 : i32 to index
        %get3A_1023 = arith.constant 160 : index
        %get3A_1024 = tpu.vector_load %arg8[%get3A_1022, %get3A_1023] {strides = array<i32>} : memref<64x256xf32, #tpu.memory_space<vmem>>, vector<16xf32>,
        %sub3A_1025 = arith.subf %get3A_1024, %get3A_23 : vector<16xf32>
        %mul3A_1026 = arith.mulf %sub3A_1025, %sub3A_1025 : vector<16xf32>
        %add3A_1027 = arith.addf %add3A_1011, %mul3A_1026 : vector<16xf32>
        %add3A_1028 = arith.constant 6 : i32
        %add3A_1029 = arith.addi %mul3A_85, %add3A_1028 : i32
        %get3A_1030 = arith.index_cast %add3A_1029 : i32 to index
        %get3A_1031 = arith.constant 176 : index
        %get3A_1032 = tpu.vector_load %arg8[%get3A_1030, %get3A_1031] {strides = array<i32>} : memref<64x256xf32, #tpu.memory_space<vmem>>, vector<16xf32>,
        %sub3A_1033 = arith.subf %get3A_1032, %get3A_25 : vector<16xf32>
        %mul3A_1034 = arith.mulf %sub3A_1033, %sub3A_1033 : vector<16xf32>
        %add3A_1035 = arith.addf %add3A_1019, %mul3A_1034 : vector<16xf32>
        %add3A_1036 = arith.constant 6 : i32
        %add3A_1037 = arith.addi %mul3A_85, %add3A_1036 : i32
        %get3A_1038 = arith.index_cast %add3A_1037 : i32 to index
        %get3A_1039 = arith.constant 192 : index
        %get3A_1040 = tpu.vector_load %arg8[%get3A_1038, %get3A_1039] {strides = array<i32>} : memref<64x256xf32, #tpu.memory_space<vmem>>, vector<16xf32>,
        %sub3A_1041 = arith.subf %get3A_1040, %get3A_27 : vector<16xf32>
        %mul3A_1042 = arith.mulf %sub3A_1041, %sub3A_1041 : vector<16xf32>
        %add3A_1043 = arith.addf %add3A_1027, %mul3A_1042 : vector<16xf32>
        %add3A_1044 = arith.constant 6 : i32
        %add3A_1045 = arith.addi %mul3A_85, %add3A_1044 : i32
        %get3A_1046 = arith.index_cast %add3A_1045 : i32 to index
        %get3A_1047 = arith.constant 208 : index
        %get3A_1048 = tpu.vector_load %arg8[%get3A_1046, %get3A_1047] {strides = array<i32>} : memref<64x256xf32, #tpu.memory_space<vmem>>, vector<16xf32>,
        %sub3A_1049 = arith.subf %get3A_1048, %get3A_29 : vector<16xf32>
        %mul3A_1050 = arith.mulf %sub3A_1049, %sub3A_1049 : vector<16xf32>
        %add3A_1051 = arith.addf %add3A_1035, %mul3A_1050 : vector<16xf32>
        %add3A_1052 = arith.constant 6 : i32
        %add3A_1053 = arith.addi %mul3A_85, %add3A_1052 : i32
        %get3A_1054 = arith.index_cast %add3A_1053 : i32 to index
        %get3A_1055 = arith.constant 224 : index
        %get3A_1056 = tpu.vector_load %arg8[%get3A_1054, %get3A_1055] {strides = array<i32>} : memref<64x256xf32, #tpu.memory_space<vmem>>, vector<16xf32>,
        %sub3A_1057 = arith.subf %get3A_1056, %get3A_31 : vector<16xf32>
        %mul3A_1058 = arith.mulf %sub3A_1057, %sub3A_1057 : vector<16xf32>
        %add3A_1059 = arith.addf %add3A_1043, %mul3A_1058 : vector<16xf32>
        %add3A_1060 = arith.constant 6 : i32
        %add3A_1061 = arith.addi %mul3A_85, %add3A_1060 : i32
        %get3A_1062 = arith.index_cast %add3A_1061 : i32 to index
        %get3A_1063 = arith.constant 240 : index
        %get3A_1064 = tpu.vector_load %arg8[%get3A_1062, %get3A_1063] {strides = array<i32>} : memref<64x256xf32, #tpu.memory_space<vmem>>, vector<16xf32>,
        %sub3A_1065 = arith.subf %get3A_1064, %get3A_33 : vector<16xf32>
        %mul3A_1066 = arith.mulf %sub3A_1065, %sub3A_1065 : vector<16xf32>
        %add3A_1067 = arith.addf %add3A_1051, %mul3A_1066 : vector<16xf32>
        %add3A_1068 = arith.addf %add3A_1059, %add3A_1067 : vector<16xf32>
        %reduce_sum3A_1069 = arith.constant true
        %reduce_sum3A_1070 = vector.broadcast %reduce_sum3A_1069 : i1 to vector<16xi1>
        %reduce_sum3A_1071 = tpu.scan <sum>, %add3A_1068 masked %reduce_sum3A_1070 : vector<16xf32>, vector<16xi1> -> vector<16xf32>
        %reduce_sum3A_1072 = vector.extract %reduce_sum3A_1071[15] : f32 from vector<16xf32>
        %eq3A_1073 = arith.constant 6 : i32
        %eq3A_1074 = vector.broadcast %eq3A_1073 : i32 to vector<16xi32>
        %eq3A_1075 = arith.cmpi eq, %iota3A, %eq3A_1074 : vector<16xi32>
        %broadcast_in_dim3A_1076 = vector.broadcast %reduce_sum3A_1072 : f32 to vector<16xf32>
        %select_n3A_1077 = arith.select %eq3A_1075, %broadcast_in_dim3A_1076, %select_n3A_935 : vector<16xi1>, vector<16xf32>
        %broadcast_in_dim3A_1078 = arith.constant 0.000000e+00 : f32
        %broadcast_in_dim3A_1079 = vector.broadcast %broadcast_in_dim3A_1078 : f32 to vector<16xf32>
        %broadcast_in_dim3A_1080 = arith.constant 0.000000e+00 : f32
        %broadcast_in_dim3A_1081 = vector.broadcast %broadcast_in_dim3A_1080 : f32 to vector<16xf32>
        %add3A_1082 = arith.constant 7 : i32
        %add3A_1083 = arith.addi %mul3A_85, %add3A_1082 : i32
        %get3A_1084 = arith.index_cast %add3A_1083 : i32 to index
        %get3A_1085 = arith.constant 0 : index
        %get3A_1086 = tpu.vector_load %arg8[%get3A_1084, %get3A_1085] {strides = array<i32>} : memref<64x256xf32, #tpu.memory_space<vmem>>, vector<16xf32>,
        %sub3A_1087 = arith.subf %get3A_1086, %get3A_3 : vector<16xf32>
        %mul3A_1088 = arith.mulf %sub3A_1087, %sub3A_1087 : vector<16xf32>
        %add3A_1089 = arith.addf %broadcast_in_dim3A_1079, %mul3A_1088 : vector<16xf32>
        %add3A_1090 = arith.constant 7 : i32
        %add3A_1091 = arith.addi %mul3A_85, %add3A_1090 : i32
        %get3A_1092 = arith.index_cast %add3A_1091 : i32 to index
        %get3A_1093 = arith.constant 16 : index
        %get3A_1094 = tpu.vector_load %arg8[%get3A_1092, %get3A_1093] {strides = array<i32>} : memref<64x256xf32, #tpu.memory_space<vmem>>, vector<16xf32>,
        %sub3A_1095 = arith.subf %get3A_1094, %get3A_5 : vector<16xf32>
        %mul3A_1096 = arith.mulf %sub3A_1095, %sub3A_1095 : vector<16xf32>
        %add3A_1097 = arith.addf %broadcast_in_dim3A_1081, %mul3A_1096 : vector<16xf32>
        %add3A_1098 = arith.constant 7 : i32
        %add3A_1099 = arith.addi %mul3A_85, %add3A_1098 : i32
        %get3A_1100 = arith.index_cast %add3A_1099 : i32 to index
        %get3A_1101 = arith.constant 32 : index
        %get3A_1102 = tpu.vector_load %arg8[%get3A_1100, %get3A_1101] {strides = array<i32>} : memref<64x256xf32, #tpu.memory_space<vmem>>, vector<16xf32>,
        %sub3A_1103 = arith.subf %get3A_1102, %get3A_7 : vector<16xf32>
        %mul3A_1104 = arith.mulf %sub3A_1103, %sub3A_1103 : vector<16xf32>
        %add3A_1105 = arith.addf %add3A_1089, %mul3A_1104 : vector<16xf32>
        %add3A_1106 = arith.constant 7 : i32
        %add3A_1107 = arith.addi %mul3A_85, %add3A_1106 : i32
        %get3A_1108 = arith.index_cast %add3A_1107 : i32 to index
        %get3A_1109 = arith.constant 48 : index
        %get3A_1110 = tpu.vector_load %arg8[%get3A_1108, %get3A_1109] {strides = array<i32>} : memref<64x256xf32, #tpu.memory_space<vmem>>, vector<16xf32>,
        %sub3A_1111 = arith.subf %get3A_1110, %get3A_9 : vector<16xf32>
        %mul3A_1112 = arith.mulf %sub3A_1111, %sub3A_1111 : vector<16xf32>
        %add3A_1113 = arith.addf %add3A_1097, %mul3A_1112 : vector<16xf32>
        %add3A_1114 = arith.constant 7 : i32
        %add3A_1115 = arith.addi %mul3A_85, %add3A_1114 : i32
        %get3A_1116 = arith.index_cast %add3A_1115 : i32 to index
        %get3A_1117 = arith.constant 64 : index
        %get3A_1118 = tpu.vector_load %arg8[%get3A_1116, %get3A_1117] {strides = array<i32>} : memref<64x256xf32, #tpu.memory_space<vmem>>, vector<16xf32>,
        %sub3A_1119 = arith.subf %get3A_1118, %get3A_11 : vector<16xf32>
        %mul3A_1120 = arith.mulf %sub3A_1119, %sub3A_1119 : vector<16xf32>
        %add3A_1121 = arith.addf %add3A_1105, %mul3A_1120 : vector<16xf32>
        %add3A_1122 = arith.constant 7 : i32
        %add3A_1123 = arith.addi %mul3A_85, %add3A_1122 : i32
        %get3A_1124 = arith.index_cast %add3A_1123 : i32 to index
        %get3A_1125 = arith.constant 80 : index
        %get3A_1126 = tpu.vector_load %arg8[%get3A_1124, %get3A_1125] {strides = array<i32>} : memref<64x256xf32, #tpu.memory_space<vmem>>, vector<16xf32>,
        %sub3A_1127 = arith.subf %get3A_1126, %get3A_13 : vector<16xf32>
        %mul3A_1128 = arith.mulf %sub3A_1127, %sub3A_1127 : vector<16xf32>
        %add3A_1129 = arith.addf %add3A_1113, %mul3A_1128 : vector<16xf32>
        %add3A_1130 = arith.constant 7 : i32
        %add3A_1131 = arith.addi %mul3A_85, %add3A_1130 : i32
        %get3A_1132 = arith.index_cast %add3A_1131 : i32 to index
        %get3A_1133 = arith.constant 96 : index
        %get3A_1134 = tpu.vector_load %arg8[%get3A_1132, %get3A_1133] {strides = array<i32>} : memref<64x256xf32, #tpu.memory_space<vmem>>, vector<16xf32>,
        %sub3A_1135 = arith.subf %get3A_1134, %get3A_15 : vector<16xf32>
        %mul3A_1136 = arith.mulf %sub3A_1135, %sub3A_1135 : vector<16xf32>
        %add3A_1137 = arith.addf %add3A_1121, %mul3A_1136 : vector<16xf32>
        %add3A_1138 = arith.constant 7 : i32
        %add3A_1139 = arith.addi %mul3A_85, %add3A_1138 : i32
        %get3A_1140 = arith.index_cast %add3A_1139 : i32 to index
        %get3A_1141 = arith.constant 112 : index
        %get3A_1142 = tpu.vector_load %arg8[%get3A_1140, %get3A_1141] {strides = array<i32>} : memref<64x256xf32, #tpu.memory_space<vmem>>, vector<16xf32>,
        %sub3A_1143 = arith.subf %get3A_1142, %get3A_17 : vector<16xf32>
        %mul3A_1144 = arith.mulf %sub3A_1143, %sub3A_1143 : vector<16xf32>
        %add3A_1145 = arith.addf %add3A_1129, %mul3A_1144 : vector<16xf32>
        %add3A_1146 = arith.constant 7 : i32
        %add3A_1147 = arith.addi %mul3A_85, %add3A_1146 : i32
        %get3A_1148 = arith.index_cast %add3A_1147 : i32 to index
        %get3A_1149 = arith.constant 128 : index
        %get3A_1150 = tpu.vector_load %arg8[%get3A_1148, %get3A_1149] {strides = array<i32>} : memref<64x256xf32, #tpu.memory_space<vmem>>, vector<16xf32>,
        %sub3A_1151 = arith.subf %get3A_1150, %get3A_19 : vector<16xf32>
        %mul3A_1152 = arith.mulf %sub3A_1151, %sub3A_1151 : vector<16xf32>
        %add3A_1153 = arith.addf %add3A_1137, %mul3A_1152 : vector<16xf32>
        %add3A_1154 = arith.constant 7 : i32
        %add3A_1155 = arith.addi %mul3A_85, %add3A_1154 : i32
        %get3A_1156 = arith.index_cast %add3A_1155 : i32 to index
        %get3A_1157 = arith.constant 144 : index
        %get3A_1158 = tpu.vector_load %arg8[%get3A_1156, %get3A_1157] {strides = array<i32>} : memref<64x256xf32, #tpu.memory_space<vmem>>, vector<16xf32>,
        %sub3A_1159 = arith.subf %get3A_1158, %get3A_21 : vector<16xf32>
        %mul3A_1160 = arith.mulf %sub3A_1159, %sub3A_1159 : vector<16xf32>
        %add3A_1161 = arith.addf %add3A_1145, %mul3A_1160 : vector<16xf32>
        %add3A_1162 = arith.constant 7 : i32
        %add3A_1163 = arith.addi %mul3A_85, %add3A_1162 : i32
        %get3A_1164 = arith.index_cast %add3A_1163 : i32 to index
        %get3A_1165 = arith.constant 160 : index
        %get3A_1166 = tpu.vector_load %arg8[%get3A_1164, %get3A_1165] {strides = array<i32>} : memref<64x256xf32, #tpu.memory_space<vmem>>, vector<16xf32>,
        %sub3A_1167 = arith.subf %get3A_1166, %get3A_23 : vector<16xf32>
        %mul3A_1168 = arith.mulf %sub3A_1167, %sub3A_1167 : vector<16xf32>
        %add3A_1169 = arith.addf %add3A_1153, %mul3A_1168 : vector<16xf32>
        %add3A_1170 = arith.constant 7 : i32
        %add3A_1171 = arith.addi %mul3A_85, %add3A_1170 : i32
        %get3A_1172 = arith.index_cast %add3A_1171 : i32 to index
        %get3A_1173 = arith.constant 176 : index
        %get3A_1174 = tpu.vector_load %arg8[%get3A_1172, %get3A_1173] {strides = array<i32>} : memref<64x256xf32, #tpu.memory_space<vmem>>, vector<16xf32>,
        %sub3A_1175 = arith.subf %get3A_1174, %get3A_25 : vector<16xf32>
        %mul3A_1176 = arith.mulf %sub3A_1175, %sub3A_1175 : vector<16xf32>
        %add3A_1177 = arith.addf %add3A_1161, %mul3A_1176 : vector<16xf32>
        %add3A_1178 = arith.constant 7 : i32
        %add3A_1179 = arith.addi %mul3A_85, %add3A_1178 : i32
        %get3A_1180 = arith.index_cast %add3A_1179 : i32 to index
        %get3A_1181 = arith.constant 192 : index
        %get3A_1182 = tpu.vector_load %arg8[%get3A_1180, %get3A_1181] {strides = array<i32>} : memref<64x256xf32, #tpu.memory_space<vmem>>, vector<16xf32>,
        %sub3A_1183 = arith.subf %get3A_1182, %get3A_27 : vector<16xf32>
        %mul3A_1184 = arith.mulf %sub3A_1183, %sub3A_1183 : vector<16xf32>
        %add3A_1185 = arith.addf %add3A_1169, %mul3A_1184 : vector<16xf32>
        %add3A_1186 = arith.constant 7 : i32
        %add3A_1187 = arith.addi %mul3A_85, %add3A_1186 : i32
        %get3A_1188 = arith.index_cast %add3A_1187 : i32 to index
        %get3A_1189 = arith.constant 208 : index
        %get3A_1190 = tpu.vector_load %arg8[%get3A_1188, %get3A_1189] {strides = array<i32>} : memref<64x256xf32, #tpu.memory_space<vmem>>, vector<16xf32>,
        %sub3A_1191 = arith.subf %get3A_1190, %get3A_29 : vector<16xf32>
        %mul3A_1192 = arith.mulf %sub3A_1191, %sub3A_1191 : vector<16xf32>
        %add3A_1193 = arith.addf %add3A_1177, %mul3A_1192 : vector<16xf32>
        %add3A_1194 = arith.constant 7 : i32
        %add3A_1195 = arith.addi %mul3A_85, %add3A_1194 : i32
        %get3A_1196 = arith.index_cast %add3A_1195 : i32 to index
        %get3A_1197 = arith.constant 224 : index
        %get3A_1198 = tpu.vector_load %arg8[%get3A_1196, %get3A_1197] {strides = array<i32>} : memref<64x256xf32, #tpu.memory_space<vmem>>, vector<16xf32>,
        %sub3A_1199 = arith.subf %get3A_1198, %get3A_31 : vector<16xf32>
        %mul3A_1200 = arith.mulf %sub3A_1199, %sub3A_1199 : vector<16xf32>
        %add3A_1201 = arith.addf %add3A_1185, %mul3A_1200 : vector<16xf32>
        %add3A_1202 = arith.constant 7 : i32
        %add3A_1203 = arith.addi %mul3A_85, %add3A_1202 : i32
        %get3A_1204 = arith.index_cast %add3A_1203 : i32 to index
        %get3A_1205 = arith.constant 240 : index
        %get3A_1206 = tpu.vector_load %arg8[%get3A_1204, %get3A_1205] {strides = array<i32>} : memref<64x256xf32, #tpu.memory_space<vmem>>, vector<16xf32>,
        %sub3A_1207 = arith.subf %get3A_1206, %get3A_33 : vector<16xf32>
        %mul3A_1208 = arith.mulf %sub3A_1207, %sub3A_1207 : vector<16xf32>
        %add3A_1209 = arith.addf %add3A_1193, %mul3A_1208 : vector<16xf32>
        %add3A_1210 = arith.addf %add3A_1201, %add3A_1209 : vector<16xf32>
        %reduce_sum3A_1211 = arith.constant true
        %reduce_sum3A_1212 = vector.broadcast %reduce_sum3A_1211 : i1 to vector<16xi1>
        %reduce_sum3A_1213 = tpu.scan <sum>, %add3A_1210 masked %reduce_sum3A_1212 : vector<16xf32>, vector<16xi1> -> vector<16xf32>
        %reduce_sum3A_1214 = vector.extract %reduce_sum3A_1213[15] : f32 from vector<16xf32>
        %eq3A_1215 = arith.constant 7 : i32
        %eq3A_1216 = vector.broadcast %eq3A_1215 : i32 to vector<16xi32>
        %eq3A_1217 = arith.cmpi eq, %iota3A, %eq3A_1216 : vector<16xi32>
        %broadcast_in_dim3A_1218 = vector.broadcast %reduce_sum3A_1214 : f32 to vector<16xf32>
        %select_n3A_1219 = arith.select %eq3A_1217, %broadcast_in_dim3A_1218, %select_n3A_1077 : vector<16xi1>, vector<16xf32>
        %broadcast_in_dim3A_1220 = arith.constant 0.000000e+00 : f32
        %broadcast_in_dim3A_1221 = vector.broadcast %broadcast_in_dim3A_1220 : f32 to vector<16xf32>
        %broadcast_in_dim3A_1222 = arith.constant 0.000000e+00 : f32
        %broadcast_in_dim3A_1223 = vector.broadcast %broadcast_in_dim3A_1222 : f32 to vector<16xf32>
        %add3A_1224 = arith.constant 8 : i32
        %add3A_1225 = arith.addi %mul3A_85, %add3A_1224 : i32
        %get3A_1226 = arith.index_cast %add3A_1225 : i32 to index
        %get3A_1227 = arith.constant 0 : index
        %get3A_1228 = tpu.vector_load %arg8[%get3A_1226, %get3A_1227] {strides = array<i32>} : memref<64x256xf32, #tpu.memory_space<vmem>>, vector<16xf32>,
        %sub3A_1229 = arith.subf %get3A_1228, %get3A_3 : vector<16xf32>
        %mul3A_1230 = arith.mulf %sub3A_1229, %sub3A_1229 : vector<16xf32>
        %add3A_1231 = arith.addf %broadcast_in_dim3A_1221, %mul3A_1230 : vector<16xf32>
        %add3A_1232 = arith.constant 8 : i32
        %add3A_1233 = arith.addi %mul3A_85, %add3A_1232 : i32
        %get3A_1234 = arith.index_cast %add3A_1233 : i32 to index
        %get3A_1235 = arith.constant 16 : index
        %get3A_1236 = tpu.vector_load %arg8[%get3A_1234, %get3A_1235] {strides = array<i32>} : memref<64x256xf32, #tpu.memory_space<vmem>>, vector<16xf32>,
        %sub3A_1237 = arith.subf %get3A_1236, %get3A_5 : vector<16xf32>
        %mul3A_1238 = arith.mulf %sub3A_1237, %sub3A_1237 : vector<16xf32>
        %add3A_1239 = arith.addf %broadcast_in_dim3A_1223, %mul3A_1238 : vector<16xf32>
        %add3A_1240 = arith.constant 8 : i32
        %add3A_1241 = arith.addi %mul3A_85, %add3A_1240 : i32
        %get3A_1242 = arith.index_cast %add3A_1241 : i32 to index
        %get3A_1243 = arith.constant 32 : index
        %get3A_1244 = tpu.vector_load %arg8[%get3A_1242, %get3A_1243] {strides = array<i32>} : memref<64x256xf32, #tpu.memory_space<vmem>>, vector<16xf32>,
        %sub3A_1245 = arith.subf %get3A_1244, %get3A_7 : vector<16xf32>
        %mul3A_1246 = arith.mulf %sub3A_1245, %sub3A_1245 : vector<16xf32>
        %add3A_1247 = arith.addf %add3A_1231, %mul3A_1246 : vector<16xf32>
        %add3A_1248 = arith.constant 8 : i32
        %add3A_1249 = arith.addi %mul3A_85, %add3A_1248 : i32
        %get3A_1250 = arith.index_cast %add3A_1249 : i32 to index
        %get3A_1251 = arith.constant 48 : index
        %get3A_1252 = tpu.vector_load %arg8[%get3A_1250, %get3A_1251] {strides = array<i32>} : memref<64x256xf32, #tpu.memory_space<vmem>>, vector<16xf32>,
        %sub3A_1253 = arith.subf %get3A_1252, %get3A_9 : vector<16xf32>
        %mul3A_1254 = arith.mulf %sub3A_1253, %sub3A_1253 : vector<16xf32>
        %add3A_1255 = arith.addf %add3A_1239, %mul3A_1254 : vector<16xf32>
        %add3A_1256 = arith.constant 8 : i32
        %add3A_1257 = arith.addi %mul3A_85, %add3A_1256 : i32
        %get3A_1258 = arith.index_cast %add3A_1257 : i32 to index
        %get3A_1259 = arith.constant 64 : index
        %get3A_1260 = tpu.vector_load %arg8[%get3A_1258, %get3A_1259] {strides = array<i32>} : memref<64x256xf32, #tpu.memory_space<vmem>>, vector<16xf32>,
        %sub3A_1261 = arith.subf %get3A_1260, %get3A_11 : vector<16xf32>
        %mul3A_1262 = arith.mulf %sub3A_1261, %sub3A_1261 : vector<16xf32>
        %add3A_1263 = arith.addf %add3A_1247, %mul3A_1262 : vector<16xf32>
        %add3A_1264 = arith.constant 8 : i32
        %add3A_1265 = arith.addi %mul3A_85, %add3A_1264 : i32
        %get3A_1266 = arith.index_cast %add3A_1265 : i32 to index
        %get3A_1267 = arith.constant 80 : index
        %get3A_1268 = tpu.vector_load %arg8[%get3A_1266, %get3A_1267] {strides = array<i32>} : memref<64x256xf32, #tpu.memory_space<vmem>>, vector<16xf32>,
        %sub3A_1269 = arith.subf %get3A_1268, %get3A_13 : vector<16xf32>
        %mul3A_1270 = arith.mulf %sub3A_1269, %sub3A_1269 : vector<16xf32>
        %add3A_1271 = arith.addf %add3A_1255, %mul3A_1270 : vector<16xf32>
        %add3A_1272 = arith.constant 8 : i32
        %add3A_1273 = arith.addi %mul3A_85, %add3A_1272 : i32
        %get3A_1274 = arith.index_cast %add3A_1273 : i32 to index
        %get3A_1275 = arith.constant 96 : index
        %get3A_1276 = tpu.vector_load %arg8[%get3A_1274, %get3A_1275] {strides = array<i32>} : memref<64x256xf32, #tpu.memory_space<vmem>>, vector<16xf32>,
        %sub3A_1277 = arith.subf %get3A_1276, %get3A_15 : vector<16xf32>
        %mul3A_1278 = arith.mulf %sub3A_1277, %sub3A_1277 : vector<16xf32>
        %add3A_1279 = arith.addf %add3A_1263, %mul3A_1278 : vector<16xf32>
        %add3A_1280 = arith.constant 8 : i32
        %add3A_1281 = arith.addi %mul3A_85, %add3A_1280 : i32
        %get3A_1282 = arith.index_cast %add3A_1281 : i32 to index
        %get3A_1283 = arith.constant 112 : index
        %get3A_1284 = tpu.vector_load %arg8[%get3A_1282, %get3A_1283] {strides = array<i32>} : memref<64x256xf32, #tpu.memory_space<vmem>>, vector<16xf32>,
        %sub3A_1285 = arith.subf %get3A_1284, %get3A_17 : vector<16xf32>
        %mul3A_1286 = arith.mulf %sub3A_1285, %sub3A_1285 : vector<16xf32>
        %add3A_1287 = arith.addf %add3A_1271, %mul3A_1286 : vector<16xf32>
        %add3A_1288 = arith.constant 8 : i32
        %add3A_1289 = arith.addi %mul3A_85, %add3A_1288 : i32
        %get3A_1290 = arith.index_cast %add3A_1289 : i32 to index
        %get3A_1291 = arith.constant 128 : index
        %get3A_1292 = tpu.vector_load %arg8[%get3A_1290, %get3A_1291] {strides = array<i32>} : memref<64x256xf32, #tpu.memory_space<vmem>>, vector<16xf32>,
        %sub3A_1293 = arith.subf %get3A_1292, %get3A_19 : vector<16xf32>
        %mul3A_1294 = arith.mulf %sub3A_1293, %sub3A_1293 : vector<16xf32>
        %add3A_1295 = arith.addf %add3A_1279, %mul3A_1294 : vector<16xf32>
        %add3A_1296 = arith.constant 8 : i32
        %add3A_1297 = arith.addi %mul3A_85, %add3A_1296 : i32
        %get3A_1298 = arith.index_cast %add3A_1297 : i32 to index
        %get3A_1299 = arith.constant 144 : index
        %get3A_1300 = tpu.vector_load %arg8[%get3A_1298, %get3A_1299] {strides = array<i32>} : memref<64x256xf32, #tpu.memory_space<vmem>>, vector<16xf32>,
        %sub3A_1301 = arith.subf %get3A_1300, %get3A_21 : vector<16xf32>
        %mul3A_1302 = arith.mulf %sub3A_1301, %sub3A_1301 : vector<16xf32>
        %add3A_1303 = arith.addf %add3A_1287, %mul3A_1302 : vector<16xf32>
        %add3A_1304 = arith.constant 8 : i32
        %add3A_1305 = arith.addi %mul3A_85, %add3A_1304 : i32
        %get3A_1306 = arith.index_cast %add3A_1305 : i32 to index
        %get3A_1307 = arith.constant 160 : index
        %get3A_1308 = tpu.vector_load %arg8[%get3A_1306, %get3A_1307] {strides = array<i32>} : memref<64x256xf32, #tpu.memory_space<vmem>>, vector<16xf32>,
        %sub3A_1309 = arith.subf %get3A_1308, %get3A_23 : vector<16xf32>
        %mul3A_1310 = arith.mulf %sub3A_1309, %sub3A_1309 : vector<16xf32>
        %add3A_1311 = arith.addf %add3A_1295, %mul3A_1310 : vector<16xf32>
        %add3A_1312 = arith.constant 8 : i32
        %add3A_1313 = arith.addi %mul3A_85, %add3A_1312 : i32
        %get3A_1314 = arith.index_cast %add3A_1313 : i32 to index
        %get3A_1315 = arith.constant 176 : index
        %get3A_1316 = tpu.vector_load %arg8[%get3A_1314, %get3A_1315] {strides = array<i32>} : memref<64x256xf32, #tpu.memory_space<vmem>>, vector<16xf32>,
        %sub3A_1317 = arith.subf %get3A_1316, %get3A_25 : vector<16xf32>
        %mul3A_1318 = arith.mulf %sub3A_1317, %sub3A_1317 : vector<16xf32>
        %add3A_1319 = arith.addf %add3A_1303, %mul3A_1318 : vector<16xf32>
        %add3A_1320 = arith.constant 8 : i32
        %add3A_1321 = arith.addi %mul3A_85, %add3A_1320 : i32
        %get3A_1322 = arith.index_cast %add3A_1321 : i32 to index
        %get3A_1323 = arith.constant 192 : index
        %get3A_1324 = tpu.vector_load %arg8[%get3A_1322, %get3A_1323] {strides = array<i32>} : memref<64x256xf32, #tpu.memory_space<vmem>>, vector<16xf32>,
        %sub3A_1325 = arith.subf %get3A_1324, %get3A_27 : vector<16xf32>
        %mul3A_1326 = arith.mulf %sub3A_1325, %sub3A_1325 : vector<16xf32>
        %add3A_1327 = arith.addf %add3A_1311, %mul3A_1326 : vector<16xf32>
        %add3A_1328 = arith.constant 8 : i32
        %add3A_1329 = arith.addi %mul3A_85, %add3A_1328 : i32
        %get3A_1330 = arith.index_cast %add3A_1329 : i32 to index
        %get3A_1331 = arith.constant 208 : index
        %get3A_1332 = tpu.vector_load %arg8[%get3A_1330, %get3A_1331] {strides = array<i32>} : memref<64x256xf32, #tpu.memory_space<vmem>>, vector<16xf32>,
        %sub3A_1333 = arith.subf %get3A_1332, %get3A_29 : vector<16xf32>
        %mul3A_1334 = arith.mulf %sub3A_1333, %sub3A_1333 : vector<16xf32>
        %add3A_1335 = arith.addf %add3A_1319, %mul3A_1334 : vector<16xf32>
        %add3A_1336 = arith.constant 8 : i32
        %add3A_1337 = arith.addi %mul3A_85, %add3A_1336 : i32
        %get3A_1338 = arith.index_cast %add3A_1337 : i32 to index
        %get3A_1339 = arith.constant 224 : index
        %get3A_1340 = tpu.vector_load %arg8[%get3A_1338, %get3A_1339] {strides = array<i32>} : memref<64x256xf32, #tpu.memory_space<vmem>>, vector<16xf32>,
        %sub3A_1341 = arith.subf %get3A_1340, %get3A_31 : vector<16xf32>
        %mul3A_1342 = arith.mulf %sub3A_1341, %sub3A_1341 : vector<16xf32>
        %add3A_1343 = arith.addf %add3A_1327, %mul3A_1342 : vector<16xf32>
        %add3A_1344 = arith.constant 8 : i32
        %add3A_1345 = arith.addi %mul3A_85, %add3A_1344 : i32
        %get3A_1346 = arith.index_cast %add3A_1345 : i32 to index
        %get3A_1347 = arith.constant 240 : index
        %get3A_1348 = tpu.vector_load %arg8[%get3A_1346, %get3A_1347] {strides = array<i32>} : memref<64x256xf32, #tpu.memory_space<vmem>>, vector<16xf32>,
        %sub3A_1349 = arith.subf %get3A_1348, %get3A_33 : vector<16xf32>
        %mul3A_1350 = arith.mulf %sub3A_1349, %sub3A_1349 : vector<16xf32>
        %add3A_1351 = arith.addf %add3A_1335, %mul3A_1350 : vector<16xf32>
        %add3A_1352 = arith.addf %add3A_1343, %add3A_1351 : vector<16xf32>
        %reduce_sum3A_1353 = arith.constant true
        %reduce_sum3A_1354 = vector.broadcast %reduce_sum3A_1353 : i1 to vector<16xi1>
        %reduce_sum3A_1355 = tpu.scan <sum>, %add3A_1352 masked %reduce_sum3A_1354 : vector<16xf32>, vector<16xi1> -> vector<16xf32>
        %reduce_sum3A_1356 = vector.extract %reduce_sum3A_1355[15] : f32 from vector<16xf32>
        %eq3A_1357 = arith.constant 8 : i32
        %eq3A_1358 = vector.broadcast %eq3A_1357 : i32 to vector<16xi32>
        %eq3A_1359 = arith.cmpi eq, %iota3A, %eq3A_1358 : vector<16xi32>
        %broadcast_in_dim3A_1360 = vector.broadcast %reduce_sum3A_1356 : f32 to vector<16xf32>
        %select_n3A_1361 = arith.select %eq3A_1359, %broadcast_in_dim3A_1360, %select_n3A_1219 : vector<16xi1>, vector<16xf32>
        %broadcast_in_dim3A_1362 = arith.constant 0.000000e+00 : f32
        %broadcast_in_dim3A_1363 = vector.broadcast %broadcast_in_dim3A_1362 : f32 to vector<16xf32>
        %broadcast_in_dim3A_1364 = arith.constant 0.000000e+00 : f32
        %broadcast_in_dim3A_1365 = vector.broadcast %broadcast_in_dim3A_1364 : f32 to vector<16xf32>
        %add3A_1366 = arith.constant 9 : i32
        %add3A_1367 = arith.addi %mul3A_85, %add3A_1366 : i32
        %get3A_1368 = arith.index_cast %add3A_1367 : i32 to index
        %get3A_1369 = arith.constant 0 : index
        %get3A_1370 = tpu.vector_load %arg8[%get3A_1368, %get3A_1369] {strides = array<i32>} : memref<64x256xf32, #tpu.memory_space<vmem>>, vector<16xf32>,
        %sub3A_1371 = arith.subf %get3A_1370, %get3A_3 : vector<16xf32>
        %mul3A_1372 = arith.mulf %sub3A_1371, %sub3A_1371 : vector<16xf32>
        %add3A_1373 = arith.addf %broadcast_in_dim3A_1363, %mul3A_1372 : vector<16xf32>
        %add3A_1374 = arith.constant 9 : i32
        %add3A_1375 = arith.addi %mul3A_85, %add3A_1374 : i32
        %get3A_1376 = arith.index_cast %add3A_1375 : i32 to index
        %get3A_1377 = arith.constant 16 : index
        %get3A_1378 = tpu.vector_load %arg8[%get3A_1376, %get3A_1377] {strides = array<i32>} : memref<64x256xf32, #tpu.memory_space<vmem>>, vector<16xf32>,
        %sub3A_1379 = arith.subf %get3A_1378, %get3A_5 : vector<16xf32>
        %mul3A_1380 = arith.mulf %sub3A_1379, %sub3A_1379 : vector<16xf32>
        %add3A_1381 = arith.addf %broadcast_in_dim3A_1365, %mul3A_1380 : vector<16xf32>
        %add3A_1382 = arith.constant 9 : i32
        %add3A_1383 = arith.addi %mul3A_85, %add3A_1382 : i32
        %get3A_1384 = arith.index_cast %add3A_1383 : i32 to index
        %get3A_1385 = arith.constant 32 : index
        %get3A_1386 = tpu.vector_load %arg8[%get3A_1384, %get3A_1385] {strides = array<i32>} : memref<64x256xf32, #tpu.memory_space<vmem>>, vector<16xf32>,
        %sub3A_1387 = arith.subf %get3A_1386, %get3A_7 : vector<16xf32>
        %mul3A_1388 = arith.mulf %sub3A_1387, %sub3A_1387 : vector<16xf32>
        %add3A_1389 = arith.addf %add3A_1373, %mul3A_1388 : vector<16xf32>
        %add3A_1390 = arith.constant 9 : i32
        %add3A_1391 = arith.addi %mul3A_85, %add3A_1390 : i32
        %get3A_1392 = arith.index_cast %add3A_1391 : i32 to index
        %get3A_1393 = arith.constant 48 : index
        %get3A_1394 = tpu.vector_load %arg8[%get3A_1392, %get3A_1393] {strides = array<i32>} : memref<64x256xf32, #tpu.memory_space<vmem>>, vector<16xf32>,
        %sub3A_1395 = arith.subf %get3A_1394, %get3A_9 : vector<16xf32>
        %mul3A_1396 = arith.mulf %sub3A_1395, %sub3A_1395 : vector<16xf32>
        %add3A_1397 = arith.addf %add3A_1381, %mul3A_1396 : vector<16xf32>
        %add3A_1398 = arith.constant 9 : i32
        %add3A_1399 = arith.addi %mul3A_85, %add3A_1398 : i32
        %get3A_1400 = arith.index_cast %add3A_1399 : i32 to index
        %get3A_1401 = arith.constant 64 : index
        %get3A_1402 = tpu.vector_load %arg8[%get3A_1400, %get3A_1401] {strides = array<i32>} : memref<64x256xf32, #tpu.memory_space<vmem>>, vector<16xf32>,
        %sub3A_1403 = arith.subf %get3A_1402, %get3A_11 : vector<16xf32>
        %mul3A_1404 = arith.mulf %sub3A_1403, %sub3A_1403 : vector<16xf32>
        %add3A_1405 = arith.addf %add3A_1389, %mul3A_1404 : vector<16xf32>
        %add3A_1406 = arith.constant 9 : i32
        %add3A_1407 = arith.addi %mul3A_85, %add3A_1406 : i32
        %get3A_1408 = arith.index_cast %add3A_1407 : i32 to index
        %get3A_1409 = arith.constant 80 : index
        %get3A_1410 = tpu.vector_load %arg8[%get3A_1408, %get3A_1409] {strides = array<i32>} : memref<64x256xf32, #tpu.memory_space<vmem>>, vector<16xf32>,
        %sub3A_1411 = arith.subf %get3A_1410, %get3A_13 : vector<16xf32>
        %mul3A_1412 = arith.mulf %sub3A_1411, %sub3A_1411 : vector<16xf32>
        %add3A_1413 = arith.addf %add3A_1397, %mul3A_1412 : vector<16xf32>
        %add3A_1414 = arith.constant 9 : i32
        %add3A_1415 = arith.addi %mul3A_85, %add3A_1414 : i32
        %get3A_1416 = arith.index_cast %add3A_1415 : i32 to index
        %get3A_1417 = arith.constant 96 : index
        %get3A_1418 = tpu.vector_load %arg8[%get3A_1416, %get3A_1417] {strides = array<i32>} : memref<64x256xf32, #tpu.memory_space<vmem>>, vector<16xf32>,
        %sub3A_1419 = arith.subf %get3A_1418, %get3A_15 : vector<16xf32>
        %mul3A_1420 = arith.mulf %sub3A_1419, %sub3A_1419 : vector<16xf32>
        %add3A_1421 = arith.addf %add3A_1405, %mul3A_1420 : vector<16xf32>
        %add3A_1422 = arith.constant 9 : i32
        %add3A_1423 = arith.addi %mul3A_85, %add3A_1422 : i32
        %get3A_1424 = arith.index_cast %add3A_1423 : i32 to index
        %get3A_1425 = arith.constant 112 : index
        %get3A_1426 = tpu.vector_load %arg8[%get3A_1424, %get3A_1425] {strides = array<i32>} : memref<64x256xf32, #tpu.memory_space<vmem>>, vector<16xf32>,
        %sub3A_1427 = arith.subf %get3A_1426, %get3A_17 : vector<16xf32>
        %mul3A_1428 = arith.mulf %sub3A_1427, %sub3A_1427 : vector<16xf32>
        %add3A_1429 = arith.addf %add3A_1413, %mul3A_1428 : vector<16xf32>
        %add3A_1430 = arith.constant 9 : i32
        %add3A_1431 = arith.addi %mul3A_85, %add3A_1430 : i32
        %get3A_1432 = arith.index_cast %add3A_1431 : i32 to index
        %get3A_1433 = arith.constant 128 : index
        %get3A_1434 = tpu.vector_load %arg8[%get3A_1432, %get3A_1433] {strides = array<i32>} : memref<64x256xf32, #tpu.memory_space<vmem>>, vector<16xf32>,
        %sub3A_1435 = arith.subf %get3A_1434, %get3A_19 : vector<16xf32>
        %mul3A_1436 = arith.mulf %sub3A_1435, %sub3A_1435 : vector<16xf32>
        %add3A_1437 = arith.addf %add3A_1421, %mul3A_1436 : vector<16xf32>
        %add3A_1438 = arith.constant 9 : i32
        %add3A_1439 = arith.addi %mul3A_85, %add3A_1438 : i32
        %get3A_1440 = arith.index_cast %add3A_1439 : i32 to index
        %get3A_1441 = arith.constant 144 : index
        %get3A_1442 = tpu.vector_load %arg8[%get3A_1440, %get3A_1441] {strides = array<i32>} : memref<64x256xf32, #tpu.memory_space<vmem>>, vector<16xf32>,
        %sub3A_1443 = arith.subf %get3A_1442, %get3A_21 : vector<16xf32>
        %mul3A_1444 = arith.mulf %sub3A_1443, %sub3A_1443 : vector<16xf32>
        %add3A_1445 = arith.addf %add3A_1429, %mul3A_1444 : vector<16xf32>
        %add3A_1446 = arith.constant 9 : i32
        %add3A_1447 = arith.addi %mul3A_85, %add3A_1446 : i32
        %get3A_1448 = arith.index_cast %add3A_1447 : i32 to index
        %get3A_1449 = arith.constant 160 : index
        %get3A_1450 = tpu.vector_load %arg8[%get3A_1448, %get3A_1449] {strides = array<i32>} : memref<64x256xf32, #tpu.memory_space<vmem>>, vector<16xf32>,
        %sub3A_1451 = arith.subf %get3A_1450, %get3A_23 : vector<16xf32>
        %mul3A_1452 = arith.mulf %sub3A_1451, %sub3A_1451 : vector<16xf32>
        %add3A_1453 = arith.addf %add3A_1437, %mul3A_1452 : vector<16xf32>
        %add3A_1454 = arith.constant 9 : i32
        %add3A_1455 = arith.addi %mul3A_85, %add3A_1454 : i32
        %get3A_1456 = arith.index_cast %add3A_1455 : i32 to index
        %get3A_1457 = arith.constant 176 : index
        %get3A_1458 = tpu.vector_load %arg8[%get3A_1456, %get3A_1457] {strides = array<i32>} : memref<64x256xf32, #tpu.memory_space<vmem>>, vector<16xf32>,
        %sub3A_1459 = arith.subf %get3A_1458, %get3A_25 : vector<16xf32>
        %mul3A_1460 = arith.mulf %sub3A_1459, %sub3A_1459 : vector<16xf32>
        %add3A_1461 = arith.addf %add3A_1445, %mul3A_1460 : vector<16xf32>
        %add3A_1462 = arith.constant 9 : i32
        %add3A_1463 = arith.addi %mul3A_85, %add3A_1462 : i32
        %get3A_1464 = arith.index_cast %add3A_1463 : i32 to index
        %get3A_1465 = arith.constant 192 : index
        %get3A_1466 = tpu.vector_load %arg8[%get3A_1464, %get3A_1465] {strides = array<i32>} : memref<64x256xf32, #tpu.memory_space<vmem>>, vector<16xf32>,
        %sub3A_1467 = arith.subf %get3A_1466, %get3A_27 : vector<16xf32>
        %mul3A_1468 = arith.mulf %sub3A_1467, %sub3A_1467 : vector<16xf32>
        %add3A_1469 = arith.addf %add3A_1453, %mul3A_1468 : vector<16xf32>
        %add3A_1470 = arith.constant 9 : i32
        %add3A_1471 = arith.addi %mul3A_85, %add3A_1470 : i32
        %get3A_1472 = arith.index_cast %add3A_1471 : i32 to index
        %get3A_1473 = arith.constant 208 : index
        %get3A_1474 = tpu.vector_load %arg8[%get3A_1472, %get3A_1473] {strides = array<i32>} : memref<64x256xf32, #tpu.memory_space<vmem>>, vector<16xf32>,
        %sub3A_1475 = arith.subf %get3A_1474, %get3A_29 : vector<16xf32>
        %mul3A_1476 = arith.mulf %sub3A_1475, %sub3A_1475 : vector<16xf32>
        %add3A_1477 = arith.addf %add3A_1461, %mul3A_1476 : vector<16xf32>
        %add3A_1478 = arith.constant 9 : i32
        %add3A_1479 = arith.addi %mul3A_85, %add3A_1478 : i32
        %get3A_1480 = arith.index_cast %add3A_1479 : i32 to index
        %get3A_1481 = arith.constant 224 : index
        %get3A_1482 = tpu.vector_load %arg8[%get3A_1480, %get3A_1481] {strides = array<i32>} : memref<64x256xf32, #tpu.memory_space<vmem>>, vector<16xf32>,
        %sub3A_1483 = arith.subf %get3A_1482, %get3A_31 : vector<16xf32>
        %mul3A_1484 = arith.mulf %sub3A_1483, %sub3A_1483 : vector<16xf32>
        %add3A_1485 = arith.addf %add3A_1469, %mul3A_1484 : vector<16xf32>
        %add3A_1486 = arith.constant 9 : i32
        %add3A_1487 = arith.addi %mul3A_85, %add3A_1486 : i32
        %get3A_1488 = arith.index_cast %add3A_1487 : i32 to index
        %get3A_1489 = arith.constant 240 : index
        %get3A_1490 = tpu.vector_load %arg8[%get3A_1488, %get3A_1489] {strides = array<i32>} : memref<64x256xf32, #tpu.memory_space<vmem>>, vector<16xf32>,
        %sub3A_1491 = arith.subf %get3A_1490, %get3A_33 : vector<16xf32>
        %mul3A_1492 = arith.mulf %sub3A_1491, %sub3A_1491 : vector<16xf32>
        %add3A_1493 = arith.addf %add3A_1477, %mul3A_1492 : vector<16xf32>
        %add3A_1494 = arith.addf %add3A_1485, %add3A_1493 : vector<16xf32>
        %reduce_sum3A_1495 = arith.constant true
        %reduce_sum3A_1496 = vector.broadcast %reduce_sum3A_1495 : i1 to vector<16xi1>
        %reduce_sum3A_1497 = tpu.scan <sum>, %add3A_1494 masked %reduce_sum3A_1496 : vector<16xf32>, vector<16xi1> -> vector<16xf32>
        %reduce_sum3A_1498 = vector.extract %reduce_sum3A_1497[15] : f32 from vector<16xf32>
        %eq3A_1499 = arith.constant 9 : i32
        %eq3A_1500 = vector.broadcast %eq3A_1499 : i32 to vector<16xi32>
        %eq3A_1501 = arith.cmpi eq, %iota3A, %eq3A_1500 : vector<16xi32>
        %broadcast_in_dim3A_1502 = vector.broadcast %reduce_sum3A_1498 : f32 to vector<16xf32>
        %select_n3A_1503 = arith.select %eq3A_1501, %broadcast_in_dim3A_1502, %select_n3A_1361 : vector<16xi1>, vector<16xf32>
        %broadcast_in_dim3A_1504 = arith.constant 0.000000e+00 : f32
        %broadcast_in_dim3A_1505 = vector.broadcast %broadcast_in_dim3A_1504 : f32 to vector<16xf32>
        %broadcast_in_dim3A_1506 = arith.constant 0.000000e+00 : f32
        %broadcast_in_dim3A_1507 = vector.broadcast %broadcast_in_dim3A_1506 : f32 to vector<16xf32>
        %add3A_1508 = arith.constant 10 : i32
        %add3A_1509 = arith.addi %mul3A_85, %add3A_1508 : i32
        %get3A_1510 = arith.index_cast %add3A_1509 : i32 to index
        %get3A_1511 = arith.constant 0 : index
        %get3A_1512 = tpu.vector_load %arg8[%get3A_1510, %get3A_1511] {strides = array<i32>} : memref<64x256xf32, #tpu.memory_space<vmem>>, vector<16xf32>,
        %sub3A_1513 = arith.subf %get3A_1512, %get3A_3 : vector<16xf32>
        %mul3A_1514 = arith.mulf %sub3A_1513, %sub3A_1513 : vector<16xf32>
        %add3A_1515 = arith.addf %broadcast_in_dim3A_1505, %mul3A_1514 : vector<16xf32>
        %add3A_1516 = arith.constant 10 : i32
        %add3A_1517 = arith.addi %mul3A_85, %add3A_1516 : i32
        %get3A_1518 = arith.index_cast %add3A_1517 : i32 to index
        %get3A_1519 = arith.constant 16 : index
        %get3A_1520 = tpu.vector_load %arg8[%get3A_1518, %get3A_1519] {strides = array<i32>} : memref<64x256xf32, #tpu.memory_space<vmem>>, vector<16xf32>,
        %sub3A_1521 = arith.subf %get3A_1520, %get3A_5 : vector<16xf32>
        %mul3A_1522 = arith.mulf %sub3A_1521, %sub3A_1521 : vector<16xf32>
        %add3A_1523 = arith.addf %broadcast_in_dim3A_1507, %mul3A_1522 : vector<16xf32>
        %add3A_1524 = arith.constant 10 : i32
        %add3A_1525 = arith.addi %mul3A_85, %add3A_1524 : i32
        %get3A_1526 = arith.index_cast %add3A_1525 : i32 to index
        %get3A_1527 = arith.constant 32 : index
        %get3A_1528 = tpu.vector_load %arg8[%get3A_1526, %get3A_1527] {strides = array<i32>} : memref<64x256xf32, #tpu.memory_space<vmem>>, vector<16xf32>,
        %sub3A_1529 = arith.subf %get3A_1528, %get3A_7 : vector<16xf32>
        %mul3A_1530 = arith.mulf %sub3A_1529, %sub3A_1529 : vector<16xf32>
        %add3A_1531 = arith.addf %add3A_1515, %mul3A_1530 : vector<16xf32>
        %add3A_1532 = arith.constant 10 : i32
        %add3A_1533 = arith.addi %mul3A_85, %add3A_1532 : i32
        %get3A_1534 = arith.index_cast %add3A_1533 : i32 to index
        %get3A_1535 = arith.constant 48 : index
        %get3A_1536 = tpu.vector_load %arg8[%get3A_1534, %get3A_1535] {strides = array<i32>} : memref<64x256xf32, #tpu.memory_space<vmem>>, vector<16xf32>,
        %sub3A_1537 = arith.subf %get3A_1536, %get3A_9 : vector<16xf32>
        %mul3A_1538 = arith.mulf %sub3A_1537, %sub3A_1537 : vector<16xf32>
        %add3A_1539 = arith.addf %add3A_1523, %mul3A_1538 : vector<16xf32>
        %add3A_1540 = arith.constant 10 : i32
        %add3A_1541 = arith.addi %mul3A_85, %add3A_1540 : i32
        %get3A_1542 = arith.index_cast %add3A_1541 : i32 to index
        %get3A_1543 = arith.constant 64 : index
        %get3A_1544 = tpu.vector_load %arg8[%get3A_1542, %get3A_1543] {strides = array<i32>} : memref<64x256xf32, #tpu.memory_space<vmem>>, vector<16xf32>,
        %sub3A_1545 = arith.subf %get3A_1544, %get3A_11 : vector<16xf32>
        %mul3A_1546 = arith.mulf %sub3A_1545, %sub3A_1545 : vector<16xf32>
        %add3A_1547 = arith.addf %add3A_1531, %mul3A_1546 : vector<16xf32>
        %add3A_1548 = arith.constant 10 : i32
        %add3A_1549 = arith.addi %mul3A_85, %add3A_1548 : i32
        %get3A_1550 = arith.index_cast %add3A_1549 : i32 to index
        %get3A_1551 = arith.constant 80 : index
        %get3A_1552 = tpu.vector_load %arg8[%get3A_1550, %get3A_1551] {strides = array<i32>} : memref<64x256xf32, #tpu.memory_space<vmem>>, vector<16xf32>,
        %sub3A_1553 = arith.subf %get3A_1552, %get3A_13 : vector<16xf32>
        %mul3A_1554 = arith.mulf %sub3A_1553, %sub3A_1553 : vector<16xf32>
        %add3A_1555 = arith.addf %add3A_1539, %mul3A_1554 : vector<16xf32>
        %add3A_1556 = arith.constant 10 : i32
        %add3A_1557 = arith.addi %mul3A_85, %add3A_1556 : i32
        %get3A_1558 = arith.index_cast %add3A_1557 : i32 to index
        %get3A_1559 = arith.constant 96 : index
        %get3A_1560 = tpu.vector_load %arg8[%get3A_1558, %get3A_1559] {strides = array<i32>} : memref<64x256xf32, #tpu.memory_space<vmem>>, vector<16xf32>,
        %sub3A_1561 = arith.subf %get3A_1560, %get3A_15 : vector<16xf32>
        %mul3A_1562 = arith.mulf %sub3A_1561, %sub3A_1561 : vector<16xf32>
        %add3A_1563 = arith.addf %add3A_1547, %mul3A_1562 : vector<16xf32>
        %add3A_1564 = arith.constant 10 : i32
        %add3A_1565 = arith.addi %mul3A_85, %add3A_1564 : i32
        %get3A_1566 = arith.index_cast %add3A_1565 : i32 to index
        %get3A_1567 = arith.constant 112 : index
        %get3A_1568 = tpu.vector_load %arg8[%get3A_1566, %get3A_1567] {strides = array<i32>} : memref<64x256xf32, #tpu.memory_space<vmem>>, vector<16xf32>,
        %sub3A_1569 = arith.subf %get3A_1568, %get3A_17 : vector<16xf32>
        %mul3A_1570 = arith.mulf %sub3A_1569, %sub3A_1569 : vector<16xf32>
        %add3A_1571 = arith.addf %add3A_1555, %mul3A_1570 : vector<16xf32>
        %add3A_1572 = arith.constant 10 : i32
        %add3A_1573 = arith.addi %mul3A_85, %add3A_1572 : i32
        %get3A_1574 = arith.index_cast %add3A_1573 : i32 to index
        %get3A_1575 = arith.constant 128 : index
        %get3A_1576 = tpu.vector_load %arg8[%get3A_1574, %get3A_1575] {strides = array<i32>} : memref<64x256xf32, #tpu.memory_space<vmem>>, vector<16xf32>,
        %sub3A_1577 = arith.subf %get3A_1576, %get3A_19 : vector<16xf32>
        %mul3A_1578 = arith.mulf %sub3A_1577, %sub3A_1577 : vector<16xf32>
        %add3A_1579 = arith.addf %add3A_1563, %mul3A_1578 : vector<16xf32>
        %add3A_1580 = arith.constant 10 : i32
        %add3A_1581 = arith.addi %mul3A_85, %add3A_1580 : i32
        %get3A_1582 = arith.index_cast %add3A_1581 : i32 to index
        %get3A_1583 = arith.constant 144 : index
        %get3A_1584 = tpu.vector_load %arg8[%get3A_1582, %get3A_1583] {strides = array<i32>} : memref<64x256xf32, #tpu.memory_space<vmem>>, vector<16xf32>,
        %sub3A_1585 = arith.subf %get3A_1584, %get3A_21 : vector<16xf32>
        %mul3A_1586 = arith.mulf %sub3A_1585, %sub3A_1585 : vector<16xf32>
        %add3A_1587 = arith.addf %add3A_1571, %mul3A_1586 : vector<16xf32>
        %add3A_1588 = arith.constant 10 : i32
        %add3A_1589 = arith.addi %mul3A_85, %add3A_1588 : i32
        %get3A_1590 = arith.index_cast %add3A_1589 : i32 to index
        %get3A_1591 = arith.constant 160 : index
        %get3A_1592 = tpu.vector_load %arg8[%get3A_1590, %get3A_1591] {strides = array<i32>} : memref<64x256xf32, #tpu.memory_space<vmem>>, vector<16xf32>,
        %sub3A_1593 = arith.subf %get3A_1592, %get3A_23 : vector<16xf32>
        %mul3A_1594 = arith.mulf %sub3A_1593, %sub3A_1593 : vector<16xf32>
        %add3A_1595 = arith.addf %add3A_1579, %mul3A_1594 : vector<16xf32>
        %add3A_1596 = arith.constant 10 : i32
        %add3A_1597 = arith.addi %mul3A_85, %add3A_1596 : i32
        %get3A_1598 = arith.index_cast %add3A_1597 : i32 to index
        %get3A_1599 = arith.constant 176 : index
        %get3A_1600 = tpu.vector_load %arg8[%get3A_1598, %get3A_1599] {strides = array<i32>} : memref<64x256xf32, #tpu.memory_space<vmem>>, vector<16xf32>,
        %sub3A_1601 = arith.subf %get3A_1600, %get3A_25 : vector<16xf32>
        %mul3A_1602 = arith.mulf %sub3A_1601, %sub3A_1601 : vector<16xf32>
        %add3A_1603 = arith.addf %add3A_1587, %mul3A_1602 : vector<16xf32>
        %add3A_1604 = arith.constant 10 : i32
        %add3A_1605 = arith.addi %mul3A_85, %add3A_1604 : i32
        %get3A_1606 = arith.index_cast %add3A_1605 : i32 to index
        %get3A_1607 = arith.constant 192 : index
        %get3A_1608 = tpu.vector_load %arg8[%get3A_1606, %get3A_1607] {strides = array<i32>} : memref<64x256xf32, #tpu.memory_space<vmem>>, vector<16xf32>,
        %sub3A_1609 = arith.subf %get3A_1608, %get3A_27 : vector<16xf32>
        %mul3A_1610 = arith.mulf %sub3A_1609, %sub3A_1609 : vector<16xf32>
        %add3A_1611 = arith.addf %add3A_1595, %mul3A_1610 : vector<16xf32>
        %add3A_1612 = arith.constant 10 : i32
        %add3A_1613 = arith.addi %mul3A_85, %add3A_1612 : i32
        %get3A_1614 = arith.index_cast %add3A_1613 : i32 to index
        %get3A_1615 = arith.constant 208 : index
        %get3A_1616 = tpu.vector_load %arg8[%get3A_1614, %get3A_1615] {strides = array<i32>} : memref<64x256xf32, #tpu.memory_space<vmem>>, vector<16xf32>,
        %sub3A_1617 = arith.subf %get3A_1616, %get3A_29 : vector<16xf32>
        %mul3A_1618 = arith.mulf %sub3A_1617, %sub3A_1617 : vector<16xf32>
        %add3A_1619 = arith.addf %add3A_1603, %mul3A_1618 : vector<16xf32>
        %add3A_1620 = arith.constant 10 : i32
        %add3A_1621 = arith.addi %mul3A_85, %add3A_1620 : i32
        %get3A_1622 = arith.index_cast %add3A_1621 : i32 to index
        %get3A_1623 = arith.constant 224 : index
        %get3A_1624 = tpu.vector_load %arg8[%get3A_1622, %get3A_1623] {strides = array<i32>} : memref<64x256xf32, #tpu.memory_space<vmem>>, vector<16xf32>,
        %sub3A_1625 = arith.subf %get3A_1624, %get3A_31 : vector<16xf32>
        %mul3A_1626 = arith.mulf %sub3A_1625, %sub3A_1625 : vector<16xf32>
        %add3A_1627 = arith.addf %add3A_1611, %mul3A_1626 : vector<16xf32>
        %add3A_1628 = arith.constant 10 : i32
        %add3A_1629 = arith.addi %mul3A_85, %add3A_1628 : i32
        %get3A_1630 = arith.index_cast %add3A_1629 : i32 to index
        %get3A_1631 = arith.constant 240 : index
        %get3A_1632 = tpu.vector_load %arg8[%get3A_1630, %get3A_1631] {strides = array<i32>} : memref<64x256xf32, #tpu.memory_space<vmem>>, vector<16xf32>,
        %sub3A_1633 = arith.subf %get3A_1632, %get3A_33 : vector<16xf32>
        %mul3A_1634 = arith.mulf %sub3A_1633, %sub3A_1633 : vector<16xf32>
        %add3A_1635 = arith.addf %add3A_1619, %mul3A_1634 : vector<16xf32>
        %add3A_1636 = arith.addf %add3A_1627, %add3A_1635 : vector<16xf32>
        %reduce_sum3A_1637 = arith.constant true
        %reduce_sum3A_1638 = vector.broadcast %reduce_sum3A_1637 : i1 to vector<16xi1>
        %reduce_sum3A_1639 = tpu.scan <sum>, %add3A_1636 masked %reduce_sum3A_1638 : vector<16xf32>, vector<16xi1> -> vector<16xf32>
        %reduce_sum3A_1640 = vector.extract %reduce_sum3A_1639[15] : f32 from vector<16xf32>
        %eq3A_1641 = arith.constant 10 : i32
        %eq3A_1642 = vector.broadcast %eq3A_1641 : i32 to vector<16xi32>
        %eq3A_1643 = arith.cmpi eq, %iota3A, %eq3A_1642 : vector<16xi32>
        %broadcast_in_dim3A_1644 = vector.broadcast %reduce_sum3A_1640 : f32 to vector<16xf32>
        %select_n3A_1645 = arith.select %eq3A_1643, %broadcast_in_dim3A_1644, %select_n3A_1503 : vector<16xi1>, vector<16xf32>
        %broadcast_in_dim3A_1646 = arith.constant 0.000000e+00 : f32
        %broadcast_in_dim3A_1647 = vector.broadcast %broadcast_in_dim3A_1646 : f32 to vector<16xf32>
        %broadcast_in_dim3A_1648 = arith.constant 0.000000e+00 : f32
        %broadcast_in_dim3A_1649 = vector.broadcast %broadcast_in_dim3A_1648 : f32 to vector<16xf32>
        %add3A_1650 = arith.constant 11 : i32
        %add3A_1651 = arith.addi %mul3A_85, %add3A_1650 : i32
        %get3A_1652 = arith.index_cast %add3A_1651 : i32 to index
        %get3A_1653 = arith.constant 0 : index
        %get3A_1654 = tpu.vector_load %arg8[%get3A_1652, %get3A_1653] {strides = array<i32>} : memref<64x256xf32, #tpu.memory_space<vmem>>, vector<16xf32>,
        %sub3A_1655 = arith.subf %get3A_1654, %get3A_3 : vector<16xf32>
        %mul3A_1656 = arith.mulf %sub3A_1655, %sub3A_1655 : vector<16xf32>
        %add3A_1657 = arith.addf %broadcast_in_dim3A_1647, %mul3A_1656 : vector<16xf32>
        %add3A_1658 = arith.constant 11 : i32
        %add3A_1659 = arith.addi %mul3A_85, %add3A_1658 : i32
        %get3A_1660 = arith.index_cast %add3A_1659 : i32 to index
        %get3A_1661 = arith.constant 16 : index
        %get3A_1662 = tpu.vector_load %arg8[%get3A_1660, %get3A_1661] {strides = array<i32>} : memref<64x256xf32, #tpu.memory_space<vmem>>, vector<16xf32>,
        %sub3A_1663 = arith.subf %get3A_1662, %get3A_5 : vector<16xf32>
        %mul3A_1664 = arith.mulf %sub3A_1663, %sub3A_1663 : vector<16xf32>
        %add3A_1665 = arith.addf %broadcast_in_dim3A_1649, %mul3A_1664 : vector<16xf32>
        %add3A_1666 = arith.constant 11 : i32
        %add3A_1667 = arith.addi %mul3A_85, %add3A_1666 : i32
        %get3A_1668 = arith.index_cast %add3A_1667 : i32 to index
        %get3A_1669 = arith.constant 32 : index
        %get3A_1670 = tpu.vector_load %arg8[%get3A_1668, %get3A_1669] {strides = array<i32>} : memref<64x256xf32, #tpu.memory_space<vmem>>, vector<16xf32>,
        %sub3A_1671 = arith.subf %get3A_1670, %get3A_7 : vector<16xf32>
        %mul3A_1672 = arith.mulf %sub3A_1671, %sub3A_1671 : vector<16xf32>
        %add3A_1673 = arith.addf %add3A_1657, %mul3A_1672 : vector<16xf32>
        %add3A_1674 = arith.constant 11 : i32
        %add3A_1675 = arith.addi %mul3A_85, %add3A_1674 : i32
        %get3A_1676 = arith.index_cast %add3A_1675 : i32 to index
        %get3A_1677 = arith.constant 48 : index
        %get3A_1678 = tpu.vector_load %arg8[%get3A_1676, %get3A_1677] {strides = array<i32>} : memref<64x256xf32, #tpu.memory_space<vmem>>, vector<16xf32>,
        %sub3A_1679 = arith.subf %get3A_1678, %get3A_9 : vector<16xf32>
        %mul3A_1680 = arith.mulf %sub3A_1679, %sub3A_1679 : vector<16xf32>
        %add3A_1681 = arith.addf %add3A_1665, %mul3A_1680 : vector<16xf32>
        %add3A_1682 = arith.constant 11 : i32
        %add3A_1683 = arith.addi %mul3A_85, %add3A_1682 : i32
        %get3A_1684 = arith.index_cast %add3A_1683 : i32 to index
        %get3A_1685 = arith.constant 64 : index
        %get3A_1686 = tpu.vector_load %arg8[%get3A_1684, %get3A_1685] {strides = array<i32>} : memref<64x256xf32, #tpu.memory_space<vmem>>, vector<16xf32>,
        %sub3A_1687 = arith.subf %get3A_1686, %get3A_11 : vector<16xf32>
        %mul3A_1688 = arith.mulf %sub3A_1687, %sub3A_1687 : vector<16xf32>
        %add3A_1689 = arith.addf %add3A_1673, %mul3A_1688 : vector<16xf32>
        %add3A_1690 = arith.constant 11 : i32
        %add3A_1691 = arith.addi %mul3A_85, %add3A_1690 : i32
        %get3A_1692 = arith.index_cast %add3A_1691 : i32 to index
        %get3A_1693 = arith.constant 80 : index
        %get3A_1694 = tpu.vector_load %arg8[%get3A_1692, %get3A_1693] {strides = array<i32>} : memref<64x256xf32, #tpu.memory_space<vmem>>, vector<16xf32>,
        %sub3A_1695 = arith.subf %get3A_1694, %get3A_13 : vector<16xf32>
        %mul3A_1696 = arith.mulf %sub3A_1695, %sub3A_1695 : vector<16xf32>
        %add3A_1697 = arith.addf %add3A_1681, %mul3A_1696 : vector<16xf32>
        %add3A_1698 = arith.constant 11 : i32
        %add3A_1699 = arith.addi %mul3A_85, %add3A_1698 : i32
        %get3A_1700 = arith.index_cast %add3A_1699 : i32 to index
        %get3A_1701 = arith.constant 96 : index
        %get3A_1702 = tpu.vector_load %arg8[%get3A_1700, %get3A_1701] {strides = array<i32>} : memref<64x256xf32, #tpu.memory_space<vmem>>, vector<16xf32>,
        %sub3A_1703 = arith.subf %get3A_1702, %get3A_15 : vector<16xf32>
        %mul3A_1704 = arith.mulf %sub3A_1703, %sub3A_1703 : vector<16xf32>
        %add3A_1705 = arith.addf %add3A_1689, %mul3A_1704 : vector<16xf32>
        %add3A_1706 = arith.constant 11 : i32
        %add3A_1707 = arith.addi %mul3A_85, %add3A_1706 : i32
        %get3A_1708 = arith.index_cast %add3A_1707 : i32 to index
        %get3A_1709 = arith.constant 112 : index
        %get3A_1710 = tpu.vector_load %arg8[%get3A_1708, %get3A_1709] {strides = array<i32>} : memref<64x256xf32, #tpu.memory_space<vmem>>, vector<16xf32>,
        %sub3A_1711 = arith.subf %get3A_1710, %get3A_17 : vector<16xf32>
        %mul3A_1712 = arith.mulf %sub3A_1711, %sub3A_1711 : vector<16xf32>
        %add3A_1713 = arith.addf %add3A_1697, %mul3A_1712 : vector<16xf32>
        %add3A_1714 = arith.constant 11 : i32
        %add3A_1715 = arith.addi %mul3A_85, %add3A_1714 : i32
        %get3A_1716 = arith.index_cast %add3A_1715 : i32 to index
        %get3A_1717 = arith.constant 128 : index
        %get3A_1718 = tpu.vector_load %arg8[%get3A_1716, %get3A_1717] {strides = array<i32>} : memref<64x256xf32, #tpu.memory_space<vmem>>, vector<16xf32>,
        %sub3A_1719 = arith.subf %get3A_1718, %get3A_19 : vector<16xf32>
        %mul3A_1720 = arith.mulf %sub3A_1719, %sub3A_1719 : vector<16xf32>
        %add3A_1721 = arith.addf %add3A_1705, %mul3A_1720 : vector<16xf32>
        %add3A_1722 = arith.constant 11 : i32
        %add3A_1723 = arith.addi %mul3A_85, %add3A_1722 : i32
        %get3A_1724 = arith.index_cast %add3A_1723 : i32 to index
        %get3A_1725 = arith.constant 144 : index
        %get3A_1726 = tpu.vector_load %arg8[%get3A_1724, %get3A_1725] {strides = array<i32>} : memref<64x256xf32, #tpu.memory_space<vmem>>, vector<16xf32>,
        %sub3A_1727 = arith.subf %get3A_1726, %get3A_21 : vector<16xf32>
        %mul3A_1728 = arith.mulf %sub3A_1727, %sub3A_1727 : vector<16xf32>
        %add3A_1729 = arith.addf %add3A_1713, %mul3A_1728 : vector<16xf32>
        %add3A_1730 = arith.constant 11 : i32
        %add3A_1731 = arith.addi %mul3A_85, %add3A_1730 : i32
        %get3A_1732 = arith.index_cast %add3A_1731 : i32 to index
        %get3A_1733 = arith.constant 160 : index
        %get3A_1734 = tpu.vector_load %arg8[%get3A_1732, %get3A_1733] {strides = array<i32>} : memref<64x256xf32, #tpu.memory_space<vmem>>, vector<16xf32>,
        %sub3A_1735 = arith.subf %get3A_1734, %get3A_23 : vector<16xf32>
        %mul3A_1736 = arith.mulf %sub3A_1735, %sub3A_1735 : vector<16xf32>
        %add3A_1737 = arith.addf %add3A_1721, %mul3A_1736 : vector<16xf32>
        %add3A_1738 = arith.constant 11 : i32
        %add3A_1739 = arith.addi %mul3A_85, %add3A_1738 : i32
        %get3A_1740 = arith.index_cast %add3A_1739 : i32 to index
        %get3A_1741 = arith.constant 176 : index
        %get3A_1742 = tpu.vector_load %arg8[%get3A_1740, %get3A_1741] {strides = array<i32>} : memref<64x256xf32, #tpu.memory_space<vmem>>, vector<16xf32>,
        %sub3A_1743 = arith.subf %get3A_1742, %get3A_25 : vector<16xf32>
        %mul3A_1744 = arith.mulf %sub3A_1743, %sub3A_1743 : vector<16xf32>
        %add3A_1745 = arith.addf %add3A_1729, %mul3A_1744 : vector<16xf32>
        %add3A_1746 = arith.constant 11 : i32
        %add3A_1747 = arith.addi %mul3A_85, %add3A_1746 : i32
        %get3A_1748 = arith.index_cast %add3A_1747 : i32 to index
        %get3A_1749 = arith.constant 192 : index
        %get3A_1750 = tpu.vector_load %arg8[%get3A_1748, %get3A_1749] {strides = array<i32>} : memref<64x256xf32, #tpu.memory_space<vmem>>, vector<16xf32>,
        %sub3A_1751 = arith.subf %get3A_1750, %get3A_27 : vector<16xf32>
        %mul3A_1752 = arith.mulf %sub3A_1751, %sub3A_1751 : vector<16xf32>
        %add3A_1753 = arith.addf %add3A_1737, %mul3A_1752 : vector<16xf32>
        %add3A_1754 = arith.constant 11 : i32
        %add3A_1755 = arith.addi %mul3A_85, %add3A_1754 : i32
        %get3A_1756 = arith.index_cast %add3A_1755 : i32 to index
        %get3A_1757 = arith.constant 208 : index
        %get3A_1758 = tpu.vector_load %arg8[%get3A_1756, %get3A_1757] {strides = array<i32>} : memref<64x256xf32, #tpu.memory_space<vmem>>, vector<16xf32>,
        %sub3A_1759 = arith.subf %get3A_1758, %get3A_29 : vector<16xf32>
        %mul3A_1760 = arith.mulf %sub3A_1759, %sub3A_1759 : vector<16xf32>
        %add3A_1761 = arith.addf %add3A_1745, %mul3A_1760 : vector<16xf32>
        %add3A_1762 = arith.constant 11 : i32
        %add3A_1763 = arith.addi %mul3A_85, %add3A_1762 : i32
        %get3A_1764 = arith.index_cast %add3A_1763 : i32 to index
        %get3A_1765 = arith.constant 224 : index
        %get3A_1766 = tpu.vector_load %arg8[%get3A_1764, %get3A_1765] {strides = array<i32>} : memref<64x256xf32, #tpu.memory_space<vmem>>, vector<16xf32>,
        %sub3A_1767 = arith.subf %get3A_1766, %get3A_31 : vector<16xf32>
        %mul3A_1768 = arith.mulf %sub3A_1767, %sub3A_1767 : vector<16xf32>
        %add3A_1769 = arith.addf %add3A_1753, %mul3A_1768 : vector<16xf32>
        %add3A_1770 = arith.constant 11 : i32
        %add3A_1771 = arith.addi %mul3A_85, %add3A_1770 : i32
        %get3A_1772 = arith.index_cast %add3A_1771 : i32 to index
        %get3A_1773 = arith.constant 240 : index
        %get3A_1774 = tpu.vector_load %arg8[%get3A_1772, %get3A_1773] {strides = array<i32>} : memref<64x256xf32, #tpu.memory_space<vmem>>, vector<16xf32>,
        %sub3A_1775 = arith.subf %get3A_1774, %get3A_33 : vector<16xf32>
        %mul3A_1776 = arith.mulf %sub3A_1775, %sub3A_1775 : vector<16xf32>
        %add3A_1777 = arith.addf %add3A_1761, %mul3A_1776 : vector<16xf32>
        %add3A_1778 = arith.addf %add3A_1769, %add3A_1777 : vector<16xf32>
        %reduce_sum3A_1779 = arith.constant true
        %reduce_sum3A_1780 = vector.broadcast %reduce_sum3A_1779 : i1 to vector<16xi1>
        %reduce_sum3A_1781 = tpu.scan <sum>, %add3A_1778 masked %reduce_sum3A_1780 : vector<16xf32>, vector<16xi1> -> vector<16xf32>
        %reduce_sum3A_1782 = vector.extract %reduce_sum3A_1781[15] : f32 from vector<16xf32>
        %eq3A_1783 = arith.constant 11 : i32
        %eq3A_1784 = vector.broadcast %eq3A_1783 : i32 to vector<16xi32>
        %eq3A_1785 = arith.cmpi eq, %iota3A, %eq3A_1784 : vector<16xi32>
        %broadcast_in_dim3A_1786 = vector.broadcast %reduce_sum3A_1782 : f32 to vector<16xf32>
        %select_n3A_1787 = arith.select %eq3A_1785, %broadcast_in_dim3A_1786, %select_n3A_1645 : vector<16xi1>, vector<16xf32>
        %broadcast_in_dim3A_1788 = arith.constant 0.000000e+00 : f32
        %broadcast_in_dim3A_1789 = vector.broadcast %broadcast_in_dim3A_1788 : f32 to vector<16xf32>
        %broadcast_in_dim3A_1790 = arith.constant 0.000000e+00 : f32
        %broadcast_in_dim3A_1791 = vector.broadcast %broadcast_in_dim3A_1790 : f32 to vector<16xf32>
        %add3A_1792 = arith.constant 12 : i32
        %add3A_1793 = arith.addi %mul3A_85, %add3A_1792 : i32
        %get3A_1794 = arith.index_cast %add3A_1793 : i32 to index
        %get3A_1795 = arith.constant 0 : index
        %get3A_1796 = tpu.vector_load %arg8[%get3A_1794, %get3A_1795] {strides = array<i32>} : memref<64x256xf32, #tpu.memory_space<vmem>>, vector<16xf32>,
        %sub3A_1797 = arith.subf %get3A_1796, %get3A_3 : vector<16xf32>
        %mul3A_1798 = arith.mulf %sub3A_1797, %sub3A_1797 : vector<16xf32>
        %add3A_1799 = arith.addf %broadcast_in_dim3A_1789, %mul3A_1798 : vector<16xf32>
        %add3A_1800 = arith.constant 12 : i32
        %add3A_1801 = arith.addi %mul3A_85, %add3A_1800 : i32
        %get3A_1802 = arith.index_cast %add3A_1801 : i32 to index
        %get3A_1803 = arith.constant 16 : index
        %get3A_1804 = tpu.vector_load %arg8[%get3A_1802, %get3A_1803] {strides = array<i32>} : memref<64x256xf32, #tpu.memory_space<vmem>>, vector<16xf32>,
        %sub3A_1805 = arith.subf %get3A_1804, %get3A_5 : vector<16xf32>
        %mul3A_1806 = arith.mulf %sub3A_1805, %sub3A_1805 : vector<16xf32>
        %add3A_1807 = arith.addf %broadcast_in_dim3A_1791, %mul3A_1806 : vector<16xf32>
        %add3A_1808 = arith.constant 12 : i32
        %add3A_1809 = arith.addi %mul3A_85, %add3A_1808 : i32
        %get3A_1810 = arith.index_cast %add3A_1809 : i32 to index
        %get3A_1811 = arith.constant 32 : index
        %get3A_1812 = tpu.vector_load %arg8[%get3A_1810, %get3A_1811] {strides = array<i32>} : memref<64x256xf32, #tpu.memory_space<vmem>>, vector<16xf32>,
        %sub3A_1813 = arith.subf %get3A_1812, %get3A_7 : vector<16xf32>
        %mul3A_1814 = arith.mulf %sub3A_1813, %sub3A_1813 : vector<16xf32>
        %add3A_1815 = arith.addf %add3A_1799, %mul3A_1814 : vector<16xf32>
        %add3A_1816 = arith.constant 12 : i32
        %add3A_1817 = arith.addi %mul3A_85, %add3A_1816 : i32
        %get3A_1818 = arith.index_cast %add3A_1817 : i32 to index
        %get3A_1819 = arith.constant 48 : index
        %get3A_1820 = tpu.vector_load %arg8[%get3A_1818, %get3A_1819] {strides = array<i32>} : memref<64x256xf32, #tpu.memory_space<vmem>>, vector<16xf32>,
        %sub3A_1821 = arith.subf %get3A_1820, %get3A_9 : vector<16xf32>
        %mul3A_1822 = arith.mulf %sub3A_1821, %sub3A_1821 : vector<16xf32>
        %add3A_1823 = arith.addf %add3A_1807, %mul3A_1822 : vector<16xf32>
        %add3A_1824 = arith.constant 12 : i32
        %add3A_1825 = arith.addi %mul3A_85, %add3A_1824 : i32
        %get3A_1826 = arith.index_cast %add3A_1825 : i32 to index
        %get3A_1827 = arith.constant 64 : index
        %get3A_1828 = tpu.vector_load %arg8[%get3A_1826, %get3A_1827] {strides = array<i32>} : memref<64x256xf32, #tpu.memory_space<vmem>>, vector<16xf32>,
        %sub3A_1829 = arith.subf %get3A_1828, %get3A_11 : vector<16xf32>
        %mul3A_1830 = arith.mulf %sub3A_1829, %sub3A_1829 : vector<16xf32>
        %add3A_1831 = arith.addf %add3A_1815, %mul3A_1830 : vector<16xf32>
        %add3A_1832 = arith.constant 12 : i32
        %add3A_1833 = arith.addi %mul3A_85, %add3A_1832 : i32
        %get3A_1834 = arith.index_cast %add3A_1833 : i32 to index
        %get3A_1835 = arith.constant 80 : index
        %get3A_1836 = tpu.vector_load %arg8[%get3A_1834, %get3A_1835] {strides = array<i32>} : memref<64x256xf32, #tpu.memory_space<vmem>>, vector<16xf32>,
        %sub3A_1837 = arith.subf %get3A_1836, %get3A_13 : vector<16xf32>
        %mul3A_1838 = arith.mulf %sub3A_1837, %sub3A_1837 : vector<16xf32>
        %add3A_1839 = arith.addf %add3A_1823, %mul3A_1838 : vector<16xf32>
        %add3A_1840 = arith.constant 12 : i32
        %add3A_1841 = arith.addi %mul3A_85, %add3A_1840 : i32
        %get3A_1842 = arith.index_cast %add3A_1841 : i32 to index
        %get3A_1843 = arith.constant 96 : index
        %get3A_1844 = tpu.vector_load %arg8[%get3A_1842, %get3A_1843] {strides = array<i32>} : memref<64x256xf32, #tpu.memory_space<vmem>>, vector<16xf32>,
        %sub3A_1845 = arith.subf %get3A_1844, %get3A_15 : vector<16xf32>
        %mul3A_1846 = arith.mulf %sub3A_1845, %sub3A_1845 : vector<16xf32>
        %add3A_1847 = arith.addf %add3A_1831, %mul3A_1846 : vector<16xf32>
        %add3A_1848 = arith.constant 12 : i32
        %add3A_1849 = arith.addi %mul3A_85, %add3A_1848 : i32
        %get3A_1850 = arith.index_cast %add3A_1849 : i32 to index
        %get3A_1851 = arith.constant 112 : index
        %get3A_1852 = tpu.vector_load %arg8[%get3A_1850, %get3A_1851] {strides = array<i32>} : memref<64x256xf32, #tpu.memory_space<vmem>>, vector<16xf32>,
        %sub3A_1853 = arith.subf %get3A_1852, %get3A_17 : vector<16xf32>
        %mul3A_1854 = arith.mulf %sub3A_1853, %sub3A_1853 : vector<16xf32>
        %add3A_1855 = arith.addf %add3A_1839, %mul3A_1854 : vector<16xf32>
        %add3A_1856 = arith.constant 12 : i32
        %add3A_1857 = arith.addi %mul3A_85, %add3A_1856 : i32
        %get3A_1858 = arith.index_cast %add3A_1857 : i32 to index
        %get3A_1859 = arith.constant 128 : index
        %get3A_1860 = tpu.vector_load %arg8[%get3A_1858, %get3A_1859] {strides = array<i32>} : memref<64x256xf32, #tpu.memory_space<vmem>>, vector<16xf32>,
        %sub3A_1861 = arith.subf %get3A_1860, %get3A_19 : vector<16xf32>
        %mul3A_1862 = arith.mulf %sub3A_1861, %sub3A_1861 : vector<16xf32>
        %add3A_1863 = arith.addf %add3A_1847, %mul3A_1862 : vector<16xf32>
        %add3A_1864 = arith.constant 12 : i32
        %add3A_1865 = arith.addi %mul3A_85, %add3A_1864 : i32
        %get3A_1866 = arith.index_cast %add3A_1865 : i32 to index
        %get3A_1867 = arith.constant 144 : index
        %get3A_1868 = tpu.vector_load %arg8[%get3A_1866, %get3A_1867] {strides = array<i32>} : memref<64x256xf32, #tpu.memory_space<vmem>>, vector<16xf32>,
        %sub3A_1869 = arith.subf %get3A_1868, %get3A_21 : vector<16xf32>
        %mul3A_1870 = arith.mulf %sub3A_1869, %sub3A_1869 : vector<16xf32>
        %add3A_1871 = arith.addf %add3A_1855, %mul3A_1870 : vector<16xf32>
        %add3A_1872 = arith.constant 12 : i32
        %add3A_1873 = arith.addi %mul3A_85, %add3A_1872 : i32
        %get3A_1874 = arith.index_cast %add3A_1873 : i32 to index
        %get3A_1875 = arith.constant 160 : index
        %get3A_1876 = tpu.vector_load %arg8[%get3A_1874, %get3A_1875] {strides = array<i32>} : memref<64x256xf32, #tpu.memory_space<vmem>>, vector<16xf32>,
        %sub3A_1877 = arith.subf %get3A_1876, %get3A_23 : vector<16xf32>
        %mul3A_1878 = arith.mulf %sub3A_1877, %sub3A_1877 : vector<16xf32>
        %add3A_1879 = arith.addf %add3A_1863, %mul3A_1878 : vector<16xf32>
        %add3A_1880 = arith.constant 12 : i32
        %add3A_1881 = arith.addi %mul3A_85, %add3A_1880 : i32
        %get3A_1882 = arith.index_cast %add3A_1881 : i32 to index
        %get3A_1883 = arith.constant 176 : index
        %get3A_1884 = tpu.vector_load %arg8[%get3A_1882, %get3A_1883] {strides = array<i32>} : memref<64x256xf32, #tpu.memory_space<vmem>>, vector<16xf32>,
        %sub3A_1885 = arith.subf %get3A_1884, %get3A_25 : vector<16xf32>
        %mul3A_1886 = arith.mulf %sub3A_1885, %sub3A_1885 : vector<16xf32>
        %add3A_1887 = arith.addf %add3A_1871, %mul3A_1886 : vector<16xf32>
        %add3A_1888 = arith.constant 12 : i32
        %add3A_1889 = arith.addi %mul3A_85, %add3A_1888 : i32
        %get3A_1890 = arith.index_cast %add3A_1889 : i32 to index
        %get3A_1891 = arith.constant 192 : index
        %get3A_1892 = tpu.vector_load %arg8[%get3A_1890, %get3A_1891] {strides = array<i32>} : memref<64x256xf32, #tpu.memory_space<vmem>>, vector<16xf32>,
        %sub3A_1893 = arith.subf %get3A_1892, %get3A_27 : vector<16xf32>
        %mul3A_1894 = arith.mulf %sub3A_1893, %sub3A_1893 : vector<16xf32>
        %add3A_1895 = arith.addf %add3A_1879, %mul3A_1894 : vector<16xf32>
        %add3A_1896 = arith.constant 12 : i32
        %add3A_1897 = arith.addi %mul3A_85, %add3A_1896 : i32
        %get3A_1898 = arith.index_cast %add3A_1897 : i32 to index
        %get3A_1899 = arith.constant 208 : index
        %get3A_1900 = tpu.vector_load %arg8[%get3A_1898, %get3A_1899] {strides = array<i32>} : memref<64x256xf32, #tpu.memory_space<vmem>>, vector<16xf32>,
        %sub3A_1901 = arith.subf %get3A_1900, %get3A_29 : vector<16xf32>
        %mul3A_1902 = arith.mulf %sub3A_1901, %sub3A_1901 : vector<16xf32>
        %add3A_1903 = arith.addf %add3A_1887, %mul3A_1902 : vector<16xf32>
        %add3A_1904 = arith.constant 12 : i32
        %add3A_1905 = arith.addi %mul3A_85, %add3A_1904 : i32
        %get3A_1906 = arith.index_cast %add3A_1905 : i32 to index
        %get3A_1907 = arith.constant 224 : index
        %get3A_1908 = tpu.vector_load %arg8[%get3A_1906, %get3A_1907] {strides = array<i32>} : memref<64x256xf32, #tpu.memory_space<vmem>>, vector<16xf32>,
        %sub3A_1909 = arith.subf %get3A_1908, %get3A_31 : vector<16xf32>
        %mul3A_1910 = arith.mulf %sub3A_1909, %sub3A_1909 : vector<16xf32>
        %add3A_1911 = arith.addf %add3A_1895, %mul3A_1910 : vector<16xf32>
        %add3A_1912 = arith.constant 12 : i32
        %add3A_1913 = arith.addi %mul3A_85, %add3A_1912 : i32
        %get3A_1914 = arith.index_cast %add3A_1913 : i32 to index
        %get3A_1915 = arith.constant 240 : index
        %get3A_1916 = tpu.vector_load %arg8[%get3A_1914, %get3A_1915] {strides = array<i32>} : memref<64x256xf32, #tpu.memory_space<vmem>>, vector<16xf32>,
        %sub3A_1917 = arith.subf %get3A_1916, %get3A_33 : vector<16xf32>
        %mul3A_1918 = arith.mulf %sub3A_1917, %sub3A_1917 : vector<16xf32>
        %add3A_1919 = arith.addf %add3A_1903, %mul3A_1918 : vector<16xf32>
        %add3A_1920 = arith.addf %add3A_1911, %add3A_1919 : vector<16xf32>
        %reduce_sum3A_1921 = arith.constant true
        %reduce_sum3A_1922 = vector.broadcast %reduce_sum3A_1921 : i1 to vector<16xi1>
        %reduce_sum3A_1923 = tpu.scan <sum>, %add3A_1920 masked %reduce_sum3A_1922 : vector<16xf32>, vector<16xi1> -> vector<16xf32>
        %reduce_sum3A_1924 = vector.extract %reduce_sum3A_1923[15] : f32 from vector<16xf32>
        %eq3A_1925 = arith.constant 12 : i32
        %eq3A_1926 = vector.broadcast %eq3A_1925 : i32 to vector<16xi32>
        %eq3A_1927 = arith.cmpi eq, %iota3A, %eq3A_1926 : vector<16xi32>
        %broadcast_in_dim3A_1928 = vector.broadcast %reduce_sum3A_1924 : f32 to vector<16xf32>
        %select_n3A_1929 = arith.select %eq3A_1927, %broadcast_in_dim3A_1928, %select_n3A_1787 : vector<16xi1>, vector<16xf32>
        %broadcast_in_dim3A_1930 = arith.constant 0.000000e+00 : f32
        %broadcast_in_dim3A_1931 = vector.broadcast %broadcast_in_dim3A_1930 : f32 to vector<16xf32>
        %broadcast_in_dim3A_1932 = arith.constant 0.000000e+00 : f32
        %broadcast_in_dim3A_1933 = vector.broadcast %broadcast_in_dim3A_1932 : f32 to vector<16xf32>
        %add3A_1934 = arith.constant 13 : i32
        %add3A_1935 = arith.addi %mul3A_85, %add3A_1934 : i32
        %get3A_1936 = arith.index_cast %add3A_1935 : i32 to index
        %get3A_1937 = arith.constant 0 : index
        %get3A_1938 = tpu.vector_load %arg8[%get3A_1936, %get3A_1937] {strides = array<i32>} : memref<64x256xf32, #tpu.memory_space<vmem>>, vector<16xf32>,
        %sub3A_1939 = arith.subf %get3A_1938, %get3A_3 : vector<16xf32>
        %mul3A_1940 = arith.mulf %sub3A_1939, %sub3A_1939 : vector<16xf32>
        %add3A_1941 = arith.addf %broadcast_in_dim3A_1931, %mul3A_1940 : vector<16xf32>
        %add3A_1942 = arith.constant 13 : i32
        %add3A_1943 = arith.addi %mul3A_85, %add3A_1942 : i32
        %get3A_1944 = arith.index_cast %add3A_1943 : i32 to index
        %get3A_1945 = arith.constant 16 : index
        %get3A_1946 = tpu.vector_load %arg8[%get3A_1944, %get3A_1945] {strides = array<i32>} : memref<64x256xf32, #tpu.memory_space<vmem>>, vector<16xf32>,
        %sub3A_1947 = arith.subf %get3A_1946, %get3A_5 : vector<16xf32>
        %mul3A_1948 = arith.mulf %sub3A_1947, %sub3A_1947 : vector<16xf32>
        %add3A_1949 = arith.addf %broadcast_in_dim3A_1933, %mul3A_1948 : vector<16xf32>
        %add3A_1950 = arith.constant 13 : i32
        %add3A_1951 = arith.addi %mul3A_85, %add3A_1950 : i32
        %get3A_1952 = arith.index_cast %add3A_1951 : i32 to index
        %get3A_1953 = arith.constant 32 : index
        %get3A_1954 = tpu.vector_load %arg8[%get3A_1952, %get3A_1953] {strides = array<i32>} : memref<64x256xf32, #tpu.memory_space<vmem>>, vector<16xf32>,
        %sub3A_1955 = arith.subf %get3A_1954, %get3A_7 : vector<16xf32>
        %mul3A_1956 = arith.mulf %sub3A_1955, %sub3A_1955 : vector<16xf32>
        %add3A_1957 = arith.addf %add3A_1941, %mul3A_1956 : vector<16xf32>
        %add3A_1958 = arith.constant 13 : i32
        %add3A_1959 = arith.addi %mul3A_85, %add3A_1958 : i32
        %get3A_1960 = arith.index_cast %add3A_1959 : i32 to index
        %get3A_1961 = arith.constant 48 : index
        %get3A_1962 = tpu.vector_load %arg8[%get3A_1960, %get3A_1961] {strides = array<i32>} : memref<64x256xf32, #tpu.memory_space<vmem>>, vector<16xf32>,
        %sub3A_1963 = arith.subf %get3A_1962, %get3A_9 : vector<16xf32>
        %mul3A_1964 = arith.mulf %sub3A_1963, %sub3A_1963 : vector<16xf32>
        %add3A_1965 = arith.addf %add3A_1949, %mul3A_1964 : vector<16xf32>
        %add3A_1966 = arith.constant 13 : i32
        %add3A_1967 = arith.addi %mul3A_85, %add3A_1966 : i32
        %get3A_1968 = arith.index_cast %add3A_1967 : i32 to index
        %get3A_1969 = arith.constant 64 : index
        %get3A_1970 = tpu.vector_load %arg8[%get3A_1968, %get3A_1969] {strides = array<i32>} : memref<64x256xf32, #tpu.memory_space<vmem>>, vector<16xf32>,
        %sub3A_1971 = arith.subf %get3A_1970, %get3A_11 : vector<16xf32>
        %mul3A_1972 = arith.mulf %sub3A_1971, %sub3A_1971 : vector<16xf32>
        %add3A_1973 = arith.addf %add3A_1957, %mul3A_1972 : vector<16xf32>
        %add3A_1974 = arith.constant 13 : i32
        %add3A_1975 = arith.addi %mul3A_85, %add3A_1974 : i32
        %get3A_1976 = arith.index_cast %add3A_1975 : i32 to index
        %get3A_1977 = arith.constant 80 : index
        %get3A_1978 = tpu.vector_load %arg8[%get3A_1976, %get3A_1977] {strides = array<i32>} : memref<64x256xf32, #tpu.memory_space<vmem>>, vector<16xf32>,
        %sub3A_1979 = arith.subf %get3A_1978, %get3A_13 : vector<16xf32>
        %mul3A_1980 = arith.mulf %sub3A_1979, %sub3A_1979 : vector<16xf32>
        %add3A_1981 = arith.addf %add3A_1965, %mul3A_1980 : vector<16xf32>
        %add3A_1982 = arith.constant 13 : i32
        %add3A_1983 = arith.addi %mul3A_85, %add3A_1982 : i32
        %get3A_1984 = arith.index_cast %add3A_1983 : i32 to index
        %get3A_1985 = arith.constant 96 : index
        %get3A_1986 = tpu.vector_load %arg8[%get3A_1984, %get3A_1985] {strides = array<i32>} : memref<64x256xf32, #tpu.memory_space<vmem>>, vector<16xf32>,
        %sub3A_1987 = arith.subf %get3A_1986, %get3A_15 : vector<16xf32>
        %mul3A_1988 = arith.mulf %sub3A_1987, %sub3A_1987 : vector<16xf32>
        %add3A_1989 = arith.addf %add3A_1973, %mul3A_1988 : vector<16xf32>
        %add3A_1990 = arith.constant 13 : i32
        %add3A_1991 = arith.addi %mul3A_85, %add3A_1990 : i32
        %get3A_1992 = arith.index_cast %add3A_1991 : i32 to index
        %get3A_1993 = arith.constant 112 : index
        %get3A_1994 = tpu.vector_load %arg8[%get3A_1992, %get3A_1993] {strides = array<i32>} : memref<64x256xf32, #tpu.memory_space<vmem>>, vector<16xf32>,
        %sub3A_1995 = arith.subf %get3A_1994, %get3A_17 : vector<16xf32>
        %mul3A_1996 = arith.mulf %sub3A_1995, %sub3A_1995 : vector<16xf32>
        %add3A_1997 = arith.addf %add3A_1981, %mul3A_1996 : vector<16xf32>
        %add3A_1998 = arith.constant 13 : i32
        %add3A_1999 = arith.addi %mul3A_85, %add3A_1998 : i32
        %get3A_2000 = arith.index_cast %add3A_1999 : i32 to index
        %get3A_2001 = arith.constant 128 : index
        %get3A_2002 = tpu.vector_load %arg8[%get3A_2000, %get3A_2001] {strides = array<i32>} : memref<64x256xf32, #tpu.memory_space<vmem>>, vector<16xf32>,
        %sub3A_2003 = arith.subf %get3A_2002, %get3A_19 : vector<16xf32>
        %mul3A_2004 = arith.mulf %sub3A_2003, %sub3A_2003 : vector<16xf32>
        %add3A_2005 = arith.addf %add3A_1989, %mul3A_2004 : vector<16xf32>
        %add3A_2006 = arith.constant 13 : i32
        %add3A_2007 = arith.addi %mul3A_85, %add3A_2006 : i32
        %get3A_2008 = arith.index_cast %add3A_2007 : i32 to index
        %get3A_2009 = arith.constant 144 : index
        %get3A_2010 = tpu.vector_load %arg8[%get3A_2008, %get3A_2009] {strides = array<i32>} : memref<64x256xf32, #tpu.memory_space<vmem>>, vector<16xf32>,
        %sub3A_2011 = arith.subf %get3A_2010, %get3A_21 : vector<16xf32>
        %mul3A_2012 = arith.mulf %sub3A_2011, %sub3A_2011 : vector<16xf32>
        %add3A_2013 = arith.addf %add3A_1997, %mul3A_2012 : vector<16xf32>
        %add3A_2014 = arith.constant 13 : i32
        %add3A_2015 = arith.addi %mul3A_85, %add3A_2014 : i32
        %get3A_2016 = arith.index_cast %add3A_2015 : i32 to index
        %get3A_2017 = arith.constant 160 : index
        %get3A_2018 = tpu.vector_load %arg8[%get3A_2016, %get3A_2017] {strides = array<i32>} : memref<64x256xf32, #tpu.memory_space<vmem>>, vector<16xf32>,
        %sub3A_2019 = arith.subf %get3A_2018, %get3A_23 : vector<16xf32>
        %mul3A_2020 = arith.mulf %sub3A_2019, %sub3A_2019 : vector<16xf32>
        %add3A_2021 = arith.addf %add3A_2005, %mul3A_2020 : vector<16xf32>
        %add3A_2022 = arith.constant 13 : i32
        %add3A_2023 = arith.addi %mul3A_85, %add3A_2022 : i32
        %get3A_2024 = arith.index_cast %add3A_2023 : i32 to index
        %get3A_2025 = arith.constant 176 : index
        %get3A_2026 = tpu.vector_load %arg8[%get3A_2024, %get3A_2025] {strides = array<i32>} : memref<64x256xf32, #tpu.memory_space<vmem>>, vector<16xf32>,
        %sub3A_2027 = arith.subf %get3A_2026, %get3A_25 : vector<16xf32>
        %mul3A_2028 = arith.mulf %sub3A_2027, %sub3A_2027 : vector<16xf32>
        %add3A_2029 = arith.addf %add3A_2013, %mul3A_2028 : vector<16xf32>
        %add3A_2030 = arith.constant 13 : i32
        %add3A_2031 = arith.addi %mul3A_85, %add3A_2030 : i32
        %get3A_2032 = arith.index_cast %add3A_2031 : i32 to index
        %get3A_2033 = arith.constant 192 : index
        %get3A_2034 = tpu.vector_load %arg8[%get3A_2032, %get3A_2033] {strides = array<i32>} : memref<64x256xf32, #tpu.memory_space<vmem>>, vector<16xf32>,
        %sub3A_2035 = arith.subf %get3A_2034, %get3A_27 : vector<16xf32>
        %mul3A_2036 = arith.mulf %sub3A_2035, %sub3A_2035 : vector<16xf32>
        %add3A_2037 = arith.addf %add3A_2021, %mul3A_2036 : vector<16xf32>
        %add3A_2038 = arith.constant 13 : i32
        %add3A_2039 = arith.addi %mul3A_85, %add3A_2038 : i32
        %get3A_2040 = arith.index_cast %add3A_2039 : i32 to index
        %get3A_2041 = arith.constant 208 : index
        %get3A_2042 = tpu.vector_load %arg8[%get3A_2040, %get3A_2041] {strides = array<i32>} : memref<64x256xf32, #tpu.memory_space<vmem>>, vector<16xf32>,
        %sub3A_2043 = arith.subf %get3A_2042, %get3A_29 : vector<16xf32>
        %mul3A_2044 = arith.mulf %sub3A_2043, %sub3A_2043 : vector<16xf32>
        %add3A_2045 = arith.addf %add3A_2029, %mul3A_2044 : vector<16xf32>
        %add3A_2046 = arith.constant 13 : i32
        %add3A_2047 = arith.addi %mul3A_85, %add3A_2046 : i32
        %get3A_2048 = arith.index_cast %add3A_2047 : i32 to index
        %get3A_2049 = arith.constant 224 : index
        %get3A_2050 = tpu.vector_load %arg8[%get3A_2048, %get3A_2049] {strides = array<i32>} : memref<64x256xf32, #tpu.memory_space<vmem>>, vector<16xf32>,
        %sub3A_2051 = arith.subf %get3A_2050, %get3A_31 : vector<16xf32>
        %mul3A_2052 = arith.mulf %sub3A_2051, %sub3A_2051 : vector<16xf32>
        %add3A_2053 = arith.addf %add3A_2037, %mul3A_2052 : vector<16xf32>
        %add3A_2054 = arith.constant 13 : i32
        %add3A_2055 = arith.addi %mul3A_85, %add3A_2054 : i32
        %get3A_2056 = arith.index_cast %add3A_2055 : i32 to index
        %get3A_2057 = arith.constant 240 : index
        %get3A_2058 = tpu.vector_load %arg8[%get3A_2056, %get3A_2057] {strides = array<i32>} : memref<64x256xf32, #tpu.memory_space<vmem>>, vector<16xf32>,
        %sub3A_2059 = arith.subf %get3A_2058, %get3A_33 : vector<16xf32>
        %mul3A_2060 = arith.mulf %sub3A_2059, %sub3A_2059 : vector<16xf32>
        %add3A_2061 = arith.addf %add3A_2045, %mul3A_2060 : vector<16xf32>
        %add3A_2062 = arith.addf %add3A_2053, %add3A_2061 : vector<16xf32>
        %reduce_sum3A_2063 = arith.constant true
        %reduce_sum3A_2064 = vector.broadcast %reduce_sum3A_2063 : i1 to vector<16xi1>
        %reduce_sum3A_2065 = tpu.scan <sum>, %add3A_2062 masked %reduce_sum3A_2064 : vector<16xf32>, vector<16xi1> -> vector<16xf32>
        %reduce_sum3A_2066 = vector.extract %reduce_sum3A_2065[15] : f32 from vector<16xf32>
        %eq3A_2067 = arith.constant 13 : i32
        %eq3A_2068 = vector.broadcast %eq3A_2067 : i32 to vector<16xi32>
        %eq3A_2069 = arith.cmpi eq, %iota3A, %eq3A_2068 : vector<16xi32>
        %broadcast_in_dim3A_2070 = vector.broadcast %reduce_sum3A_2066 : f32 to vector<16xf32>
        %select_n3A_2071 = arith.select %eq3A_2069, %broadcast_in_dim3A_2070, %select_n3A_1929 : vector<16xi1>, vector<16xf32>
        %broadcast_in_dim3A_2072 = arith.constant 0.000000e+00 : f32
        %broadcast_in_dim3A_2073 = vector.broadcast %broadcast_in_dim3A_2072 : f32 to vector<16xf32>
        %broadcast_in_dim3A_2074 = arith.constant 0.000000e+00 : f32
        %broadcast_in_dim3A_2075 = vector.broadcast %broadcast_in_dim3A_2074 : f32 to vector<16xf32>
        %add3A_2076 = arith.constant 14 : i32
        %add3A_2077 = arith.addi %mul3A_85, %add3A_2076 : i32
        %get3A_2078 = arith.index_cast %add3A_2077 : i32 to index
        %get3A_2079 = arith.constant 0 : index
        %get3A_2080 = tpu.vector_load %arg8[%get3A_2078, %get3A_2079] {strides = array<i32>} : memref<64x256xf32, #tpu.memory_space<vmem>>, vector<16xf32>,
        %sub3A_2081 = arith.subf %get3A_2080, %get3A_3 : vector<16xf32>
        %mul3A_2082 = arith.mulf %sub3A_2081, %sub3A_2081 : vector<16xf32>
        %add3A_2083 = arith.addf %broadcast_in_dim3A_2073, %mul3A_2082 : vector<16xf32>
        %add3A_2084 = arith.constant 14 : i32
        %add3A_2085 = arith.addi %mul3A_85, %add3A_2084 : i32
        %get3A_2086 = arith.index_cast %add3A_2085 : i32 to index
        %get3A_2087 = arith.constant 16 : index
        %get3A_2088 = tpu.vector_load %arg8[%get3A_2086, %get3A_2087] {strides = array<i32>} : memref<64x256xf32, #tpu.memory_space<vmem>>, vector<16xf32>,
        %sub3A_2089 = arith.subf %get3A_2088, %get3A_5 : vector<16xf32>
        %mul3A_2090 = arith.mulf %sub3A_2089, %sub3A_2089 : vector<16xf32>
        %add3A_2091 = arith.addf %broadcast_in_dim3A_2075, %mul3A_2090 : vector<16xf32>
        %add3A_2092 = arith.constant 14 : i32
        %add3A_2093 = arith.addi %mul3A_85, %add3A_2092 : i32
        %get3A_2094 = arith.index_cast %add3A_2093 : i32 to index
        %get3A_2095 = arith.constant 32 : index
        %get3A_2096 = tpu.vector_load %arg8[%get3A_2094, %get3A_2095] {strides = array<i32>} : memref<64x256xf32, #tpu.memory_space<vmem>>, vector<16xf32>,
        %sub3A_2097 = arith.subf %get3A_2096, %get3A_7 : vector<16xf32>
        %mul3A_2098 = arith.mulf %sub3A_2097, %sub3A_2097 : vector<16xf32>
        %add3A_2099 = arith.addf %add3A_2083, %mul3A_2098 : vector<16xf32>
        %add3A_2100 = arith.constant 14 : i32
        %add3A_2101 = arith.addi %mul3A_85, %add3A_2100 : i32
        %get3A_2102 = arith.index_cast %add3A_2101 : i32 to index
        %get3A_2103 = arith.constant 48 : index
        %get3A_2104 = tpu.vector_load %arg8[%get3A_2102, %get3A_2103] {strides = array<i32>} : memref<64x256xf32, #tpu.memory_space<vmem>>, vector<16xf32>,
        %sub3A_2105 = arith.subf %get3A_2104, %get3A_9 : vector<16xf32>
        %mul3A_2106 = arith.mulf %sub3A_2105, %sub3A_2105 : vector<16xf32>
        %add3A_2107 = arith.addf %add3A_2091, %mul3A_2106 : vector<16xf32>
        %add3A_2108 = arith.constant 14 : i32
        %add3A_2109 = arith.addi %mul3A_85, %add3A_2108 : i32
        %get3A_2110 = arith.index_cast %add3A_2109 : i32 to index
        %get3A_2111 = arith.constant 64 : index
        %get3A_2112 = tpu.vector_load %arg8[%get3A_2110, %get3A_2111] {strides = array<i32>} : memref<64x256xf32, #tpu.memory_space<vmem>>, vector<16xf32>,
        %sub3A_2113 = arith.subf %get3A_2112, %get3A_11 : vector<16xf32>
        %mul3A_2114 = arith.mulf %sub3A_2113, %sub3A_2113 : vector<16xf32>
        %add3A_2115 = arith.addf %add3A_2099, %mul3A_2114 : vector<16xf32>
        %add3A_2116 = arith.constant 14 : i32
        %add3A_2117 = arith.addi %mul3A_85, %add3A_2116 : i32
        %get3A_2118 = arith.index_cast %add3A_2117 : i32 to index
        %get3A_2119 = arith.constant 80 : index
        %get3A_2120 = tpu.vector_load %arg8[%get3A_2118, %get3A_2119] {strides = array<i32>} : memref<64x256xf32, #tpu.memory_space<vmem>>, vector<16xf32>,
        %sub3A_2121 = arith.subf %get3A_2120, %get3A_13 : vector<16xf32>
        %mul3A_2122 = arith.mulf %sub3A_2121, %sub3A_2121 : vector<16xf32>
        %add3A_2123 = arith.addf %add3A_2107, %mul3A_2122 : vector<16xf32>
        %add3A_2124 = arith.constant 14 : i32
        %add3A_2125 = arith.addi %mul3A_85, %add3A_2124 : i32
        %get3A_2126 = arith.index_cast %add3A_2125 : i32 to index
        %get3A_2127 = arith.constant 96 : index
        %get3A_2128 = tpu.vector_load %arg8[%get3A_2126, %get3A_2127] {strides = array<i32>} : memref<64x256xf32, #tpu.memory_space<vmem>>, vector<16xf32>,
        %sub3A_2129 = arith.subf %get3A_2128, %get3A_15 : vector<16xf32>
        %mul3A_2130 = arith.mulf %sub3A_2129, %sub3A_2129 : vector<16xf32>
        %add3A_2131 = arith.addf %add3A_2115, %mul3A_2130 : vector<16xf32>
        %add3A_2132 = arith.constant 14 : i32
        %add3A_2133 = arith.addi %mul3A_85, %add3A_2132 : i32
        %get3A_2134 = arith.index_cast %add3A_2133 : i32 to index
        %get3A_2135 = arith.constant 112 : index
        %get3A_2136 = tpu.vector_load %arg8[%get3A_2134, %get3A_2135] {strides = array<i32>} : memref<64x256xf32, #tpu.memory_space<vmem>>, vector<16xf32>,
        %sub3A_2137 = arith.subf %get3A_2136, %get3A_17 : vector<16xf32>
        %mul3A_2138 = arith.mulf %sub3A_2137, %sub3A_2137 : vector<16xf32>
        %add3A_2139 = arith.addf %add3A_2123, %mul3A_2138 : vector<16xf32>
        %add3A_2140 = arith.constant 14 : i32
        %add3A_2141 = arith.addi %mul3A_85, %add3A_2140 : i32
        %get3A_2142 = arith.index_cast %add3A_2141 : i32 to index
        %get3A_2143 = arith.constant 128 : index
        %get3A_2144 = tpu.vector_load %arg8[%get3A_2142, %get3A_2143] {strides = array<i32>} : memref<64x256xf32, #tpu.memory_space<vmem>>, vector<16xf32>,
        %sub3A_2145 = arith.subf %get3A_2144, %get3A_19 : vector<16xf32>
        %mul3A_2146 = arith.mulf %sub3A_2145, %sub3A_2145 : vector<16xf32>
        %add3A_2147 = arith.addf %add3A_2131, %mul3A_2146 : vector<16xf32>
        %add3A_2148 = arith.constant 14 : i32
        %add3A_2149 = arith.addi %mul3A_85, %add3A_2148 : i32
        %get3A_2150 = arith.index_cast %add3A_2149 : i32 to index
        %get3A_2151 = arith.constant 144 : index
        %get3A_2152 = tpu.vector_load %arg8[%get3A_2150, %get3A_2151] {strides = array<i32>} : memref<64x256xf32, #tpu.memory_space<vmem>>, vector<16xf32>,
        %sub3A_2153 = arith.subf %get3A_2152, %get3A_21 : vector<16xf32>
        %mul3A_2154 = arith.mulf %sub3A_2153, %sub3A_2153 : vector<16xf32>
        %add3A_2155 = arith.addf %add3A_2139, %mul3A_2154 : vector<16xf32>
        %add3A_2156 = arith.constant 14 : i32
        %add3A_2157 = arith.addi %mul3A_85, %add3A_2156 : i32
        %get3A_2158 = arith.index_cast %add3A_2157 : i32 to index
        %get3A_2159 = arith.constant 160 : index
        %get3A_2160 = tpu.vector_load %arg8[%get3A_2158, %get3A_2159] {strides = array<i32>} : memref<64x256xf32, #tpu.memory_space<vmem>>, vector<16xf32>,
        %sub3A_2161 = arith.subf %get3A_2160, %get3A_23 : vector<16xf32>
        %mul3A_2162 = arith.mulf %sub3A_2161, %sub3A_2161 : vector<16xf32>
        %add3A_2163 = arith.addf %add3A_2147, %mul3A_2162 : vector<16xf32>
        %add3A_2164 = arith.constant 14 : i32
        %add3A_2165 = arith.addi %mul3A_85, %add3A_2164 : i32
        %get3A_2166 = arith.index_cast %add3A_2165 : i32 to index
        %get3A_2167 = arith.constant 176 : index
        %get3A_2168 = tpu.vector_load %arg8[%get3A_2166, %get3A_2167] {strides = array<i32>} : memref<64x256xf32, #tpu.memory_space<vmem>>, vector<16xf32>,
        %sub3A_2169 = arith.subf %get3A_2168, %get3A_25 : vector<16xf32>
        %mul3A_2170 = arith.mulf %sub3A_2169, %sub3A_2169 : vector<16xf32>
        %add3A_2171 = arith.addf %add3A_2155, %mul3A_2170 : vector<16xf32>
        %add3A_2172 = arith.constant 14 : i32
        %add3A_2173 = arith.addi %mul3A_85, %add3A_2172 : i32
        %get3A_2174 = arith.index_cast %add3A_2173 : i32 to index
        %get3A_2175 = arith.constant 192 : index
        %get3A_2176 = tpu.vector_load %arg8[%get3A_2174, %get3A_2175] {strides = array<i32>} : memref<64x256xf32, #tpu.memory_space<vmem>>, vector<16xf32>,
        %sub3A_2177 = arith.subf %get3A_2176, %get3A_27 : vector<16xf32>
        %mul3A_2178 = arith.mulf %sub3A_2177, %sub3A_2177 : vector<16xf32>
        %add3A_2179 = arith.addf %add3A_2163, %mul3A_2178 : vector<16xf32>
        %add3A_2180 = arith.constant 14 : i32
        %add3A_2181 = arith.addi %mul3A_85, %add3A_2180 : i32
        %get3A_2182 = arith.index_cast %add3A_2181 : i32 to index
        %get3A_2183 = arith.constant 208 : index
        %get3A_2184 = tpu.vector_load %arg8[%get3A_2182, %get3A_2183] {strides = array<i32>} : memref<64x256xf32, #tpu.memory_space<vmem>>, vector<16xf32>,
        %sub3A_2185 = arith.subf %get3A_2184, %get3A_29 : vector<16xf32>
        %mul3A_2186 = arith.mulf %sub3A_2185, %sub3A_2185 : vector<16xf32>
        %add3A_2187 = arith.addf %add3A_2171, %mul3A_2186 : vector<16xf32>
        %add3A_2188 = arith.constant 14 : i32
        %add3A_2189 = arith.addi %mul3A_85, %add3A_2188 : i32
        %get3A_2190 = arith.index_cast %add3A_2189 : i32 to index
        %get3A_2191 = arith.constant 224 : index
        %get3A_2192 = tpu.vector_load %arg8[%get3A_2190, %get3A_2191] {strides = array<i32>} : memref<64x256xf32, #tpu.memory_space<vmem>>, vector<16xf32>,
        %sub3A_2193 = arith.subf %get3A_2192, %get3A_31 : vector<16xf32>
        %mul3A_2194 = arith.mulf %sub3A_2193, %sub3A_2193 : vector<16xf32>
        %add3A_2195 = arith.addf %add3A_2179, %mul3A_2194 : vector<16xf32>
        %add3A_2196 = arith.constant 14 : i32
        %add3A_2197 = arith.addi %mul3A_85, %add3A_2196 : i32
        %get3A_2198 = arith.index_cast %add3A_2197 : i32 to index
        %get3A_2199 = arith.constant 240 : index
        %get3A_2200 = tpu.vector_load %arg8[%get3A_2198, %get3A_2199] {strides = array<i32>} : memref<64x256xf32, #tpu.memory_space<vmem>>, vector<16xf32>,
        %sub3A_2201 = arith.subf %get3A_2200, %get3A_33 : vector<16xf32>
        %mul3A_2202 = arith.mulf %sub3A_2201, %sub3A_2201 : vector<16xf32>
        %add3A_2203 = arith.addf %add3A_2187, %mul3A_2202 : vector<16xf32>
        %add3A_2204 = arith.addf %add3A_2195, %add3A_2203 : vector<16xf32>
        %reduce_sum3A_2205 = arith.constant true
        %reduce_sum3A_2206 = vector.broadcast %reduce_sum3A_2205 : i1 to vector<16xi1>
        %reduce_sum3A_2207 = tpu.scan <sum>, %add3A_2204 masked %reduce_sum3A_2206 : vector<16xf32>, vector<16xi1> -> vector<16xf32>
        %reduce_sum3A_2208 = vector.extract %reduce_sum3A_2207[15] : f32 from vector<16xf32>
        %eq3A_2209 = arith.constant 14 : i32
        %eq3A_2210 = vector.broadcast %eq3A_2209 : i32 to vector<16xi32>
        %eq3A_2211 = arith.cmpi eq, %iota3A, %eq3A_2210 : vector<16xi32>
        %broadcast_in_dim3A_2212 = vector.broadcast %reduce_sum3A_2208 : f32 to vector<16xf32>
        %select_n3A_2213 = arith.select %eq3A_2211, %broadcast_in_dim3A_2212, %select_n3A_2071 : vector<16xi1>, vector<16xf32>
        %broadcast_in_dim3A_2214 = arith.constant 0.000000e+00 : f32
        %broadcast_in_dim3A_2215 = vector.broadcast %broadcast_in_dim3A_2214 : f32 to vector<16xf32>
        %broadcast_in_dim3A_2216 = arith.constant 0.000000e+00 : f32
        %broadcast_in_dim3A_2217 = vector.broadcast %broadcast_in_dim3A_2216 : f32 to vector<16xf32>
        %add3A_2218 = arith.constant 15 : i32
        %add3A_2219 = arith.addi %mul3A_85, %add3A_2218 : i32
        %get3A_2220 = arith.index_cast %add3A_2219 : i32 to index
        %get3A_2221 = arith.constant 0 : index
        %get3A_2222 = tpu.vector_load %arg8[%get3A_2220, %get3A_2221] {strides = array<i32>} : memref<64x256xf32, #tpu.memory_space<vmem>>, vector<16xf32>,
        %sub3A_2223 = arith.subf %get3A_2222, %get3A_3 : vector<16xf32>
        %mul3A_2224 = arith.mulf %sub3A_2223, %sub3A_2223 : vector<16xf32>
        %add3A_2225 = arith.addf %broadcast_in_dim3A_2215, %mul3A_2224 : vector<16xf32>
        %add3A_2226 = arith.constant 15 : i32
        %add3A_2227 = arith.addi %mul3A_85, %add3A_2226 : i32
        %get3A_2228 = arith.index_cast %add3A_2227 : i32 to index
        %get3A_2229 = arith.constant 16 : index
        %get3A_2230 = tpu.vector_load %arg8[%get3A_2228, %get3A_2229] {strides = array<i32>} : memref<64x256xf32, #tpu.memory_space<vmem>>, vector<16xf32>,
        %sub3A_2231 = arith.subf %get3A_2230, %get3A_5 : vector<16xf32>
        %mul3A_2232 = arith.mulf %sub3A_2231, %sub3A_2231 : vector<16xf32>
        %add3A_2233 = arith.addf %broadcast_in_dim3A_2217, %mul3A_2232 : vector<16xf32>
        %add3A_2234 = arith.constant 15 : i32
        %add3A_2235 = arith.addi %mul3A_85, %add3A_2234 : i32
        %get3A_2236 = arith.index_cast %add3A_2235 : i32 to index
        %get3A_2237 = arith.constant 32 : index
        %get3A_2238 = tpu.vector_load %arg8[%get3A_2236, %get3A_2237] {strides = array<i32>} : memref<64x256xf32, #tpu.memory_space<vmem>>, vector<16xf32>,
        %sub3A_2239 = arith.subf %get3A_2238, %get3A_7 : vector<16xf32>
        %mul3A_2240 = arith.mulf %sub3A_2239, %sub3A_2239 : vector<16xf32>
        %add3A_2241 = arith.addf %add3A_2225, %mul3A_2240 : vector<16xf32>
        %add3A_2242 = arith.constant 15 : i32
        %add3A_2243 = arith.addi %mul3A_85, %add3A_2242 : i32
        %get3A_2244 = arith.index_cast %add3A_2243 : i32 to index
        %get3A_2245 = arith.constant 48 : index
        %get3A_2246 = tpu.vector_load %arg8[%get3A_2244, %get3A_2245] {strides = array<i32>} : memref<64x256xf32, #tpu.memory_space<vmem>>, vector<16xf32>,
        %sub3A_2247 = arith.subf %get3A_2246, %get3A_9 : vector<16xf32>
        %mul3A_2248 = arith.mulf %sub3A_2247, %sub3A_2247 : vector<16xf32>
        %add3A_2249 = arith.addf %add3A_2233, %mul3A_2248 : vector<16xf32>
        %add3A_2250 = arith.constant 15 : i32
        %add3A_2251 = arith.addi %mul3A_85, %add3A_2250 : i32
        %get3A_2252 = arith.index_cast %add3A_2251 : i32 to index
        %get3A_2253 = arith.constant 64 : index
        %get3A_2254 = tpu.vector_load %arg8[%get3A_2252, %get3A_2253] {strides = array<i32>} : memref<64x256xf32, #tpu.memory_space<vmem>>, vector<16xf32>,
        %sub3A_2255 = arith.subf %get3A_2254, %get3A_11 : vector<16xf32>
        %mul3A_2256 = arith.mulf %sub3A_2255, %sub3A_2255 : vector<16xf32>
        %add3A_2257 = arith.addf %add3A_2241, %mul3A_2256 : vector<16xf32>
        %add3A_2258 = arith.constant 15 : i32
        %add3A_2259 = arith.addi %mul3A_85, %add3A_2258 : i32
        %get3A_2260 = arith.index_cast %add3A_2259 : i32 to index
        %get3A_2261 = arith.constant 80 : index
        %get3A_2262 = tpu.vector_load %arg8[%get3A_2260, %get3A_2261] {strides = array<i32>} : memref<64x256xf32, #tpu.memory_space<vmem>>, vector<16xf32>,
        %sub3A_2263 = arith.subf %get3A_2262, %get3A_13 : vector<16xf32>
        %mul3A_2264 = arith.mulf %sub3A_2263, %sub3A_2263 : vector<16xf32>
        %add3A_2265 = arith.addf %add3A_2249, %mul3A_2264 : vector<16xf32>
        %add3A_2266 = arith.constant 15 : i32
        %add3A_2267 = arith.addi %mul3A_85, %add3A_2266 : i32
        %get3A_2268 = arith.index_cast %add3A_2267 : i32 to index
        %get3A_2269 = arith.constant 96 : index
        %get3A_2270 = tpu.vector_load %arg8[%get3A_2268, %get3A_2269] {strides = array<i32>} : memref<64x256xf32, #tpu.memory_space<vmem>>, vector<16xf32>,
        %sub3A_2271 = arith.subf %get3A_2270, %get3A_15 : vector<16xf32>
        %mul3A_2272 = arith.mulf %sub3A_2271, %sub3A_2271 : vector<16xf32>
        %add3A_2273 = arith.addf %add3A_2257, %mul3A_2272 : vector<16xf32>
        %add3A_2274 = arith.constant 15 : i32
        %add3A_2275 = arith.addi %mul3A_85, %add3A_2274 : i32
        %get3A_2276 = arith.index_cast %add3A_2275 : i32 to index
        %get3A_2277 = arith.constant 112 : index
        %get3A_2278 = tpu.vector_load %arg8[%get3A_2276, %get3A_2277] {strides = array<i32>} : memref<64x256xf32, #tpu.memory_space<vmem>>, vector<16xf32>,
        %sub3A_2279 = arith.subf %get3A_2278, %get3A_17 : vector<16xf32>
        %mul3A_2280 = arith.mulf %sub3A_2279, %sub3A_2279 : vector<16xf32>
        %add3A_2281 = arith.addf %add3A_2265, %mul3A_2280 : vector<16xf32>
        %add3A_2282 = arith.constant 15 : i32
        %add3A_2283 = arith.addi %mul3A_85, %add3A_2282 : i32
        %get3A_2284 = arith.index_cast %add3A_2283 : i32 to index
        %get3A_2285 = arith.constant 128 : index
        %get3A_2286 = tpu.vector_load %arg8[%get3A_2284, %get3A_2285] {strides = array<i32>} : memref<64x256xf32, #tpu.memory_space<vmem>>, vector<16xf32>,
        %sub3A_2287 = arith.subf %get3A_2286, %get3A_19 : vector<16xf32>
        %mul3A_2288 = arith.mulf %sub3A_2287, %sub3A_2287 : vector<16xf32>
        %add3A_2289 = arith.addf %add3A_2273, %mul3A_2288 : vector<16xf32>
        %add3A_2290 = arith.constant 15 : i32
        %add3A_2291 = arith.addi %mul3A_85, %add3A_2290 : i32
        %get3A_2292 = arith.index_cast %add3A_2291 : i32 to index
        %get3A_2293 = arith.constant 144 : index
        %get3A_2294 = tpu.vector_load %arg8[%get3A_2292, %get3A_2293] {strides = array<i32>} : memref<64x256xf32, #tpu.memory_space<vmem>>, vector<16xf32>,
        %sub3A_2295 = arith.subf %get3A_2294, %get3A_21 : vector<16xf32>
        %mul3A_2296 = arith.mulf %sub3A_2295, %sub3A_2295 : vector<16xf32>
        %add3A_2297 = arith.addf %add3A_2281, %mul3A_2296 : vector<16xf32>
        %add3A_2298 = arith.constant 15 : i32
        %add3A_2299 = arith.addi %mul3A_85, %add3A_2298 : i32
        %get3A_2300 = arith.index_cast %add3A_2299 : i32 to index
        %get3A_2301 = arith.constant 160 : index
        %get3A_2302 = tpu.vector_load %arg8[%get3A_2300, %get3A_2301] {strides = array<i32>} : memref<64x256xf32, #tpu.memory_space<vmem>>, vector<16xf32>,
        %sub3A_2303 = arith.subf %get3A_2302, %get3A_23 : vector<16xf32>
        %mul3A_2304 = arith.mulf %sub3A_2303, %sub3A_2303 : vector<16xf32>
        %add3A_2305 = arith.addf %add3A_2289, %mul3A_2304 : vector<16xf32>
        %add3A_2306 = arith.constant 15 : i32
        %add3A_2307 = arith.addi %mul3A_85, %add3A_2306 : i32
        %get3A_2308 = arith.index_cast %add3A_2307 : i32 to index
        %get3A_2309 = arith.constant 176 : index
        %get3A_2310 = tpu.vector_load %arg8[%get3A_2308, %get3A_2309] {strides = array<i32>} : memref<64x256xf32, #tpu.memory_space<vmem>>, vector<16xf32>,
        %sub3A_2311 = arith.subf %get3A_2310, %get3A_25 : vector<16xf32>
        %mul3A_2312 = arith.mulf %sub3A_2311, %sub3A_2311 : vector<16xf32>
        %add3A_2313 = arith.addf %add3A_2297, %mul3A_2312 : vector<16xf32>
        %add3A_2314 = arith.constant 15 : i32
        %add3A_2315 = arith.addi %mul3A_85, %add3A_2314 : i32
        %get3A_2316 = arith.index_cast %add3A_2315 : i32 to index
        %get3A_2317 = arith.constant 192 : index
        %get3A_2318 = tpu.vector_load %arg8[%get3A_2316, %get3A_2317] {strides = array<i32>} : memref<64x256xf32, #tpu.memory_space<vmem>>, vector<16xf32>,
        %sub3A_2319 = arith.subf %get3A_2318, %get3A_27 : vector<16xf32>
        %mul3A_2320 = arith.mulf %sub3A_2319, %sub3A_2319 : vector<16xf32>
        %add3A_2321 = arith.addf %add3A_2305, %mul3A_2320 : vector<16xf32>
        %add3A_2322 = arith.constant 15 : i32
        %add3A_2323 = arith.addi %mul3A_85, %add3A_2322 : i32
        %get3A_2324 = arith.index_cast %add3A_2323 : i32 to index
        %get3A_2325 = arith.constant 208 : index
        %get3A_2326 = tpu.vector_load %arg8[%get3A_2324, %get3A_2325] {strides = array<i32>} : memref<64x256xf32, #tpu.memory_space<vmem>>, vector<16xf32>,
        %sub3A_2327 = arith.subf %get3A_2326, %get3A_29 : vector<16xf32>
        %mul3A_2328 = arith.mulf %sub3A_2327, %sub3A_2327 : vector<16xf32>
        %add3A_2329 = arith.addf %add3A_2313, %mul3A_2328 : vector<16xf32>
        %add3A_2330 = arith.constant 15 : i32
        %add3A_2331 = arith.addi %mul3A_85, %add3A_2330 : i32
        %get3A_2332 = arith.index_cast %add3A_2331 : i32 to index
        %get3A_2333 = arith.constant 224 : index
        %get3A_2334 = tpu.vector_load %arg8[%get3A_2332, %get3A_2333] {strides = array<i32>} : memref<64x256xf32, #tpu.memory_space<vmem>>, vector<16xf32>,
        %sub3A_2335 = arith.subf %get3A_2334, %get3A_31 : vector<16xf32>
        %mul3A_2336 = arith.mulf %sub3A_2335, %sub3A_2335 : vector<16xf32>
        %add3A_2337 = arith.addf %add3A_2321, %mul3A_2336 : vector<16xf32>
        %add3A_2338 = arith.constant 15 : i32
        %add3A_2339 = arith.addi %mul3A_85, %add3A_2338 : i32
        %get3A_2340 = arith.index_cast %add3A_2339 : i32 to index
        %get3A_2341 = arith.constant 240 : index
        %get3A_2342 = tpu.vector_load %arg8[%get3A_2340, %get3A_2341] {strides = array<i32>} : memref<64x256xf32, #tpu.memory_space<vmem>>, vector<16xf32>,
        %sub3A_2343 = arith.subf %get3A_2342, %get3A_33 : vector<16xf32>
        %mul3A_2344 = arith.mulf %sub3A_2343, %sub3A_2343 : vector<16xf32>
        %add3A_2345 = arith.addf %add3A_2329, %mul3A_2344 : vector<16xf32>
        %add3A_2346 = arith.addf %add3A_2337, %add3A_2345 : vector<16xf32>
        %reduce_sum3A_2347 = arith.constant true
        %reduce_sum3A_2348 = vector.broadcast %reduce_sum3A_2347 : i1 to vector<16xi1>
        %reduce_sum3A_2349 = tpu.scan <sum>, %add3A_2346 masked %reduce_sum3A_2348 : vector<16xf32>, vector<16xi1> -> vector<16xf32>
        %reduce_sum3A_2350 = vector.extract %reduce_sum3A_2349[15] : f32 from vector<16xf32>
        %eq3A_2351 = arith.constant 15 : i32
        %eq3A_2352 = vector.broadcast %eq3A_2351 : i32 to vector<16xi32>
        %eq3A_2353 = arith.cmpi eq, %iota3A, %eq3A_2352 : vector<16xi32>
        %broadcast_in_dim3A_2354 = vector.broadcast %reduce_sum3A_2350 : f32 to vector<16xf32>
        %select_n3A_2355 = arith.select %eq3A_2353, %broadcast_in_dim3A_2354, %select_n3A_2213 : vector<16xi1>, vector<16xf32>
        %add3A_2356 = arith.addi %add3A_53, %mul3A_85 : i32
        %add3A_2357 = vector.broadcast %add3A_2356 : i32 to vector<16xi32>
        %add3A_2358 = arith.addi %add3A_2357, %iota3A : vector<16xi32>
        %lt3A_2359 = arith.cmpf olt, %select_n3A_2355, %scan3A_82 : vector<16xf32>
        %select_n3A_2360 = arith.select %lt3A_2359, %select_n3A_2355, %scan3A_82 : vector<16xi1>, vector<16xf32>
        %select_n3A_2361 = arith.select %lt3A_2359, %add3A_2358, %scan3A_83 : vector<16xi1>, vector<16xi32>
        scf.yield %select_n3A_2360, %select_n3A_2361 : vector<16xf32>, vector<16xi32>
      }
      %scan3A_80 = arith.constant 4 : i32
      scf.yield %scan3A_79#0, %scan3A_79#1 : vector<16xf32>, vector<16xi32>
    }
    %scan3A_42 = arith.constant 2 : i32
    %swap3A = arith.constant 0 : index
    %swap3A_43 = tpu.vector_load %arg9[%swap3A] {strides = array<i32>} : memref<16xf32, #tpu.memory_space<vmem>>, vector<16xf32>,
    tpu.vector_store %arg9[%swap3A], %scan3A_41#0 {strides = array<i32>} : memref<16xf32, #tpu.memory_space<vmem>>, vector<16xf32>,
    %swap3A_44 = arith.constant 0 : index
    %swap3A_45 = tpu.vector_load %arg10[%swap3A_44] {strides = array<i32>} : memref<16xi32, #tpu.memory_space<vmem>>, vector<16xi32>,
    tpu.vector_store %arg10[%swap3A_44], %scan3A_41#1 {strides = array<i32>} : memref<16xi32, #tpu.memory_space<vmem>>, vector<16xi32>,
    "tpu.region"() ({
      %run_scoped3A = tpu.sem_alloc : memref<!tpu.dma_semaphore, #tpu.memory_space<semaphore_mem>>
      %dma_start3A_46 = arith.constant 0 : i32
      %dma_start3A_47 = tpu.memref_slice %arg4[%add3A, %dma_start3A_46] : memref<32x16xf32, #tpu.memory_space<hbm>> -> memref<1x16xf32, #tpu.memory_space<hbm>>
      %dma_start3A_48 = tpu.memref_squeeze %dma_start3A_47 : memref<1x16xf32, #tpu.memory_space<hbm>> -> memref<16xf32, #tpu.memory_space<hbm>>
      %dma_start3A_49 = arith.constant 0 : i32
      %dma_start3A_50 = tpu.memref_slice %arg4[%add3A, %dma_start3A_49] : memref<32x16xf32, #tpu.memory_space<hbm>> -> memref<1x16xf32, #tpu.memory_space<hbm>>
      %dma_start3A_51 = tpu.memref_squeeze %dma_start3A_50 : memref<1x16xf32, #tpu.memory_space<hbm>> -> memref<16xf32, #tpu.memory_space<hbm>>
      tpu.enqueue_dma source(%arg9 : memref<16xf32, #tpu.memory_space<vmem>>) target(%dma_start3A_51 : memref<16xf32, #tpu.memory_space<hbm>>) target_semaphore(%run_scoped3A : memref<!tpu.dma_semaphore, #tpu.memory_space<semaphore_mem>>)
      %dma_wait3A = arith.constant 0 : i32
      %dma_wait3A_52 = tpu.memref_slice %arg4[%add3A, %dma_wait3A] : memref<32x16xf32, #tpu.memory_space<hbm>> -> memref<1x16xf32, #tpu.memory_space<hbm>>
      %dma_wait3A_53 = tpu.memref_squeeze %dma_wait3A_52 : memref<1x16xf32, #tpu.memory_space<hbm>> -> memref<16xf32, #tpu.memory_space<hbm>>
      %dma_wait3A_54 = arith.constant 0 : i32
      %dma_wait3A_55 = tpu.memref_slice %arg4[%add3A, %dma_wait3A_54] : memref<32x16xf32, #tpu.memory_space<hbm>> -> memref<1x16xf32, #tpu.memory_space<hbm>>
      %dma_wait3A_56 = tpu.memref_squeeze %dma_wait3A_55 : memref<1x16xf32, #tpu.memory_space<hbm>> -> memref<16xf32, #tpu.memory_space<hbm>>
      tpu.wait_dma2 semaphore(%run_scoped3A : memref<!tpu.dma_semaphore, #tpu.memory_space<semaphore_mem>>) src(%arg9 : memref<16xf32, #tpu.memory_space<vmem>>) dst(%dma_wait3A_56 : memref<16xf32, #tpu.memory_space<hbm>>)
      tpu.yield
    }) : () -> ()
    "tpu.region"() ({
      %run_scoped3A = tpu.sem_alloc : memref<!tpu.dma_semaphore, #tpu.memory_space<semaphore_mem>>
      %dma_start3A_46 = arith.constant 0 : i32
      %dma_start3A_47 = tpu.memref_slice %arg5[%add3A, %dma_start3A_46] : memref<32x16xi32, #tpu.memory_space<hbm>> -> memref<1x16xi32, #tpu.memory_space<hbm>>
      %dma_start3A_48 = tpu.memref_squeeze %dma_start3A_47 : memref<1x16xi32, #tpu.memory_space<hbm>> -> memref<16xi32, #tpu.memory_space<hbm>>
      %dma_start3A_49 = arith.constant 0 : i32
      %dma_start3A_50 = tpu.memref_slice %arg5[%add3A, %dma_start3A_49] : memref<32x16xi32, #tpu.memory_space<hbm>> -> memref<1x16xi32, #tpu.memory_space<hbm>>
      %dma_start3A_51 = tpu.memref_squeeze %dma_start3A_50 : memref<1x16xi32, #tpu.memory_space<hbm>> -> memref<16xi32, #tpu.memory_space<hbm>>
      tpu.enqueue_dma source(%arg10 : memref<16xi32, #tpu.memory_space<vmem>>) target(%dma_start3A_51 : memref<16xi32, #tpu.memory_space<hbm>>) target_semaphore(%run_scoped3A : memref<!tpu.dma_semaphore, #tpu.memory_space<semaphore_mem>>)
      %dma_wait3A = arith.constant 0 : i32
      %dma_wait3A_52 = tpu.memref_slice %arg5[%add3A, %dma_wait3A] : memref<32x16xi32, #tpu.memory_space<hbm>> -> memref<1x16xi32, #tpu.memory_space<hbm>>
      %dma_wait3A_53 = tpu.memref_squeeze %dma_wait3A_52 : memref<1x16xi32, #tpu.memory_space<hbm>> -> memref<16xi32, #tpu.memory_space<hbm>>
      %dma_wait3A_54 = arith.constant 0 : i32
      %dma_wait3A_55 = tpu.memref_slice %arg5[%add3A, %dma_wait3A_54] : memref<32x16xi32, #tpu.memory_space<hbm>> -> memref<1x16xi32, #tpu.memory_space<hbm>>
      %dma_wait3A_56 = tpu.memref_squeeze %dma_wait3A_55 : memref<1x16xi32, #tpu.memory_space<hbm>> -> memref<16xi32, #tpu.memory_space<hbm>>
      tpu.wait_dma2 semaphore(%run_scoped3A : memref<!tpu.dma_semaphore, #tpu.memory_space<semaphore_mem>>) src(%arg10 : memref<16xi32, #tpu.memory_space<vmem>>) dst(%dma_wait3A_56 : memref<16xi32, #tpu.memory_space<hbm>>)
      tpu.yield
    }) : () -> ()
    return
  }
}

module attributes {stable_mosaic.version = 14 : i64} {
  func.func @_tc_finish_body(%arg0: memref<32x16xf32, #tpu.memory_space<vmem>>, %arg1: memref<32x16xi32, #tpu.memory_space<vmem>>, %arg2: memref<1xf32, #tpu.memory_space<smem>>, %arg3: memref<2xi32, #tpu.memory_space<smem>>) attributes {dimension_semantics = [], scalar_prefetch = 0 : i64, scratch_operands = 0 : i64, tpu.core_type = #tpu.core_type<tc>} {
    %get3A = arith.constant 0 : index
    %get3A_0 = arith.constant 0 : index
    %get3A_1 = vector.load %arg0[%get3A, %get3A_0] : memref<32x16xf32, #tpu.memory_space<vmem>>, vector<32x16xf32>
    %get3A_2 = arith.constant 0 : index
    %get3A_3 = arith.constant 0 : index
    %get3A_4 = vector.load %arg1[%get3A_2, %get3A_3] : memref<32x16xi32, #tpu.memory_space<vmem>>, vector<32x16xi32>
    %reduce_min3A = vector.shape_cast %get3A_1 : vector<32x16xf32> to vector<1x32x16xf32>
    %reduce_min3A_5 = arith.constant dense<0x7F800000> : vector<1xf32>
    %reduce_min3A_6 = vector.multi_reduction <minimumf>, %reduce_min3A, %reduce_min3A_5 [1, 2] : vector<1x32x16xf32> to vector<1xf32>
    %reduce_min3A_7 = vector.shape_cast %reduce_min3A_6 : vector<1xf32> to vector<1x1x1xf32>
    %reduce_min3A_8 = vector.extract %reduce_min3A_7[0, 0, 0] : f32 from vector<1x1x1xf32>
    %eq3A = vector.broadcast %reduce_min3A_8 : f32 to vector<32x16xf32>
    %eq3A_9 = arith.cmpf oeq, %get3A_1, %eq3A : vector<32x16xf32>
    %jit3A = arith.constant 8192 : i32
    %broadcast_in_dim3A = vector.broadcast %jit3A : i32 to vector<32x16xi32>
    %select_n3A = arith.select %eq3A_9, %get3A_4, %broadcast_in_dim3A : vector<32x16xi1>, vector<32x16xi32>
    %reduce_min3A_10 = vector.shape_cast %select_n3A : vector<32x16xi32> to vector<1x32x16xi32>
    %reduce_min3A_11 = arith.constant dense<2147483647> : vector<1xi32>
    %reduce_min3A_12 = vector.multi_reduction <minsi>, %reduce_min3A_10, %reduce_min3A_11 [1, 2] : vector<1x32x16xi32> to vector<1xi32>
    %reduce_min3A_13 = vector.shape_cast %reduce_min3A_12 : vector<1xi32> to vector<1x1x1xi32>
    %reduce_min3A_14 = vector.extract %reduce_min3A_13[0, 0, 0] : i32 from vector<1x1x1xi32>
    %max3A = arith.constant 0.000000e+00 : f32
    %max3A_15 = arith.maximumf %reduce_min3A_8, %max3A : f32
    %sqrt3A = math.sqrt %max3A_15 : f32
    %swap3A = arith.constant 0 : index
    %swap3A_16 = memref.load %arg2[%swap3A] : memref<1xf32, #tpu.memory_space<smem>>
    memref.store %sqrt3A, %arg2[%swap3A] : memref<1xf32, #tpu.memory_space<smem>>
    %jit3A_17 = arith.constant 128 : i32
    %div3A = arith.divsi %reduce_min3A_14, %jit3A_17 : i32
    %sign3A = arith.constant 0 : i32
    %sign3A_18 = arith.cmpi sgt, %reduce_min3A_14, %sign3A : i32
    %sign3A_19 = arith.extui %sign3A_18 : i1 to i32
    %sign3A_20 = arith.constant 0 : i32
    %sign3A_21 = arith.cmpi slt, %reduce_min3A_14, %sign3A_20 : i32
    %sign3A_22 = arith.extui %sign3A_21 : i1 to i32
    %sign3A_23 = arith.subi %sign3A_19, %sign3A_22 : i32
    %sign3A_24 = arith.constant 0 : i32
    %sign3A_25 = arith.cmpi sgt, %jit3A_17, %sign3A_24 : i32
    %sign3A_26 = arith.extui %sign3A_25 : i1 to i32
    %sign3A_27 = arith.constant 0 : i32
    %sign3A_28 = arith.cmpi slt, %jit3A_17, %sign3A_27 : i32
    %sign3A_29 = arith.extui %sign3A_28 : i1 to i32
    %sign3A_30 = arith.subi %sign3A_26, %sign3A_29 : i32
    %ne3A = arith.cmpi ne, %sign3A_23, %sign3A_30 : i32
    %rem3A = arith.remsi %reduce_min3A_14, %jit3A_17 : i32
    %ne3A_31 = arith.constant 0 : i32
    %ne3A_32 = arith.cmpi ne, %rem3A, %ne3A_31 : i32
    %and3A = arith.andi %ne3A, %ne3A_32 : i1
    %sub3A = arith.constant 1 : i32
    %sub3A_33 = arith.subi %div3A, %sub3A : i32
    %select_n3A_34 = arith.select %and3A, %sub3A_33, %div3A : i32
    %swap3A_35 = arith.constant 0 : index
    %swap3A_36 = memref.load %arg3[%swap3A_35] : memref<2xi32, #tpu.memory_space<smem>>
    memref.store %select_n3A_34, %arg3[%swap3A_35] : memref<2xi32, #tpu.memory_space<smem>>
    %jit3A_37 = arith.constant 128 : i32
    %eq3A_38 = arith.constant 0 : i32
    %eq3A_39 = arith.cmpi eq, %jit3A_37, %eq3A_38 : i32
    %jit3A_40 = arith.constant 1 : i32
    %select_n3A_41 = arith.select %eq3A_39, %jit3A_40, %jit3A_37 : i32
    %rem3A_42 = arith.remsi %reduce_min3A_14, %select_n3A_41 : i32
    %ne3A_43 = arith.constant 0 : i32
    %ne3A_44 = arith.cmpi ne, %rem3A_42, %ne3A_43 : i32
    %lt3A = arith.constant 0 : i32
    %lt3A_45 = arith.cmpi slt, %rem3A_42, %lt3A : i32
    %lt3A_46 = arith.constant 0 : i32
    %lt3A_47 = arith.cmpi slt, %select_n3A_41, %lt3A_46 : i32
    %ne3A_48 = arith.xori %lt3A_45, %lt3A_47 : i1
    %and3A_49 = arith.andi %ne3A_48, %ne3A_44 : i1
    %add3A = arith.addi %rem3A_42, %select_n3A_41 : i32
    %select_n3A_50 = arith.select %and3A_49, %add3A, %rem3A_42 : i32
    %swap3A_51 = arith.constant 1 : index
    %swap3A_52 = memref.load %arg3[%swap3A_51] : memref<2xi32, #tpu.memory_space<smem>>
    memref.store %select_n3A_50, %arg3[%swap3A_51] : memref<2xi32, #tpu.memory_space<smem>>
    return
  }
}

</mosaic_0001>

<sc_bundles>
// kernel: kernel.4.cloned.1.call-start
scs
__scs_entry_jumppad:
0x0: {  	(pc) =	sbr.rel $0x88, $3  }
0x1: {  	(tag) =	ssettag $0x0;
	lr =	simm.s32 $0x1  }
0x2: {  	[smem:$0x3F9F] =	sst lr;
	_ =	strace $0xD0000000  }
0x3: {  	_ = 	snop  }
0x4: {  	_ = 	snop  }
0x5: {  	_ = 	snop  }
0x6: {  	_ = 	snop  }
0x7: {  	_ = 	snop  }
__scs_overlays_trampoline_lowered:
0x8: {  	[smem:$0x3FAE] =	sst s0  }
0x9: {  	[smem:$0x3FAF] =	sst s1  }
0xa: {  	[smem:$0x3FB0] =	sst s2  }
0xb: {  	[smem:$0x3FB1] =	sst s3  }
0xc: {  	[smem:$0x3FB2] =	sst s4  }
0xd: {  	[smem:$0x3FB3] =	sst s5  }
0xe: {  	[smem:$0x3FB4] =	sst s6  }
0xf: {  	[smem:$0x3FB5] =	sst s7  }
0x10: {  	[smem:$0x3FB6] =	sst s8  }
0x11: {  	[smem:$0x3FB7] =	sst s9;
	s0 =	simm.s32 @!p0 $0x0  }
0x12: {  	s1 =	sld [smem:$0x3F9D];
	s0 =	simm.s32 @p0 $0x1  }
0x13: {  	[smem:$0x3FB8] =	sst s0;
	s0 =	simm.s32 @!p1 $0x0  }
0x14: {  	s2 =	sld [smem:$0x3F9C];
	s0 =	simm.s32 @p1 $0x1  }
0x15: {  	[smem:$0x3FB9] =	sst s0;
	s0 =	simm.s32 @!p2 $0x0  }
0x16: {  	s3 =	sld [smem:$0x3FDB];
	s0 =	simm.s32 @p2 $0x1  }
0x17: {  	s4 =	simm.s32 $0x1BF5;
	[smem:$0x3FBB] =	sst s0  }
0x18: {  	s0 =	sld [smem:$0x3F9E];
	_ =	swait.ge [sflag:s4], $0x0  }
0x19: {  	s7 =	sld [smem:$0x3F9F]  }
0x1a: {  	s8 =	sadd.s32 $0xFFFFE003, lr  }
0x1b: {  	s9 =	sadd.s32 $0xFFFFFEF7, lr;
	s5 =	simm.s32 $0xFFFFFFFF;
	p2 =	slt.u32 s8, $0xFFFFF086  }
0x1c: {  	p1 =	slt.u32 s9, $0xF7A;
	s5 =	simm.s32 @!p2 $0x0  }
0x1d: {  	s5 =	simm.s32 @p1 $0x1;
	p0 =	seq.s32 s7, s2  }
0x1e: {  	s7 =	smul.u32 @!p0 $0xF7A, s2;
	p2 =	seq.s32 @!p0 s5, $0x0  }
0x1f: {  	s9 =	smul.u32 $0xF7A, s1;
	s8 =	simm.s32 @!p0 $0x1BF5;
	p2 =	por !p2, p0  }
0x20: {  	[sflag:s8] =	ssyncset.s32 @!p0 $0xFFFFF086;
	s6 =	sadd.s32 @!p0 s3, s7;
	s7 =	simm.s32 @!p0 $0x108  }
0x21: {  	s3 =	sadd.s32 s3, s9;
	s6 =	sadd.s32 @!p0 $0x88, s6;
	s7 =	simm.s32 @p2 $0x1082  }
0x22: {  	[simem:s7], [sflag:s8] =	dma.local @!p0 [hbm:s6], $0xF7A  }
0x23: {  	s9 =	sor.u32 $0xD0000000, s2;
	s6 =	simm.s32 $0x108;
	_ =	swait.ge @!p0 [sflag:s8], $0x0  }
0x24: {  	s3 =	sadd.s32 $0x88, s3;
	s6 =	simm.s32 @!p1 $0x1082;
	[sflag:s4] =	ssyncset.s32 $0xFFFFF086  }
0x25: {  	[simem:s6], [sflag:s4] =	dma.local [hbm:s3], $0xF7A  }
0x26: {  	[smem:$0x3F9F] =	sst s1;
	(tag) =	ssettag s2;
	_ =	strace s9  }
0x27: {  	s1 =	sld [smem:$0x3FAF]  }
0x28: {  	s2 =	sld [smem:$0x3FB0]  }
0x29: {  	s4 =	sld [smem:$0x3FB2]  }
0x2a: {  	p0 =	seq.s32 s5, $0x0;
	s5 =	sld [smem:$0x3FB3]  }
0x2b: {  	s6 =	sld [smem:$0x3FB4]  }
0x2c: {  	s7 =	sld [smem:$0x3FB5]  }
0x2d: {  	s3 =	simm.s32 $0x108;
	s8 =	sld [smem:$0x3FB6]  }
0x2e: {  	s3 =	simm.s32 @!p0 $0x1082;
	s9 =	sld [smem:$0x3FB7]  }
0x2f: {  	lr =	sadd.s32 s0, s3;
	s0 =	sld [smem:$0x3FAE]  }
0x30: {  	s3 =	sld [smem:$0x3FB1]  }
0x31: {  	[smem:$0x3FBA] =	sst s10  }
0x32: {  	s10 =	sld [smem:$0x3FB8];
	_ =	sdelay $0x3  }
0x33: {  	p0 =	seq.s32 s10, $0x1;
	s10 =	sld [smem:$0x3FBA];
	_ =	sdelay $0x3  }
0x34: {  	[smem:$0x3FBA] =	sst s10  }
0x35: {  	s10 =	sld [smem:$0x3FB9];
	_ =	sdelay $0x3  }
0x36: {  	p1 =	seq.s32 s10, $0x1;
	s10 =	sld [smem:$0x3FBA];
	_ =	sdelay $0x3  }
0x37: {  	[smem:$0x3FBA] =	sst s10  }
0x38: {  	s10 =	sld [smem:$0x3FBB]  }
0x39: {  	_ = 	snop;
	(pc) =	sbr.ind lr, $3  }
0x3a: {  	_ = 	snop  }
0x3b: {  	_ = 	snop  }
0x3c: {  	p2 =	seq.s32 s10, $0x1;
	s10 =	sld [smem:$0x3FBA]  }
0x3d: {  	_ =	shalt  }
0x3e: {  	_ =	shalt  }
0x3f: {  	_ =	shalt  }
0x40: {  	_ =	shalt  }
0x41: {  	_ =	shalt  }
0x42: {  	_ =	shalt  }
0x43: {  	_ =	shalt  }
0x44: {  	_ =	shalt  }
0x45: {  	_ =	shalt  }
0x46: {  	_ =	shalt  }
0x47: {  	_ =	shalt  }
0x48: {  	_ =	shalt  }
0x49: {  	_ =	shalt  }
0x4a: {  	_ =	shalt  }
0x4b: {  	_ =	shalt  }
0x4c: {  	_ =	shalt  }
0x4d: {  	_ =	shalt  }
0x4e: {  	_ =	shalt  }
0x4f: {  	_ =	shalt  }
0x50: {  	_ =	shalt  }
0x51: {  	_ =	shalt  }
0x52: {  	_ =	shalt  }
0x53: {  	_ =	shalt  }
0x54: {  	_ =	shalt  }
0x55: {  	_ =	shalt  }
0x56: {  	_ =	shalt  }
0x57: {  	_ =	shalt  }
0x58: {  	_ =	shalt  }
0x59: {  	_ =	shalt  }
0x5a: {  	_ =	shalt  }
0x5b: {  	_ =	shalt  }
0x5c: {  	_ =	shalt  }
0x5d: {  	_ =	shalt  }
0x5e: {  	_ =	shalt  }
0x5f: {  	_ =	shalt  }
0x60: {  	_ =	shalt  }
0x61: {  	_ =	shalt  }
0x62: {  	_ =	shalt  }
0x63: {  	_ =	shalt  }
0x64: {  	_ =	shalt  }
0x65: {  	_ =	shalt  }
0x66: {  	_ =	shalt  }
0x67: {  	_ =	shalt  }
0x68: {  	_ =	shalt  }
0x69: {  	_ =	shalt  }
0x6a: {  	_ =	shalt  }
0x6b: {  	_ =	shalt  }
0x6c: {  	_ =	shalt  }
0x6d: {  	_ =	shalt  }
0x6e: {  	_ =	shalt  }
0x6f: {  	_ =	shalt  }
0x70: {  	_ =	shalt  }
0x71: {  	_ =	shalt  }
0x72: {  	_ =	shalt  }
0x73: {  	_ =	shalt  }
0x74: {  	_ =	shalt  }
0x75: {  	_ =	shalt  }
0x76: {  	_ =	shalt  }
0x77: {  	_ =	shalt  }
0x78: {  	_ =	shalt  }
0x79: {  	_ =	shalt  }
0x7a: {  	_ =	shalt  }
0x7b: {  	_ =	shalt  }
0x7c: {  	_ =	shalt  }
0x7d: {  	_ =	shalt  }
0x7e: {  	_ =	shalt  }
0x7f: {  	_ =	shalt  }
0x80: {  	_ =	shalt  }
0x81: {  	_ =	shalt  }
0x82: {  	_ =	shalt  }
0x83: {  	_ =	shalt  }
0x84: {  	_ =	shalt  }
0x85: {  	_ =	shalt  }
0x86: {  	_ =	shalt  }
0x87: {  	_ =	shalt  }
.Lfunc_end0:
.L_simem_size_0:
called_computation_lowered:
.L_overlay_start_0:
0x88: {  	s2 =	sld [smem:$0x3FD9]  }
0x89: {  	s3 =	sld [smem:$0x3FFE];
	_ =	sdelay $0x1  }
0x8a: {  	s1 =	srdreg.scid  }
0x8b: {  	s0 =	sand.u32 $0x1, s1  }
0x8c: {  	s17 =	sshll.u32 s0, $0xA;
	s2 =	sadd.s32 s3, s2  }
0x8d: {  	s2 =	sadd.s32 s2, s17  }
0x8e: {  	[smem:$0x3FC6] =	sst s2  }
0x8f: {  	_ = 	snop  }
0x90: {  	s2 =	sld [smem:$0x3FC9]  }
0x91: {  	s18 =	sld [smem:$0x3FC8];
	(tm) =	ssettm $0x1  }
0x92: {  	s4 =	sld [smem:$0x3FFB];
	_ =	sdelay $0x3  }
0x93: {  	_ =	strace s4  }
0x94: {  	s4 =	sld [smem:$0x3FFC];
	_ =	sdelay $0x3  }
0x95: {  	_ =	strace s4  }
0x96: {  	s4 =	sld [smem:$0x3FFD];
	_ =	sdelay $0x3  }
0x97: {  	_ =	strace s4  }
0x98: {  	_ =	strace $0x8FFFFFFF  }
0x99: {  	s19 =	sld [smem:$0x3FDB];
	_ =	sdelay $0x1  }
0x9a: {  	s5 =	simm.s32 $_scs_section_size  }
0x9b: {  	s6 =	simm.s32 $_size__tile_overlayer_lowered;
	s7 =	simm.s32 $_tile_overlayer_lowered  }
0x9c: {  	s22 =	simm.s32 $0x1BFF;
	s21 =	sshll.u32 s7, $0x1;
	s4 =	sadd.s32 s5, s19  }
0x9d: {  	s8 =	simm.s32 $0x0;
	s20 =	sshll.u32 s6, $0x1;
	s6 =	sadd.s32 s21, s4  }
0x9e: {  	[timem:s8], [sflag:s22] =	dma.local [hbm:s6], s20  }
0x9f: {  	_ =	swait.ge [sflag:s22], s20  }
0xa0: {  	s5 =	ssub.s32 $0x0, s20;
	[sflag:s22] =	ssyncset.done $0x0  }
0xa1: {  	[sflag:s22] =	ssyncadd.s32 s5;
	_ =	sdelay $0x1  }
0xa2: {  	s23 =	simm.s32 $0x1B8B  }
0xa3: {  	_ =	swait.ge [sflag:s23], $0x1  }
0xa4: {  	[sflag:s23] =	ssyncset.done $0x0  }
0xa5: {  	s25 =	simm.s32 $0x1B8E;
	s24 =	sld [smem:$0x3FFE];
	[sflag:s23] =	ssyncadd.s32 $0xFFFFFFFF  }
0xa6: {  	s26 =	simm.s32 $execute0_lowered;
	[smem:$0x3FD2] =	sst s25  }
0xa7: {  	s6 =	sshll.u32 s26, $0x1;
	_ =	strace $0x80000046;
	[dreg:$0x1] =	wrdreg $0xFFFFFFFF  }
0xa8: {  	s28 =	simm.s32 $_size_execute0_lowered;
	s4 =	sadd.s32 s4, s6;
	[dreg:$0x0] =	wrdreg $0x0  }
0xa9: {  	s6 =	sshll.u32 s28, $0x1;
	[dreg:$0x2] =	wrdreg s4  }
0xaa: {  	[dreg:$0x3] =	wrdreg s6  }
0xab: {  	[dreg:$0x4] =	wrdreg $0xC0  }
0xac: {  	_ =	task [dreg:s8], $0x5FFFF  }
0xad: {  	[dreg:$0x1] =	wrdreg $0xFFFFFFFF  }
0xae: {  	[dreg:$0x0] =	wrdreg $0x60  }
0xaf: {  	[dreg:$0x2] =	wrdreg s2  }
0xb0: {  	[dreg:$0x3] =	wrdreg s18  }
0xb1: {  	[dreg:$0x4] =	wrdreg s24  }
0xb2: {  	[dreg:$0x5] =	wrdreg $0x9  }
0xb3: {  	_ =	task.clear_ibuf [dreg:s8], $0x6FFFF;
	_ =	strace $0x90000046  }
0xb4: {  	s29 =	simm.s32 $0x9;
	_ =	strace $0x80000048  }
0xb5: {  	_ =	swait.ge [sflag:s29], $0x1  }
0xb6: {  	[sflag:s29] =	ssyncadd.s32 $0xFFFFFFFF  }
0xb7: {  	_ =	strace $0x90000048  }
0xb8: {  	_ =	sfence  }
0xb9: {  	s30 =	sld [smem:$0x0];
	_ =	sdelay $0x2  }
0xba: {  	s31 =	sshll.u32 s1, $0xD;
	s1 =	sshrl.u32 s1, $0x2  }
0xbb: {  	s3 =	sand.u32 $0x4000, s31;
	s1 =	sadd.s32 s1, s30  }
0xbc: {  	s0 =	sor.u32 s3, s0;
	s1 =	sshll.u32 s1, $0x11  }
0xbd: {  	s0 =	sor.u32 s1, s0  }
0xbe: {  	s0 =	sadd.s32 $0x8F2B, s0  }
0xbf: {  	[sflag:s0] =	ssyncadd.remote.s32 $0x1  }
0xc0: {  	_ =	sfence.sel $0xFFFF  }
0xc1: {  	[dreg:$0x0] =	wrdreg $0xFFFFFFFF;
	(pc) =	sbr.abs _section_cstart, $3  }
0xc2: {  	[dreg:$0x1] =	wrdreg $0xFFFFFFFF  }
0xc3: {  	_ =	task.clear_ibuf [dreg:s8], $0x2FFFF;
	_ =	strace $0x9FFFFFFF  }
0xc4: {  	(tm) =	ssettm $0x7FFFFFFF  }
0xc5: {  	_ =	shalt  }
tec
execute0_lowered:
.L_overlay_start_1:
0x0: {  	(tag) =	ssettag $0x1  }
0x1: {  	s1 =	rddreg [dreg:$0x0]  }
0x2: {  	s3 =	rddreg [dreg:$0x1]  }
0x3: {  	s5 =	rddreg [dreg:$0x2]  }
0x4: {  	s0 =	rddreg [dreg:$0x3];
	s6 =	srdreg.scid  }
0x5: {  	s2 =	stileid.u32;
	s4 =	simm.s32 $0x0;
	s11 =	simm.s32 $0x3  }
0x6: {  	s12 =	simm.s32 $0x100;
	s13 =	simm.s32 $0x4100;
	s14 =	simm.s32 $0x1  }
0x7: {  	s15 =	simm.s32 $0x2;
	s16 =	simm.s32 $0x8100;
	s17 =	simm.s32 $0x8180  }
0x8: {  	vm0 =	vmmov $0x1;
	s18 =	simm.s32 $0x0;
	s6 =	sand.u32 $0x1, s6;
	s7 =	sshll.u32 s2, $0x1  }
0x9: {  	vm1 =	vmmov $0x3;
	vm2 =	vmmov $0x7;
	vm3 =	vmmov $0xf;
	[smem:$0x7FF] =	sst s4;
	s7 =	sor.u32 s6, s7;
	s6 =	ssub.s32 $0x2, s6  }
0xa: {  	vm4 =	vmmov $0x1f;
	vm5 =	vmmov $0x3f;
	vm6 =	vmmov $0x7f;
	_ =	strace $0x80000047;
	s30 =	sshrl.u32 s6, $0x1;
	s31 =	sshll.u32 s7, $0xD  }
0xb: {  	vm7 =	vmmov $0xff;
	vm8 =	vmmov $0x1ff;
	vm9 =	vmmov $0x3ff;
	s8 =	sshll.u32 s7, $0x4;
	s10 =	ssub.s32 s6, s30;
	s6 =	sadd.s32 s3, s31  }
0xc: {  	vm10 =	vmmov $0x7ff;
	vm11 =	vmmov $0xfff;
	vm12 =	vmmov $0x1fff;
	s9 =	sadd.s32 s8, s5;
	s5 =	sshll.u32 s7, $0x8;
	s7 =	sadd.s32 $0x1000, s6  }
0xd: {  	vm13 =	vmmov $0x3fff;
	vm14 =	vmmov $0x7fff;
	v0 =	vlaneseq.u32;
	s8 =	sadd.s32 $0xE00, s9;
	s9 =	sadd.s32 $0x1000, s9;
	s10 =	smax.u32 s10, $0x1  }
.LBB2_1:
0xe: {  	[tilespmem:s4], [sflag:$0x3] =	stream.linear.gather [hbm4b:s1+s4], $0x100, $0x38;
	[tilespmem:$0x8200] =	vst v63  }
0xf: {  	_ =	swait.ge [sflag:s11], $0x100  }
0x10: {  	[sflag:s11] =	ssyncset.done $0x0  }
0x11: {  	[sflag:s11] =	ssyncadd.s32 $0xFFFFFF00  }
0x12: {  	v1 =	vld [tilespmem:$0x0]  }
0x13: {  	v2 =	vld [tilespmem:$0x10]  }
0x14: {  	v3 =	vld [tilespmem:$0x20]  }
0x15: {  	v4 =	vld [tilespmem:$0x30]  }
0x16: {  	v5 =	vld [tilespmem:$0x40]  }
0x17: {  	v6 =	vld [tilespmem:$0x50]  }
0x18: {  	v7 =	vld [tilespmem:$0x60]  }
0x19: {  	v8 =	vld [tilespmem:$0x70]  }
0x1a: {  	v9 =	vld [tilespmem:$0x80]  }
0x1b: {  	v10 =	vld [tilespmem:$0x90]  }
0x1c: {  	v11 =	vld [tilespmem:$0xA0]  }
0x1d: {  	v12 =	vld [tilespmem:$0xB0]  }
0x1e: {  	v13 =	vld [tilespmem:$0xC0]  }
0x1f: {  	v14 =	vld [tilespmem:$0xD0]  }
0x20: {  	p1 =	por $0x1, $0x1;
	s19 =	simm.s32 $0x0;
	v15 =	vld [tilespmem:$0xE0]  }
0x21: {  	v18 =	vimm.f32 $+Inf;
	v17 =	vlaneseq.u32;
	v16 =	vld [tilespmem:$0xF0];
	[tilespmem:s12], [sflag:$0x1] =	stream.linear.gather [hbm4b:s6+s4], $0x4000, $0x38  }
.LBB2_3:
0x22: {  	s20 =	sor.u32 s5, s19  }
0x23: {  	s19 =	sor.u32 $0x40, s20  }
0x24: {  	s21 =	sshll.u32 s19, $0x5  }
0x25: {  	s22 =	sadd.s32 s3, s21;
	s21 =	simm.s32 $0x0  }
0x26: {  	[tilespmem:s13], [sflag:$0x2] =	stream.linear.gather [hbm4b:s22+s21], $0x4000, $0x38;
	[tilespmem:$0x8200] =	vst v63  }
0x27: {  	_ =	swait.ge [sflag:s14], $0x4000  }
0x28: {  	[sflag:s14] =	ssyncset.done $0x0  }
0x29: {  	p0 =	por p1, p1;
	[sflag:s14] =	ssyncadd.s32 $0xFFFFC000  }
.LBB2_4:
0x2a: {  	s22 =	sshll.u32 s21, $0xC  }
0x2b: {  	s22 =	sand.u32 $0x3FFFF000, s22  }
0x2c: {  	v19 =	vld [tilespmem:s22+$0x100]  }
0x2d: {  	v20 =	vld [tilespmem:s22+$0x120]  }
0x2e: {  	v21 =	vld [tilespmem:s22+$0x110]  }
0x2f: {  	v22 =	vld [tilespmem:s22+$0x130]  }
0x30: {  	v23 =	vld [tilespmem:s22+$0x140]  }
0x31: {  	v24 =	vld [tilespmem:s22+$0x150]  }
0x32: {  	v25 =	vld [tilespmem:s22+$0x160]  }
0x33: {  	v26 =	vld [tilespmem:s22+$0x170]  }
0x34: {  	v27 =	vld [tilespmem:s22+$0x500]  }
0x35: {  	v50 =	vld [tilespmem:s22+$0x510]  }
0x36: {  	v51 =	vld [tilespmem:s22+$0x520]  }
0x37: {  	v54 =	vld [tilespmem:s22+$0x530]  }
0x38: {  	v28 =	vld [tilespmem:s22+$0x540]  }
0x39: {  	v57 =	vld [tilespmem:s22+$0x550]  }
0x3a: {  	v58 =	vld [tilespmem:s22+$0x180];
	v19 =	vsub.f32 v19, v1;
	v20 =	vsub.f32 v20, v3  }
0x3b: {  	v60 =	vld [tilespmem:s22+$0x190];
	v21 =	vsub.f32 v21, v2;
	v22 =	vsub.f32 v22, v4  }
0x3c: {  	v62 =	vld [tilespmem:s22+$0x1A0];
	v23 =	vsub.f32 v23, v5;
	v48 =	vsub.f32 v24, v6  }
0x3d: {  	v29 =	vld [tilespmem:s22+$0x1C0];
	v49 =	vsub.f32 v25, v7;
	v26 =	vsub.f32 v26, v8  }
0x3e: {  	v30 =	vld [tilespmem:s22+$0x1F0];
	v27 =	vsub.f32 v27, v9;
	v25 =	vsub.f32 v50, v10  }
0x3f: {  	v34 =	vld [tilespmem:s22+$0x560];
	v24 =	vsub.f32 v54, v12;
	v61 =	vsub.f32 v28, v13;
	v19 =	vmul.f32 v19, v19  }
0x40: {  	v38 =	vld [tilespmem:s22+$0x1E0];
	v37 =	vsub.f32 v58, v1;
	v20 =	vmul.f32 v20, v20;
	v21 =	vmul.f32 v21, v21  }
0x41: {  	v39 =	vld [tilespmem:s22+$0x570];
	v28 =	vsub.f32 v62, v3;
	v47 =	vmul.f32 v23, v23;
	v52 =	vmul.f32 v48, v48  }
0x42: {  	v42 =	vld [tilespmem:s22+$0x5A0];
	v29 =	vsub.f32 v29, v5;
	v53 =	vmul.f32 v49, v49;
	v55 =	vmul.f32 v26, v26  }
0x43: {  	v63 =	vld [tilespmem:s22+$0x1B0];
	v41 =	vsub.f32 v30, v8;
	v56 =	vmul.f32 v27, v27;
	v59 =	vmul.f32 v25, v25  }
0x44: {  	v31 =	vld [tilespmem:s22+$0x580];
	v32 =	vmul.f32 v24, v24;
	v33 =	vmul.f32 v61, v61;
	v26 =	vsub.f32 v57, v14  }
0x45: {  	v46 =	vld [tilespmem:s22+$0x5C0];
	v23 =	vsub.f32 v60, v2;
	v28 =	vmul.f32 v28, v28;
	v25 =	vsub.f32 v34, v15  }
0x46: {  	v58 =	vld [tilespmem:s22+$0x210];
	v40 =	vmul.f32 v29, v29;
	v27 =	vsub.f32 v38, v7;
	v24 =	vsub.f32 v39, v16  }
0x47: {  	v49 =	vld [tilespmem:s22+$0x5D0];
	v29 =	vsub.f32 v42, v11;
	v19 =	vadd.f32 v20, v19;
	v20 =	vmul.f32 v22, v22  }
0x48: {  	v38 =	vld [tilespmem:s22+$0x270];
	v36 =	vmul.f32 v26, v26;
	v22 =	vsub.f32 v63, v4;
	v26 =	vmul.f32 v37, v37  }
0x49: {  	v43 =	vld [tilespmem:s22+$0x5B0];
	v45 =	vmul.f32 v41, v41;
	v20 =	vadd.f32 v20, v21;
	v19 =	vadd.f32 v47, v19  }
0x4a: {  	v54 =	vld [tilespmem:s22+$0x5F0];
	v23 =	vmul.f32 v23, v23;
	v21 =	vsub.f32 v51, v11;
	v26 =	vadd.f32 v28, v26  }
0x4b: {  	v62 =	vld [tilespmem:s22+$0x230];
	v44 =	vmul.f32 v27, v27;
	v47 =	vsub.f32 v31, v9;
	v28 =	vsub.f32 v46, v13  }
0x4c: {  	v41 =	vld [tilespmem:s22+$0x630];
	v22 =	vmul.f32 v22, v22;
	v31 =	vsub.f32 v58, v2;
	v57 =	vsub.f32 v49, v14  }
0x4d: {  	v42 =	vld [tilespmem:s22+$0x640];
	v25 =	vmul.f32 v25, v25;
	v30 =	vsub.f32 v38, v8;
	v20 =	vadd.f32 v52, v20  }
0x4e: {  	v24 =	vmul.f32 v24, v24;
	v37 =	vld [tilespmem:s22+$0x260];
	v19 =	vadd.f32 v53, v19;
	v22 =	vadd.f32 v22, v23  }
0x4f: {  	v35 =	vld [tilespmem:s22+$0x1D0];
	v21 =	vmul.f32 v21, v21;
	v23 =	vadd.f32 v40, v26;
	v53 =	vsub.f32 v43, v12  }
0x50: {  	v39 =	vld [tilespmem:s22+$0x600];
	v60 =	vmul.f32 v28, v28;
	v26 =	vsub.f32 v54, v16;
	v28 =	vsub.f32 v62, v4  }
0x51: {  	v31 =	vmul.f32 v31, v31;
	v20 =	vadd.f32 v55, v20;
	v19 =	vadd.f32 v56, v19;
	v56 =	vld [tilespmem:s22+$0x200]  }
0x52: {  	v54 =	vsub.f32 v42, v13;
	v55 =	vmul.f32 v29, v29;
	v29 =	vsub.f32 v41, v12;
	v41 =	vld [tilespmem:s22+$0x2F0]  }
0x53: {  	v34 =	vld [tilespmem:s22+$0x620];
	v40 =	vsub.f32 v37, v7;
	v28 =	vmul.f32 v28, v28;
	v20 =	vadd.f32 v59, v20  }
0x54: {  	v50 =	vmul.f32 v47, v47;
	v52 =	vld [tilespmem:s22+$0x5E0];
	v19 =	vadd.f32 v21, v19;
	v21 =	vsub.f32 v35, v6  }
0x55: {  	v61 =	vmul.f32 v57, v57;
	v59 =	vld [tilespmem:s22+$0x220];
	v28 =	vadd.f32 v28, v31;
	v20 =	vadd.f32 v32, v20  }
0x56: {  	v63 =	vld [tilespmem:s22+$0x250];
	v19 =	vadd.f32 v33, v19;
	v21 =	vmul.f32 v21, v21;
	v27 =	vsub.f32 v56, v1  }
0x57: {  	v58 =	vld [tilespmem:s22+$0x290];
	v46 =	vmul.f32 v30, v30;
	v31 =	vsub.f32 v41, v8;
	v20 =	vadd.f32 v36, v20  }
0x58: {  	v26 =	vmul.f32 v26, v26;
	v32 =	vld [tilespmem:s22+$0x590];
	v21 =	vadd.f32 v21, v22;
	v22 =	vadd.f32 v44, v23  }
0x59: {  	v43 =	vmul.f32 v40, v40;
	v33 =	vld [tilespmem:s22+$0x610];
	v19 =	vadd.f32 v25, v19;
	v36 =	vsub.f32 v52, v15  }
0x5a: {  	v56 =	vmul.f32 v29, v29;
	v44 =	vsub.f32 v39, v9;
	v23 =	vsub.f32 v59, v3  }
0x5b: {  	v38 =	vld [tilespmem:s22+$0x2E0];
	v25 =	vmul.f32 v53, v53;
	v21 =	vadd.f32 v45, v21;
	v22 =	vadd.f32 v50, v22  }
0x5c: {  	v42 =	vld [tilespmem:s22+$0x680];
	v27 =	vmul.f32 v27, v27;
	v20 =	vadd.f32 v24, v20;
	v24 =	vsub.f32 v63, v6  }
0x5d: {  	v59 =	vmul.f32 v54, v54;
	v45 =	vld [tilespmem:s22+$0x650];
	v50 =	vsub.f32 v34, v11;
	v48 =	vsub.f32 v32, v10  }
0x5e: {  	v63 =	vld [tilespmem:s22+$0x2B0];
	v23 =	vmul.f32 v23, v23;
	v47 =	vsub.f32 v33, v10;
	v32 =	vsub.f32 v58, v2  }
0x5f: {  	v22 =	vadd.f32 v55, v22;
	v19 =	vadd.f32 v20, v19;
	v20 =	vld [tilespmem:s22+$0x240];
	v24 =	vmul.f32 v24, v24  }
0x60: {  	v55 =	vld [tilespmem:s22+$0x280];
	v51 =	vmul.f32 v48, v48;
	v23 =	vadd.f32 v23, v27;
	v27 =	vsub.f32 v38, v7  }
0x61: {  	v53 =	vmul.f32 v50, v50;
	v50 =	vld [tilespmem:s22+$0x6E0];
	v22 =	vadd.f32 v60, v22;
	v24 =	vadd.f32 v24, v28  }
0x62: {  	v49 =	vmul.f32 v44, v44;
	v48 =	vld [tilespmem:s22+$0x660];
	v21 =	vadd.f32 v51, v21;
	v57 =	vsub.f32 v45, v14  }
0x63: {  	v37 =	vld [tilespmem:s22+$0x2D0];
	v32 =	vmul.f32 v32, v32;
	v29 =	vsub.f32 v63, v4;
	v24 =	vadd.f32 v46, v24  }
0x64: {  	v58 =	vld [tilespmem:s22+$0x310];
	v51 =	vmul.f32 v47, v47;
	v46 =	vsub.f32 v42, v9;
	v21 =	vadd.f32 v25, v21  }
0x65: {  	v45 =	vld [tilespmem:s22+$0x6C0];
	v25 =	vmul.f32 v36, v36;
	v20 =	vsub.f32 v20, v5;
	v39 =	vsub.f32 v55, v1  }
0x66: {  	v47 =	vld [tilespmem:s22+$0x6D0];
	v29 =	vmul.f32 v29, v29;
	v63 =	vsub.f32 v50, v15;
	v24 =	vadd.f32 v51, v24  }
0x67: {  	v27 =	vmul.f32 v27, v27;
	v36 =	vld [tilespmem:s22+$0x2C0];
	v60 =	vsub.f32 v48, v15;
	v21 =	vadd.f32 v61, v21  }
0x68: {  	v55 =	vld [tilespmem:s22+$0x300];
	v20 =	vmul.f32 v20, v20;
	v22 =	vadd.f32 v25, v22;
	v29 =	vadd.f32 v29, v32  }
0x69: {  	v62 =	vmul.f32 v57, v57;
	v61 =	vld [tilespmem:s22+$0x2A0];
	v32 =	vsub.f32 v58, v2;
	v24 =	vadd.f32 v56, v24  }
0x6a: {  	v41 =	vld [tilespmem:s22+$0x350];
	v48 =	vmul.f32 v31, v31;
	v57 =	vsub.f32 v45, v13;
	v20 =	vadd.f32 v20, v23  }
0x6b: {  	v44 =	vld [tilespmem:s22+$0x6B0];
	v51 =	vmul.f32 v46, v46;
	v21 =	vadd.f32 v26, v21;
	v26 =	vsub.f32 v37, v6  }
0x6c: {  	v35 =	vmul.f32 v60, v60;
	v25 =	vsub.f32 v36, v5;
	v36 =	vld [tilespmem:s22+$0x330];
	v20 =	vadd.f32 v43, v20  }
0x6d: {  	v60 =	vsub.f32 v47, v14;
	v45 =	vsub.f32 v55, v1;
	v55 =	vld [tilespmem:s22+$0x760];
	v26 =	vmul.f32 v26, v26  }
0x6e: {  	v28 =	vmul.f32 v39, v39;
	v43 =	vld [tilespmem:s22+$0x690];
	v40 =	vsub.f32 v61, v3;
	v20 =	vadd.f32 v49, v20  }
0x6f: {  	v32 =	vmul.f32 v32, v32;
	v24 =	vadd.f32 v62, v24;
	v61 =	vld [tilespmem:s22+$0x320];
	v26 =	vadd.f32 v26, v29  }
0x70: {  	v62 =	vmul.f32 v57, v57;
	v57 =	vld [tilespmem:s22+$0x380];
	v30 =	vmul.f32 v40, v40;
	v20 =	vadd.f32 v53, v20  }
0x71: {  	v38 =	vld [tilespmem:s22+$0x340];
	v37 =	vmul.f32 v60, v60;
	v26 =	vadd.f32 v48, v26;
	v48 =	vsub.f32 v36, v4  }
0x72: {  	v52 =	vld [tilespmem:s22+$0x670];
	v25 =	vmul.f32 v25, v25;
	v31 =	vsub.f32 v55, v15;
	v28 =	vadd.f32 v30, v28  }
0x73: {  	v42 =	vld [tilespmem:s22+$0x360];
	v40 =	vmul.f32 v63, v63;
	v49 =	vsub.f32 v43, v10;
	v30 =	vsub.f32 v44, v12  }
0x74: {  	v53 =	vld [tilespmem:s22+$0x6F0];
	v20 =	vadd.f32 v59, v20;
	v46 =	vsub.f32 v61, v3;
	v33 =	vmul.f32 v48, v48  }
0x75: {  	v47 =	vld [tilespmem:s22+$0x700];
	v48 =	vsub.f32 v57, v1;
	v25 =	vadd.f32 v25, v28;
	v54 =	vmul.f32 v49, v49  }
0x76: {  	v50 =	vld [tilespmem:s22+$0x720];
	v59 =	vmul.f32 v30, v30;
	v30 =	vsub.f32 v38, v5;
	v23 =	vadd.f32 v35, v20  }
0x77: {  	v63 =	vld [tilespmem:s22+$0x3A0];
	v28 =	vmul.f32 v45, v45;
	v20 =	vsub.f32 v52, v16;
	v32 =	vadd.f32 v33, v32  }
0x78: {  	v60 =	vld [tilespmem:s22+$0x390];
	v29 =	vmul.f32 v46, v46;
	v25 =	vadd.f32 v27, v25;
	v26 =	vadd.f32 v54, v26  }
0x79: {  	v35 =	vld [tilespmem:s22+$0x6A0];
	v43 =	vsub.f32 v53, v16;
	v27 =	vsub.f32 v41, v6  }
0x7a: {  	v36 =	vld [tilespmem:s22+$0x730];
	v54 =	vsub.f32 v47, v9;
	v28 =	vadd.f32 v29, v28  }
0x7b: {  	v44 =	vld [tilespmem:s22+$0x370];
	v20 =	vmul.f32 v20, v20;
	v25 =	vadd.f32 v51, v25;
	v26 =	vadd.f32 v59, v26  }
0x7c: {  	v55 =	vld [tilespmem:s22+$0x780];
	v51 =	vmul.f32 v30, v30;
	v59 =	vsub.f32 v50, v11;
	v50 =	vsub.f32 v63, v3  }
0x7d: {  	v41 =	vld [tilespmem:s22+$0x3B0];
	v24 =	vadd.f32 v20, v24;
	v20 =	vadd.f32 v21, v22  }
0x7e: {  	v49 =	vld [tilespmem:s22+$0x710];
	v52 =	vsub.f32 v35, v11;
	v28 =	vadd.f32 v51, v28  }
0x7f: {  	v46 =	vld [tilespmem:s22+$0x770];
	v27 =	vmul.f32 v27, v27;
	v21 =	vadd.f32 v24, v23;
	v23 =	vadd.f32 v37, v26  }
0x80: {  	v51 =	vld [tilespmem:s22+$0x3E0];
	v24 =	vsub.f32 v42, v7;
	v26 =	vsub.f32 v44, v8  }
0x81: {  	v53 =	vld [tilespmem:s22+$0x750];
	v63 =	vsub.f32 v55, v9;
	v27 =	vadd.f32 v27, v32;
	v56 =	vmul.f32 v52, v52  }
0x82: {  	v44 =	vld [tilespmem:s22+$0x3C0];
	v30 =	vsub.f32 v41, v4;
	v24 =	vmul.f32 v24, v24;
	v26 =	vmul.f32 v26, v26  }
0x83: {  	v37 =	vld [tilespmem:s22+$0x7A0];
	v25 =	vadd.f32 v56, v25;
	v56 =	vsub.f32 v49, v10  }
0x84: {  	v31 =	vmul.f32 v31, v31;
	v24 =	vadd.f32 v24, v28;
	v26 =	vadd.f32 v26, v27  }
0x85: {  	v58 =	vmul.f32 v54, v54;
	v52 =	vld [tilespmem:s22+$0x740];
	v28 =	vsub.f32 v46, v16;
	v34 =	vsub.f32 v51, v7  }
0x86: {  	v54 =	vld [tilespmem:s22+$0x3F0];
	v39 =	vadd.f32 v62, v25;
	v25 =	vmul.f32 v43, v43;
	v62 =	vsub.f32 v36, v12  }
0x87: {  	v49 =	vld [tilespmem:s22+$0x3D0];
	v61 =	vmul.f32 v56, v56;
	v43 =	vsub.f32 v53, v14;
	v53 =	vsub.f32 v60, v2  }
0x88: {  	v46 =	vld [tilespmem:s22+$0x400];
	v33 =	vsub.f32 v44, v5;
	v56 =	vmul.f32 v30, v30;
	v41 =	vsub.f32 v37, v11  }
0x89: {  	v36 =	vld [tilespmem:s22+$0x7C0];
	v24 =	vadd.f32 v58, v24;
	v60 =	vmul.f32 v34, v34;
	v22 =	vadd.f32 v40, v39  }
0x8a: {  	v58 =	vld [tilespmem:s22+$0x790];
	v39 =	vmul.f32 v59, v59;
	v40 =	vsub.f32 v52, v13;
	v26 =	vadd.f32 v61, v26  }
0x8b: {  	v42 =	vmul.f32 v62, v62;
	v23 =	vadd.f32 v25, v23;
	v47 =	vmul.f32 v43, v43;
	v62 =	vld [tilespmem:s22+$0x7B0]  }
0x8c: {  	v52 =	vmul.f32 v48, v48;
	v25 =	vmul.f32 v50, v50;
	v61 =	vsub.f32 v54, v8;
	v43 =	vld [tilespmem:s22+$0x7E0]  }
0x8d: {  	v29 =	vmul.f32 v53, v53;
	v50 =	vld [tilespmem:s22+$0x410];
	v32 =	vsub.f32 v49, v6;
	v24 =	vadd.f32 v39, v24  }
0x8e: {  	v53 =	vld [tilespmem:s22+$0x430];
	v45 =	vmul.f32 v40, v40;
	v26 =	vadd.f32 v42, v26;
	v25 =	vadd.f32 v25, v52  }
0x8f: {  	v57 =	vmul.f32 v33, v33;
	v54 =	vld [tilespmem:s22+$0x440];
	v27 =	vadd.f32 v56, v29;
	v23 =	vadd.f32 v23, v22  }
0x90: {  	v49 =	vld [tilespmem:s22+$0x420];
	v59 =	vmul.f32 v32, v32;
	v48 =	vsub.f32 v36, v13;
	v24 =	vadd.f32 v45, v24  }
0x91: {  	v28 =	vmul.f32 v28, v28;
	v42 =	vld [tilespmem:s22+$0x7D0];
	v26 =	vadd.f32 v47, v26;
	v25 =	vadd.f32 v57, v25  }
0x92: {  	v38 =	vmul.f32 v61, v61;
	v61 =	vld [tilespmem:s22+$0x460];
	v40 =	vsub.f32 v58, v10;
	v27 =	vadd.f32 v59, v27  }
0x93: {  	v39 =	vmul.f32 v63, v63;
	v63 =	vld [tilespmem:s22+$0x800];
	v47 =	vsub.f32 v62, v12;
	v29 =	vsub.f32 v50, v2  }
0x94: {  	v57 =	vld [tilespmem:s22+$0x7F0];
	v34 =	vsub.f32 v53, v4;
	v24 =	vadd.f32 v31, v24  }
0x95: {  	v45 =	vmul.f32 v41, v41;
	v41 =	vld [tilespmem:s22+$0x810];
	v25 =	vadd.f32 v60, v25;
	v26 =	vadd.f32 v28, v26  }
0x96: {  	v59 =	vld [tilespmem:s22+$0x450];
	v44 =	vmul.f32 v40, v40;
	v31 =	vsub.f32 v46, v1;
	v58 =	vsub.f32 v49, v3  }
0x97: {  	v62 =	vld [tilespmem:s22+$0x470];
	v60 =	vsub.f32 v43, v15;
	v27 =	vadd.f32 v38, v27;
	v51 =	vmul.f32 v47, v47  }
0x98: {  	v43 =	vld [tilespmem:s22+$0x820];
	v33 =	vsub.f32 v42, v14;
	v29 =	vmul.f32 v29, v29;
	v28 =	vsub.f32 v61, v7  }
0x99: {  	v49 =	vld [tilespmem:s22+$0x840];
	v40 =	vmul.f32 v34, v34;
	v46 =	vsub.f32 v63, v9;
	v25 =	vadd.f32 v39, v25  }
0x9a: {  	v47 =	vld [tilespmem:s22+$0x830];
	v22 =	vadd.f32 v26, v24;
	v31 =	vmul.f32 v31, v31;
	v24 =	vsub.f32 v54, v5  }
0x9b: {  	v61 =	vld [tilespmem:s22+$0x4C0];
	v32 =	vmul.f32 v58, v58;
	v27 =	vadd.f32 v44, v27;
	v30 =	vsub.f32 v57, v16  }
0x9c: {  	v52 =	vmul.f32 v48, v48;
	v63 =	vld [tilespmem:s22+$0x4D0];
	v29 =	vadd.f32 v40, v29;
	v53 =	vsub.f32 v41, v10  }
0x9d: {  	v38 =	vld [tilespmem:s22+$0x8C0];
	v56 =	vmul.f32 v33, v33;
	v25 =	vadd.f32 v45, v25;
	v31 =	vadd.f32 v32, v31  }
0x9e: {  	v54 =	vld [tilespmem:s22+$0x480];
	v24 =	vmul.f32 v24, v24;
	v33 =	vsub.f32 v59, v6;
	v45 =	vsub.f32 v62, v8  }
0x9f: {  	v39 =	vld [tilespmem:s22+$0xD00];
	v55 =	vadd.f32 v51, v27;
	v42 =	vmul.f32 v30, v30;
	v30 =	vsub.f32 v43, v11  }
0xa0: {  	v57 =	vld [tilespmem:s22+$0x490];
	v27 =	vmul.f32 v60, v60;
	v58 =	vsub.f32 v49, v13;
	v25 =	vadd.f32 v52, v25  }
0xa1: {  	v41 =	vld [tilespmem:s22+$0x4E0];
	v51 =	vmul.f32 v46, v46;
	v24 =	vadd.f32 v24, v31;
	v35 =	vsub.f32 v47, v12  }
0xa2: {  	v59 =	vld [tilespmem:s22+$0x4B0];
	v44 =	vmul.f32 v33, v33;
	v46 =	vsub.f32 v61, v5;
	v49 =	vsub.f32 v63, v6  }
0xa3: {  	v28 =	vmul.f32 v28, v28;
	v43 =	vld [tilespmem:s22+$0x860];
	v26 =	vadd.f32 v56, v55;
	v62 =	vsub.f32 v54, v1  }
0xa4: {  	v50 =	vmul.f32 v45, v45;
	v52 =	vld [tilespmem:s22+$0x850];
	v25 =	vadd.f32 v27, v25;
	v48 =	vadd.f32 v44, v29  }
0xa5: {  	v33 =	vmul.f32 v53, v53;
	v45 =	vld [tilespmem:s22+$0x4F0];
	v24 =	vadd.f32 v28, v24;
	v44 =	vsub.f32 v57, v2  }
0xa6: {  	v56 =	vld [tilespmem:s22+$0x4A0];
	v30 =	vmul.f32 v30, v30;
	v31 =	vsub.f32 v41, v7;
	v26 =	vadd.f32 v42, v26  }
0xa7: {  	v47 =	vld [tilespmem:s22+$0x880];
	v60 =	vmul.f32 v35, v35;
	v27 =	vadd.f32 v50, v48;
	v55 =	vadd.f32 v51, v24  }
0xa8: {  	v53 =	vld [tilespmem:s22+$0x8B0];
	v35 =	vmul.f32 v44, v44;
	v31 =	vmul.f32 v31, v31;
	v24 =	vadd.f32 v26, v25  }
0xa9: {  	v48 =	vld [tilespmem:s22+$0x870];
	v25 =	vmul.f32 v58, v58;
	v32 =	vsub.f32 v52, v14;
	v26 =	vsub.f32 v59, v4  }
0xaa: {  	v50 =	vld [tilespmem:s22+$0x890];
	v52 =	vmul.f32 v49, v49;
	v36 =	vsub.f32 v45, v8;
	v27 =	vadd.f32 v33, v27  }
0xab: {  	v51 =	vld [tilespmem:s22+$0x8A0];
	v28 =	vadd.f32 v30, v55;
	v40 =	vsub.f32 v56, v3;
	v33 =	vmul.f32 v62, v62  }
0xac: {  	v63 =	vld [tilespmem:s22+$0x920];
	v30 =	vsub.f32 v47, v9;
	v62 =	vsub.f32 v38, v13;
	v42 =	vmul.f32 v32, v32  }
0xad: {  	v41 =	vld [tilespmem:s22+$0x930];
	v26 =	vmul.f32 v26, v26;
	v32 =	vsub.f32 v43, v15;
	v54 =	vmul.f32 v36, v36  }
0xae: {  	v58 =	vld [tilespmem:s22+$0x900];
	v27 =	vadd.f32 v60, v27;
	v25 =	vadd.f32 v25, v28;
	v29 =	vmul.f32 v40, v40  }
0xaf: {  	v56 =	vld [tilespmem:s22+$0x8D0];
	v28 =	vmul.f32 v46, v46;
	v26 =	vadd.f32 v26, v35;
	v55 =	vsub.f32 v50, v10  }
0xb0: {  	v44 =	vld [tilespmem:s22+$0x8E0];
	v30 =	vmul.f32 v30, v30;
	v57 =	vsub.f32 v48, v16;
	v35 =	vsub.f32 v51, v11  }
0xb1: {  	v49 =	vld [tilespmem:s22+$0x960];
	v43 =	vmul.f32 v62, v62;
	v50 =	vsub.f32 v63, v3;
	v27 =	vadd.f32 v42, v27  }
0xb2: {  	v46 =	vld [tilespmem:s22+$0x940];
	v32 =	vmul.f32 v32, v32;
	v29 =	vadd.f32 v29, v33;
	v33 =	vsub.f32 v53, v12  }
0xb3: {  	v47 =	vld [tilespmem:s22+$0x950];
	v48 =	vsub.f32 v58, v1;
	v26 =	vadd.f32 v52, v26;
	v61 =	vmul.f32 v35, v35  }
0xb4: {  	v51 =	vld [tilespmem:s22+$0x970];
	v25 =	vadd.f32 v32, v25;
	v40 =	vmul.f32 v57, v57;
	v45 =	vsub.f32 v56, v14  }
0xb5: {  	v63 =	vld [tilespmem:s22+$0xD50];
	v37 =	vmul.f32 v50, v50;
	v35 =	vsub.f32 v44, v15;
	v28 =	vadd.f32 v28, v29  }
0xb6: {  	v60 =	vld [tilespmem:s22+$0x910];
	v42 =	vmul.f32 v33, v33;
	v29 =	vsub.f32 v41, v4;
	v26 =	vadd.f32 v54, v26  }
0xb7: {  	v56 =	vld [tilespmem:s22+$0xD20];
	v33 =	vmul.f32 v48, v48;
	v27 =	vadd.f32 v40, v27;
	v34 =	vsub.f32 v46, v5  }
0xb8: {  	v59 =	vmul.f32 v55, v55;
	v52 =	vld [tilespmem:s22+$0x8F0];
	v54 =	vsub.f32 v49, v7;
	v28 =	vadd.f32 v31, v28  }
0xb9: {  	v32 =	vmul.f32 v45, v45;
	v40 =	vld [tilespmem:s22+$0xD10];
	v31 =	vsub.f32 v47, v6;
	v33 =	vadd.f32 v37, v33  }
0xba: {  	v35 =	vmul.f32 v35, v35;
	v49 =	vld [tilespmem:s22+$0x980];
	v55 =	vsub.f32 v51, v8;
	v50 =	vsub.f32 v63, v14  }
0xbb: {  	v29 =	vmul.f32 v29, v29;
	v63 =	vld [tilespmem:s22+$0xD90];
	v26 =	vadd.f32 v59, v26;
	v28 =	vadd.f32 v30, v28  }
0xbc: {  	v57 =	vld [tilespmem:s22+$0xD30];
	v53 =	vmul.f32 v34, v34;
	v30 =	vsub.f32 v60, v2;
	v37 =	vsub.f32 v56, v11  }
0xbd: {  	v51 =	vld [tilespmem:s22+$0x990];
	v58 =	vmul.f32 v54, v54;
	v26 =	vadd.f32 v42, v26;
	v28 =	vadd.f32 v61, v28  }
0xbe: {  	v59 =	vmul.f32 v55, v55;
	v60 =	vld [tilespmem:s22+$0xD40];
	v61 =	vsub.f32 v39, v9;
	v62 =	vsub.f32 v40, v10  }
0xbf: {  	v55 =	vld [tilespmem:s22+$0x9B0];
	v30 =	vmul.f32 v30, v30;
	v34 =	vsub.f32 v49, v1;
	v26 =	vadd.f32 v32, v26  }
0xc0: {  	v41 =	vld [tilespmem:s22+$0xDA0];
	v54 =	vmul.f32 v50, v50;
	v32 =	vsub.f32 v52, v16;
	v50 =	vsub.f32 v63, v10  }
0xc1: {  	v46 =	vld [tilespmem:s22+$0xD60];
	v31 =	vmul.f32 v31, v31;
	v28 =	vadd.f32 v43, v28;
	v29 =	vadd.f32 v29, v30  }
0xc2: {  	v56 =	vld [tilespmem:s22+$0x9C0];
	v48 =	vmul.f32 v37, v37;
	v30 =	vadd.f32 v53, v33;
	v33 =	vsub.f32 v57, v12  }
0xc3: {  	v47 =	vld [tilespmem:s22+$0xD70];
	v44 =	vmul.f32 v61, v61;
	v61 =	vsub.f32 v51, v2;
	v36 =	vsub.f32 v60, v13  }
0xc4: {  	v52 =	vld [tilespmem:s22+$0x9A0];
	v32 =	vmul.f32 v32, v32;
	v37 =	vsub.f32 v55, v4;
	v29 =	vadd.f32 v31, v29  }
0xc5: {  	v45 =	vmul.f32 v62, v62;
	v62 =	vld [tilespmem:s22+$0xD80];
	v30 =	vadd.f32 v58, v30;
	v28 =	vadd.f32 v35, v28  }
0xc6: {  	v60 =	vld [tilespmem:s22+$0x9F0];
	v58 =	vsub.f32 v46, v15;
	v32 =	vadd.f32 v32, v26  }
0xc7: {  	v51 =	vld [tilespmem:s22+$0xDE0];
	v38 =	vmul.f32 v61, v61;
	v26 =	vadd.f32 v27, v25;
	v27 =	vsub.f32 v56, v5  }
0xc8: {  	v49 =	vld [tilespmem:s22+$0xDD0];
	v37 =	vmul.f32 v37, v37;
	v29 =	vadd.f32 v59, v29;
	v30 =	vadd.f32 v44, v30  }
0xc9: {  	v57 =	vld [tilespmem:s22+$0x9D0];
	v34 =	vmul.f32 v34, v34;
	v31 =	vsub.f32 v52, v3;
	v25 =	vadd.f32 v32, v28  }
0xca: {  	v55 =	vld [tilespmem:s22+$0xDF0];
	v33 =	vmul.f32 v33, v33;
	v37 =	vadd.f32 v37, v38;
	v29 =	vadd.f32 v45, v29  }
0xcb: {  	v46 =	vld [tilespmem:s22+$0xDC0];
	v53 =	vmul.f32 v36, v36;
	v30 =	vadd.f32 v48, v30;
	v36 =	vsub.f32 v60, v8  }
0xcc: {  	v59 =	vld [tilespmem:s22+$0x9E0];
	v32 =	vmul.f32 v58, v58;
	v48 =	vsub.f32 v62, v9;
	v62 =	vsub.f32 v51, v15  }
0xcd: {  	v63 =	vld [tilespmem:s22+$0xA20];
	v31 =	vmul.f32 v31, v31;
	v29 =	vadd.f32 v33, v29;
	v28 =	vadd.f32 v53, v30  }
0xce: {  	v27 =	vmul.f32 v27, v27;
	v58 =	vld [tilespmem:s22+$0xA00];
	v33 =	vsub.f32 v47, v16;
	v30 =	vsub.f32 v57, v6  }
0xcf: {  	v45 =	vld [tilespmem:s22+$0xDB0];
	v31 =	vadd.f32 v31, v34;
	v36 =	vmul.f32 v36, v36;
	v53 =	vsub.f32 v41, v11  }
0xd0: {  	v60 =	vld [tilespmem:s22+$0xA10];
	v52 =	vmul.f32 v48, v48;
	v57 =	vsub.f32 v46, v13;
	v46 =	vsub.f32 v55, v16  }
0xd1: {  	v51 =	vld [tilespmem:s22+$0xE00];
	v43 =	vmul.f32 v62, v62;
	v44 =	vsub.f32 v59, v7;
	v59 =	vsub.f32 v49, v14  }
0xd2: {  	v42 =	vld [tilespmem:s22+$0xA30];
	v49 =	vsub.f32 v63, v3;
	v29 =	vadd.f32 v54, v29;
	v30 =	vmul.f32 v30, v30  }
0xd3: {  	v27 =	vadd.f32 v27, v31;
	v54 =	vmul.f32 v50, v50;
	v56 =	vmul.f32 v53, v53;
	v50 =	vld [tilespmem:s22+$0xA70]  }
0xd4: {  	v28 =	vadd.f32 v32, v28;
	v48 =	vsub.f32 v58, v1;
	v47 =	vmul.f32 v44, v44;
	v44 =	vld [tilespmem:s22+$0xA40]  }
0xd5: {  	v33 =	vmul.f32 v33, v33;
	v35 =	vsub.f32 v45, v12;
	v45 =	vld [tilespmem:s22+$0xA50];
	v39 =	vsub.f32 v60, v2  }
0xd6: {  	v41 =	vmul.f32 v59, v59;
	v55 =	vsub.f32 v51, v9;
	v59 =	vld [tilespmem:s22+$0xE60];
	v30 =	vadd.f32 v30, v37  }
0xd7: {  	v63 =	vld [tilespmem:s22+$0xE70];
	v61 =	vmul.f32 v57, v57;
	v29 =	vadd.f32 v33, v29;
	v27 =	vadd.f32 v47, v27  }
0xd8: {  	v37 =	vmul.f32 v49, v49;
	v47 =	vld [tilespmem:s22+$0xA60];
	v30 =	vadd.f32 v36, v30;
	v36 =	vsub.f32 v42, v4  }
0xd9: {  	v53 =	vld [tilespmem:s22+$0xE30];
	v35 =	vmul.f32 v35, v35;
	v27 =	vadd.f32 v52, v27;
	v38 =	vsub.f32 v50, v8  }
0xda: {  	v39 =	vmul.f32 v39, v39;
	v42 =	vld [tilespmem:s22+$0xE20];
	v30 =	vadd.f32 v54, v30;
	v32 =	vsub.f32 v44, v5  }
0xdb: {  	v60 =	vmul.f32 v55, v55;
	v52 =	vld [tilespmem:s22+$0xE10];
	v33 =	vsub.f32 v45, v6;
	v51 =	vsub.f32 v59, v15  }
0xdc: {  	v49 =	vld [tilespmem:s22+$0xA90];
	v36 =	vmul.f32 v36, v36;
	v59 =	vsub.f32 v63, v16;
	v27 =	vadd.f32 v56, v27  }
0xdd: {  	v54 =	vld [tilespmem:s22+$0xE40];
	v57 =	vmul.f32 v38, v38;
	v30 =	vadd.f32 v35, v30;
	v34 =	vsub.f32 v47, v7  }
0xde: {  	v63 =	vld [tilespmem:s22+$0xAF0];
	v35 =	vmul.f32 v48, v48;
	v36 =	vadd.f32 v36, v39;
	v27 =	vadd.f32 v61, v27  }
0xdf: {  	v56 =	vld [tilespmem:s22+$0xE50];
	v33 =	vmul.f32 v33, v33;
	v61 =	vsub.f32 v42, v11;
	v30 =	vadd.f32 v41, v30  }
0xe0: {  	v32 =	vmul.f32 v32, v32;
	v35 =	vadd.f32 v37, v35;
	v58 =	vsub.f32 v52, v10;
	v52 =	vld [tilespmem:s22+$0xAA0]  }
0xe1: {  	v34 =	vmul.f32 v34, v34;
	v33 =	vadd.f32 v33, v36;
	v37 =	vsub.f32 v53, v12;
	v41 =	vld [tilespmem:s22+$0xEE0]  }
0xe2: {  	v31 =	vadd.f32 v43, v27;
	v27 =	vmul.f32 v46, v46;
	v45 =	vsub.f32 v54, v13;
	v46 =	vld [tilespmem:s22+$0xA80]  }
0xe3: {  	v44 =	vmul.f32 v61, v61;
	v54 =	vld [tilespmem:s22+$0xAB0];
	v38 =	vsub.f32 v63, v8;
	v32 =	vadd.f32 v32, v35  }
0xe4: {  	v63 =	vld [tilespmem:s22+$0xB30];
	v33 =	vadd.f32 v57, v33;
	v62 =	vmul.f32 v58, v58;
	v48 =	vsub.f32 v56, v14  }
0xe5: {  	v47 =	vmul.f32 v37, v37;
	v57 =	vld [tilespmem:s22+$0xAC0];
	v30 =	vadd.f32 v27, v30;
	v27 =	vadd.f32 v29, v28  }
0xe6: {  	v56 =	vmul.f32 v51, v51;
	v58 =	vld [tilespmem:s22+$0xAD0];
	v32 =	vadd.f32 v34, v32;
	v33 =	vadd.f32 v62, v33  }
0xe7: {  	v51 =	vld [tilespmem:s22+$0xED0];
	v50 =	vmul.f32 v45, v45;
	v28 =	vadd.f32 v30, v31;
	v62 =	vsub.f32 v52, v3  }
0xe8: {  	v45 =	vld [tilespmem:s22+$0xE80];
	v53 =	vmul.f32 v48, v48;
	v41 =	vsub.f32 v41, v15;
	v32 =	vadd.f32 v60, v32  }
0xe9: {  	v48 =	vld [tilespmem:s22+$0xEB0];
	v52 =	vmul.f32 v38, v38;
	v33 =	vadd.f32 v47, v33;
	v61 =	vsub.f32 v46, v1  }
0xea: {  	v60 =	vld [tilespmem:s22+$0xAE0];
	v37 =	vsub.f32 v54, v4;
	v36 =	vmul.f32 v62, v62;
	v34 =	vsub.f32 v57, v5  }
0xeb: {  	v46 =	vld [tilespmem:s22+$0xE90];
	v31 =	vsub.f32 v58, v6;
	v32 =	vadd.f32 v44, v32;
	v35 =	vmul.f32 v61, v61  }
0xec: {  	v47 =	vld [tilespmem:s22+$0xEA0];
	v41 =	vmul.f32 v41, v41;
	v30 =	vadd.f32 v53, v33;
	v44 =	vsub.f32 v49, v2  }
0xed: {  	v58 =	vld [tilespmem:s22+$0xB10];
	v37 =	vmul.f32 v37, v37;
	v55 =	vadd.f32 v50, v32;
	v35 =	vadd.f32 v36, v35  }
0xee: {  	v49 =	vld [tilespmem:s22+$0xEC0];
	v34 =	vmul.f32 v34, v34;
	v50 =	vsub.f32 v45, v9;
	v36 =	vsub.f32 v48, v12  }
0xef: {  	v61 =	vld [tilespmem:s22+$0xB20];
	v39 =	vmul.f32 v44, v44;
	v45 =	vsub.f32 v51, v14;
	v33 =	vsub.f32 v60, v7  }
0xf0: {  	v43 =	vld [tilespmem:s22+$0xF30];
	v32 =	vmul.f32 v59, v59;
	v53 =	vsub.f32 v46, v10;
	v29 =	vadd.f32 v56, v55  }
0xf1: {  	v31 =	vmul.f32 v31, v31;
	v48 =	vld [tilespmem:s22+$0xB50];
	v37 =	vadd.f32 v37, v39;
	v34 =	vadd.f32 v34, v35  }
0xf2: {  	v51 =	vld [tilespmem:s22+$0xEF0];
	v54 =	vmul.f32 v50, v50;
	v55 =	vsub.f32 v47, v11;
	v30 =	vadd.f32 v32, v30  }
0xf3: {  	v46 =	vld [tilespmem:s22+$0xB40];
	v62 =	vmul.f32 v36, v36;
	v50 =	vmul.f32 v45, v45;
	v38 =	vsub.f32 v58, v2  }
0xf4: {  	v56 =	vld [tilespmem:s22+$0xB00];
	v33 =	vmul.f32 v33, v33;
	v60 =	vsub.f32 v49, v13;
	v39 =	vsub.f32 v61, v3  }
0xf5: {  	v57 =	vmul.f32 v53, v53;
	v53 =	vld [tilespmem:s22+$0xB60];
	v31 =	vadd.f32 v31, v37;
	v29 =	vadd.f32 v30, v29  }
0xf6: {  	v58 =	vld [tilespmem:s22+$0xF10];
	v59 =	vmul.f32 v55, v55;
	v55 =	vsub.f32 v63, v4;
	v33 =	vadd.f32 v33, v34  }
0xf7: {  	v38 =	vmul.f32 v38, v38;
	v63 =	vld [tilespmem:s22+$0xB80];
	v34 =	vsub.f32 v51, v16;
	v31 =	vadd.f32 v52, v31  }
0xf8: {  	v35 =	vmul.f32 v55, v55;
	v37 =	vsub.f32 v46, v5;
	v46 =	vld [tilespmem:s22+$0xB90];
	v33 =	vadd.f32 v54, v33  }
0xf9: {  	v44 =	vmul.f32 v60, v60;
	v55 =	vld [tilespmem:s22+$0xBC0];
	v52 =	vsub.f32 v56, v1;
	v31 =	vadd.f32 v57, v31  }
0xfa: {  	v39 =	vmul.f32 v39, v39;
	v56 =	vld [tilespmem:s22+$0xB70];
	v35 =	vadd.f32 v35, v38;
	v40 =	vsub.f32 v53, v7  }
0xfb: {  	v57 =	vld [tilespmem:s22+$0xF00];
	v33 =	vadd.f32 v59, v33;
	v54 =	vmul.f32 v52, v52;
	v47 =	vadd.f32 v62, v31  }
0xfc: {  	v34 =	vmul.f32 v34, v34;
	v53 =	vld [tilespmem:s22+$0xF50];
	v31 =	vsub.f32 v48, v6;
	v48 =	vsub.f32 v43, v12  }
0xfd: {  	v37 =	vmul.f32 v37, v37;
	v59 =	vld [tilespmem:s22+$0xF20];
	v49 =	vadd.f32 v44, v33;
	v33 =	vadd.f32 v39, v54  }
0xfe: {  	v60 =	vmul.f32 v40, v40;
	v62 =	vld [tilespmem:s22+$0xF40];
	v39 =	vsub.f32 v58, v10;
	v30 =	vadd.f32 v50, v47  }
0xff: {  	v44 =	vld [tilespmem:s22+$0xF60];
	v31 =	vmul.f32 v31, v31;
	v36 =	vsub.f32 v56, v8;
	v33 =	vadd.f32 v37, v33  }
0x100: {  	v50 =	vld [tilespmem:s22+$0xBB0];
	v52 =	vmul.f32 v48, v48;
	v61 =	vsub.f32 v57, v9;
	v32 =	vadd.f32 v41, v49  }
0x101: {  	v56 =	vld [tilespmem:s22+$0xBD0];
	v47 =	vmul.f32 v39, v39;
	v57 =	vsub.f32 v63, v1;
	v39 =	vsub.f32 v55, v5  }
0x102: {  	v49 =	vld [tilespmem:s22+$0xBA0];
	v31 =	vadd.f32 v31, v35;
	v36 =	vmul.f32 v36, v36;
	v38 =	vsub.f32 v59, v11  }
0x103: {  	v63 =	vld [tilespmem:s22+$0xF90];
	v30 =	vadd.f32 v34, v30;
	v33 =	vadd.f32 v60, v33;
	v45 =	vmul.f32 v61, v61  }
0x104: {  	v59 =	vld [tilespmem:s22+$0xBE0];
	v54 =	vsub.f32 v62, v13;
	v60 =	vmul.f32 v57, v57;
	v31 =	vadd.f32 v36, v31  }
0x105: {  	v61 =	vld [tilespmem:s22+$0xBF0];
	v48 =	vmul.f32 v39, v39;
	v30 =	vadd.f32 v30, v32;
	v36 =	vsub.f32 v46, v2  }
0x106: {  	v62 =	vld [tilespmem:s22+$0xF80];
	v51 =	vmul.f32 v38, v38;
	v38 =	vsub.f32 v53, v14;
	v33 =	vadd.f32 v45, v33  }
0x107: {  	v57 =	vld [tilespmem:s22+$0xFC0];
	v32 =	vmul.f32 v54, v54;
	v34 =	vsub.f32 v50, v4;
	v35 =	vsub.f32 v56, v6  }
0x108: {  	v31 =	vadd.f32 v47, v31;
	v58 =	vsub.f32 v49, v3;
	v36 =	vmul.f32 v36, v36  }
0x109: {  	v50 =	vld [tilespmem:s22+$0xFA0];
	v38 =	vmul.f32 v38, v38;
	v56 =	vsub.f32 v63, v10;
	v33 =	vadd.f32 v51, v33  }
0x10a: {  	v63 =	vld [tilespmem:s22+$0xFF0];
	v34 =	vmul.f32 v34, v34;
	v49 =	vsub.f32 v59, v7;
	v31 =	vadd.f32 v52, v31  }
0x10b: {  	v35 =	vmul.f32 v35, v35;
	v51 =	vld [tilespmem:s22+$0xFB0];
	v37 =	vsub.f32 v61, v8;
	v55 =	vsub.f32 v62, v9  }
0x10c: {  	v59 =	vld [tilespmem:s22+$0xFD0];
	v40 =	vmul.f32 v58, v58;
	v58 =	vsub.f32 v44, v15;
	v47 =	vsub.f32 v57, v13  }
0x10d: {  	v52 =	vld [tilespmem:s22+$0xF70];
	v32 =	vadd.f32 v32, v33;
	v34 =	vadd.f32 v34, v36;
	v53 =	vmul.f32 v49, v49  }
0x10e: {  	v62 =	vld [tilespmem:s22+$0xFE0];
	v33 =	vadd.f32 v40, v60;
	v31 =	vadd.f32 v38, v31;
	v54 =	vmul.f32 v37, v37  }
0x10f: {  	v49 =	vld [tilespmem:s22+$0xC00];
	v40 =	vsub.f32 v50, v11;
	v43 =	vmul.f32 v58, v58;
	v34 =	vadd.f32 v35, v34  }
0x110: {  	v60 =	vmul.f32 v55, v55;
	v55 =	vld [tilespmem:s22+$0xC30];
	v33 =	vadd.f32 v48, v33;
	v38 =	vsub.f32 v51, v12  }
0x111: {  	v61 =	vmul.f32 v56, v56;
	v58 =	vld [tilespmem:s22+$0xC40];
	v35 =	vsub.f32 v59, v14;
	v32 =	vadd.f32 v43, v32  }
0x112: {  	v50 =	vmul.f32 v47, v47;
	v51 =	vld [tilespmem:s22+$0xC10];
	v34 =	vadd.f32 v54, v34;
	v48 =	vsub.f32 v52, v16  }
0x113: {  	v45 =	vmul.f32 v40, v40;
	v59 =	vld [tilespmem:s22+$0xC50];
	v52 =	vsub.f32 v62, v15;
	v33 =	vadd.f32 v53, v33  }
0x114: {  	v54 =	vld [tilespmem:s22+$0xC20];
	v46 =	vmul.f32 v38, v38;
	v53 =	vsub.f32 v63, v16;
	v34 =	vadd.f32 v61, v34  }
0x115: {  	v63 =	vld [tilespmem:s22+$0xC70];
	v40 =	vmul.f32 v48, v48;
	v61 =	vsub.f32 v49, v1;
	v36 =	vsub.f32 v55, v4  }
0x116: {  	v35 =	vmul.f32 v35, v35;
	v48 =	vld [tilespmem:s22+$0x1000];
	v39 =	vsub.f32 v58, v5;
	v33 =	vadd.f32 v60, v33  }
0x117: {  	v56 =	vmul.f32 v52, v52;
	v49 =	vld [tilespmem:s22+$0x1010];
	v34 =	vadd.f32 v46, v34;
	v31 =	vadd.f32 v40, v31  }
0x118: {  	v57 =	vmul.f32 v53, v53;
	v60 =	vld [tilespmem:s22+$0xC60];
	v37 =	vsub.f32 v51, v2;
	v40 =	vsub.f32 v59, v6  }
0x119: {  	v55 =	vld [tilespmem:s22+$0x1050];
	v38 =	vmul.f32 v61, v61;
	v33 =	vadd.f32 v45, v33;
	v62 =	vsub.f32 v54, v3  }
0x11a: {  	v53 =	vld [tilespmem:s22+$0x1040];
	v36 =	vmul.f32 v36, v36;
	v34 =	vadd.f32 v35, v34;
	v52 =	vsub.f32 v63, v8  }
0x11b: {  	v46 =	vld [tilespmem:s22+$0xCA0];
	v37 =	vmul.f32 v37, v37;
	v31 =	vadd.f32 v31, v32;
	v33 =	vadd.f32 v50, v33  }
0x11c: {  	v39 =	vmul.f32 v39, v39;
	v45 =	vld [tilespmem:s22+$0x1020];
	v54 =	vsub.f32 v48, v9;
	v34 =	vadd.f32 v57, v34  }
0x11d: {  	v61 =	vld [tilespmem:s22+$0xC90];
	v41 =	vmul.f32 v62, v62;
	v35 =	vsub.f32 v60, v7;
	v36 =	vadd.f32 v36, v37  }
0x11e: {  	v58 =	vld [tilespmem:s22+$0xC80];
	v51 =	vmul.f32 v40, v40;
	v57 =	vsub.f32 v49, v10;
	v33 =	vadd.f32 v56, v33  }
0x11f: {  	v50 =	vld [tilespmem:s22+$0x1030];
	v38 =	vadd.f32 v41, v38;
	v56 =	vmul.f32 v52, v52;
	v52 =	vsub.f32 v53, v13  }
0x120: {  	v49 =	vld [tilespmem:s22+$0xCB0];
	v59 =	vmul.f32 v54, v54;
	v54 =	vsub.f32 v55, v14;
	v41 =	vsub.f32 v46, v3  }
0x121: {  	v53 =	vld [tilespmem:s22+$0xCC0];
	v35 =	vmul.f32 v35, v35;
	v36 =	vadd.f32 v51, v36;
	v60 =	vsub.f32 v45, v11  }
0x122: {  	v55 =	vld [tilespmem:s22+$0xCD0];
	v62 =	vmul.f32 v57, v57;
	v57 =	vsub.f32 v61, v2;
	v38 =	vadd.f32 v39, v38  }
0x123: {  	v61 =	vld [tilespmem:s22+$0x1080];
	v33 =	vadd.f32 v34, v33;
	v41 =	vmul.f32 v41, v41;
	v36 =	vadd.f32 v56, v36  }
0x124: {  	v63 =	vsub.f32 v50, v12;
	v48 =	vmul.f32 v60, v60;
	v56 =	vsub.f32 v58, v1;
	v58 =	vld [tilespmem:s22+$0xCE0]  }
0x125: {  	v60 =	vld [tilespmem:s22+$0x1060];
	v42 =	vmul.f32 v57, v57;
	v35 =	vadd.f32 v35, v38;
	v38 =	vsub.f32 v49, v4  }
0x126: {  	v49 =	vld [tilespmem:s22+$0x10B0];
	v50 =	vadd.f32 v62, v36;
	v51 =	vmul.f32 v63, v63;
	v36 =	vmul.f32 v54, v54  }
0x127: {  	(xrf2) =	vadd.scan.msk.f32 $0xffff, v19;
	v40 =	vmul.f32 v56, v56;
	v37 =	vsub.f32 v53, v5;
	v62 =	vsub.f32 v55, v6;
	v63 =	vld [tilespmem:s22+$0x1090]  }
0x128: {  	(xrf2) =	vadd.scan.msk.f32 $0xffff, v20;
	v53 =	vld [tilespmem:s22+$0x10C0];
	v47 =	vadd.f32 v59, v35;
	v38 =	vmul.f32 v38, v38;
	v20 =	vsub.f32 v61, v9  }
0x129: {  	v35 =	vmul.f32 v52, v52;
	v59 =	vld [tilespmem:s22+$0xCF0];
	v34 =	vadd.f32 v51, v50;
	v40 =	vadd.f32 v41, v40  }
0x12a: {  	v55 =	vld [tilespmem:s22+$0x10D0];
	v37 =	vmul.f32 v37, v37;
	v32 =	vadd.f32 v48, v47;
	v38 =	vadd.f32 v38, v42  }
0x12b: {  	v61 =	vld [tilespmem:s22+$0x10F0];
	v46 =	vsub.f32 v58, v7;
	v34 =	vadd.f32 v36, v34  }
0x12c: {  	v50 =	vld [tilespmem:s22+$0x1070];
	v37 =	vadd.f32 v37, v40;
	v32 =	vadd.f32 v35, v32  }
0x12d: {  	v48 =	vld [tilespmem:s22+$0x10A0];
	v36 =	vmul.f32 v62, v62;
	v35 =	vsub.f32 v60, v15;
	v39 =	vsub.f32 v63, v10  }
0x12e: {  	v20 =	vmul.f32 v20, v20;
	v60 =	vsub.f32 v49, v12;
	v47 =	vsub.f32 v59, v8  }
0x12f: {  	v51 =	vmul.f32 v46, v46;
	v19 =	vadd.f32 v36, v38;
	v36 =	vsub.f32 v53, v13  }
0x130: {  	(xrf2) =	vadd.scan.msk.f32 $0xffff, v21;
	v58 =	vld [tilespmem:s22+$0x10E0];
	v38 =	vsub.f32 v55, v14;
	v42 =	vsub.f32 v61, v16;
	v52 =	vmul.f32 v47, v47  }
0x131: {  	(xrf2) =	vadd.scan.msk.f32 $0xffff, v23;
	v54 =	vadd.f32 v51, v37;
	v35 =	vmul.f32 v35, v35;
	v63 =	vsub.f32 v50, v16  }
0x132: {  	(xrf2) =	vadd.scan.msk.f32 $0xffff, v22;
	v56 =	vmul.f32 v39, v39;
	v57 =	vsub.f32 v48, v11;
	v19 =	vadd.f32 v52, v19  }
0x133: {  	(xrf2) =	vadd.scan.msk.f32 $0xffff, v24;
	v59 =	vadd.f32 v35, v32;
	v20 =	vadd.f32 v20, v54  }
0x134: {  	(xrf2) =	vadd.scan.msk.f32 $0xffff, v26;
	v32 =	vmul.f32 v60, v60;
	v62 =	vmul.f32 v57, v57;
	v19 =	vadd.f32 v56, v19  }
0x135: {  	(xrf2) =	vadd.scan.msk.f32 $0xffff, v25;
	v40 =	vmul.f32 v36, v36;
	v41 =	vsub.f32 v58, v15;
	v23 =	vmul.f32 v63, v63  }
0x136: {  	(xrf2) =	vadd.scan.msk.f32 $0xffff, v27;
	v21 =	vmul.f32 v38, v38;
	v20 =	vadd.f32 v62, v20;
	v19 =	vadd.f32 v32, v19  }
0x137: {  	(xrf2) =	vadd.scan.msk.f32 $0xffff, v28;
	v46 =	vmul.f32 v42, v42;
	v23 =	vadd.f32 v23, v34  }
0x138: {  	v43, _, _ =	vpop (xrf2);
	(xrf2) =	vadd.scan.msk.f32 $0xffff, v29;
	v45 =	vmul.f32 v41, v41;
	v20 =	vadd.f32 v40, v20;
	v19 =	vadd.f32 v21, v19  }
0x139: {  	v44, _, _ =	vpop (xrf2);
	(xrf2) =	vadd.scan.msk.f32 $0xffff, v30;
	v27 =	vbroadcast v43, $0xF;
	v22 =	vadd.f32 v23, v59  }
0x13a: {  	v24 =	vbroadcast v44, $0xF;
	v47, _, _ =	vpop (xrf2);
	(xrf2) =	vadd.scan.msk.f32 $0xffff, v31;
	v20 =	vadd.f32 v45, v20;
	v19 =	vadd.f32 v46, v19  }
0x13b: {  	v48, _, _ =	vpop (xrf2);
	(xrf2) =	vadd.scan.msk.f32 $0xffff, v33;
	v49 =	vbroadcast v47, $0xF  }
0x13c: {  	v24 =	vsel vm0, v27, v24;
	v50, _, _ =	vpop (xrf2);
	v23 =	vbroadcast v48, $0xF;
	(xrf2) =	vadd.scan.msk.f32 $0xffff, v22;
	v19 =	vadd.f32 v19, v20  }
0x13d: {  	v51, _, _ =	vpop (xrf2);
	v52 =	vbroadcast v50, $0xF;
	v21 =	vsel vm1, v24, v49  }
0x13e: {  	v22 =	vbroadcast v51, $0xF;
	v21 =	vsel vm2, v21, v23;
	v20, _, _ =	vpop (xrf2)  }
0x13f: {  	v21 =	vsel vm3, v21, v52;
	v20 =	vbroadcast v20, $0xF;
	v53, _, _ =	vpop (xrf2)  }
0x140: {  	v21 =	vsel vm4, v21, v22;
	(xrf2) =	vadd.scan.msk.f32 $0xffff, v19;
	v54 =	vbroadcast v53, $0xF;
	v19, _, _ =	vpop (xrf2)  }
0x141: {  	v20 =	vsel vm5, v21, v20;
	v55, _, _ =	vpop (xrf2);
	v19 =	vbroadcast v19, $0xF  }
0x142: {  	v20 =	vsel vm6, v20, v54;
	v56, _, _ =	vpop (xrf2);
	v57 =	vbroadcast v55, $0xF  }
0x143: {  	v58, _, _ =	vpop (xrf2);
	v19 =	vsel vm7, v20, v19;
	v20 =	vbroadcast v56, $0xF  }
0x144: {  	v59, _, _ =	vpop (xrf2);
	v19 =	vsel vm8, v19, v57;
	v60 =	vbroadcast v58, $0xF  }
0x145: {  	v61, _, _ =	vpop (xrf2);
	v19 =	vsel vm9, v19, v20;
	v20 =	vbroadcast v59, $0xF  }
0x146: {  	v62, _, _ =	vpop (xrf2);
	v19 =	vsel vm10, v19, v60  }
0x147: {  	v19 =	vsel vm11, v19, v20;
	v20 =	vbroadcast v62, $0xF  }
0x148: {  	v63 =	vbroadcast v61, $0xF  }
0x149: {  	p1 =	sne.s32 s21, $0x3  }
.Ltmp0:
0x14a: {  	v19 =	vsel vm12, v19, v63;
	(pc) =	sbr.rel @p1 .LBB2_4-.Ltmp0, $4  }
0x14b: {  	s31 =	sshll.u32 s21, $0x4;
	v19 =	vsel vm13, v19, v20;
	v20, _, _ =	vpop (xrf2)  }
0x14c: {  	s22 =	sadd.s32 s20, s31;
	v19 =	vsel vm14, v19, v20  }
0x14d: {  	v20 =	vor.u32 s22, v0;
	vm15 =	vlt.f32 v19, v18  }
0x14e: {  	s21 =	sadd.s32 $0x1, s21;
	v18 =	vsel vm15, v19, v18;
	v17 =	vsel vm15, v20, v17  }
0x14f: {  	s20 =	simm.s32 @p0 $0x0;
	s21 =	simm.s32 @p0 $0x100  }
0x150: {  	[tilespmem:s21], [sflag:$0x1] =	stream.linear.gather @p0 [hbm4b:s7+s20], $0x4000, $0x38;
	[tilespmem:$0x8200] =	vst v63  }
0x151: {  	_ =	swait.ge [sflag:s15], $0x4000  }
0x152: {  	[sflag:s15] =	ssyncset.done $0x0  }
0x153: {  	s20 =	simm.s32 $0x0;
	[sflag:s15] =	ssyncadd.s32 $0xFFFFC000  }
.LBB2_6:
0x154: {  	s21 =	sshll.u32 s20, $0xC  }
0x155: {  	s21 =	sand.u32 $0x3FFFF000, s21  }
0x156: {  	v19 =	vld [tilespmem:s21+$0x4100]  }
0x157: {  	v20 =	vld [tilespmem:s21+$0x4120]  }
0x158: {  	v21 =	vld [tilespmem:s21+$0x4110]  }
0x159: {  	v22 =	vld [tilespmem:s21+$0x4130]  }
0x15a: {  	v23 =	vld [tilespmem:s21+$0x4140]  }
0x15b: {  	v24 =	vld [tilespmem:s21+$0x4150]  }
0x15c: {  	v25 =	vld [tilespmem:s21+$0x4160]  }
0x15d: {  	v26 =	vld [tilespmem:s21+$0x4170]  }
0x15e: {  	v27 =	vld [tilespmem:s21+$0x4500]  }
0x15f: {  	v50 =	vld [tilespmem:s21+$0x4510]  }
0x160: {  	v51 =	vld [tilespmem:s21+$0x4520]  }
0x161: {  	v54 =	vld [tilespmem:s21+$0x4530]  }
0x162: {  	v28 =	vld [tilespmem:s21+$0x4540]  }
0x163: {  	v57 =	vld [tilespmem:s21+$0x4550]  }
0x164: {  	v58 =	vld [tilespmem:s21+$0x4180];
	v19 =	vsub.f32 v19, v1;
	v20 =	vsub.f32 v20, v3  }
0x165: {  	v60 =	vld [tilespmem:s21+$0x4190];
	v21 =	vsub.f32 v21, v2;
	v22 =	vsub.f32 v22, v4  }
0x166: {  	v62 =	vld [tilespmem:s21+$0x41A0];
	v23 =	vsub.f32 v23, v5;
	v48 =	vsub.f32 v24, v6  }
0x167: {  	v29 =	vld [tilespmem:s21+$0x41C0];
	v49 =	vsub.f32 v25, v7;
	v26 =	vsub.f32 v26, v8  }
0x168: {  	v30 =	vld [tilespmem:s21+$0x41F0];
	v27 =	vsub.f32 v27, v9;
	v25 =	vsub.f32 v50, v10  }
0x169: {  	v34 =	vld [tilespmem:s21+$0x4560];
	v24 =	vsub.f32 v54, v12;
	v61 =	vsub.f32 v28, v13;
	v19 =	vmul.f32 v19, v19  }
0x16a: {  	v38 =	vld [tilespmem:s21+$0x41E0];
	v37 =	vsub.f32 v58, v1;
	v20 =	vmul.f32 v20, v20;
	v21 =	vmul.f32 v21, v21  }
0x16b: {  	v39 =	vld [tilespmem:s21+$0x4570];
	v28 =	vsub.f32 v62, v3;
	v47 =	vmul.f32 v23, v23;
	v52 =	vmul.f32 v48, v48  }
0x16c: {  	v42 =	vld [tilespmem:s21+$0x45A0];
	v29 =	vsub.f32 v29, v5;
	v53 =	vmul.f32 v49, v49;
	v55 =	vmul.f32 v26, v26  }
0x16d: {  	v63 =	vld [tilespmem:s21+$0x41B0];
	v41 =	vsub.f32 v30, v8;
	v56 =	vmul.f32 v27, v27;
	v59 =	vmul.f32 v25, v25  }
0x16e: {  	v31 =	vld [tilespmem:s21+$0x4580];
	v32 =	vmul.f32 v24, v24;
	v33 =	vmul.f32 v61, v61;
	v26 =	vsub.f32 v57, v14  }
0x16f: {  	v46 =	vld [tilespmem:s21+$0x45C0];
	v23 =	vsub.f32 v60, v2;
	v28 =	vmul.f32 v28, v28;
	v25 =	vsub.f32 v34, v15  }
0x170: {  	v58 =	vld [tilespmem:s21+$0x4210];
	v40 =	vmul.f32 v29, v29;
	v27 =	vsub.f32 v38, v7;
	v24 =	vsub.f32 v39, v16  }
0x171: {  	v49 =	vld [tilespmem:s21+$0x45D0];
	v29 =	vsub.f32 v42, v11;
	v19 =	vadd.f32 v20, v19;
	v20 =	vmul.f32 v22, v22  }
0x172: {  	v38 =	vld [tilespmem:s21+$0x4270];
	v36 =	vmul.f32 v26, v26;
	v22 =	vsub.f32 v63, v4;
	v26 =	vmul.f32 v37, v37  }
0x173: {  	v43 =	vld [tilespmem:s21+$0x45B0];
	v45 =	vmul.f32 v41, v41;
	v20 =	vadd.f32 v20, v21;
	v19 =	vadd.f32 v47, v19  }
0x174: {  	v54 =	vld [tilespmem:s21+$0x45F0];
	v23 =	vmul.f32 v23, v23;
	v21 =	vsub.f32 v51, v11;
	v26 =	vadd.f32 v28, v26  }
0x175: {  	v62 =	vld [tilespmem:s21+$0x4230];
	v44 =	vmul.f32 v27, v27;
	v47 =	vsub.f32 v31, v9;
	v28 =	vsub.f32 v46, v13  }
0x176: {  	v41 =	vld [tilespmem:s21+$0x4630];
	v22 =	vmul.f32 v22, v22;
	v31 =	vsub.f32 v58, v2;
	v57 =	vsub.f32 v49, v14  }
0x177: {  	v42 =	vld [tilespmem:s21+$0x4640];
	v25 =	vmul.f32 v25, v25;
	v30 =	vsub.f32 v38, v8;
	v20 =	vadd.f32 v52, v20  }
0x178: {  	v24 =	vmul.f32 v24, v24;
	v37 =	vld [tilespmem:s21+$0x4260];
	v19 =	vadd.f32 v53, v19;
	v22 =	vadd.f32 v22, v23  }
0x179: {  	v35 =	vld [tilespmem:s21+$0x41D0];
	v21 =	vmul.f32 v21, v21;
	v23 =	vadd.f32 v40, v26;
	v53 =	vsub.f32 v43, v12  }
0x17a: {  	v39 =	vld [tilespmem:s21+$0x4600];
	v60 =	vmul.f32 v28, v28;
	v26 =	vsub.f32 v54, v16;
	v28 =	vsub.f32 v62, v4  }
0x17b: {  	v31 =	vmul.f32 v31, v31;
	v20 =	vadd.f32 v55, v20;
	v19 =	vadd.f32 v56, v19;
	v56 =	vld [tilespmem:s21+$0x4200]  }
0x17c: {  	v54 =	vsub.f32 v42, v13;
	v55 =	vmul.f32 v29, v29;
	v29 =	vsub.f32 v41, v12;
	v41 =	vld [tilespmem:s21+$0x42F0]  }
0x17d: {  	v34 =	vld [tilespmem:s21+$0x4620];
	v40 =	vsub.f32 v37, v7;
	v28 =	vmul.f32 v28, v28;
	v20 =	vadd.f32 v59, v20  }
0x17e: {  	v50 =	vmul.f32 v47, v47;
	v52 =	vld [tilespmem:s21+$0x45E0];
	v19 =	vadd.f32 v21, v19;
	v21 =	vsub.f32 v35, v6  }
0x17f: {  	v61 =	vmul.f32 v57, v57;
	v59 =	vld [tilespmem:s21+$0x4220];
	v28 =	vadd.f32 v28, v31;
	v20 =	vadd.f32 v32, v20  }
0x180: {  	v63 =	vld [tilespmem:s21+$0x4250];
	v19 =	vadd.f32 v33, v19;
	v21 =	vmul.f32 v21, v21;
	v27 =	vsub.f32 v56, v1  }
0x181: {  	v58 =	vld [tilespmem:s21+$0x4290];
	v46 =	vmul.f32 v30, v30;
	v31 =	vsub.f32 v41, v8;
	v20 =	vadd.f32 v36, v20  }
0x182: {  	v26 =	vmul.f32 v26, v26;
	v32 =	vld [tilespmem:s21+$0x4590];
	v21 =	vadd.f32 v21, v22;
	v22 =	vadd.f32 v44, v23  }
0x183: {  	v43 =	vmul.f32 v40, v40;
	v33 =	vld [tilespmem:s21+$0x4610];
	v19 =	vadd.f32 v25, v19;
	v36 =	vsub.f32 v52, v15  }
0x184: {  	v56 =	vmul.f32 v29, v29;
	v44 =	vsub.f32 v39, v9;
	v23 =	vsub.f32 v59, v3  }
0x185: {  	v38 =	vld [tilespmem:s21+$0x42E0];
	v25 =	vmul.f32 v53, v53;
	v21 =	vadd.f32 v45, v21;
	v22 =	vadd.f32 v50, v22  }
0x186: {  	v42 =	vld [tilespmem:s21+$0x4680];
	v27 =	vmul.f32 v27, v27;
	v20 =	vadd.f32 v24, v20;
	v24 =	vsub.f32 v63, v6  }
0x187: {  	v59 =	vmul.f32 v54, v54;
	v45 =	vld [tilespmem:s21+$0x4650];
	v50 =	vsub.f32 v34, v11;
	v48 =	vsub.f32 v32, v10  }
0x188: {  	v63 =	vld [tilespmem:s21+$0x42B0];
	v23 =	vmul.f32 v23, v23;
	v47 =	vsub.f32 v33, v10;
	v32 =	vsub.f32 v58, v2  }
0x189: {  	v22 =	vadd.f32 v55, v22;
	v19 =	vadd.f32 v20, v19;
	v20 =	vld [tilespmem:s21+$0x4240];
	v24 =	vmul.f32 v24, v24  }
0x18a: {  	v55 =	vld [tilespmem:s21+$0x4280];
	v51 =	vmul.f32 v48, v48;
	v23 =	vadd.f32 v23, v27;
	v27 =	vsub.f32 v38, v7  }
0x18b: {  	v53 =	vmul.f32 v50, v50;
	v50 =	vld [tilespmem:s21+$0x46E0];
	v22 =	vadd.f32 v60, v22;
	v24 =	vadd.f32 v24, v28  }
0x18c: {  	v49 =	vmul.f32 v44, v44;
	v48 =	vld [tilespmem:s21+$0x4660];
	v21 =	vadd.f32 v51, v21;
	v57 =	vsub.f32 v45, v14  }
0x18d: {  	v37 =	vld [tilespmem:s21+$0x42D0];
	v32 =	vmul.f32 v32, v32;
	v29 =	vsub.f32 v63, v4;
	v24 =	vadd.f32 v46, v24  }
0x18e: {  	v58 =	vld [tilespmem:s21+$0x4310];
	v51 =	vmul.f32 v47, v47;
	v46 =	vsub.f32 v42, v9;
	v21 =	vadd.f32 v25, v21  }
0x18f: {  	v45 =	vld [tilespmem:s21+$0x46C0];
	v25 =	vmul.f32 v36, v36;
	v20 =	vsub.f32 v20, v5;
	v39 =	vsub.f32 v55, v1  }
0x190: {  	v47 =	vld [tilespmem:s21+$0x46D0];
	v29 =	vmul.f32 v29, v29;
	v63 =	vsub.f32 v50, v15;
	v24 =	vadd.f32 v51, v24  }
0x191: {  	v27 =	vmul.f32 v27, v27;
	v36 =	vld [tilespmem:s21+$0x42C0];
	v60 =	vsub.f32 v48, v15;
	v21 =	vadd.f32 v61, v21  }
0x192: {  	v55 =	vld [tilespmem:s21+$0x4300];
	v20 =	vmul.f32 v20, v20;
	v22 =	vadd.f32 v25, v22;
	v29 =	vadd.f32 v29, v32  }
0x193: {  	v62 =	vmul.f32 v57, v57;
	v61 =	vld [tilespmem:s21+$0x42A0];
	v32 =	vsub.f32 v58, v2;
	v24 =	vadd.f32 v56, v24  }
0x194: {  	v41 =	vld [tilespmem:s21+$0x4350];
	v48 =	vmul.f32 v31, v31;
	v57 =	vsub.f32 v45, v13;
	v20 =	vadd.f32 v20, v23  }
0x195: {  	v44 =	vld [tilespmem:s21+$0x46B0];
	v51 =	vmul.f32 v46, v46;
	v21 =	vadd.f32 v26, v21;
	v26 =	vsub.f32 v37, v6  }
0x196: {  	v35 =	vmul.f32 v60, v60;
	v25 =	vsub.f32 v36, v5;
	v36 =	vld [tilespmem:s21+$0x4330];
	v20 =	vadd.f32 v43, v20  }
0x197: {  	v60 =	vsub.f32 v47, v14;
	v45 =	vsub.f32 v55, v1;
	v55 =	vld [tilespmem:s21+$0x4760];
	v26 =	vmul.f32 v26, v26  }
0x198: {  	v28 =	vmul.f32 v39, v39;
	v43 =	vld [tilespmem:s21+$0x4690];
	v40 =	vsub.f32 v61, v3;
	v20 =	vadd.f32 v49, v20  }
0x199: {  	v32 =	vmul.f32 v32, v32;
	v24 =	vadd.f32 v62, v24;
	v61 =	vld [tilespmem:s21+$0x4320];
	v26 =	vadd.f32 v26, v29  }
0x19a: {  	v62 =	vmul.f32 v57, v57;
	v57 =	vld [tilespmem:s21+$0x4380];
	v30 =	vmul.f32 v40, v40;
	v20 =	vadd.f32 v53, v20  }
0x19b: {  	v38 =	vld [tilespmem:s21+$0x4340];
	v37 =	vmul.f32 v60, v60;
	v26 =	vadd.f32 v48, v26;
	v48 =	vsub.f32 v36, v4  }
0x19c: {  	v52 =	vld [tilespmem:s21+$0x4670];
	v25 =	vmul.f32 v25, v25;
	v31 =	vsub.f32 v55, v15;
	v28 =	vadd.f32 v30, v28  }
0x19d: {  	v42 =	vld [tilespmem:s21+$0x4360];
	v40 =	vmul.f32 v63, v63;
	v49 =	vsub.f32 v43, v10;
	v30 =	vsub.f32 v44, v12  }
0x19e: {  	v53 =	vld [tilespmem:s21+$0x46F0];
	v20 =	vadd.f32 v59, v20;
	v46 =	vsub.f32 v61, v3;
	v33 =	vmul.f32 v48, v48  }
0x19f: {  	v47 =	vld [tilespmem:s21+$0x4700];
	v48 =	vsub.f32 v57, v1;
	v25 =	vadd.f32 v25, v28;
	v54 =	vmul.f32 v49, v49  }
0x1a0: {  	v50 =	vld [tilespmem:s21+$0x4720];
	v59 =	vmul.f32 v30, v30;
	v30 =	vsub.f32 v38, v5;
	v23 =	vadd.f32 v35, v20  }
0x1a1: {  	v63 =	vld [tilespmem:s21+$0x43A0];
	v28 =	vmul.f32 v45, v45;
	v20 =	vsub.f32 v52, v16;
	v32 =	vadd.f32 v33, v32  }
0x1a2: {  	v60 =	vld [tilespmem:s21+$0x4390];
	v29 =	vmul.f32 v46, v46;
	v25 =	vadd.f32 v27, v25;
	v26 =	vadd.f32 v54, v26  }
0x1a3: {  	v35 =	vld [tilespmem:s21+$0x46A0];
	v43 =	vsub.f32 v53, v16;
	v27 =	vsub.f32 v41, v6  }
0x1a4: {  	v36 =	vld [tilespmem:s21+$0x4730];
	v54 =	vsub.f32 v47, v9;
	v28 =	vadd.f32 v29, v28  }
0x1a5: {  	v44 =	vld [tilespmem:s21+$0x4370];
	v20 =	vmul.f32 v20, v20;
	v25 =	vadd.f32 v51, v25;
	v26 =	vadd.f32 v59, v26  }
0x1a6: {  	v55 =	vld [tilespmem:s21+$0x4780];
	v51 =	vmul.f32 v30, v30;
	v59 =	vsub.f32 v50, v11;
	v50 =	vsub.f32 v63, v3  }
0x1a7: {  	v41 =	vld [tilespmem:s21+$0x43B0];
	v24 =	vadd.f32 v20, v24;
	v20 =	vadd.f32 v21, v22  }
0x1a8: {  	v49 =	vld [tilespmem:s21+$0x4710];
	v52 =	vsub.f32 v35, v11;
	v28 =	vadd.f32 v51, v28  }
0x1a9: {  	v46 =	vld [tilespmem:s21+$0x4770];
	v27 =	vmul.f32 v27, v27;
	v21 =	vadd.f32 v24, v23;
	v23 =	vadd.f32 v37, v26  }
0x1aa: {  	v51 =	vld [tilespmem:s21+$0x43E0];
	v24 =	vsub.f32 v42, v7;
	v26 =	vsub.f32 v44, v8  }
0x1ab: {  	v53 =	vld [tilespmem:s21+$0x4750];
	v63 =	vsub.f32 v55, v9;
	v27 =	vadd.f32 v27, v32;
	v56 =	vmul.f32 v52, v52  }
0x1ac: {  	v44 =	vld [tilespmem:s21+$0x43C0];
	v30 =	vsub.f32 v41, v4;
	v24 =	vmul.f32 v24, v24;
	v26 =	vmul.f32 v26, v26  }
0x1ad: {  	v37 =	vld [tilespmem:s21+$0x47A0];
	v25 =	vadd.f32 v56, v25;
	v56 =	vsub.f32 v49, v10  }
0x1ae: {  	v31 =	vmul.f32 v31, v31;
	v24 =	vadd.f32 v24, v28;
	v26 =	vadd.f32 v26, v27  }
0x1af: {  	v58 =	vmul.f32 v54, v54;
	v52 =	vld [tilespmem:s21+$0x4740];
	v28 =	vsub.f32 v46, v16;
	v34 =	vsub.f32 v51, v7  }
0x1b0: {  	v54 =	vld [tilespmem:s21+$0x43F0];
	v39 =	vadd.f32 v62, v25;
	v25 =	vmul.f32 v43, v43;
	v62 =	vsub.f32 v36, v12  }
0x1b1: {  	v49 =	vld [tilespmem:s21+$0x43D0];
	v61 =	vmul.f32 v56, v56;
	v43 =	vsub.f32 v53, v14;
	v53 =	vsub.f32 v60, v2  }
0x1b2: {  	v46 =	vld [tilespmem:s21+$0x4400];
	v33 =	vsub.f32 v44, v5;
	v56 =	vmul.f32 v30, v30;
	v41 =	vsub.f32 v37, v11  }
0x1b3: {  	v36 =	vld [tilespmem:s21+$0x47C0];
	v24 =	vadd.f32 v58, v24;
	v60 =	vmul.f32 v34, v34;
	v22 =	vadd.f32 v40, v39  }
0x1b4: {  	v58 =	vld [tilespmem:s21+$0x4790];
	v39 =	vmul.f32 v59, v59;
	v40 =	vsub.f32 v52, v13;
	v26 =	vadd.f32 v61, v26  }
0x1b5: {  	v42 =	vmul.f32 v62, v62;
	v23 =	vadd.f32 v25, v23;
	v47 =	vmul.f32 v43, v43;
	v62 =	vld [tilespmem:s21+$0x47B0]  }
0x1b6: {  	v52 =	vmul.f32 v48, v48;
	v25 =	vmul.f32 v50, v50;
	v61 =	vsub.f32 v54, v8;
	v43 =	vld [tilespmem:s21+$0x47E0]  }
0x1b7: {  	v29 =	vmul.f32 v53, v53;
	v50 =	vld [tilespmem:s21+$0x4410];
	v32 =	vsub.f32 v49, v6;
	v24 =	vadd.f32 v39, v24  }
0x1b8: {  	v53 =	vld [tilespmem:s21+$0x4430];
	v45 =	vmul.f32 v40, v40;
	v26 =	vadd.f32 v42, v26;
	v25 =	vadd.f32 v25, v52  }
0x1b9: {  	v57 =	vmul.f32 v33, v33;
	v54 =	vld [tilespmem:s21+$0x4440];
	v27 =	vadd.f32 v56, v29;
	v23 =	vadd.f32 v23, v22  }
0x1ba: {  	v49 =	vld [tilespmem:s21+$0x4420];
	v59 =	vmul.f32 v32, v32;
	v48 =	vsub.f32 v36, v13;
	v24 =	vadd.f32 v45, v24  }
0x1bb: {  	v28 =	vmul.f32 v28, v28;
	v42 =	vld [tilespmem:s21+$0x47D0];
	v26 =	vadd.f32 v47, v26;
	v25 =	vadd.f32 v57, v25  }
0x1bc: {  	v38 =	vmul.f32 v61, v61;
	v61 =	vld [tilespmem:s21+$0x4460];
	v40 =	vsub.f32 v58, v10;
	v27 =	vadd.f32 v59, v27  }
0x1bd: {  	v39 =	vmul.f32 v63, v63;
	v63 =	vld [tilespmem:s21+$0x4800];
	v47 =	vsub.f32 v62, v12;
	v29 =	vsub.f32 v50, v2  }
0x1be: {  	v57 =	vld [tilespmem:s21+$0x47F0];
	v34 =	vsub.f32 v53, v4;
	v24 =	vadd.f32 v31, v24  }
0x1bf: {  	v45 =	vmul.f32 v41, v41;
	v41 =	vld [tilespmem:s21+$0x4810];
	v25 =	vadd.f32 v60, v25;
	v26 =	vadd.f32 v28, v26  }
0x1c0: {  	v59 =	vld [tilespmem:s21+$0x4450];
	v44 =	vmul.f32 v40, v40;
	v31 =	vsub.f32 v46, v1;
	v58 =	vsub.f32 v49, v3  }
0x1c1: {  	v62 =	vld [tilespmem:s21+$0x4470];
	v60 =	vsub.f32 v43, v15;
	v27 =	vadd.f32 v38, v27;
	v51 =	vmul.f32 v47, v47  }
0x1c2: {  	v43 =	vld [tilespmem:s21+$0x4820];
	v33 =	vsub.f32 v42, v14;
	v29 =	vmul.f32 v29, v29;
	v28 =	vsub.f32 v61, v7  }
0x1c3: {  	v49 =	vld [tilespmem:s21+$0x4840];
	v40 =	vmul.f32 v34, v34;
	v46 =	vsub.f32 v63, v9;
	v25 =	vadd.f32 v39, v25  }
0x1c4: {  	v47 =	vld [tilespmem:s21+$0x4830];
	v22 =	vadd.f32 v26, v24;
	v31 =	vmul.f32 v31, v31;
	v24 =	vsub.f32 v54, v5  }
0x1c5: {  	v61 =	vld [tilespmem:s21+$0x44C0];
	v32 =	vmul.f32 v58, v58;
	v27 =	vadd.f32 v44, v27;
	v30 =	vsub.f32 v57, v16  }
0x1c6: {  	v52 =	vmul.f32 v48, v48;
	v63 =	vld [tilespmem:s21+$0x44D0];
	v29 =	vadd.f32 v40, v29;
	v53 =	vsub.f32 v41, v10  }
0x1c7: {  	v38 =	vld [tilespmem:s21+$0x48C0];
	v56 =	vmul.f32 v33, v33;
	v25 =	vadd.f32 v45, v25;
	v31 =	vadd.f32 v32, v31  }
0x1c8: {  	v54 =	vld [tilespmem:s21+$0x4480];
	v24 =	vmul.f32 v24, v24;
	v33 =	vsub.f32 v59, v6;
	v45 =	vsub.f32 v62, v8  }
0x1c9: {  	v39 =	vld [tilespmem:s21+$0x4D00];
	v55 =	vadd.f32 v51, v27;
	v42 =	vmul.f32 v30, v30;
	v30 =	vsub.f32 v43, v11  }
0x1ca: {  	v57 =	vld [tilespmem:s21+$0x4490];
	v27 =	vmul.f32 v60, v60;
	v58 =	vsub.f32 v49, v13;
	v25 =	vadd.f32 v52, v25  }
0x1cb: {  	v41 =	vld [tilespmem:s21+$0x44E0];
	v51 =	vmul.f32 v46, v46;
	v24 =	vadd.f32 v24, v31;
	v35 =	vsub.f32 v47, v12  }
0x1cc: {  	v59 =	vld [tilespmem:s21+$0x44B0];
	v44 =	vmul.f32 v33, v33;
	v46 =	vsub.f32 v61, v5;
	v49 =	vsub.f32 v63, v6  }
0x1cd: {  	v28 =	vmul.f32 v28, v28;
	v43 =	vld [tilespmem:s21+$0x4860];
	v26 =	vadd.f32 v56, v55;
	v62 =	vsub.f32 v54, v1  }
0x1ce: {  	v50 =	vmul.f32 v45, v45;
	v52 =	vld [tilespmem:s21+$0x4850];
	v25 =	vadd.f32 v27, v25;
	v48 =	vadd.f32 v44, v29  }
0x1cf: {  	v33 =	vmul.f32 v53, v53;
	v45 =	vld [tilespmem:s21+$0x44F0];
	v24 =	vadd.f32 v28, v24;
	v44 =	vsub.f32 v57, v2  }
0x1d0: {  	v56 =	vld [tilespmem:s21+$0x44A0];
	v30 =	vmul.f32 v30, v30;
	v31 =	vsub.f32 v41, v7;
	v26 =	vadd.f32 v42, v26  }
0x1d1: {  	v47 =	vld [tilespmem:s21+$0x4880];
	v60 =	vmul.f32 v35, v35;
	v27 =	vadd.f32 v50, v48;
	v55 =	vadd.f32 v51, v24  }
0x1d2: {  	v53 =	vld [tilespmem:s21+$0x48B0];
	v35 =	vmul.f32 v44, v44;
	v31 =	vmul.f32 v31, v31;
	v24 =	vadd.f32 v26, v25  }
0x1d3: {  	v48 =	vld [tilespmem:s21+$0x4870];
	v25 =	vmul.f32 v58, v58;
	v32 =	vsub.f32 v52, v14;
	v26 =	vsub.f32 v59, v4  }
0x1d4: {  	v50 =	vld [tilespmem:s21+$0x4890];
	v52 =	vmul.f32 v49, v49;
	v36 =	vsub.f32 v45, v8;
	v27 =	vadd.f32 v33, v27  }
0x1d5: {  	v51 =	vld [tilespmem:s21+$0x48A0];
	v28 =	vadd.f32 v30, v55;
	v40 =	vsub.f32 v56, v3;
	v33 =	vmul.f32 v62, v62  }
0x1d6: {  	v63 =	vld [tilespmem:s21+$0x4920];
	v30 =	vsub.f32 v47, v9;
	v62 =	vsub.f32 v38, v13;
	v42 =	vmul.f32 v32, v32  }
0x1d7: {  	v41 =	vld [tilespmem:s21+$0x4930];
	v26 =	vmul.f32 v26, v26;
	v32 =	vsub.f32 v43, v15;
	v54 =	vmul.f32 v36, v36  }
0x1d8: {  	v58 =	vld [tilespmem:s21+$0x4900];
	v27 =	vadd.f32 v60, v27;
	v25 =	vadd.f32 v25, v28;
	v29 =	vmul.f32 v40, v40  }
0x1d9: {  	v56 =	vld [tilespmem:s21+$0x48D0];
	v28 =	vmul.f32 v46, v46;
	v26 =	vadd.f32 v26, v35;
	v55 =	vsub.f32 v50, v10  }
0x1da: {  	v44 =	vld [tilespmem:s21+$0x48E0];
	v30 =	vmul.f32 v30, v30;
	v57 =	vsub.f32 v48, v16;
	v35 =	vsub.f32 v51, v11  }
0x1db: {  	v49 =	vld [tilespmem:s21+$0x4960];
	v43 =	vmul.f32 v62, v62;
	v50 =	vsub.f32 v63, v3;
	v27 =	vadd.f32 v42, v27  }
0x1dc: {  	v46 =	vld [tilespmem:s21+$0x4940];
	v32 =	vmul.f32 v32, v32;
	v29 =	vadd.f32 v29, v33;
	v33 =	vsub.f32 v53, v12  }
0x1dd: {  	v47 =	vld [tilespmem:s21+$0x4950];
	v48 =	vsub.f32 v58, v1;
	v26 =	vadd.f32 v52, v26;
	v61 =	vmul.f32 v35, v35  }
0x1de: {  	v51 =	vld [tilespmem:s21+$0x4970];
	v25 =	vadd.f32 v32, v25;
	v40 =	vmul.f32 v57, v57;
	v45 =	vsub.f32 v56, v14  }
0x1df: {  	v63 =	vld [tilespmem:s21+$0x4D50];
	v37 =	vmul.f32 v50, v50;
	v35 =	vsub.f32 v44, v15;
	v28 =	vadd.f32 v28, v29  }
0x1e0: {  	v60 =	vld [tilespmem:s21+$0x4910];
	v42 =	vmul.f32 v33, v33;
	v29 =	vsub.f32 v41, v4;
	v26 =	vadd.f32 v54, v26  }
0x1e1: {  	v56 =	vld [tilespmem:s21+$0x4D20];
	v33 =	vmul.f32 v48, v48;
	v27 =	vadd.f32 v40, v27;
	v34 =	vsub.f32 v46, v5  }
0x1e2: {  	v59 =	vmul.f32 v55, v55;
	v52 =	vld [tilespmem:s21+$0x48F0];
	v54 =	vsub.f32 v49, v7;
	v28 =	vadd.f32 v31, v28  }
0x1e3: {  	v32 =	vmul.f32 v45, v45;
	v40 =	vld [tilespmem:s21+$0x4D10];
	v31 =	vsub.f32 v47, v6;
	v33 =	vadd.f32 v37, v33  }
0x1e4: {  	v35 =	vmul.f32 v35, v35;
	v49 =	vld [tilespmem:s21+$0x4980];
	v55 =	vsub.f32 v51, v8;
	v50 =	vsub.f32 v63, v14  }
0x1e5: {  	v29 =	vmul.f32 v29, v29;
	v63 =	vld [tilespmem:s21+$0x4D90];
	v26 =	vadd.f32 v59, v26;
	v28 =	vadd.f32 v30, v28  }
0x1e6: {  	v57 =	vld [tilespmem:s21+$0x4D30];
	v53 =	vmul.f32 v34, v34;
	v30 =	vsub.f32 v60, v2;
	v37 =	vsub.f32 v56, v11  }
0x1e7: {  	v51 =	vld [tilespmem:s21+$0x4990];
	v58 =	vmul.f32 v54, v54;
	v26 =	vadd.f32 v42, v26;
	v28 =	vadd.f32 v61, v28  }
0x1e8: {  	v59 =	vmul.f32 v55, v55;
	v60 =	vld [tilespmem:s21+$0x4D40];
	v61 =	vsub.f32 v39, v9;
	v62 =	vsub.f32 v40, v10  }
0x1e9: {  	v55 =	vld [tilespmem:s21+$0x49B0];
	v30 =	vmul.f32 v30, v30;
	v34 =	vsub.f32 v49, v1;
	v26 =	vadd.f32 v32, v26  }
0x1ea: {  	v41 =	vld [tilespmem:s21+$0x4DA0];
	v54 =	vmul.f32 v50, v50;
	v32 =	vsub.f32 v52, v16;
	v50 =	vsub.f32 v63, v10  }
0x1eb: {  	v46 =	vld [tilespmem:s21+$0x4D60];
	v31 =	vmul.f32 v31, v31;
	v28 =	vadd.f32 v43, v28;
	v29 =	vadd.f32 v29, v30  }
0x1ec: {  	v56 =	vld [tilespmem:s21+$0x49C0];
	v48 =	vmul.f32 v37, v37;
	v30 =	vadd.f32 v53, v33;
	v33 =	vsub.f32 v57, v12  }
0x1ed: {  	v47 =	vld [tilespmem:s21+$0x4D70];
	v44 =	vmul.f32 v61, v61;
	v61 =	vsub.f32 v51, v2;
	v36 =	vsub.f32 v60, v13  }
0x1ee: {  	v52 =	vld [tilespmem:s21+$0x49A0];
	v32 =	vmul.f32 v32, v32;
	v37 =	vsub.f32 v55, v4;
	v29 =	vadd.f32 v31, v29  }
0x1ef: {  	v45 =	vmul.f32 v62, v62;
	v62 =	vld [tilespmem:s21+$0x4D80];
	v30 =	vadd.f32 v58, v30;
	v28 =	vadd.f32 v35, v28  }
0x1f0: {  	v60 =	vld [tilespmem:s21+$0x49F0];
	v58 =	vsub.f32 v46, v15;
	v32 =	vadd.f32 v32, v26  }
0x1f1: {  	v51 =	vld [tilespmem:s21+$0x4DE0];
	v38 =	vmul.f32 v61, v61;
	v26 =	vadd.f32 v27, v25;
	v27 =	vsub.f32 v56, v5  }
0x1f2: {  	v49 =	vld [tilespmem:s21+$0x4DD0];
	v37 =	vmul.f32 v37, v37;
	v29 =	vadd.f32 v59, v29;
	v30 =	vadd.f32 v44, v30  }
0x1f3: {  	v57 =	vld [tilespmem:s21+$0x49D0];
	v34 =	vmul.f32 v34, v34;
	v31 =	vsub.f32 v52, v3;
	v25 =	vadd.f32 v32, v28  }
0x1f4: {  	v55 =	vld [tilespmem:s21+$0x4DF0];
	v33 =	vmul.f32 v33, v33;
	v37 =	vadd.f32 v37, v38;
	v29 =	vadd.f32 v45, v29  }
0x1f5: {  	v46 =	vld [tilespmem:s21+$0x4DC0];
	v53 =	vmul.f32 v36, v36;
	v30 =	vadd.f32 v48, v30;
	v36 =	vsub.f32 v60, v8  }
0x1f6: {  	v59 =	vld [tilespmem:s21+$0x49E0];
	v32 =	vmul.f32 v58, v58;
	v48 =	vsub.f32 v62, v9;
	v62 =	vsub.f32 v51, v15  }
0x1f7: {  	v63 =	vld [tilespmem:s21+$0x4A20];
	v31 =	vmul.f32 v31, v31;
	v29 =	vadd.f32 v33, v29;
	v28 =	vadd.f32 v53, v30  }
0x1f8: {  	v27 =	vmul.f32 v27, v27;
	v58 =	vld [tilespmem:s21+$0x4A00];
	v33 =	vsub.f32 v47, v16;
	v30 =	vsub.f32 v57, v6  }
0x1f9: {  	v45 =	vld [tilespmem:s21+$0x4DB0];
	v31 =	vadd.f32 v31, v34;
	v36 =	vmul.f32 v36, v36;
	v53 =	vsub.f32 v41, v11  }
0x1fa: {  	v60 =	vld [tilespmem:s21+$0x4A10];
	v52 =	vmul.f32 v48, v48;
	v57 =	vsub.f32 v46, v13;
	v46 =	vsub.f32 v55, v16  }
0x1fb: {  	v51 =	vld [tilespmem:s21+$0x4E00];
	v43 =	vmul.f32 v62, v62;
	v44 =	vsub.f32 v59, v7;
	v59 =	vsub.f32 v49, v14  }
0x1fc: {  	v42 =	vld [tilespmem:s21+$0x4A30];
	v49 =	vsub.f32 v63, v3;
	v29 =	vadd.f32 v54, v29;
	v30 =	vmul.f32 v30, v30  }
0x1fd: {  	v27 =	vadd.f32 v27, v31;
	v54 =	vmul.f32 v50, v50;
	v56 =	vmul.f32 v53, v53;
	v50 =	vld [tilespmem:s21+$0x4A70]  }
0x1fe: {  	v28 =	vadd.f32 v32, v28;
	v48 =	vsub.f32 v58, v1;
	v47 =	vmul.f32 v44, v44;
	v44 =	vld [tilespmem:s21+$0x4A40]  }
0x1ff: {  	v33 =	vmul.f32 v33, v33;
	v35 =	vsub.f32 v45, v12;
	v45 =	vld [tilespmem:s21+$0x4A50];
	v39 =	vsub.f32 v60, v2  }
0x200: {  	v41 =	vmul.f32 v59, v59;
	v55 =	vsub.f32 v51, v9;
	v59 =	vld [tilespmem:s21+$0x4E60];
	v30 =	vadd.f32 v30, v37  }
0x201: {  	v63 =	vld [tilespmem:s21+$0x4E70];
	v61 =	vmul.f32 v57, v57;
	v29 =	vadd.f32 v33, v29;
	v27 =	vadd.f32 v47, v27  }
0x202: {  	v37 =	vmul.f32 v49, v49;
	v47 =	vld [tilespmem:s21+$0x4A60];
	v30 =	vadd.f32 v36, v30;
	v36 =	vsub.f32 v42, v4  }
0x203: {  	v53 =	vld [tilespmem:s21+$0x4E30];
	v35 =	vmul.f32 v35, v35;
	v27 =	vadd.f32 v52, v27;
	v38 =	vsub.f32 v50, v8  }
0x204: {  	v39 =	vmul.f32 v39, v39;
	v42 =	vld [tilespmem:s21+$0x4E20];
	v30 =	vadd.f32 v54, v30;
	v32 =	vsub.f32 v44, v5  }
0x205: {  	v60 =	vmul.f32 v55, v55;
	v52 =	vld [tilespmem:s21+$0x4E10];
	v33 =	vsub.f32 v45, v6;
	v51 =	vsub.f32 v59, v15  }
0x206: {  	v49 =	vld [tilespmem:s21+$0x4A90];
	v36 =	vmul.f32 v36, v36;
	v59 =	vsub.f32 v63, v16;
	v27 =	vadd.f32 v56, v27  }
0x207: {  	v54 =	vld [tilespmem:s21+$0x4E40];
	v57 =	vmul.f32 v38, v38;
	v30 =	vadd.f32 v35, v30;
	v34 =	vsub.f32 v47, v7  }
0x208: {  	v63 =	vld [tilespmem:s21+$0x4AF0];
	v35 =	vmul.f32 v48, v48;
	v36 =	vadd.f32 v36, v39;
	v27 =	vadd.f32 v61, v27  }
0x209: {  	v56 =	vld [tilespmem:s21+$0x4E50];
	v33 =	vmul.f32 v33, v33;
	v61 =	vsub.f32 v42, v11;
	v30 =	vadd.f32 v41, v30  }
0x20a: {  	v32 =	vmul.f32 v32, v32;
	v35 =	vadd.f32 v37, v35;
	v58 =	vsub.f32 v52, v10;
	v52 =	vld [tilespmem:s21+$0x4AA0]  }
0x20b: {  	v34 =	vmul.f32 v34, v34;
	v33 =	vadd.f32 v33, v36;
	v37 =	vsub.f32 v53, v12;
	v41 =	vld [tilespmem:s21+$0x4EE0]  }
0x20c: {  	v31 =	vadd.f32 v43, v27;
	v27 =	vmul.f32 v46, v46;
	v45 =	vsub.f32 v54, v13;
	v46 =	vld [tilespmem:s21+$0x4A80]  }
0x20d: {  	v44 =	vmul.f32 v61, v61;
	v54 =	vld [tilespmem:s21+$0x4AB0];
	v38 =	vsub.f32 v63, v8;
	v32 =	vadd.f32 v32, v35  }
0x20e: {  	v63 =	vld [tilespmem:s21+$0x4B30];
	v33 =	vadd.f32 v57, v33;
	v62 =	vmul.f32 v58, v58;
	v48 =	vsub.f32 v56, v14  }
0x20f: {  	v47 =	vmul.f32 v37, v37;
	v57 =	vld [tilespmem:s21+$0x4AC0];
	v30 =	vadd.f32 v27, v30;
	v27 =	vadd.f32 v29, v28  }
0x210: {  	v56 =	vmul.f32 v51, v51;
	v58 =	vld [tilespmem:s21+$0x4AD0];
	v32 =	vadd.f32 v34, v32;
	v33 =	vadd.f32 v62, v33  }
0x211: {  	v51 =	vld [tilespmem:s21+$0x4ED0];
	v50 =	vmul.f32 v45, v45;
	v28 =	vadd.f32 v30, v31;
	v62 =	vsub.f32 v52, v3  }
0x212: {  	v45 =	vld [tilespmem:s21+$0x4E80];
	v53 =	vmul.f32 v48, v48;
	v41 =	vsub.f32 v41, v15;
	v32 =	vadd.f32 v60, v32  }
0x213: {  	v48 =	vld [tilespmem:s21+$0x4EB0];
	v52 =	vmul.f32 v38, v38;
	v33 =	vadd.f32 v47, v33;
	v61 =	vsub.f32 v46, v1  }
0x214: {  	v60 =	vld [tilespmem:s21+$0x4AE0];
	v37 =	vsub.f32 v54, v4;
	v36 =	vmul.f32 v62, v62;
	v34 =	vsub.f32 v57, v5  }
0x215: {  	v46 =	vld [tilespmem:s21+$0x4E90];
	v31 =	vsub.f32 v58, v6;
	v32 =	vadd.f32 v44, v32;
	v35 =	vmul.f32 v61, v61  }
0x216: {  	v47 =	vld [tilespmem:s21+$0x4EA0];
	v41 =	vmul.f32 v41, v41;
	v30 =	vadd.f32 v53, v33;
	v44 =	vsub.f32 v49, v2  }
0x217: {  	v58 =	vld [tilespmem:s21+$0x4B10];
	v37 =	vmul.f32 v37, v37;
	v55 =	vadd.f32 v50, v32;
	v35 =	vadd.f32 v36, v35  }
0x218: {  	v49 =	vld [tilespmem:s21+$0x4EC0];
	v34 =	vmul.f32 v34, v34;
	v50 =	vsub.f32 v45, v9;
	v36 =	vsub.f32 v48, v12  }
0x219: {  	v61 =	vld [tilespmem:s21+$0x4B20];
	v39 =	vmul.f32 v44, v44;
	v45 =	vsub.f32 v51, v14;
	v33 =	vsub.f32 v60, v7  }
0x21a: {  	v43 =	vld [tilespmem:s21+$0x4F30];
	v32 =	vmul.f32 v59, v59;
	v53 =	vsub.f32 v46, v10;
	v29 =	vadd.f32 v56, v55  }
0x21b: {  	v31 =	vmul.f32 v31, v31;
	v48 =	vld [tilespmem:s21+$0x4B50];
	v37 =	vadd.f32 v37, v39;
	v34 =	vadd.f32 v34, v35  }
0x21c: {  	v51 =	vld [tilespmem:s21+$0x4EF0];
	v54 =	vmul.f32 v50, v50;
	v55 =	vsub.f32 v47, v11;
	v30 =	vadd.f32 v32, v30  }
0x21d: {  	v46 =	vld [tilespmem:s21+$0x4B40];
	v62 =	vmul.f32 v36, v36;
	v50 =	vmul.f32 v45, v45;
	v38 =	vsub.f32 v58, v2  }
0x21e: {  	v56 =	vld [tilespmem:s21+$0x4B00];
	v33 =	vmul.f32 v33, v33;
	v60 =	vsub.f32 v49, v13;
	v39 =	vsub.f32 v61, v3  }
0x21f: {  	v57 =	vmul.f32 v53, v53;
	v53 =	vld [tilespmem:s21+$0x4B60];
	v31 =	vadd.f32 v31, v37;
	v29 =	vadd.f32 v30, v29  }
0x220: {  	v58 =	vld [tilespmem:s21+$0x4F10];
	v59 =	vmul.f32 v55, v55;
	v55 =	vsub.f32 v63, v4;
	v33 =	vadd.f32 v33, v34  }
0x221: {  	v38 =	vmul.f32 v38, v38;
	v63 =	vld [tilespmem:s21+$0x4B80];
	v34 =	vsub.f32 v51, v16;
	v31 =	vadd.f32 v52, v31  }
0x222: {  	v35 =	vmul.f32 v55, v55;
	v37 =	vsub.f32 v46, v5;
	v46 =	vld [tilespmem:s21+$0x4B90];
	v33 =	vadd.f32 v54, v33  }
0x223: {  	v44 =	vmul.f32 v60, v60;
	v55 =	vld [tilespmem:s21+$0x4BC0];
	v52 =	vsub.f32 v56, v1;
	v31 =	vadd.f32 v57, v31  }
0x224: {  	v39 =	vmul.f32 v39, v39;
	v56 =	vld [tilespmem:s21+$0x4B70];
	v35 =	vadd.f32 v35, v38;
	v40 =	vsub.f32 v53, v7  }
0x225: {  	v57 =	vld [tilespmem:s21+$0x4F00];
	v33 =	vadd.f32 v59, v33;
	v54 =	vmul.f32 v52, v52;
	v47 =	vadd.f32 v62, v31  }
0x226: {  	v34 =	vmul.f32 v34, v34;
	v53 =	vld [tilespmem:s21+$0x4F50];
	v31 =	vsub.f32 v48, v6;
	v48 =	vsub.f32 v43, v12  }
0x227: {  	v37 =	vmul.f32 v37, v37;
	v59 =	vld [tilespmem:s21+$0x4F20];
	v49 =	vadd.f32 v44, v33;
	v33 =	vadd.f32 v39, v54  }
0x228: {  	v60 =	vmul.f32 v40, v40;
	v62 =	vld [tilespmem:s21+$0x4F40];
	v39 =	vsub.f32 v58, v10;
	v30 =	vadd.f32 v50, v47  }
0x229: {  	v44 =	vld [tilespmem:s21+$0x4F60];
	v31 =	vmul.f32 v31, v31;
	v36 =	vsub.f32 v56, v8;
	v33 =	vadd.f32 v37, v33  }
0x22a: {  	v50 =	vld [tilespmem:s21+$0x4BB0];
	v52 =	vmul.f32 v48, v48;
	v61 =	vsub.f32 v57, v9;
	v32 =	vadd.f32 v41, v49  }
0x22b: {  	v56 =	vld [tilespmem:s21+$0x4BD0];
	v47 =	vmul.f32 v39, v39;
	v57 =	vsub.f32 v63, v1;
	v39 =	vsub.f32 v55, v5  }
0x22c: {  	v49 =	vld [tilespmem:s21+$0x4BA0];
	v31 =	vadd.f32 v31, v35;
	v36 =	vmul.f32 v36, v36;
	v38 =	vsub.f32 v59, v11  }
0x22d: {  	v63 =	vld [tilespmem:s21+$0x4F90];
	v30 =	vadd.f32 v34, v30;
	v33 =	vadd.f32 v60, v33;
	v45 =	vmul.f32 v61, v61  }
0x22e: {  	v59 =	vld [tilespmem:s21+$0x4BE0];
	v54 =	vsub.f32 v62, v13;
	v60 =	vmul.f32 v57, v57;
	v31 =	vadd.f32 v36, v31  }
0x22f: {  	v61 =	vld [tilespmem:s21+$0x4BF0];
	v48 =	vmul.f32 v39, v39;
	v30 =	vadd.f32 v30, v32;
	v36 =	vsub.f32 v46, v2  }
0x230: {  	v62 =	vld [tilespmem:s21+$0x4F80];
	v51 =	vmul.f32 v38, v38;
	v38 =	vsub.f32 v53, v14;
	v33 =	vadd.f32 v45, v33  }
0x231: {  	v57 =	vld [tilespmem:s21+$0x4FC0];
	v32 =	vmul.f32 v54, v54;
	v34 =	vsub.f32 v50, v4;
	v35 =	vsub.f32 v56, v6  }
0x232: {  	v31 =	vadd.f32 v47, v31;
	v58 =	vsub.f32 v49, v3;
	v36 =	vmul.f32 v36, v36  }
0x233: {  	v50 =	vld [tilespmem:s21+$0x4FA0];
	v38 =	vmul.f32 v38, v38;
	v56 =	vsub.f32 v63, v10;
	v33 =	vadd.f32 v51, v33  }
0x234: {  	v63 =	vld [tilespmem:s21+$0x4FF0];
	v34 =	vmul.f32 v34, v34;
	v49 =	vsub.f32 v59, v7;
	v31 =	vadd.f32 v52, v31  }
0x235: {  	v35 =	vmul.f32 v35, v35;
	v51 =	vld [tilespmem:s21+$0x4FB0];
	v37 =	vsub.f32 v61, v8;
	v55 =	vsub.f32 v62, v9  }
0x236: {  	v59 =	vld [tilespmem:s21+$0x4FD0];
	v40 =	vmul.f32 v58, v58;
	v58 =	vsub.f32 v44, v15;
	v47 =	vsub.f32 v57, v13  }
0x237: {  	v52 =	vld [tilespmem:s21+$0x4F70];
	v32 =	vadd.f32 v32, v33;
	v34 =	vadd.f32 v34, v36;
	v53 =	vmul.f32 v49, v49  }
0x238: {  	v62 =	vld [tilespmem:s21+$0x4FE0];
	v33 =	vadd.f32 v40, v60;
	v31 =	vadd.f32 v38, v31;
	v54 =	vmul.f32 v37, v37  }
0x239: {  	v49 =	vld [tilespmem:s21+$0x4C00];
	v40 =	vsub.f32 v50, v11;
	v43 =	vmul.f32 v58, v58;
	v34 =	vadd.f32 v35, v34  }
0x23a: {  	v60 =	vmul.f32 v55, v55;
	v55 =	vld [tilespmem:s21+$0x4C30];
	v33 =	vadd.f32 v48, v33;
	v38 =	vsub.f32 v51, v12  }
0x23b: {  	v61 =	vmul.f32 v56, v56;
	v58 =	vld [tilespmem:s21+$0x4C40];
	v35 =	vsub.f32 v59, v14;
	v32 =	vadd.f32 v43, v32  }
0x23c: {  	v50 =	vmul.f32 v47, v47;
	v51 =	vld [tilespmem:s21+$0x4C10];
	v34 =	vadd.f32 v54, v34;
	v48 =	vsub.f32 v52, v16  }
0x23d: {  	v45 =	vmul.f32 v40, v40;
	v59 =	vld [tilespmem:s21+$0x4C50];
	v52 =	vsub.f32 v62, v15;
	v33 =	vadd.f32 v53, v33  }
0x23e: {  	v54 =	vld [tilespmem:s21+$0x4C20];
	v46 =	vmul.f32 v38, v38;
	v53 =	vsub.f32 v63, v16;
	v34 =	vadd.f32 v61, v34  }
0x23f: {  	v63 =	vld [tilespmem:s21+$0x4C70];
	v40 =	vmul.f32 v48, v48;
	v61 =	vsub.f32 v49, v1;
	v36 =	vsub.f32 v55, v4  }
0x240: {  	v35 =	vmul.f32 v35, v35;
	v48 =	vld [tilespmem:s21+$0x5000];
	v39 =	vsub.f32 v58, v5;
	v33 =	vadd.f32 v60, v33  }
0x241: {  	v56 =	vmul.f32 v52, v52;
	v49 =	vld [tilespmem:s21+$0x5010];
	v34 =	vadd.f32 v46, v34;
	v31 =	vadd.f32 v40, v31  }
0x242: {  	v57 =	vmul.f32 v53, v53;
	v60 =	vld [tilespmem:s21+$0x4C60];
	v37 =	vsub.f32 v51, v2;
	v40 =	vsub.f32 v59, v6  }
0x243: {  	v55 =	vld [tilespmem:s21+$0x5050];
	v38 =	vmul.f32 v61, v61;
	v33 =	vadd.f32 v45, v33;
	v62 =	vsub.f32 v54, v3  }
0x244: {  	v53 =	vld [tilespmem:s21+$0x5040];
	v36 =	vmul.f32 v36, v36;
	v34 =	vadd.f32 v35, v34;
	v52 =	vsub.f32 v63, v8  }
0x245: {  	v46 =	vld [tilespmem:s21+$0x4CA0];
	v37 =	vmul.f32 v37, v37;
	v31 =	vadd.f32 v31, v32;
	v33 =	vadd.f32 v50, v33  }
0x246: {  	v39 =	vmul.f32 v39, v39;
	v45 =	vld [tilespmem:s21+$0x5020];
	v54 =	vsub.f32 v48, v9;
	v34 =	vadd.f32 v57, v34  }
0x247: {  	v61 =	vld [tilespmem:s21+$0x4C90];
	v41 =	vmul.f32 v62, v62;
	v35 =	vsub.f32 v60, v7;
	v36 =	vadd.f32 v36, v37  }
0x248: {  	v58 =	vld [tilespmem:s21+$0x4C80];
	v51 =	vmul.f32 v40, v40;
	v57 =	vsub.f32 v49, v10;
	v33 =	vadd.f32 v56, v33  }
0x249: {  	v50 =	vld [tilespmem:s21+$0x5030];
	v38 =	vadd.f32 v41, v38;
	v56 =	vmul.f32 v52, v52;
	v52 =	vsub.f32 v53, v13  }
0x24a: {  	v49 =	vld [tilespmem:s21+$0x4CB0];
	v59 =	vmul.f32 v54, v54;
	v54 =	vsub.f32 v55, v14;
	v41 =	vsub.f32 v46, v3  }
0x24b: {  	v53 =	vld [tilespmem:s21+$0x4CC0];
	v35 =	vmul.f32 v35, v35;
	v36 =	vadd.f32 v51, v36;
	v60 =	vsub.f32 v45, v11  }
0x24c: {  	v55 =	vld [tilespmem:s21+$0x4CD0];
	v62 =	vmul.f32 v57, v57;
	v57 =	vsub.f32 v61, v2;
	v38 =	vadd.f32 v39, v38  }
0x24d: {  	v61 =	vld [tilespmem:s21+$0x5080];
	v33 =	vadd.f32 v34, v33;
	v41 =	vmul.f32 v41, v41;
	v36 =	vadd.f32 v56, v36  }
0x24e: {  	v63 =	vsub.f32 v50, v12;
	v48 =	vmul.f32 v60, v60;
	v56 =	vsub.f32 v58, v1;
	v58 =	vld [tilespmem:s21+$0x4CE0]  }
0x24f: {  	v60 =	vld [tilespmem:s21+$0x5060];
	v42 =	vmul.f32 v57, v57;
	v35 =	vadd.f32 v35, v38;
	v38 =	vsub.f32 v49, v4  }
0x250: {  	v49 =	vld [tilespmem:s21+$0x50B0];
	v50 =	vadd.f32 v62, v36;
	v51 =	vmul.f32 v63, v63;
	v36 =	vmul.f32 v54, v54  }
0x251: {  	(xrf2) =	vadd.scan.msk.f32 $0xffff, v19;
	v40 =	vmul.f32 v56, v56;
	v37 =	vsub.f32 v53, v5;
	v62 =	vsub.f32 v55, v6;
	v63 =	vld [tilespmem:s21+$0x5090]  }
0x252: {  	(xrf2) =	vadd.scan.msk.f32 $0xffff, v20;
	v53 =	vld [tilespmem:s21+$0x50C0];
	v47 =	vadd.f32 v59, v35;
	v38 =	vmul.f32 v38, v38;
	v20 =	vsub.f32 v61, v9  }
0x253: {  	v35 =	vmul.f32 v52, v52;
	v59 =	vld [tilespmem:s21+$0x4CF0];
	v34 =	vadd.f32 v51, v50;
	v40 =	vadd.f32 v41, v40  }
0x254: {  	v55 =	vld [tilespmem:s21+$0x50D0];
	v37 =	vmul.f32 v37, v37;
	v32 =	vadd.f32 v48, v47;
	v38 =	vadd.f32 v38, v42  }
0x255: {  	v61 =	vld [tilespmem:s21+$0x50F0];
	v46 =	vsub.f32 v58, v7;
	v34 =	vadd.f32 v36, v34  }
0x256: {  	v50 =	vld [tilespmem:s21+$0x5070];
	v37 =	vadd.f32 v37, v40;
	v32 =	vadd.f32 v35, v32  }
0x257: {  	v48 =	vld [tilespmem:s21+$0x50A0];
	v36 =	vmul.f32 v62, v62;
	v35 =	vsub.f32 v60, v15;
	v39 =	vsub.f32 v63, v10  }
0x258: {  	v20 =	vmul.f32 v20, v20;
	v60 =	vsub.f32 v49, v12;
	v47 =	vsub.f32 v59, v8  }
0x259: {  	v51 =	vmul.f32 v46, v46;
	v19 =	vadd.f32 v36, v38;
	v36 =	vsub.f32 v53, v13  }
0x25a: {  	(xrf2) =	vadd.scan.msk.f32 $0xffff, v21;
	v58 =	vld [tilespmem:s21+$0x50E0];
	v38 =	vsub.f32 v55, v14;
	v42 =	vsub.f32 v61, v16;
	v52 =	vmul.f32 v47, v47  }
0x25b: {  	(xrf2) =	vadd.scan.msk.f32 $0xffff, v23;
	v54 =	vadd.f32 v51, v37;
	v35 =	vmul.f32 v35, v35;
	v63 =	vsub.f32 v50, v16  }
0x25c: {  	(xrf2) =	vadd.scan.msk.f32 $0xffff, v22;
	v56 =	vmul.f32 v39, v39;
	v57 =	vsub.f32 v48, v11;
	v19 =	vadd.f32 v52, v19  }
0x25d: {  	(xrf2) =	vadd.scan.msk.f32 $0xffff, v24;
	v59 =	vadd.f32 v35, v32;
	v20 =	vadd.f32 v20, v54  }
0x25e: {  	(xrf2) =	vadd.scan.msk.f32 $0xffff, v26;
	v32 =	vmul.f32 v60, v60;
	v62 =	vmul.f32 v57, v57;
	v19 =	vadd.f32 v56, v19  }
0x25f: {  	(xrf2) =	vadd.scan.msk.f32 $0xffff, v25;
	v40 =	vmul.f32 v36, v36;
	v41 =	vsub.f32 v58, v15;
	v23 =	vmul.f32 v63, v63  }
0x260: {  	(xrf2) =	vadd.scan.msk.f32 $0xffff, v27;
	v21 =	vmul.f32 v38, v38;
	v20 =	vadd.f32 v62, v20;
	v19 =	vadd.f32 v32, v19  }
0x261: {  	(xrf2) =	vadd.scan.msk.f32 $0xffff, v28;
	v46 =	vmul.f32 v42, v42;
	v23 =	vadd.f32 v23, v34  }
0x262: {  	v43, _, _ =	vpop (xrf2);
	(xrf2) =	vadd.scan.msk.f32 $0xffff, v29;
	v45 =	vmul.f32 v41, v41;
	v20 =	vadd.f32 v40, v20;
	v19 =	vadd.f32 v21, v19  }
0x263: {  	v44, _, _ =	vpop (xrf2);
	(xrf2) =	vadd.scan.msk.f32 $0xffff, v30;
	v27 =	vbroadcast v43, $0xF;
	v22 =	vadd.f32 v23, v59  }
0x264: {  	v24 =	vbroadcast v44, $0xF;
	v47, _, _ =	vpop (xrf2);
	(xrf2) =	vadd.scan.msk.f32 $0xffff, v31;
	v20 =	vadd.f32 v45, v20;
	v19 =	vadd.f32 v46, v19  }
0x265: {  	v48, _, _ =	vpop (xrf2);
	(xrf2) =	vadd.scan.msk.f32 $0xffff, v33;
	v49 =	vbroadcast v47, $0xF  }
0x266: {  	v24 =	vsel vm0, v27, v24;
	v50, _, _ =	vpop (xrf2);
	v23 =	vbroadcast v48, $0xF;
	(xrf2) =	vadd.scan.msk.f32 $0xffff, v22;
	v19 =	vadd.f32 v19, v20  }
0x267: {  	v51, _, _ =	vpop (xrf2);
	v52 =	vbroadcast v50, $0xF;
	v21 =	vsel vm1, v24, v49  }
0x268: {  	v22 =	vbroadcast v51, $0xF;
	v21 =	vsel vm2, v21, v23;
	v20, _, _ =	vpop (xrf2)  }
0x269: {  	v21 =	vsel vm3, v21, v52;
	v20 =	vbroadcast v20, $0xF;
	v53, _, _ =	vpop (xrf2)  }
0x26a: {  	v21 =	vsel vm4, v21, v22;
	(xrf2) =	vadd.scan.msk.f32 $0xffff, v19;
	v54 =	vbroadcast v53, $0xF;
	v19, _, _ =	vpop (xrf2)  }
0x26b: {  	v20 =	vsel vm5, v21, v20;
	v55, _, _ =	vpop (xrf2);
	v19 =	vbroadcast v19, $0xF  }
0x26c: {  	v20 =	vsel vm6, v20, v54;
	v56, _, _ =	vpop (xrf2);
	v57 =	vbroadcast v55, $0xF  }
0x26d: {  	v58, _, _ =	vpop (xrf2);
	v19 =	vsel vm7, v20, v19;
	v20 =	vbroadcast v56, $0xF  }
0x26e: {  	v59, _, _ =	vpop (xrf2);
	v19 =	vsel vm8, v19, v57;
	v60 =	vbroadcast v58, $0xF  }
0x26f: {  	v61, _, _ =	vpop (xrf2);
	v19 =	vsel vm9, v19, v20;
	v20 =	vbroadcast v59, $0xF  }
0x270: {  	v62, _, _ =	vpop (xrf2);
	v19 =	vsel vm10, v19, v60  }
0x271: {  	v19 =	vsel vm11, v19, v20;
	v20 =	vbroadcast v62, $0xF  }
0x272: {  	v63 =	vbroadcast v61, $0xF  }
0x273: {  	p1 =	seq.s32 s20, $0x3  }
.Ltmp1:
0x274: {  	v19 =	vsel vm12, v19, v63;
	(pc) =	sbr.rel @!p1 .LBB2_6-.Ltmp1, $4  }
0x275: {  	s31 =	sshll.u32 s20, $0x4;
	v19 =	vsel vm13, v19, v20;
	v20, _, _ =	vpop (xrf2)  }
0x276: {  	s21 =	sadd.s32 s19, s31;
	v19 =	vsel vm14, v19, v20  }
0x277: {  	v20 =	vor.u32 s21, v0;
	vm15 =	vlt.f32 v19, v18  }
0x278: {  	s20 =	sadd.s32 $0x1, s20;
	v18 =	vsel vm15, v19, v18;
	v17 =	vsel vm15, v20, v17  }
.Ltmp2:
0x279: {  	(pc) =	sbr.rel @p0 .LBB2_3-.Ltmp2, $2  }
0x27a: {  	_ =	sdelay $0x2  }
0x27b: {  	s19 =	simm.s32 $0x80;
	p1 =	por $0x0, $0x0  }
0x27c: {  	[tilespmem:$0x8100] =	vst v18  }
0x27d: {  	[tilespmem:$0x8180] =	vst v17  }
0x27e: {  	[hbm4b:s8+s4] =	stream.linear.scatter [tilespmem:s16], [sflag:$0x3], $0x80, $0x38;
	[tilespmem:$0x8200] =	vst v63  }
0x27f: {  	s18 =	sadd.s32 $0x1, s18;
	_ =	swait.ge [sflag:s11], $0x80  }
0x280: {  	p0 =	sne.s32 s18, s10;
	[sflag:s11] =	ssyncset.done $0x0  }
.Ltmp3:
0x281: {  	[sflag:s11] =	ssyncadd.s32 $0xFFFFFF80;
	(pc) =	sbr.rel @p0 .LBB2_1-.Ltmp3, $4  }
0x282: {  	[hbm4b:s9+s4] =	stream.linear.scatter [tilespmem:s17], [sflag:$0x3], $0x80, $0x38;
	[tilespmem:$0x8200] =	vst v63  }
0x283: {  	_ =	swait.ge [sflag:s11], $0x80  }
0x284: {  	[sflag:s11] =	ssyncset.done $0x0  }
0x285: {  	[sflag:s11] =	ssyncadd.s32 $0xFFFFFF80  }
0x286: {  	_ =	sfence.sel $0x180000  }
0x287: {  	[bflag:$0x0] =	sbarrier.arrive $0xFFFF  }
0x288: {  	p0 =	sne.s32 s2, $0x0;
	_ =	strace $0x90000047  }
0x289: {  	s0 =	sadd.s32 @!p0 $0x100000, s0;
	[bflag:$0x2] =	sbarrier.arrive $0xFFFF  }
0x28a: {  	[sflag:s0] =	ssyncadd.tile.s32 @!p0 $0x1;
	_ =	shalt  }
.Lfunc_end2:
_tile_overlayer_lowered:
.L_overlay_start_2:
0x28b: {  	(tag) =	ssettag $0x2  }
0x28c: {  	s0 =	rddreg [dreg:$0x0];
	s2 =	stileid.u32  }
0x28d: {  	s1 =	rddreg [dreg:$0x1];
	p0 =	sne.s32 s2, $0x0  }
0x28e: {  	s3 =	rddreg [dreg:$0x2];
	[bflag:$0x3] =	sbarrier.arrive $0xFFFF;
	s2 =	simm.s32 @!p0 $0x1C03  }
0x28f: {  	[timem:s3], [sflag:s2] =	dma.local @!p0 [hbm:s0], s1  }
0x290: {  	s0 =	simm.s32 @!p0 $0x3  }
0x291: {  	_ =	swait.ge @!p0 [sflag:s0], s1  }
0x292: {  	s1 =	ssub.s32 @!p0 $0x0, s1;
	[sflag:s0] =	ssyncset.done @!p0 $0x0  }
0x293: {  	[sflag:s0] =	ssyncadd.s32 @!p0 s1  }
0x294: {  	[bflag:$0x3] =	sbarrier.arrive $0xFFFF  }
0x295: {  	_ =	shalt  }

</sc_bundles>
